<compile_context>
chip_gen: v7x
topology: tpu7x:2x2x1
jax: 0.10.2.dev20260603
libtpu: 0.0.44.dev20260713+nightly
codegen_flags: <defaults>
</compile_context>

<pallas_src>
import functools

import jax
import jax.numpy as jnp
from jax import lax
from jax.experimental import pallas as pl
from jax.experimental.pallas import tpu as pltpu
from jax.experimental.pallas import tpu_sc as plsc

_N = 10000
_E = 320000
_H = 256
_HH = 128
_NSUB = 16
_NP = 10240
_RPT = _NP // _NSUB
_K = 125
_NCH = (_E // _NSUB) // _K
_BLK = 16
_DNCH = (_E // (2 * _NSUB)) // _K
_NTRAIN = 5000
_TPAD = 5120
_GPT = _TPAD // 32

_MESH = plsc.VectorSubcoreMesh(core_axis_name="c", subcore_axis_name="s")


@functools.partial(
    pl.kernel,
    out_type=jax.ShapeDtypeStruct((2, _NP, _HH), jnp.float32),
    mesh=_MESH,
    scratch_types=[
        pltpu.VMEM((_DNCH, _K), jnp.int32),
        pltpu.VMEM((_K, _HH), jnp.float32),
        pltpu.VMEM_SHARED((_NP, _HH), jnp.float32),
    ],
)
def _sc_degree(dst_hbm, ones_hbm, zeros_hbm, part_hbm, dstv, onesv, acc):
    c = lax.axis_index("c")
    s = lax.axis_index("s")
    rs = pl.ds(s * _RPT, _RPT)
    pltpu.sync_copy(zeros_hbm, acc.at[rs])
    pltpu.sync_copy(ones_hbm, onesv)
    pltpu.sync_copy(dst_hbm.at[c].at[s], dstv)
    plsc.subcore_barrier()

    def body(j, carry):
        pltpu.sync_copy(onesv, acc.at[dstv.at[j]], add=True)
        return carry

    lax.fori_loop(0, _DNCH, body, 0)
    plsc.subcore_barrier()
    pltpu.sync_copy(acc.at[rs], part_hbm.at[c].at[rs])


@functools.partial(
    pl.kernel,
    out_type=(
        jax.ShapeDtypeStruct((_NP, _HH), jnp.float32),
        jax.ShapeDtypeStruct((_NP, _HH), jnp.float32),
    ),
    mesh=_MESH,
    scratch_types=[
        pltpu.VMEM((_BLK, _K), jnp.int32),
        pltpu.VMEM((_BLK, _K), jnp.int32),
        pltpu.VMEM((_K, _HH), jnp.float32),
        pltpu.VMEM((_K, _HH), jnp.float32),
        pltpu.VMEM_SHARED((_NP, _HH), jnp.float32),
        pltpu.SemaphoreType.DMA,
        pltpu.SemaphoreType.DMA,
    ],
)
def _sc_scatter(uL, uR, src_hbm, dst_hbm, aggL, aggR, srcv, dstv, rows,
                rows2, acc, sem, ssem):
    c = lax.axis_index("c")
    s = lax.axis_index("s")
    rs = pl.ds(s * _RPT, _RPT)

    def run(u_hbm, agg_hbm):
        pltpu.sync_copy(u_hbm.at[rs], acc.at[rs])
        plsc.subcore_barrier()

        def oblk(bk, carry):
            pltpu.sync_copy(src_hbm.at[s].at[pl.ds(bk * _BLK, _BLK)], srcv)
            pltpu.sync_copy(dst_hbm.at[s].at[pl.ds(bk * _BLK, _BLK)], dstv)
            def body(j2, carry2):
                j = j2 * 2
                pltpu.async_copy(u_hbm.at[srcv.at[j]], rows, sem).wait()
                sd = pltpu.async_copy(rows, acc.at[dstv.at[j]], ssem,
                                      add=True)
                gd = pltpu.async_copy(u_hbm.at[srcv.at[j + 1]], rows2, sem)
                sd.wait()
                gd.wait()
                pltpu.sync_copy(rows2, acc.at[dstv.at[j + 1]], add=True)
                return carry2

            lax.fori_loop(0, _BLK // 2, body, 0)
            return carry

        lax.fori_loop(0, _NCH // _BLK, oblk, 0)
        plsc.subcore_barrier()
        pltpu.sync_copy(acc.at[rs], agg_hbm.at[rs])

    @pl.when(c == 0)
    def _():
        run(uL, aggL)

    @pl.when(c == 1)
    def _():
        run(uR, aggR)


@functools.partial(
    pl.kernel,
    out_type=jax.ShapeDtypeStruct((_TPAD, _H), jnp.float32),
    mesh=_MESH,
    scratch_types=[
        pltpu.VMEM((2, _GPT // 2), jnp.int32),
        pltpu.VMEM((_GPT // 2, _H), jnp.float32),
        pltpu.SemaphoreType.DMA,
    ],
)
def _sc_gather(o_hbm, tid_hbm, out_hbm, tv, rows, sem):
    c = lax.axis_index("c")
    s = lax.axis_index("s")
    w = s * 2 + c
    pltpu.sync_copy(tid_hbm.at[w], tv)

    def body(k, carry):
        pltpu.async_copy(o_hbm.at[tv.at[k]], rows, sem).wait()
        pltpu.sync_copy(rows, out_hbm.at[pl.ds(w * _GPT + k * (_GPT // 2),
                                               _GPT // 2)])
        return carry

    lax.fori_loop(0, 2, body, 0)


def _tc0_body(part, x, w1, dinv, uL, uR):
    deg = part[0, :, 0:1] + part[1, :, 0:1] + 1.0
    di = lax.rsqrt(deg)
    dinv[...] = di
    h = jnp.dot(x[...], w1[...], preferred_element_type=jnp.float32)
    u = di * h
    uL[...] = u[:, :_HH]
    uR[...] = u[:, _HH:]


_tc0 = pl.pallas_call(
    _tc0_body,
    out_shape=(
        jax.ShapeDtypeStruct((_NP, 1), jnp.float32),
        jax.ShapeDtypeStruct((_NP, _HH), jnp.float32),
        jax.ShapeDtypeStruct((_NP, _HH), jnp.float32),
    ),
)


def _bn_relu(aggL, aggR, dinv, b, g, bt):
    z = jnp.concatenate([aggL[...], aggR[...]], axis=1) * dinv + b[...]
    zt = z[:_N]
    m = jnp.mean(zt, axis=0, keepdims=True)
    v = jnp.mean((zt - m) * (zt - m), axis=0, keepdims=True)
    return jnp.maximum((z - m) * lax.rsqrt(v + 1e-5) * g[...] + bt[...], 0.0)


def _tcmid_body(aggL, aggR, dinv_ref, b, g, bt, w, uL, uR):
    di = dinv_ref[...]
    y = _bn_relu(aggL, aggR, di, b, g, bt)
    u = di * jnp.dot(y, w[...], preferred_element_type=jnp.float32)
    uL[...] = u[:, :_HH]
    uR[...] = u[:, _HH:]


_tcmid = pl.pallas_call(
    _tcmid_body,
    out_shape=(
        jax.ShapeDtypeStruct((_NP, _HH), jnp.float32),
        jax.ShapeDtypeStruct((_NP, _HH), jnp.float32),
    ),
)


def _tcbn3_body(aggL, aggR, dinv_ref, b, g, bt, y_ref):
    y_ref[...] = _bn_relu(aggL, aggR, dinv_ref[...], b, g, bt)


_tcbn3 = pl.pallas_call(
    _tcbn3_body,
    out_shape=jax.ShapeDtypeStruct((_NP, _H), jnp.float32),
)


def _tchead_body(yt, lw, lb, fw, fb, o_ref):
    h4 = jnp.maximum(jnp.dot(yt[...], lw[...], preferred_element_type=jnp.float32) + lb[...], 0.0)
    o_ref[...] = jnp.dot(h4, fw[...], preferred_element_type=jnp.float32) + fb[...]


_tchead = pl.pallas_call(
    _tchead_body,
    out_shape=jax.ShapeDtypeStruct((_TPAD, 1), jnp.float32),
)


def kernel(x, edge_index, train_node_id, W1, b1, W2, b2, W3, b3,
           g1, bt1, g2, bt2, g3, bt3, lW, lb, fW, fb):
    src3 = edge_index[0].reshape(_NSUB, _NCH, _K)
    dst3 = edge_index[1].reshape(_NSUB, _NCH, _K)
    dstd = edge_index[1].reshape(2, _NSUB, _DNCH, _K)
    ones = jnp.ones((_K, _HH), jnp.float32)
    zer = jnp.zeros((_RPT, _HH), jnp.float32)

    part = _sc_degree(dstd, ones, zer)
    xp = jnp.pad(x, ((0, _NP - _N), (0, 0)))
    dinv, uL, uR = _tc0(part, xp, W1)

    r = lambda a: a.reshape(1, -1)
    for (b, g, bt, w) in ((b1, g1, bt1, W2), (b2, g2, bt2, W3)):
        aggL, aggR = _sc_scatter(uL, uR, src3, dst3)
        uL, uR = _tcmid(aggL, aggR, dinv, r(b), r(g), r(bt), w)

    aggL, aggR = _sc_scatter(uL, uR, src3, dst3)
    y3 = _tcbn3(aggL, aggR, dinv, r(b3), r(g3), r(bt3))

    tid = jnp.concatenate(
        [train_node_id, jnp.zeros((_TPAD - _NTRAIN,), jnp.int32)]
    ).reshape(32, 2, _GPT // 2)
    y3t = _sc_gather(y3, tid)
    out = _tchead(y3t, lW, r(lb), fW, fb.reshape(1, 1))
    return out[:_NTRAIN, 0]

# --- scband reference (transcript-rebuilt; emitter-appended) ---
"""Pipeline reference for scband-tgcnconv-84344567759039 (READ-ONLY COPY).

The authoritative reference and input builder live on the scoring server;
editing this copy changes nothing except your own understanding.
"""

import jax, jax.numpy as jnp
import numpy as np

N = 10000
E = 320000
DIN = 128
H = 256
NTRAIN = 5000


def _glorot(k, shape):
    lim = float(np.sqrt(6.0 / (shape[0] + shape[1])))
    return jax.random.uniform(k, shape, minval=-lim, maxval=lim, dtype=jnp.float32)


def setup_inputs(seed: int = 0) -> dict:
    key = jax.random.key(seed)
    ks = jax.random.split(key, 12)
    x = jax.random.normal(ks[0], (N, DIN), dtype=jnp.float32)
    edge_index = jax.random.randint(ks[1], (2, E), 0, N, dtype=jnp.int32)
    train_node_id = jax.random.randint(ks[2], (NTRAIN,), 0, N, dtype=jnp.int32)
    W1 = _glorot(ks[3], (DIN, H)); b1 = jnp.zeros((H,), jnp.float32)
    W2 = _glorot(ks[4], (H, H)); b2 = jnp.zeros((H,), jnp.float32)
    W3 = _glorot(ks[5], (H, H)); b3 = jnp.zeros((H,), jnp.float32)
    g1 = jnp.ones((H,), jnp.float32); bt1 = jnp.zeros((H,), jnp.float32)
    g2 = jnp.ones((H,), jnp.float32); bt2 = jnp.zeros((H,), jnp.float32)
    g3 = jnp.ones((H,), jnp.float32); bt3 = jnp.zeros((H,), jnp.float32)
    lW = _glorot(ks[6], (H, H)); lb = jnp.zeros((H,), jnp.float32)
    fW = _glorot(ks[7], (H, 1)); fb = jnp.zeros((1,), jnp.float32)
    return {"x": x, "edge_index": edge_index, "train_node_id": train_node_id,
            "W1": W1, "b1": b1, "W2": W2, "b2": b2, "W3": W3, "b3": b3,
            "g1": g1, "bt1": bt1, "g2": g2, "bt2": bt2, "g3": g3, "bt3": bt3,
            "lW": lW, "lb": lb, "fW": fW, "fb": fb}


def gcn_conv(x, edge_index, W, b):
    n = x.shape[0]
    h = x @ W
    src = edge_index[0]
    dst = edge_index[1]
    loop = jnp.arange(n, dtype=src.dtype)
    src = jnp.concatenate([src, loop])
    dst = jnp.concatenate([dst, loop])
    deg = jnp.zeros((n,), jnp.float32).at[dst].add(1.0)
    dinv = jnp.where(deg > 0, jax.lax.rsqrt(jnp.maximum(deg, 1e-12)), 0.0)
    norm = dinv[src] * dinv[dst]
    msg = h[src] * norm[:, None]
    out = jnp.zeros_like(h).at[dst].add(msg)
    return out + b


def batch_norm(x, g, b, eps=1e-5):
    m = x.mean(axis=0)
    v = x.var(axis=0)
    return (x - m) / jnp.sqrt(v + eps) * g + b


def reference(x, edge_index, train_node_id, W1, b1, W2, b2, W3, b3,
              g1, bt1, g2, bt2, g3, bt3, lW, lb, fW, fb):
    h = jax.nn.relu(batch_norm(gcn_conv(x, edge_index, W1, b1), g1, bt1))
    h = jax.nn.relu(batch_norm(gcn_conv(h, edge_index, W2, b2), g2, bt2))
    h = jax.nn.relu(batch_norm(gcn_conv(h, edge_index, W3, b3), g3, bt3))
    h = jax.nn.relu(h @ lW + lb)
    h = h[train_node_id]
    out = (h @ fW + fb).squeeze(-1)
    return out

if __name__ == "__main__":
    import jax
    _d = setup_inputs()
    print(jax.jit(kernel)(*tuple(_d.values())))

</pallas_src>

<mosaic_0001>
#map = affine_map<(d0, d1) -> (0, 0)>
#map1 = affine_map<(d0, d1) -> (0, 0, 0)>
module attributes {stable_mosaic.version = 14 : i64} {
  func.func @_sc_scatter(%arg0: i32, %arg1: i32, %arg2: memref<10240x128xf32, #tpu.memory_space<hbm>>, %arg3: memref<10240x128xf32, #tpu.memory_space<hbm>>, %arg4: memref<16x160x125xi32, #tpu.memory_space<hbm>>, %arg5: memref<16x160x125xi32, #tpu.memory_space<hbm>>, %arg6: memref<10240x128xf32, #tpu.memory_space<hbm>>, %arg7: memref<10240x128xf32, #tpu.memory_space<hbm>>, %arg8: memref<16x125xi32, #tpu.memory_space<vmem>>, %arg9: memref<16x125xi32, #tpu.memory_space<vmem>>, %arg10: memref<125x128xf32, #tpu.memory_space<vmem>>, %arg11: memref<125x128xf32, #tpu.memory_space<vmem>>, %arg12: memref<10240x128xf32, #tpu.memory_space<vmem_shared>>, %arg13: memref<!tpu.dma_semaphore, #tpu.memory_space<semaphore_mem>>, %arg14: memref<!tpu.dma_semaphore, #tpu.memory_space<semaphore_mem>>) attributes {dimension_semantics = [#tpu.dimension_semantics<core_parallel>, #tpu.dimension_semantics<subcore_parallel>], iteration_bounds = array<i64: 2, 16>, scalar_prefetch = 0 : i64, scratch_operands = 7 : i64, tpu.core_type = #tpu.core_type<sc_vector_subcore>, window_params = [{transform_indices = #map}, {transform_indices = #map}, {transform_indices = #map1}, {transform_indices = #map1}, {transform_indices = #map}, {transform_indices = #map}]} {
    %mul3A = arith.constant 640 : i32
    %mul3A_0 = arith.muli %arg1, %mul3A : i32
    %eq3A = arith.constant 0 : i32
    %eq3A_1 = arith.cmpi eq, %arg0, %eq3A : i32
    %convert_element_type3A = arith.extui %eq3A_1 : i1 to i32
    %cond3A = arith.constant 0 : i32
    %cond3A_2 = arith.cmpi ne, %convert_element_type3A, %cond3A : i32
    scf.if %cond3A_2 {
      "tpu.region"() ({
        %run_scoped3A = tpu.sem_alloc : memref<!tpu.dma_semaphore, #tpu.memory_space<semaphore_mem>>
        %dma_start3A = arith.constant 0 : i32
        %dma_start3A_14 = tpu.memref_slice %arg12[%mul3A_0, %dma_start3A] : memref<10240x128xf32, #tpu.memory_space<vmem_shared>> -> memref<640x128xf32, #tpu.memory_space<vmem_shared>>
        %dma_start3A_15 = arith.constant 0 : i32
        %dma_start3A_16 = tpu.memref_slice %arg2[%mul3A_0, %dma_start3A_15] : memref<10240x128xf32, #tpu.memory_space<hbm>> -> memref<640x128xf32, #tpu.memory_space<hbm>>
        tpu.enqueue_dma source(%dma_start3A_16 : memref<640x128xf32, #tpu.memory_space<hbm>>) target(%dma_start3A_14 : memref<640x128xf32, #tpu.memory_space<vmem_shared>>) target_semaphore(%run_scoped3A : memref<!tpu.dma_semaphore, #tpu.memory_space<semaphore_mem>>)
        %dma_wait3A = arith.constant 0 : i32
        %dma_wait3A_17 = tpu.memref_slice %arg12[%mul3A_0, %dma_wait3A] : memref<10240x128xf32, #tpu.memory_space<vmem_shared>> -> memref<640x128xf32, #tpu.memory_space<vmem_shared>>
        %dma_wait3A_18 = arith.constant 0 : i32
        %dma_wait3A_19 = tpu.memref_slice %arg2[%mul3A_0, %dma_wait3A_18] : memref<10240x128xf32, #tpu.memory_space<hbm>> -> memref<640x128xf32, #tpu.memory_space<hbm>>
        tpu.wait_dma2 semaphore(%run_scoped3A : memref<!tpu.dma_semaphore, #tpu.memory_space<semaphore_mem>>) src(%dma_wait3A_19 : memref<640x128xf32, #tpu.memory_space<hbm>>) dst(%dma_wait3A_17 : memref<640x128xf32, #tpu.memory_space<vmem_shared>>)
        tpu.yield
      }) : () -> ()
      %barrier3A = arith.constant 0 : index
      tpu.barrier barrier_id(%barrier3A)
      %scan3A = arith.constant 0 : i32
      %scan3A_8 = arith.constant 0 : i32
      %scan3A_9 = arith.constant 10 : i32
      %scan3A_10 = arith.addi %scan3A_8, %scan3A_9 : i32
      %scan3A_11 = arith.constant 1 : i32
      scf.for %scan3A_14 = %scan3A_8 to %scan3A_10 step %scan3A_11  : i32 {
        %mul3A_15 = arith.constant 16 : i32
        %mul3A_16 = arith.muli %scan3A_14, %mul3A_15 : i32
        "tpu.region"() ({
          %run_scoped3A = tpu.sem_alloc : memref<!tpu.dma_semaphore, #tpu.memory_space<semaphore_mem>>
          %dma_start3A = arith.constant 0 : i32
          %dma_start3A_25 = arith.constant 0 : i32
          %dma_start3A_26 = tpu.memref_slice %arg4[%arg1, %dma_start3A, %dma_start3A_25] : memref<16x160x125xi32, #tpu.memory_space<hbm>> -> memref<1x160x125xi32, #tpu.memory_space<hbm>>
          %dma_start3A_27 = tpu.memref_squeeze %dma_start3A_26 : memref<1x160x125xi32, #tpu.memory_space<hbm>> -> memref<160x125xi32, #tpu.memory_space<hbm>>
          %dma_start3A_28 = arith.constant 0 : i32
          %dma_start3A_29 = tpu.memref_slice %dma_start3A_27[%mul3A_16, %dma_start3A_28] : memref<160x125xi32, #tpu.memory_space<hbm>> -> memref<16x125xi32, #tpu.memory_space<hbm>>
          %dma_start3A_30 = arith.constant 0 : i32
          %dma_start3A_31 = arith.constant 0 : i32
          %dma_start3A_32 = tpu.memref_slice %arg4[%arg1, %dma_start3A_30, %dma_start3A_31] : memref<16x160x125xi32, #tpu.memory_space<hbm>> -> memref<1x160x125xi32, #tpu.memory_space<hbm>>
          %dma_start3A_33 = tpu.memref_squeeze %dma_start3A_32 : memref<1x160x125xi32, #tpu.memory_space<hbm>> -> memref<160x125xi32, #tpu.memory_space<hbm>>
          %dma_start3A_34 = arith.constant 0 : i32
          %dma_start3A_35 = tpu.memref_slice %dma_start3A_33[%mul3A_16, %dma_start3A_34] : memref<160x125xi32, #tpu.memory_space<hbm>> -> memref<16x125xi32, #tpu.memory_space<hbm>>
          tpu.enqueue_dma source(%dma_start3A_35 : memref<16x125xi32, #tpu.memory_space<hbm>>) target(%arg8 : memref<16x125xi32, #tpu.memory_space<vmem>>) target_semaphore(%run_scoped3A : memref<!tpu.dma_semaphore, #tpu.memory_space<semaphore_mem>>)
          %dma_wait3A = arith.constant 0 : i32
          %dma_wait3A_36 = arith.constant 0 : i32
          %dma_wait3A_37 = tpu.memref_slice %arg4[%arg1, %dma_wait3A, %dma_wait3A_36] : memref<16x160x125xi32, #tpu.memory_space<hbm>> -> memref<1x160x125xi32, #tpu.memory_space<hbm>>
          %dma_wait3A_38 = tpu.memref_squeeze %dma_wait3A_37 : memref<1x160x125xi32, #tpu.memory_space<hbm>> -> memref<160x125xi32, #tpu.memory_space<hbm>>
          %dma_wait3A_39 = arith.constant 0 : i32
          %dma_wait3A_40 = tpu.memref_slice %dma_wait3A_38[%mul3A_16, %dma_wait3A_39] : memref<160x125xi32, #tpu.memory_space<hbm>> -> memref<16x125xi32, #tpu.memory_space<hbm>>
          %dma_wait3A_41 = arith.constant 0 : i32
          %dma_wait3A_42 = arith.constant 0 : i32
          %dma_wait3A_43 = tpu.memref_slice %arg4[%arg1, %dma_wait3A_41, %dma_wait3A_42] : memref<16x160x125xi32, #tpu.memory_space<hbm>> -> memref<1x160x125xi32, #tpu.memory_space<hbm>>
          %dma_wait3A_44 = tpu.memref_squeeze %dma_wait3A_43 : memref<1x160x125xi32, #tpu.memory_space<hbm>> -> memref<160x125xi32, #tpu.memory_space<hbm>>
          %dma_wait3A_45 = arith.constant 0 : i32
          %dma_wait3A_46 = tpu.memref_slice %dma_wait3A_44[%mul3A_16, %dma_wait3A_45] : memref<160x125xi32, #tpu.memory_space<hbm>> -> memref<16x125xi32, #tpu.memory_space<hbm>>
          tpu.wait_dma2 semaphore(%run_scoped3A : memref<!tpu.dma_semaphore, #tpu.memory_space<semaphore_mem>>) src(%dma_wait3A_46 : memref<16x125xi32, #tpu.memory_space<hbm>>) dst(%arg8 : memref<16x125xi32, #tpu.memory_space<vmem>>)
          tpu.yield
        }) : () -> ()
        %mul3A_17 = arith.constant 16 : i32
        %mul3A_18 = arith.muli %scan3A_14, %mul3A_17 : i32
        "tpu.region"() ({
          %run_scoped3A = tpu.sem_alloc : memref<!tpu.dma_semaphore, #tpu.memory_space<semaphore_mem>>
          %dma_start3A = arith.constant 0 : i32
          %dma_start3A_25 = arith.constant 0 : i32
          %dma_start3A_26 = tpu.memref_slice %arg5[%arg1, %dma_start3A, %dma_start3A_25] : memref<16x160x125xi32, #tpu.memory_space<hbm>> -> memref<1x160x125xi32, #tpu.memory_space<hbm>>
          %dma_start3A_27 = tpu.memref_squeeze %dma_start3A_26 : memref<1x160x125xi32, #tpu.memory_space<hbm>> -> memref<160x125xi32, #tpu.memory_space<hbm>>
          %dma_start3A_28 = arith.constant 0 : i32
          %dma_start3A_29 = tpu.memref_slice %dma_start3A_27[%mul3A_18, %dma_start3A_28] : memref<160x125xi32, #tpu.memory_space<hbm>> -> memref<16x125xi32, #tpu.memory_space<hbm>>
          %dma_start3A_30 = arith.constant 0 : i32
          %dma_start3A_31 = arith.constant 0 : i32
          %dma_start3A_32 = tpu.memref_slice %arg5[%arg1, %dma_start3A_30, %dma_start3A_31] : memref<16x160x125xi32, #tpu.memory_space<hbm>> -> memref<1x160x125xi32, #tpu.memory_space<hbm>>
          %dma_start3A_33 = tpu.memref_squeeze %dma_start3A_32 : memref<1x160x125xi32, #tpu.memory_space<hbm>> -> memref<160x125xi32, #tpu.memory_space<hbm>>
          %dma_start3A_34 = arith.constant 0 : i32
          %dma_start3A_35 = tpu.memref_slice %dma_start3A_33[%mul3A_18, %dma_start3A_34] : memref<160x125xi32, #tpu.memory_space<hbm>> -> memref<16x125xi32, #tpu.memory_space<hbm>>
          tpu.enqueue_dma source(%dma_start3A_35 : memref<16x125xi32, #tpu.memory_space<hbm>>) target(%arg9 : memref<16x125xi32, #tpu.memory_space<vmem>>) target_semaphore(%run_scoped3A : memref<!tpu.dma_semaphore, #tpu.memory_space<semaphore_mem>>)
          %dma_wait3A = arith.constant 0 : i32
          %dma_wait3A_36 = arith.constant 0 : i32
          %dma_wait3A_37 = tpu.memref_slice %arg5[%arg1, %dma_wait3A, %dma_wait3A_36] : memref<16x160x125xi32, #tpu.memory_space<hbm>> -> memref<1x160x125xi32, #tpu.memory_space<hbm>>
          %dma_wait3A_38 = tpu.memref_squeeze %dma_wait3A_37 : memref<1x160x125xi32, #tpu.memory_space<hbm>> -> memref<160x125xi32, #tpu.memory_space<hbm>>
          %dma_wait3A_39 = arith.constant 0 : i32
          %dma_wait3A_40 = tpu.memref_slice %dma_wait3A_38[%mul3A_18, %dma_wait3A_39] : memref<160x125xi32, #tpu.memory_space<hbm>> -> memref<16x125xi32, #tpu.memory_space<hbm>>
          %dma_wait3A_41 = arith.constant 0 : i32
          %dma_wait3A_42 = arith.constant 0 : i32
          %dma_wait3A_43 = tpu.memref_slice %arg5[%arg1, %dma_wait3A_41, %dma_wait3A_42] : memref<16x160x125xi32, #tpu.memory_space<hbm>> -> memref<1x160x125xi32, #tpu.memory_space<hbm>>
          %dma_wait3A_44 = tpu.memref_squeeze %dma_wait3A_43 : memref<1x160x125xi32, #tpu.memory_space<hbm>> -> memref<160x125xi32, #tpu.memory_space<hbm>>
          %dma_wait3A_45 = arith.constant 0 : i32
          %dma_wait3A_46 = tpu.memref_slice %dma_wait3A_44[%mul3A_18, %dma_wait3A_45] : memref<160x125xi32, #tpu.memory_space<hbm>> -> memref<16x125xi32, #tpu.memory_space<hbm>>
          tpu.wait_dma2 semaphore(%run_scoped3A : memref<!tpu.dma_semaphore, #tpu.memory_space<semaphore_mem>>) src(%dma_wait3A_46 : memref<16x125xi32, #tpu.memory_space<hbm>>) dst(%arg9 : memref<16x125xi32, #tpu.memory_space<vmem>>)
          tpu.yield
        }) : () -> ()
        %scan3A_19 = arith.constant 0 : i32
        %scan3A_20 = arith.constant 0 : i32
        %scan3A_21 = arith.constant 8 : i32
        %scan3A_22 = arith.addi %scan3A_20, %scan3A_21 : i32
        %scan3A_23 = arith.constant 1 : i32
        scf.for %scan3A_25 = %scan3A_20 to %scan3A_22 step %scan3A_23  : i32 {
          %mul3A_26 = arith.constant 2 : i32
          %mul3A_27 = arith.muli %scan3A_25, %mul3A_26 : i32
          %dma_start3A = arith.constant 0 : i32
          %dma_start3A_28 = tpu.memref_slice %arg8[%mul3A_27, %dma_start3A] : memref<16x125xi32, #tpu.memory_space<vmem>> -> memref<1x125xi32, #tpu.memory_space<vmem>>
          %dma_start3A_29 = tpu.memref_squeeze %dma_start3A_28 : memref<1x125xi32, #tpu.memory_space<vmem>> -> memref<125xi32, #tpu.memory_space<vmem>>
          %dma_start3A_30 = arith.constant 0 : i32
          %dma_start3A_31 = arith.constant 0 : i32
          %dma_start3A_32 = tpu.memref_slice %arg2[%dma_start3A_30, %dma_start3A_31] : memref<10240x128xf32, #tpu.memory_space<hbm>> -> memref<10240x128xf32, #tpu.memory_space<hbm>>
          tpu.enqueue_indirect_dma source(%dma_start3A_32 : memref<10240x128xf32, #tpu.memory_space<hbm>>) target(%arg10 : memref<125x128xf32, #tpu.memory_space<vmem>>) offsets(%dma_start3A_29 : memref<125xi32, #tpu.memory_space<vmem>>) semaphore(%arg13 : memref<!tpu.dma_semaphore, #tpu.memory_space<semaphore_mem>>)
          %dma_wait3A = arith.constant 0 : i32
          %dma_wait3A_33 = tpu.memref_slice %arg8[%mul3A_27, %dma_wait3A] : memref<16x125xi32, #tpu.memory_space<vmem>> -> memref<1x125xi32, #tpu.memory_space<vmem>>
          %dma_wait3A_34 = tpu.memref_squeeze %dma_wait3A_33 : memref<1x125xi32, #tpu.memory_space<vmem>> -> memref<125xi32, #tpu.memory_space<vmem>>
          %dma_wait3A_35 = arith.constant 0 : i32
          %dma_wait3A_36 = arith.constant 0 : i32
          %dma_wait3A_37 = tpu.memref_slice %arg2[%dma_wait3A_35, %dma_wait3A_36] : memref<10240x128xf32, #tpu.memory_space<hbm>> -> memref<10240x128xf32, #tpu.memory_space<hbm>>
          tpu.wait_indirect_dma semaphore(%arg13 : memref<!tpu.dma_semaphore, #tpu.memory_space<semaphore_mem>>) src(%dma_wait3A_37 : memref<10240x128xf32, #tpu.memory_space<hbm>>) dst(%arg10 : memref<125x128xf32, #tpu.memory_space<vmem>>)
          %dma_start3A_38 = arith.constant 0 : i32
          %dma_start3A_39 = tpu.memref_slice %arg9[%mul3A_27, %dma_start3A_38] : memref<16x125xi32, #tpu.memory_space<vmem>> -> memref<1x125xi32, #tpu.memory_space<vmem>>
          %dma_start3A_40 = tpu.memref_squeeze %dma_start3A_39 : memref<1x125xi32, #tpu.memory_space<vmem>> -> memref<125xi32, #tpu.memory_space<vmem>>
          %dma_start3A_41 = arith.constant 0 : i32
          %dma_start3A_42 = arith.constant 0 : i32
          %dma_start3A_43 = tpu.memref_slice %arg12[%dma_start3A_41, %dma_start3A_42] : memref<10240x128xf32, #tpu.memory_space<vmem_shared>> -> memref<10240x128xf32, #tpu.memory_space<vmem_shared>>
          tpu.enqueue_indirect_dma source(%arg10 : memref<125x128xf32, #tpu.memory_space<vmem>>) target(%dma_start3A_43 : memref<10240x128xf32, #tpu.memory_space<vmem_shared>>) offsets(%dma_start3A_40 : memref<125xi32, #tpu.memory_space<vmem>>) semaphore(%arg14 : memref<!tpu.dma_semaphore, #tpu.memory_space<semaphore_mem>>) {add = true}
          %add3A = arith.constant 1 : i32
          %add3A_44 = arith.addi %mul3A_27, %add3A : i32
          %dma_start3A_45 = arith.constant 0 : i32
          %dma_start3A_46 = tpu.memref_slice %arg8[%add3A_44, %dma_start3A_45] : memref<16x125xi32, #tpu.memory_space<vmem>> -> memref<1x125xi32, #tpu.memory_space<vmem>>
          %dma_start3A_47 = tpu.memref_squeeze %dma_start3A_46 : memref<1x125xi32, #tpu.memory_space<vmem>> -> memref<125xi32, #tpu.memory_space<vmem>>
          %dma_start3A_48 = arith.constant 0 : i32
          %dma_start3A_49 = arith.constant 0 : i32
          %dma_start3A_50 = tpu.memref_slice %arg2[%dma_start3A_48, %dma_start3A_49] : memref<10240x128xf32, #tpu.memory_space<hbm>> -> memref<10240x128xf32, #tpu.memory_space<hbm>>
          tpu.enqueue_indirect_dma source(%dma_start3A_50 : memref<10240x128xf32, #tpu.memory_space<hbm>>) target(%arg11 : memref<125x128xf32, #tpu.memory_space<vmem>>) offsets(%dma_start3A_47 : memref<125xi32, #tpu.memory_space<vmem>>) semaphore(%arg13 : memref<!tpu.dma_semaphore, #tpu.memory_space<semaphore_mem>>)
          %dma_wait3A_51 = arith.constant 0 : i32
          %dma_wait3A_52 = tpu.memref_slice %arg9[%mul3A_27, %dma_wait3A_51] : memref<16x125xi32, #tpu.memory_space<vmem>> -> memref<1x125xi32, #tpu.memory_space<vmem>>
          %dma_wait3A_53 = tpu.memref_squeeze %dma_wait3A_52 : memref<1x125xi32, #tpu.memory_space<vmem>> -> memref<125xi32, #tpu.memory_space<vmem>>
          %dma_wait3A_54 = arith.constant 0 : i32
          %dma_wait3A_55 = arith.constant 0 : i32
          %dma_wait3A_56 = tpu.memref_slice %arg12[%dma_wait3A_54, %dma_wait3A_55] : memref<10240x128xf32, #tpu.memory_space<vmem_shared>> -> memref<10240x128xf32, #tpu.memory_space<vmem_shared>>
          tpu.wait_indirect_dma semaphore(%arg14 : memref<!tpu.dma_semaphore, #tpu.memory_space<semaphore_mem>>) src(%arg10 : memref<125x128xf32, #tpu.memory_space<vmem>>) dst(%dma_wait3A_56 : memref<10240x128xf32, #tpu.memory_space<vmem_shared>>)
          %dma_wait3A_57 = arith.constant 0 : i32
          %dma_wait3A_58 = tpu.memref_slice %arg8[%add3A_44, %dma_wait3A_57] : memref<16x125xi32, #tpu.memory_space<vmem>> -> memref<1x125xi32, #tpu.memory_space<vmem>>
          %dma_wait3A_59 = tpu.memref_squeeze %dma_wait3A_58 : memref<1x125xi32, #tpu.memory_space<vmem>> -> memref<125xi32, #tpu.memory_space<vmem>>
          %dma_wait3A_60 = arith.constant 0 : i32
          %dma_wait3A_61 = arith.constant 0 : i32
          %dma_wait3A_62 = tpu.memref_slice %arg2[%dma_wait3A_60, %dma_wait3A_61] : memref<10240x128xf32, #tpu.memory_space<hbm>> -> memref<10240x128xf32, #tpu.memory_space<hbm>>
          tpu.wait_indirect_dma semaphore(%arg13 : memref<!tpu.dma_semaphore, #tpu.memory_space<semaphore_mem>>) src(%dma_wait3A_62 : memref<10240x128xf32, #tpu.memory_space<hbm>>) dst(%arg11 : memref<125x128xf32, #tpu.memory_space<vmem>>)
          %add3A_63 = arith.constant 1 : i32
          %add3A_64 = arith.addi %mul3A_27, %add3A_63 : i32
          "tpu.region"() ({
            %run_scoped3A = tpu.sem_alloc : memref<!tpu.dma_semaphore, #tpu.memory_space<semaphore_mem>>
            %dma_start3A_65 = arith.constant 0 : i32
            %dma_start3A_66 = tpu.memref_slice %arg9[%add3A_64, %dma_start3A_65] : memref<16x125xi32, #tpu.memory_space<vmem>> -> memref<1x125xi32, #tpu.memory_space<vmem>>
            %dma_start3A_67 = tpu.memref_squeeze %dma_start3A_66 : memref<1x125xi32, #tpu.memory_space<vmem>> -> memref<125xi32, #tpu.memory_space<vmem>>
            %dma_start3A_68 = arith.constant 0 : i32
            %dma_start3A_69 = arith.constant 0 : i32
            %dma_start3A_70 = tpu.memref_slice %arg12[%dma_start3A_68, %dma_start3A_69] : memref<10240x128xf32, #tpu.memory_space<vmem_shared>> -> memref<10240x128xf32, #tpu.memory_space<vmem_shared>>
            tpu.enqueue_indirect_dma source(%arg11 : memref<125x128xf32, #tpu.memory_space<vmem>>) target(%dma_start3A_70 : memref<10240x128xf32, #tpu.memory_space<vmem_shared>>) offsets(%dma_start3A_67 : memref<125xi32, #tpu.memory_space<vmem>>) semaphore(%run_scoped3A : memref<!tpu.dma_semaphore, #tpu.memory_space<semaphore_mem>>) {add = true}
            %dma_wait3A_71 = arith.constant 0 : i32
            %dma_wait3A_72 = tpu.memref_slice %arg9[%add3A_64, %dma_wait3A_71] : memref<16x125xi32, #tpu.memory_space<vmem>> -> memref<1x125xi32, #tpu.memory_space<vmem>>
            %dma_wait3A_73 = tpu.memref_squeeze %dma_wait3A_72 : memref<1x125xi32, #tpu.memory_space<vmem>> -> memref<125xi32, #tpu.memory_space<vmem>>
            %dma_wait3A_74 = arith.constant 0 : i32
            %dma_wait3A_75 = arith.constant 0 : i32
            %dma_wait3A_76 = tpu.memref_slice %arg12[%dma_wait3A_74, %dma_wait3A_75] : memref<10240x128xf32, #tpu.memory_space<vmem_shared>> -> memref<10240x128xf32, #tpu.memory_space<vmem_shared>>
            tpu.wait_indirect_dma semaphore(%run_scoped3A : memref<!tpu.dma_semaphore, #tpu.memory_space<semaphore_mem>>) src(%arg11 : memref<125x128xf32, #tpu.memory_space<vmem>>) dst(%dma_wait3A_76 : memref<10240x128xf32, #tpu.memory_space<vmem_shared>>)
            tpu.yield
          }) : () -> ()
        }
        %scan3A_24 = arith.constant 8 : i32
      }
      %scan3A_12 = arith.constant 10 : i32
      %barrier3A_13 = arith.constant 0 : index
      tpu.barrier barrier_id(%barrier3A_13)
      "tpu.region"() ({
        %run_scoped3A = tpu.sem_alloc : memref<!tpu.dma_semaphore, #tpu.memory_space<semaphore_mem>>
        %dma_start3A = arith.constant 0 : i32
        %dma_start3A_14 = tpu.memref_slice %arg6[%mul3A_0, %dma_start3A] : memref<10240x128xf32, #tpu.memory_space<hbm>> -> memref<640x128xf32, #tpu.memory_space<hbm>>
        %dma_start3A_15 = arith.constant 0 : i32
        %dma_start3A_16 = tpu.memref_slice %arg12[%mul3A_0, %dma_start3A_15] : memref<10240x128xf32, #tpu.memory_space<vmem_shared>> -> memref<640x128xf32, #tpu.memory_space<vmem_shared>>
        tpu.enqueue_dma source(%dma_start3A_16 : memref<640x128xf32, #tpu.memory_space<vmem_shared>>) target(%dma_start3A_14 : memref<640x128xf32, #tpu.memory_space<hbm>>) target_semaphore(%run_scoped3A : memref<!tpu.dma_semaphore, #tpu.memory_space<semaphore_mem>>)
        %dma_wait3A = arith.constant 0 : i32
        %dma_wait3A_17 = tpu.memref_slice %arg6[%mul3A_0, %dma_wait3A] : memref<10240x128xf32, #tpu.memory_space<hbm>> -> memref<640x128xf32, #tpu.memory_space<hbm>>
        %dma_wait3A_18 = arith.constant 0 : i32
        %dma_wait3A_19 = tpu.memref_slice %arg12[%mul3A_0, %dma_wait3A_18] : memref<10240x128xf32, #tpu.memory_space<vmem_shared>> -> memref<640x128xf32, #tpu.memory_space<vmem_shared>>
        tpu.wait_dma2 semaphore(%run_scoped3A : memref<!tpu.dma_semaphore, #tpu.memory_space<semaphore_mem>>) src(%dma_wait3A_19 : memref<640x128xf32, #tpu.memory_space<vmem_shared>>) dst(%dma_wait3A_17 : memref<640x128xf32, #tpu.memory_space<hbm>>)
        tpu.yield
      }) : () -> ()
    } else {
    }
    %eq3A_3 = arith.constant 1 : i32
    %eq3A_4 = arith.cmpi eq, %arg0, %eq3A_3 : i32
    %convert_element_type3A_5 = arith.extui %eq3A_4 : i1 to i32
    %cond3A_6 = arith.constant 0 : i32
    %cond3A_7 = arith.cmpi ne, %convert_element_type3A_5, %cond3A_6 : i32
    scf.if %cond3A_7 {
      "tpu.region"() ({
        %run_scoped3A = tpu.sem_alloc : memref<!tpu.dma_semaphore, #tpu.memory_space<semaphore_mem>>
        %dma_start3A = arith.constant 0 : i32
        %dma_start3A_14 = tpu.memref_slice %arg12[%mul3A_0, %dma_start3A] : memref<10240x128xf32, #tpu.memory_space<vmem_shared>> -> memref<640x128xf32, #tpu.memory_space<vmem_shared>>
        %dma_start3A_15 = arith.constant 0 : i32
        %dma_start3A_16 = tpu.memref_slice %arg3[%mul3A_0, %dma_start3A_15] : memref<10240x128xf32, #tpu.memory_space<hbm>> -> memref<640x128xf32, #tpu.memory_space<hbm>>
        tpu.enqueue_dma source(%dma_start3A_16 : memref<640x128xf32, #tpu.memory_space<hbm>>) target(%dma_start3A_14 : memref<640x128xf32, #tpu.memory_space<vmem_shared>>) target_semaphore(%run_scoped3A : memref<!tpu.dma_semaphore, #tpu.memory_space<semaphore_mem>>)
        %dma_wait3A = arith.constant 0 : i32
        %dma_wait3A_17 = tpu.memref_slice %arg12[%mul3A_0, %dma_wait3A] : memref<10240x128xf32, #tpu.memory_space<vmem_shared>> -> memref<640x128xf32, #tpu.memory_space<vmem_shared>>
        %dma_wait3A_18 = arith.constant 0 : i32
        %dma_wait3A_19 = tpu.memref_slice %arg3[%mul3A_0, %dma_wait3A_18] : memref<10240x128xf32, #tpu.memory_space<hbm>> -> memref<640x128xf32, #tpu.memory_space<hbm>>
        tpu.wait_dma2 semaphore(%run_scoped3A : memref<!tpu.dma_semaphore, #tpu.memory_space<semaphore_mem>>) src(%dma_wait3A_19 : memref<640x128xf32, #tpu.memory_space<hbm>>) dst(%dma_wait3A_17 : memref<640x128xf32, #tpu.memory_space<vmem_shared>>)
        tpu.yield
      }) : () -> ()
      %barrier3A = arith.constant 0 : index
      tpu.barrier barrier_id(%barrier3A)
      %scan3A = arith.constant 0 : i32
      %scan3A_8 = arith.constant 0 : i32
      %scan3A_9 = arith.constant 10 : i32
      %scan3A_10 = arith.addi %scan3A_8, %scan3A_9 : i32
      %scan3A_11 = arith.constant 1 : i32
      scf.for %scan3A_14 = %scan3A_8 to %scan3A_10 step %scan3A_11  : i32 {
        %mul3A_15 = arith.constant 16 : i32
        %mul3A_16 = arith.muli %scan3A_14, %mul3A_15 : i32
        "tpu.region"() ({
          %run_scoped3A = tpu.sem_alloc : memref<!tpu.dma_semaphore, #tpu.memory_space<semaphore_mem>>
          %dma_start3A = arith.constant 0 : i32
          %dma_start3A_25 = arith.constant 0 : i32
          %dma_start3A_26 = tpu.memref_slice %arg4[%arg1, %dma_start3A, %dma_start3A_25] : memref<16x160x125xi32, #tpu.memory_space<hbm>> -> memref<1x160x125xi32, #tpu.memory_space<hbm>>
          %dma_start3A_27 = tpu.memref_squeeze %dma_start3A_26 : memref<1x160x125xi32, #tpu.memory_space<hbm>> -> memref<160x125xi32, #tpu.memory_space<hbm>>
          %dma_start3A_28 = arith.constant 0 : i32
          %dma_start3A_29 = tpu.memref_slice %dma_start3A_27[%mul3A_16, %dma_start3A_28] : memref<160x125xi32, #tpu.memory_space<hbm>> -> memref<16x125xi32, #tpu.memory_space<hbm>>
          %dma_start3A_30 = arith.constant 0 : i32
          %dma_start3A_31 = arith.constant 0 : i32
          %dma_start3A_32 = tpu.memref_slice %arg4[%arg1, %dma_start3A_30, %dma_start3A_31] : memref<16x160x125xi32, #tpu.memory_space<hbm>> -> memref<1x160x125xi32, #tpu.memory_space<hbm>>
          %dma_start3A_33 = tpu.memref_squeeze %dma_start3A_32 : memref<1x160x125xi32, #tpu.memory_space<hbm>> -> memref<160x125xi32, #tpu.memory_space<hbm>>
          %dma_start3A_34 = arith.constant 0 : i32
          %dma_start3A_35 = tpu.memref_slice %dma_start3A_33[%mul3A_16, %dma_start3A_34] : memref<160x125xi32, #tpu.memory_space<hbm>> -> memref<16x125xi32, #tpu.memory_space<hbm>>
          tpu.enqueue_dma source(%dma_start3A_35 : memref<16x125xi32, #tpu.memory_space<hbm>>) target(%arg8 : memref<16x125xi32, #tpu.memory_space<vmem>>) target_semaphore(%run_scoped3A : memref<!tpu.dma_semaphore, #tpu.memory_space<semaphore_mem>>)
          %dma_wait3A = arith.constant 0 : i32
          %dma_wait3A_36 = arith.constant 0 : i32
          %dma_wait3A_37 = tpu.memref_slice %arg4[%arg1, %dma_wait3A, %dma_wait3A_36] : memref<16x160x125xi32, #tpu.memory_space<hbm>> -> memref<1x160x125xi32, #tpu.memory_space<hbm>>
          %dma_wait3A_38 = tpu.memref_squeeze %dma_wait3A_37 : memref<1x160x125xi32, #tpu.memory_space<hbm>> -> memref<160x125xi32, #tpu.memory_space<hbm>>
          %dma_wait3A_39 = arith.constant 0 : i32
          %dma_wait3A_40 = tpu.memref_slice %dma_wait3A_38[%mul3A_16, %dma_wait3A_39] : memref<160x125xi32, #tpu.memory_space<hbm>> -> memref<16x125xi32, #tpu.memory_space<hbm>>
          %dma_wait3A_41 = arith.constant 0 : i32
          %dma_wait3A_42 = arith.constant 0 : i32
          %dma_wait3A_43 = tpu.memref_slice %arg4[%arg1, %dma_wait3A_41, %dma_wait3A_42] : memref<16x160x125xi32, #tpu.memory_space<hbm>> -> memref<1x160x125xi32, #tpu.memory_space<hbm>>
          %dma_wait3A_44 = tpu.memref_squeeze %dma_wait3A_43 : memref<1x160x125xi32, #tpu.memory_space<hbm>> -> memref<160x125xi32, #tpu.memory_space<hbm>>
          %dma_wait3A_45 = arith.constant 0 : i32
          %dma_wait3A_46 = tpu.memref_slice %dma_wait3A_44[%mul3A_16, %dma_wait3A_45] : memref<160x125xi32, #tpu.memory_space<hbm>> -> memref<16x125xi32, #tpu.memory_space<hbm>>
          tpu.wait_dma2 semaphore(%run_scoped3A : memref<!tpu.dma_semaphore, #tpu.memory_space<semaphore_mem>>) src(%dma_wait3A_46 : memref<16x125xi32, #tpu.memory_space<hbm>>) dst(%arg8 : memref<16x125xi32, #tpu.memory_space<vmem>>)
          tpu.yield
        }) : () -> ()
        %mul3A_17 = arith.constant 16 : i32
        %mul3A_18 = arith.muli %scan3A_14, %mul3A_17 : i32
        "tpu.region"() ({
          %run_scoped3A = tpu.sem_alloc : memref<!tpu.dma_semaphore, #tpu.memory_space<semaphore_mem>>
          %dma_start3A = arith.constant 0 : i32
          %dma_start3A_25 = arith.constant 0 : i32
          %dma_start3A_26 = tpu.memref_slice %arg5[%arg1, %dma_start3A, %dma_start3A_25] : memref<16x160x125xi32, #tpu.memory_space<hbm>> -> memref<1x160x125xi32, #tpu.memory_space<hbm>>
          %dma_start3A_27 = tpu.memref_squeeze %dma_start3A_26 : memref<1x160x125xi32, #tpu.memory_space<hbm>> -> memref<160x125xi32, #tpu.memory_space<hbm>>
          %dma_start3A_28 = arith.constant 0 : i32
          %dma_start3A_29 = tpu.memref_slice %dma_start3A_27[%mul3A_18, %dma_start3A_28] : memref<160x125xi32, #tpu.memory_space<hbm>> -> memref<16x125xi32, #tpu.memory_space<hbm>>
          %dma_start3A_30 = arith.constant 0 : i32
          %dma_start3A_31 = arith.constant 0 : i32
          %dma_start3A_32 = tpu.memref_slice %arg5[%arg1, %dma_start3A_30, %dma_start3A_31] : memref<16x160x125xi32, #tpu.memory_space<hbm>> -> memref<1x160x125xi32, #tpu.memory_space<hbm>>
          %dma_start3A_33 = tpu.memref_squeeze %dma_start3A_32 : memref<1x160x125xi32, #tpu.memory_space<hbm>> -> memref<160x125xi32, #tpu.memory_space<hbm>>
          %dma_start3A_34 = arith.constant 0 : i32
          %dma_start3A_35 = tpu.memref_slice %dma_start3A_33[%mul3A_18, %dma_start3A_34] : memref<160x125xi32, #tpu.memory_space<hbm>> -> memref<16x125xi32, #tpu.memory_space<hbm>>
          tpu.enqueue_dma source(%dma_start3A_35 : memref<16x125xi32, #tpu.memory_space<hbm>>) target(%arg9 : memref<16x125xi32, #tpu.memory_space<vmem>>) target_semaphore(%run_scoped3A : memref<!tpu.dma_semaphore, #tpu.memory_space<semaphore_mem>>)
          %dma_wait3A = arith.constant 0 : i32
          %dma_wait3A_36 = arith.constant 0 : i32
          %dma_wait3A_37 = tpu.memref_slice %arg5[%arg1, %dma_wait3A, %dma_wait3A_36] : memref<16x160x125xi32, #tpu.memory_space<hbm>> -> memref<1x160x125xi32, #tpu.memory_space<hbm>>
          %dma_wait3A_38 = tpu.memref_squeeze %dma_wait3A_37 : memref<1x160x125xi32, #tpu.memory_space<hbm>> -> memref<160x125xi32, #tpu.memory_space<hbm>>
          %dma_wait3A_39 = arith.constant 0 : i32
          %dma_wait3A_40 = tpu.memref_slice %dma_wait3A_38[%mul3A_18, %dma_wait3A_39] : memref<160x125xi32, #tpu.memory_space<hbm>> -> memref<16x125xi32, #tpu.memory_space<hbm>>
          %dma_wait3A_41 = arith.constant 0 : i32
          %dma_wait3A_42 = arith.constant 0 : i32
          %dma_wait3A_43 = tpu.memref_slice %arg5[%arg1, %dma_wait3A_41, %dma_wait3A_42] : memref<16x160x125xi32, #tpu.memory_space<hbm>> -> memref<1x160x125xi32, #tpu.memory_space<hbm>>
          %dma_wait3A_44 = tpu.memref_squeeze %dma_wait3A_43 : memref<1x160x125xi32, #tpu.memory_space<hbm>> -> memref<160x125xi32, #tpu.memory_space<hbm>>
          %dma_wait3A_45 = arith.constant 0 : i32
          %dma_wait3A_46 = tpu.memref_slice %dma_wait3A_44[%mul3A_18, %dma_wait3A_45] : memref<160x125xi32, #tpu.memory_space<hbm>> -> memref<16x125xi32, #tpu.memory_space<hbm>>
          tpu.wait_dma2 semaphore(%run_scoped3A : memref<!tpu.dma_semaphore, #tpu.memory_space<semaphore_mem>>) src(%dma_wait3A_46 : memref<16x125xi32, #tpu.memory_space<hbm>>) dst(%arg9 : memref<16x125xi32, #tpu.memory_space<vmem>>)
          tpu.yield
        }) : () -> ()
        %scan3A_19 = arith.constant 0 : i32
        %scan3A_20 = arith.constant 0 : i32
        %scan3A_21 = arith.constant 8 : i32
        %scan3A_22 = arith.addi %scan3A_20, %scan3A_21 : i32
        %scan3A_23 = arith.constant 1 : i32
        scf.for %scan3A_25 = %scan3A_20 to %scan3A_22 step %scan3A_23  : i32 {
          %mul3A_26 = arith.constant 2 : i32
          %mul3A_27 = arith.muli %scan3A_25, %mul3A_26 : i32
          %dma_start3A = arith.constant 0 : i32
          %dma_start3A_28 = tpu.memref_slice %arg8[%mul3A_27, %dma_start3A] : memref<16x125xi32, #tpu.memory_space<vmem>> -> memref<1x125xi32, #tpu.memory_space<vmem>>
          %dma_start3A_29 = tpu.memref_squeeze %dma_start3A_28 : memref<1x125xi32, #tpu.memory_space<vmem>> -> memref<125xi32, #tpu.memory_space<vmem>>
          %dma_start3A_30 = arith.constant 0 : i32
          %dma_start3A_31 = arith.constant 0 : i32
          %dma_start3A_32 = tpu.memref_slice %arg3[%dma_start3A_30, %dma_start3A_31] : memref<10240x128xf32, #tpu.memory_space<hbm>> -> memref<10240x128xf32, #tpu.memory_space<hbm>>
          tpu.enqueue_indirect_dma source(%dma_start3A_32 : memref<10240x128xf32, #tpu.memory_space<hbm>>) target(%arg10 : memref<125x128xf32, #tpu.memory_space<vmem>>) offsets(%dma_start3A_29 : memref<125xi32, #tpu.memory_space<vmem>>) semaphore(%arg13 : memref<!tpu.dma_semaphore, #tpu.memory_space<semaphore_mem>>)
          %dma_wait3A = arith.constant 0 : i32
          %dma_wait3A_33 = tpu.memref_slice %arg8[%mul3A_27, %dma_wait3A] : memref<16x125xi32, #tpu.memory_space<vmem>> -> memref<1x125xi32, #tpu.memory_space<vmem>>
          %dma_wait3A_34 = tpu.memref_squeeze %dma_wait3A_33 : memref<1x125xi32, #tpu.memory_space<vmem>> -> memref<125xi32, #tpu.memory_space<vmem>>
          %dma_wait3A_35 = arith.constant 0 : i32
          %dma_wait3A_36 = arith.constant 0 : i32
          %dma_wait3A_37 = tpu.memref_slice %arg3[%dma_wait3A_35, %dma_wait3A_36] : memref<10240x128xf32, #tpu.memory_space<hbm>> -> memref<10240x128xf32, #tpu.memory_space<hbm>>
          tpu.wait_indirect_dma semaphore(%arg13 : memref<!tpu.dma_semaphore, #tpu.memory_space<semaphore_mem>>) src(%dma_wait3A_37 : memref<10240x128xf32, #tpu.memory_space<hbm>>) dst(%arg10 : memref<125x128xf32, #tpu.memory_space<vmem>>)
          %dma_start3A_38 = arith.constant 0 : i32
          %dma_start3A_39 = tpu.memref_slice %arg9[%mul3A_27, %dma_start3A_38] : memref<16x125xi32, #tpu.memory_space<vmem>> -> memref<1x125xi32, #tpu.memory_space<vmem>>
          %dma_start3A_40 = tpu.memref_squeeze %dma_start3A_39 : memref<1x125xi32, #tpu.memory_space<vmem>> -> memref<125xi32, #tpu.memory_space<vmem>>
          %dma_start3A_41 = arith.constant 0 : i32
          %dma_start3A_42 = arith.constant 0 : i32
          %dma_start3A_43 = tpu.memref_slice %arg12[%dma_start3A_41, %dma_start3A_42] : memref<10240x128xf32, #tpu.memory_space<vmem_shared>> -> memref<10240x128xf32, #tpu.memory_space<vmem_shared>>
          tpu.enqueue_indirect_dma source(%arg10 : memref<125x128xf32, #tpu.memory_space<vmem>>) target(%dma_start3A_43 : memref<10240x128xf32, #tpu.memory_space<vmem_shared>>) offsets(%dma_start3A_40 : memref<125xi32, #tpu.memory_space<vmem>>) semaphore(%arg14 : memref<!tpu.dma_semaphore, #tpu.memory_space<semaphore_mem>>) {add = true}
          %add3A = arith.constant 1 : i32
          %add3A_44 = arith.addi %mul3A_27, %add3A : i32
          %dma_start3A_45 = arith.constant 0 : i32
          %dma_start3A_46 = tpu.memref_slice %arg8[%add3A_44, %dma_start3A_45] : memref<16x125xi32, #tpu.memory_space<vmem>> -> memref<1x125xi32, #tpu.memory_space<vmem>>
          %dma_start3A_47 = tpu.memref_squeeze %dma_start3A_46 : memref<1x125xi32, #tpu.memory_space<vmem>> -> memref<125xi32, #tpu.memory_space<vmem>>
          %dma_start3A_48 = arith.constant 0 : i32
          %dma_start3A_49 = arith.constant 0 : i32
          %dma_start3A_50 = tpu.memref_slice %arg3[%dma_start3A_48, %dma_start3A_49] : memref<10240x128xf32, #tpu.memory_space<hbm>> -> memref<10240x128xf32, #tpu.memory_space<hbm>>
          tpu.enqueue_indirect_dma source(%dma_start3A_50 : memref<10240x128xf32, #tpu.memory_space<hbm>>) target(%arg11 : memref<125x128xf32, #tpu.memory_space<vmem>>) offsets(%dma_start3A_47 : memref<125xi32, #tpu.memory_space<vmem>>) semaphore(%arg13 : memref<!tpu.dma_semaphore, #tpu.memory_space<semaphore_mem>>)
          %dma_wait3A_51 = arith.constant 0 : i32
          %dma_wait3A_52 = tpu.memref_slice %arg9[%mul3A_27, %dma_wait3A_51] : memref<16x125xi32, #tpu.memory_space<vmem>> -> memref<1x125xi32, #tpu.memory_space<vmem>>
          %dma_wait3A_53 = tpu.memref_squeeze %dma_wait3A_52 : memref<1x125xi32, #tpu.memory_space<vmem>> -> memref<125xi32, #tpu.memory_space<vmem>>
          %dma_wait3A_54 = arith.constant 0 : i32
          %dma_wait3A_55 = arith.constant 0 : i32
          %dma_wait3A_56 = tpu.memref_slice %arg12[%dma_wait3A_54, %dma_wait3A_55] : memref<10240x128xf32, #tpu.memory_space<vmem_shared>> -> memref<10240x128xf32, #tpu.memory_space<vmem_shared>>
          tpu.wait_indirect_dma semaphore(%arg14 : memref<!tpu.dma_semaphore, #tpu.memory_space<semaphore_mem>>) src(%arg10 : memref<125x128xf32, #tpu.memory_space<vmem>>) dst(%dma_wait3A_56 : memref<10240x128xf32, #tpu.memory_space<vmem_shared>>)
          %dma_wait3A_57 = arith.constant 0 : i32
          %dma_wait3A_58 = tpu.memref_slice %arg8[%add3A_44, %dma_wait3A_57] : memref<16x125xi32, #tpu.memory_space<vmem>> -> memref<1x125xi32, #tpu.memory_space<vmem>>
          %dma_wait3A_59 = tpu.memref_squeeze %dma_wait3A_58 : memref<1x125xi32, #tpu.memory_space<vmem>> -> memref<125xi32, #tpu.memory_space<vmem>>
          %dma_wait3A_60 = arith.constant 0 : i32
          %dma_wait3A_61 = arith.constant 0 : i32
          %dma_wait3A_62 = tpu.memref_slice %arg3[%dma_wait3A_60, %dma_wait3A_61] : memref<10240x128xf32, #tpu.memory_space<hbm>> -> memref<10240x128xf32, #tpu.memory_space<hbm>>
          tpu.wait_indirect_dma semaphore(%arg13 : memref<!tpu.dma_semaphore, #tpu.memory_space<semaphore_mem>>) src(%dma_wait3A_62 : memref<10240x128xf32, #tpu.memory_space<hbm>>) dst(%arg11 : memref<125x128xf32, #tpu.memory_space<vmem>>)
          %add3A_63 = arith.constant 1 : i32
          %add3A_64 = arith.addi %mul3A_27, %add3A_63 : i32
          "tpu.region"() ({
            %run_scoped3A = tpu.sem_alloc : memref<!tpu.dma_semaphore, #tpu.memory_space<semaphore_mem>>
            %dma_start3A_65 = arith.constant 0 : i32
            %dma_start3A_66 = tpu.memref_slice %arg9[%add3A_64, %dma_start3A_65] : memref<16x125xi32, #tpu.memory_space<vmem>> -> memref<1x125xi32, #tpu.memory_space<vmem>>
            %dma_start3A_67 = tpu.memref_squeeze %dma_start3A_66 : memref<1x125xi32, #tpu.memory_space<vmem>> -> memref<125xi32, #tpu.memory_space<vmem>>
            %dma_start3A_68 = arith.constant 0 : i32
            %dma_start3A_69 = arith.constant 0 : i32
            %dma_start3A_70 = tpu.memref_slice %arg12[%dma_start3A_68, %dma_start3A_69] : memref<10240x128xf32, #tpu.memory_space<vmem_shared>> -> memref<10240x128xf32, #tpu.memory_space<vmem_shared>>
            tpu.enqueue_indirect_dma source(%arg11 : memref<125x128xf32, #tpu.memory_space<vmem>>) target(%dma_start3A_70 : memref<10240x128xf32, #tpu.memory_space<vmem_shared>>) offsets(%dma_start3A_67 : memref<125xi32, #tpu.memory_space<vmem>>) semaphore(%run_scoped3A : memref<!tpu.dma_semaphore, #tpu.memory_space<semaphore_mem>>) {add = true}
            %dma_wait3A_71 = arith.constant 0 : i32
            %dma_wait3A_72 = tpu.memref_slice %arg9[%add3A_64, %dma_wait3A_71] : memref<16x125xi32, #tpu.memory_space<vmem>> -> memref<1x125xi32, #tpu.memory_space<vmem>>
            %dma_wait3A_73 = tpu.memref_squeeze %dma_wait3A_72 : memref<1x125xi32, #tpu.memory_space<vmem>> -> memref<125xi32, #tpu.memory_space<vmem>>
            %dma_wait3A_74 = arith.constant 0 : i32
            %dma_wait3A_75 = arith.constant 0 : i32
            %dma_wait3A_76 = tpu.memref_slice %arg12[%dma_wait3A_74, %dma_wait3A_75] : memref<10240x128xf32, #tpu.memory_space<vmem_shared>> -> memref<10240x128xf32, #tpu.memory_space<vmem_shared>>
            tpu.wait_indirect_dma semaphore(%run_scoped3A : memref<!tpu.dma_semaphore, #tpu.memory_space<semaphore_mem>>) src(%arg11 : memref<125x128xf32, #tpu.memory_space<vmem>>) dst(%dma_wait3A_76 : memref<10240x128xf32, #tpu.memory_space<vmem_shared>>)
            tpu.yield
          }) : () -> ()
        }
        %scan3A_24 = arith.constant 8 : i32
      }
      %scan3A_12 = arith.constant 10 : i32
      %barrier3A_13 = arith.constant 0 : index
      tpu.barrier barrier_id(%barrier3A_13)
      "tpu.region"() ({
        %run_scoped3A = tpu.sem_alloc : memref<!tpu.dma_semaphore, #tpu.memory_space<semaphore_mem>>
        %dma_start3A = arith.constant 0 : i32
        %dma_start3A_14 = tpu.memref_slice %arg7[%mul3A_0, %dma_start3A] : memref<10240x128xf32, #tpu.memory_space<hbm>> -> memref<640x128xf32, #tpu.memory_space<hbm>>
        %dma_start3A_15 = arith.constant 0 : i32
        %dma_start3A_16 = tpu.memref_slice %arg12[%mul3A_0, %dma_start3A_15] : memref<10240x128xf32, #tpu.memory_space<vmem_shared>> -> memref<640x128xf32, #tpu.memory_space<vmem_shared>>
        tpu.enqueue_dma source(%dma_start3A_16 : memref<640x128xf32, #tpu.memory_space<vmem_shared>>) target(%dma_start3A_14 : memref<640x128xf32, #tpu.memory_space<hbm>>) target_semaphore(%run_scoped3A : memref<!tpu.dma_semaphore, #tpu.memory_space<semaphore_mem>>)
        %dma_wait3A = arith.constant 0 : i32
        %dma_wait3A_17 = tpu.memref_slice %arg7[%mul3A_0, %dma_wait3A] : memref<10240x128xf32, #tpu.memory_space<hbm>> -> memref<640x128xf32, #tpu.memory_space<hbm>>
        %dma_wait3A_18 = arith.constant 0 : i32
        %dma_wait3A_19 = tpu.memref_slice %arg12[%mul3A_0, %dma_wait3A_18] : memref<10240x128xf32, #tpu.memory_space<vmem_shared>> -> memref<640x128xf32, #tpu.memory_space<vmem_shared>>
        tpu.wait_dma2 semaphore(%run_scoped3A : memref<!tpu.dma_semaphore, #tpu.memory_space<semaphore_mem>>) src(%dma_wait3A_19 : memref<640x128xf32, #tpu.memory_space<vmem_shared>>) dst(%dma_wait3A_17 : memref<640x128xf32, #tpu.memory_space<hbm>>)
        tpu.yield
      }) : () -> ()
    } else {
    }
    return
  }
}

#map = affine_map<(d0, d1) -> (0, 0, 0, 0)>
#map1 = affine_map<(d0, d1) -> (0, 0)>
#map2 = affine_map<(d0, d1) -> (0, 0, 0)>
module attributes {stable_mosaic.version = 14 : i64} {
  func.func @_sc_degree(%arg0: i32, %arg1: i32, %arg2: memref<2x16x80x125xi32, #tpu.memory_space<hbm>>, %arg3: memref<125x128xf32, #tpu.memory_space<hbm>>, %arg4: memref<640x128xf32, #tpu.memory_space<hbm>>, %arg5: memref<2x10240x128xf32, #tpu.memory_space<hbm>>, %arg6: memref<80x125xi32, #tpu.memory_space<vmem>>, %arg7: memref<125x128xf32, #tpu.memory_space<vmem>>, %arg8: memref<10240x128xf32, #tpu.memory_space<vmem_shared>>) attributes {dimension_semantics = [#tpu.dimension_semantics<core_parallel>, #tpu.dimension_semantics<subcore_parallel>], iteration_bounds = array<i64: 2, 16>, scalar_prefetch = 0 : i64, scratch_operands = 3 : i64, tpu.core_type = #tpu.core_type<sc_vector_subcore>, window_params = [{transform_indices = #map}, {transform_indices = #map1}, {transform_indices = #map1}, {transform_indices = #map2}]} {
    %mul3A = arith.constant 640 : i32
    %mul3A_0 = arith.muli %arg1, %mul3A : i32
    "tpu.region"() ({
      %run_scoped3A = tpu.sem_alloc : memref<!tpu.dma_semaphore, #tpu.memory_space<semaphore_mem>>
      %dma_start3A = arith.constant 0 : i32
      %dma_start3A_7 = tpu.memref_slice %arg8[%mul3A_0, %dma_start3A] : memref<10240x128xf32, #tpu.memory_space<vmem_shared>> -> memref<640x128xf32, #tpu.memory_space<vmem_shared>>
      tpu.enqueue_dma source(%arg4 : memref<640x128xf32, #tpu.memory_space<hbm>>) target(%dma_start3A_7 : memref<640x128xf32, #tpu.memory_space<vmem_shared>>) target_semaphore(%run_scoped3A : memref<!tpu.dma_semaphore, #tpu.memory_space<semaphore_mem>>)
      %dma_wait3A = arith.constant 0 : i32
      %dma_wait3A_8 = tpu.memref_slice %arg8[%mul3A_0, %dma_wait3A] : memref<10240x128xf32, #tpu.memory_space<vmem_shared>> -> memref<640x128xf32, #tpu.memory_space<vmem_shared>>
      tpu.wait_dma2 semaphore(%run_scoped3A : memref<!tpu.dma_semaphore, #tpu.memory_space<semaphore_mem>>) src(%arg4 : memref<640x128xf32, #tpu.memory_space<hbm>>) dst(%dma_wait3A_8 : memref<640x128xf32, #tpu.memory_space<vmem_shared>>)
      tpu.yield
    }) : () -> ()
    "tpu.region"() ({
      %run_scoped3A = tpu.sem_alloc : memref<!tpu.dma_semaphore, #tpu.memory_space<semaphore_mem>>
      tpu.enqueue_dma source(%arg3 : memref<125x128xf32, #tpu.memory_space<hbm>>) target(%arg7 : memref<125x128xf32, #tpu.memory_space<vmem>>) target_semaphore(%run_scoped3A : memref<!tpu.dma_semaphore, #tpu.memory_space<semaphore_mem>>)
      tpu.wait_dma2 semaphore(%run_scoped3A : memref<!tpu.dma_semaphore, #tpu.memory_space<semaphore_mem>>) src(%arg3 : memref<125x128xf32, #tpu.memory_space<hbm>>) dst(%arg7 : memref<125x128xf32, #tpu.memory_space<vmem>>)
      tpu.yield
    }) : () -> ()
    "tpu.region"() ({
      %run_scoped3A = tpu.sem_alloc : memref<!tpu.dma_semaphore, #tpu.memory_space<semaphore_mem>>
      %dma_start3A = arith.constant 0 : i32
      %dma_start3A_7 = arith.constant 0 : i32
      %dma_start3A_8 = arith.constant 0 : i32
      %dma_start3A_9 = tpu.memref_slice %arg2[%arg0, %dma_start3A, %dma_start3A_7, %dma_start3A_8] : memref<2x16x80x125xi32, #tpu.memory_space<hbm>> -> memref<1x16x80x125xi32, #tpu.memory_space<hbm>>
      %dma_start3A_10 = tpu.memref_squeeze %dma_start3A_9 : memref<1x16x80x125xi32, #tpu.memory_space<hbm>> -> memref<16x80x125xi32, #tpu.memory_space<hbm>>
      %dma_start3A_11 = arith.constant 0 : i32
      %dma_start3A_12 = arith.constant 0 : i32
      %dma_start3A_13 = tpu.memref_slice %dma_start3A_10[%arg1, %dma_start3A_11, %dma_start3A_12] : memref<16x80x125xi32, #tpu.memory_space<hbm>> -> memref<1x80x125xi32, #tpu.memory_space<hbm>>
      %dma_start3A_14 = tpu.memref_squeeze %dma_start3A_13 : memref<1x80x125xi32, #tpu.memory_space<hbm>> -> memref<80x125xi32, #tpu.memory_space<hbm>>
      %dma_start3A_15 = arith.constant 0 : i32
      %dma_start3A_16 = arith.constant 0 : i32
      %dma_start3A_17 = arith.constant 0 : i32
      %dma_start3A_18 = tpu.memref_slice %arg2[%arg0, %dma_start3A_15, %dma_start3A_16, %dma_start3A_17] : memref<2x16x80x125xi32, #tpu.memory_space<hbm>> -> memref<1x16x80x125xi32, #tpu.memory_space<hbm>>
      %dma_start3A_19 = tpu.memref_squeeze %dma_start3A_18 : memref<1x16x80x125xi32, #tpu.memory_space<hbm>> -> memref<16x80x125xi32, #tpu.memory_space<hbm>>
      %dma_start3A_20 = arith.constant 0 : i32
      %dma_start3A_21 = arith.constant 0 : i32
      %dma_start3A_22 = tpu.memref_slice %dma_start3A_19[%arg1, %dma_start3A_20, %dma_start3A_21] : memref<16x80x125xi32, #tpu.memory_space<hbm>> -> memref<1x80x125xi32, #tpu.memory_space<hbm>>
      %dma_start3A_23 = tpu.memref_squeeze %dma_start3A_22 : memref<1x80x125xi32, #tpu.memory_space<hbm>> -> memref<80x125xi32, #tpu.memory_space<hbm>>
      tpu.enqueue_dma source(%dma_start3A_23 : memref<80x125xi32, #tpu.memory_space<hbm>>) target(%arg6 : memref<80x125xi32, #tpu.memory_space<vmem>>) target_semaphore(%run_scoped3A : memref<!tpu.dma_semaphore, #tpu.memory_space<semaphore_mem>>)
      %dma_wait3A = arith.constant 0 : i32
      %dma_wait3A_24 = arith.constant 0 : i32
      %dma_wait3A_25 = arith.constant 0 : i32
      %dma_wait3A_26 = tpu.memref_slice %arg2[%arg0, %dma_wait3A, %dma_wait3A_24, %dma_wait3A_25] : memref<2x16x80x125xi32, #tpu.memory_space<hbm>> -> memref<1x16x80x125xi32, #tpu.memory_space<hbm>>
      %dma_wait3A_27 = tpu.memref_squeeze %dma_wait3A_26 : memref<1x16x80x125xi32, #tpu.memory_space<hbm>> -> memref<16x80x125xi32, #tpu.memory_space<hbm>>
      %dma_wait3A_28 = arith.constant 0 : i32
      %dma_wait3A_29 = arith.constant 0 : i32
      %dma_wait3A_30 = tpu.memref_slice %dma_wait3A_27[%arg1, %dma_wait3A_28, %dma_wait3A_29] : memref<16x80x125xi32, #tpu.memory_space<hbm>> -> memref<1x80x125xi32, #tpu.memory_space<hbm>>
      %dma_wait3A_31 = tpu.memref_squeeze %dma_wait3A_30 : memref<1x80x125xi32, #tpu.memory_space<hbm>> -> memref<80x125xi32, #tpu.memory_space<hbm>>
      %dma_wait3A_32 = arith.constant 0 : i32
      %dma_wait3A_33 = arith.constant 0 : i32
      %dma_wait3A_34 = arith.constant 0 : i32
      %dma_wait3A_35 = tpu.memref_slice %arg2[%arg0, %dma_wait3A_32, %dma_wait3A_33, %dma_wait3A_34] : memref<2x16x80x125xi32, #tpu.memory_space<hbm>> -> memref<1x16x80x125xi32, #tpu.memory_space<hbm>>
      %dma_wait3A_36 = tpu.memref_squeeze %dma_wait3A_35 : memref<1x16x80x125xi32, #tpu.memory_space<hbm>> -> memref<16x80x125xi32, #tpu.memory_space<hbm>>
      %dma_wait3A_37 = arith.constant 0 : i32
      %dma_wait3A_38 = arith.constant 0 : i32
      %dma_wait3A_39 = tpu.memref_slice %dma_wait3A_36[%arg1, %dma_wait3A_37, %dma_wait3A_38] : memref<16x80x125xi32, #tpu.memory_space<hbm>> -> memref<1x80x125xi32, #tpu.memory_space<hbm>>
      %dma_wait3A_40 = tpu.memref_squeeze %dma_wait3A_39 : memref<1x80x125xi32, #tpu.memory_space<hbm>> -> memref<80x125xi32, #tpu.memory_space<hbm>>
      tpu.wait_dma2 semaphore(%run_scoped3A : memref<!tpu.dma_semaphore, #tpu.memory_space<semaphore_mem>>) src(%dma_wait3A_40 : memref<80x125xi32, #tpu.memory_space<hbm>>) dst(%arg6 : memref<80x125xi32, #tpu.memory_space<vmem>>)
      tpu.yield
    }) : () -> ()
    %barrier3A = arith.constant 0 : index
    tpu.barrier barrier_id(%barrier3A)
    %scan3A = arith.constant 0 : i32
    %scan3A_1 = arith.constant 0 : i32
    %scan3A_2 = arith.constant 80 : i32
    %scan3A_3 = arith.addi %scan3A_1, %scan3A_2 : i32
    %scan3A_4 = arith.constant 1 : i32
    scf.for %scan3A_7 = %scan3A_1 to %scan3A_3 step %scan3A_4  : i32 {
      "tpu.region"() ({
        %run_scoped3A = tpu.sem_alloc : memref<!tpu.dma_semaphore, #tpu.memory_space<semaphore_mem>>
        %dma_start3A = arith.constant 0 : i32
        %dma_start3A_8 = tpu.memref_slice %arg6[%scan3A_7, %dma_start3A] : memref<80x125xi32, #tpu.memory_space<vmem>> -> memref<1x125xi32, #tpu.memory_space<vmem>>
        %dma_start3A_9 = tpu.memref_squeeze %dma_start3A_8 : memref<1x125xi32, #tpu.memory_space<vmem>> -> memref<125xi32, #tpu.memory_space<vmem>>
        %dma_start3A_10 = arith.constant 0 : i32
        %dma_start3A_11 = arith.constant 0 : i32
        %dma_start3A_12 = tpu.memref_slice %arg8[%dma_start3A_10, %dma_start3A_11] : memref<10240x128xf32, #tpu.memory_space<vmem_shared>> -> memref<10240x128xf32, #tpu.memory_space<vmem_shared>>
        tpu.enqueue_indirect_dma source(%arg7 : memref<125x128xf32, #tpu.memory_space<vmem>>) target(%dma_start3A_12 : memref<10240x128xf32, #tpu.memory_space<vmem_shared>>) offsets(%dma_start3A_9 : memref<125xi32, #tpu.memory_space<vmem>>) semaphore(%run_scoped3A : memref<!tpu.dma_semaphore, #tpu.memory_space<semaphore_mem>>) {add = true}
        %dma_wait3A = arith.constant 0 : i32
        %dma_wait3A_13 = tpu.memref_slice %arg6[%scan3A_7, %dma_wait3A] : memref<80x125xi32, #tpu.memory_space<vmem>> -> memref<1x125xi32, #tpu.memory_space<vmem>>
        %dma_wait3A_14 = tpu.memref_squeeze %dma_wait3A_13 : memref<1x125xi32, #tpu.memory_space<vmem>> -> memref<125xi32, #tpu.memory_space<vmem>>
        %dma_wait3A_15 = arith.constant 0 : i32
        %dma_wait3A_16 = arith.constant 0 : i32
        %dma_wait3A_17 = tpu.memref_slice %arg8[%dma_wait3A_15, %dma_wait3A_16] : memref<10240x128xf32, #tpu.memory_space<vmem_shared>> -> memref<10240x128xf32, #tpu.memory_space<vmem_shared>>
        tpu.wait_indirect_dma semaphore(%run_scoped3A : memref<!tpu.dma_semaphore, #tpu.memory_space<semaphore_mem>>) src(%arg7 : memref<125x128xf32, #tpu.memory_space<vmem>>) dst(%dma_wait3A_17 : memref<10240x128xf32, #tpu.memory_space<vmem_shared>>)
        tpu.yield
      }) : () -> ()
    }
    %scan3A_5 = arith.constant 80 : i32
    %barrier3A_6 = arith.constant 0 : index
    tpu.barrier barrier_id(%barrier3A_6)
    "tpu.region"() ({
      %run_scoped3A = tpu.sem_alloc : memref<!tpu.dma_semaphore, #tpu.memory_space<semaphore_mem>>
      %dma_start3A = arith.constant 0 : i32
      %dma_start3A_7 = arith.constant 0 : i32
      %dma_start3A_8 = tpu.memref_slice %arg5[%arg0, %dma_start3A, %dma_start3A_7] : memref<2x10240x128xf32, #tpu.memory_space<hbm>> -> memref<1x10240x128xf32, #tpu.memory_space<hbm>>
      %dma_start3A_9 = tpu.memref_squeeze %dma_start3A_8 : memref<1x10240x128xf32, #tpu.memory_space<hbm>> -> memref<10240x128xf32, #tpu.memory_space<hbm>>
      %dma_start3A_10 = arith.constant 0 : i32
      %dma_start3A_11 = tpu.memref_slice %dma_start3A_9[%mul3A_0, %dma_start3A_10] : memref<10240x128xf32, #tpu.memory_space<hbm>> -> memref<640x128xf32, #tpu.memory_space<hbm>>
      %dma_start3A_12 = arith.constant 0 : i32
      %dma_start3A_13 = tpu.memref_slice %arg8[%mul3A_0, %dma_start3A_12] : memref<10240x128xf32, #tpu.memory_space<vmem_shared>> -> memref<640x128xf32, #tpu.memory_space<vmem_shared>>
      tpu.enqueue_dma source(%dma_start3A_13 : memref<640x128xf32, #tpu.memory_space<vmem_shared>>) target(%dma_start3A_11 : memref<640x128xf32, #tpu.memory_space<hbm>>) target_semaphore(%run_scoped3A : memref<!tpu.dma_semaphore, #tpu.memory_space<semaphore_mem>>)
      %dma_wait3A = arith.constant 0 : i32
      %dma_wait3A_14 = arith.constant 0 : i32
      %dma_wait3A_15 = tpu.memref_slice %arg5[%arg0, %dma_wait3A, %dma_wait3A_14] : memref<2x10240x128xf32, #tpu.memory_space<hbm>> -> memref<1x10240x128xf32, #tpu.memory_space<hbm>>
      %dma_wait3A_16 = tpu.memref_squeeze %dma_wait3A_15 : memref<1x10240x128xf32, #tpu.memory_space<hbm>> -> memref<10240x128xf32, #tpu.memory_space<hbm>>
      %dma_wait3A_17 = arith.constant 0 : i32
      %dma_wait3A_18 = tpu.memref_slice %dma_wait3A_16[%mul3A_0, %dma_wait3A_17] : memref<10240x128xf32, #tpu.memory_space<hbm>> -> memref<640x128xf32, #tpu.memory_space<hbm>>
      %dma_wait3A_19 = arith.constant 0 : i32
      %dma_wait3A_20 = tpu.memref_slice %arg8[%mul3A_0, %dma_wait3A_19] : memref<10240x128xf32, #tpu.memory_space<vmem_shared>> -> memref<640x128xf32, #tpu.memory_space<vmem_shared>>
      tpu.wait_dma2 semaphore(%run_scoped3A : memref<!tpu.dma_semaphore, #tpu.memory_space<semaphore_mem>>) src(%dma_wait3A_20 : memref<640x128xf32, #tpu.memory_space<vmem_shared>>) dst(%dma_wait3A_18 : memref<640x128xf32, #tpu.memory_space<hbm>>)
      tpu.yield
    }) : () -> ()
    return
  }
}

#map = affine_map<(d0, d1) -> (0, 0)>
#map1 = affine_map<(d0, d1) -> (0, 0, 0)>
module attributes {stable_mosaic.version = 14 : i64} {
  func.func @_sc_scatter(%arg0: i32, %arg1: i32, %arg2: memref<10240x128xf32, #tpu.memory_space<hbm>>, %arg3: memref<10240x128xf32, #tpu.memory_space<hbm>>, %arg4: memref<16x160x125xi32, #tpu.memory_space<hbm>>, %arg5: memref<16x160x125xi32, #tpu.memory_space<hbm>>, %arg6: memref<10240x128xf32, #tpu.memory_space<hbm>>, %arg7: memref<10240x128xf32, #tpu.memory_space<hbm>>, %arg8: memref<16x125xi32, #tpu.memory_space<vmem>>, %arg9: memref<16x125xi32, #tpu.memory_space<vmem>>, %arg10: memref<125x128xf32, #tpu.memory_space<vmem>>, %arg11: memref<125x128xf32, #tpu.memory_space<vmem>>, %arg12: memref<10240x128xf32, #tpu.memory_space<vmem_shared>>, %arg13: memref<!tpu.dma_semaphore, #tpu.memory_space<semaphore_mem>>, %arg14: memref<!tpu.dma_semaphore, #tpu.memory_space<semaphore_mem>>) attributes {dimension_semantics = [#tpu.dimension_semantics<core_parallel>, #tpu.dimension_semantics<subcore_parallel>], iteration_bounds = array<i64: 2, 16>, scalar_prefetch = 0 : i64, scratch_operands = 7 : i64, tpu.core_type = #tpu.core_type<sc_vector_subcore>, window_params = [{transform_indices = #map}, {transform_indices = #map}, {transform_indices = #map1}, {transform_indices = #map1}, {transform_indices = #map}, {transform_indices = #map}]} {
    %mul3A = arith.constant 640 : i32
    %mul3A_0 = arith.muli %arg1, %mul3A : i32
    %eq3A = arith.constant 0 : i32
    %eq3A_1 = arith.cmpi eq, %arg0, %eq3A : i32
    %convert_element_type3A = arith.extui %eq3A_1 : i1 to i32
    %cond3A = arith.constant 0 : i32
    %cond3A_2 = arith.cmpi ne, %convert_element_type3A, %cond3A : i32
    scf.if %cond3A_2 {
      "tpu.region"() ({
        %run_scoped3A = tpu.sem_alloc : memref<!tpu.dma_semaphore, #tpu.memory_space<semaphore_mem>>
        %dma_start3A = arith.constant 0 : i32
        %dma_start3A_14 = tpu.memref_slice %arg12[%mul3A_0, %dma_start3A] : memref<10240x128xf32, #tpu.memory_space<vmem_shared>> -> memref<640x128xf32, #tpu.memory_space<vmem_shared>>
        %dma_start3A_15 = arith.constant 0 : i32
        %dma_start3A_16 = tpu.memref_slice %arg2[%mul3A_0, %dma_start3A_15] : memref<10240x128xf32, #tpu.memory_space<hbm>> -> memref<640x128xf32, #tpu.memory_space<hbm>>
        tpu.enqueue_dma source(%dma_start3A_16 : memref<640x128xf32, #tpu.memory_space<hbm>>) target(%dma_start3A_14 : memref<640x128xf32, #tpu.memory_space<vmem_shared>>) target_semaphore(%run_scoped3A : memref<!tpu.dma_semaphore, #tpu.memory_space<semaphore_mem>>)
        %dma_wait3A = arith.constant 0 : i32
        %dma_wait3A_17 = tpu.memref_slice %arg12[%mul3A_0, %dma_wait3A] : memref<10240x128xf32, #tpu.memory_space<vmem_shared>> -> memref<640x128xf32, #tpu.memory_space<vmem_shared>>
        %dma_wait3A_18 = arith.constant 0 : i32
        %dma_wait3A_19 = tpu.memref_slice %arg2[%mul3A_0, %dma_wait3A_18] : memref<10240x128xf32, #tpu.memory_space<hbm>> -> memref<640x128xf32, #tpu.memory_space<hbm>>
        tpu.wait_dma2 semaphore(%run_scoped3A : memref<!tpu.dma_semaphore, #tpu.memory_space<semaphore_mem>>) src(%dma_wait3A_19 : memref<640x128xf32, #tpu.memory_space<hbm>>) dst(%dma_wait3A_17 : memref<640x128xf32, #tpu.memory_space<vmem_shared>>)
        tpu.yield
      }) : () -> ()
      %barrier3A = arith.constant 0 : index
      tpu.barrier barrier_id(%barrier3A)
      %scan3A = arith.constant 0 : i32
      %scan3A_8 = arith.constant 0 : i32
      %scan3A_9 = arith.constant 10 : i32
      %scan3A_10 = arith.addi %scan3A_8, %scan3A_9 : i32
      %scan3A_11 = arith.constant 1 : i32
      scf.for %scan3A_14 = %scan3A_8 to %scan3A_10 step %scan3A_11  : i32 {
        %mul3A_15 = arith.constant 16 : i32
        %mul3A_16 = arith.muli %scan3A_14, %mul3A_15 : i32
        "tpu.region"() ({
          %run_scoped3A = tpu.sem_alloc : memref<!tpu.dma_semaphore, #tpu.memory_space<semaphore_mem>>
          %dma_start3A = arith.constant 0 : i32
          %dma_start3A_25 = arith.constant 0 : i32
          %dma_start3A_26 = tpu.memref_slice %arg4[%arg1, %dma_start3A, %dma_start3A_25] : memref<16x160x125xi32, #tpu.memory_space<hbm>> -> memref<1x160x125xi32, #tpu.memory_space<hbm>>
          %dma_start3A_27 = tpu.memref_squeeze %dma_start3A_26 : memref<1x160x125xi32, #tpu.memory_space<hbm>> -> memref<160x125xi32, #tpu.memory_space<hbm>>
          %dma_start3A_28 = arith.constant 0 : i32
          %dma_start3A_29 = tpu.memref_slice %dma_start3A_27[%mul3A_16, %dma_start3A_28] : memref<160x125xi32, #tpu.memory_space<hbm>> -> memref<16x125xi32, #tpu.memory_space<hbm>>
          %dma_start3A_30 = arith.constant 0 : i32
          %dma_start3A_31 = arith.constant 0 : i32
          %dma_start3A_32 = tpu.memref_slice %arg4[%arg1, %dma_start3A_30, %dma_start3A_31] : memref<16x160x125xi32, #tpu.memory_space<hbm>> -> memref<1x160x125xi32, #tpu.memory_space<hbm>>
          %dma_start3A_33 = tpu.memref_squeeze %dma_start3A_32 : memref<1x160x125xi32, #tpu.memory_space<hbm>> -> memref<160x125xi32, #tpu.memory_space<hbm>>
          %dma_start3A_34 = arith.constant 0 : i32
          %dma_start3A_35 = tpu.memref_slice %dma_start3A_33[%mul3A_16, %dma_start3A_34] : memref<160x125xi32, #tpu.memory_space<hbm>> -> memref<16x125xi32, #tpu.memory_space<hbm>>
          tpu.enqueue_dma source(%dma_start3A_35 : memref<16x125xi32, #tpu.memory_space<hbm>>) target(%arg8 : memref<16x125xi32, #tpu.memory_space<vmem>>) target_semaphore(%run_scoped3A : memref<!tpu.dma_semaphore, #tpu.memory_space<semaphore_mem>>)
          %dma_wait3A = arith.constant 0 : i32
          %dma_wait3A_36 = arith.constant 0 : i32
          %dma_wait3A_37 = tpu.memref_slice %arg4[%arg1, %dma_wait3A, %dma_wait3A_36] : memref<16x160x125xi32, #tpu.memory_space<hbm>> -> memref<1x160x125xi32, #tpu.memory_space<hbm>>
          %dma_wait3A_38 = tpu.memref_squeeze %dma_wait3A_37 : memref<1x160x125xi32, #tpu.memory_space<hbm>> -> memref<160x125xi32, #tpu.memory_space<hbm>>
          %dma_wait3A_39 = arith.constant 0 : i32
          %dma_wait3A_40 = tpu.memref_slice %dma_wait3A_38[%mul3A_16, %dma_wait3A_39] : memref<160x125xi32, #tpu.memory_space<hbm>> -> memref<16x125xi32, #tpu.memory_space<hbm>>
          %dma_wait3A_41 = arith.constant 0 : i32
          %dma_wait3A_42 = arith.constant 0 : i32
          %dma_wait3A_43 = tpu.memref_slice %arg4[%arg1, %dma_wait3A_41, %dma_wait3A_42] : memref<16x160x125xi32, #tpu.memory_space<hbm>> -> memref<1x160x125xi32, #tpu.memory_space<hbm>>
          %dma_wait3A_44 = tpu.memref_squeeze %dma_wait3A_43 : memref<1x160x125xi32, #tpu.memory_space<hbm>> -> memref<160x125xi32, #tpu.memory_space<hbm>>
          %dma_wait3A_45 = arith.constant 0 : i32
          %dma_wait3A_46 = tpu.memref_slice %dma_wait3A_44[%mul3A_16, %dma_wait3A_45] : memref<160x125xi32, #tpu.memory_space<hbm>> -> memref<16x125xi32, #tpu.memory_space<hbm>>
          tpu.wait_dma2 semaphore(%run_scoped3A : memref<!tpu.dma_semaphore, #tpu.memory_space<semaphore_mem>>) src(%dma_wait3A_46 : memref<16x125xi32, #tpu.memory_space<hbm>>) dst(%arg8 : memref<16x125xi32, #tpu.memory_space<vmem>>)
          tpu.yield
        }) : () -> ()
        %mul3A_17 = arith.constant 16 : i32
        %mul3A_18 = arith.muli %scan3A_14, %mul3A_17 : i32
        "tpu.region"() ({
          %run_scoped3A = tpu.sem_alloc : memref<!tpu.dma_semaphore, #tpu.memory_space<semaphore_mem>>
          %dma_start3A = arith.constant 0 : i32
          %dma_start3A_25 = arith.constant 0 : i32
          %dma_start3A_26 = tpu.memref_slice %arg5[%arg1, %dma_start3A, %dma_start3A_25] : memref<16x160x125xi32, #tpu.memory_space<hbm>> -> memref<1x160x125xi32, #tpu.memory_space<hbm>>
          %dma_start3A_27 = tpu.memref_squeeze %dma_start3A_26 : memref<1x160x125xi32, #tpu.memory_space<hbm>> -> memref<160x125xi32, #tpu.memory_space<hbm>>
          %dma_start3A_28 = arith.constant 0 : i32
          %dma_start3A_29 = tpu.memref_slice %dma_start3A_27[%mul3A_18, %dma_start3A_28] : memref<160x125xi32, #tpu.memory_space<hbm>> -> memref<16x125xi32, #tpu.memory_space<hbm>>
          %dma_start3A_30 = arith.constant 0 : i32
          %dma_start3A_31 = arith.constant 0 : i32
          %dma_start3A_32 = tpu.memref_slice %arg5[%arg1, %dma_start3A_30, %dma_start3A_31] : memref<16x160x125xi32, #tpu.memory_space<hbm>> -> memref<1x160x125xi32, #tpu.memory_space<hbm>>
          %dma_start3A_33 = tpu.memref_squeeze %dma_start3A_32 : memref<1x160x125xi32, #tpu.memory_space<hbm>> -> memref<160x125xi32, #tpu.memory_space<hbm>>
          %dma_start3A_34 = arith.constant 0 : i32
          %dma_start3A_35 = tpu.memref_slice %dma_start3A_33[%mul3A_18, %dma_start3A_34] : memref<160x125xi32, #tpu.memory_space<hbm>> -> memref<16x125xi32, #tpu.memory_space<hbm>>
          tpu.enqueue_dma source(%dma_start3A_35 : memref<16x125xi32, #tpu.memory_space<hbm>>) target(%arg9 : memref<16x125xi32, #tpu.memory_space<vmem>>) target_semaphore(%run_scoped3A : memref<!tpu.dma_semaphore, #tpu.memory_space<semaphore_mem>>)
          %dma_wait3A = arith.constant 0 : i32
          %dma_wait3A_36 = arith.constant 0 : i32
          %dma_wait3A_37 = tpu.memref_slice %arg5[%arg1, %dma_wait3A, %dma_wait3A_36] : memref<16x160x125xi32, #tpu.memory_space<hbm>> -> memref<1x160x125xi32, #tpu.memory_space<hbm>>
          %dma_wait3A_38 = tpu.memref_squeeze %dma_wait3A_37 : memref<1x160x125xi32, #tpu.memory_space<hbm>> -> memref<160x125xi32, #tpu.memory_space<hbm>>
          %dma_wait3A_39 = arith.constant 0 : i32
          %dma_wait3A_40 = tpu.memref_slice %dma_wait3A_38[%mul3A_18, %dma_wait3A_39] : memref<160x125xi32, #tpu.memory_space<hbm>> -> memref<16x125xi32, #tpu.memory_space<hbm>>
          %dma_wait3A_41 = arith.constant 0 : i32
          %dma_wait3A_42 = arith.constant 0 : i32
          %dma_wait3A_43 = tpu.memref_slice %arg5[%arg1, %dma_wait3A_41, %dma_wait3A_42] : memref<16x160x125xi32, #tpu.memory_space<hbm>> -> memref<1x160x125xi32, #tpu.memory_space<hbm>>
          %dma_wait3A_44 = tpu.memref_squeeze %dma_wait3A_43 : memref<1x160x125xi32, #tpu.memory_space<hbm>> -> memref<160x125xi32, #tpu.memory_space<hbm>>
          %dma_wait3A_45 = arith.constant 0 : i32
          %dma_wait3A_46 = tpu.memref_slice %dma_wait3A_44[%mul3A_18, %dma_wait3A_45] : memref<160x125xi32, #tpu.memory_space<hbm>> -> memref<16x125xi32, #tpu.memory_space<hbm>>
          tpu.wait_dma2 semaphore(%run_scoped3A : memref<!tpu.dma_semaphore, #tpu.memory_space<semaphore_mem>>) src(%dma_wait3A_46 : memref<16x125xi32, #tpu.memory_space<hbm>>) dst(%arg9 : memref<16x125xi32, #tpu.memory_space<vmem>>)
          tpu.yield
        }) : () -> ()
        %scan3A_19 = arith.constant 0 : i32
        %scan3A_20 = arith.constant 0 : i32
        %scan3A_21 = arith.constant 8 : i32
        %scan3A_22 = arith.addi %scan3A_20, %scan3A_21 : i32
        %scan3A_23 = arith.constant 1 : i32
        scf.for %scan3A_25 = %scan3A_20 to %scan3A_22 step %scan3A_23  : i32 {
          %mul3A_26 = arith.constant 2 : i32
          %mul3A_27 = arith.muli %scan3A_25, %mul3A_26 : i32
          %dma_start3A = arith.constant 0 : i32
          %dma_start3A_28 = tpu.memref_slice %arg8[%mul3A_27, %dma_start3A] : memref<16x125xi32, #tpu.memory_space<vmem>> -> memref<1x125xi32, #tpu.memory_space<vmem>>
          %dma_start3A_29 = tpu.memref_squeeze %dma_start3A_28 : memref<1x125xi32, #tpu.memory_space<vmem>> -> memref<125xi32, #tpu.memory_space<vmem>>
          %dma_start3A_30 = arith.constant 0 : i32
          %dma_start3A_31 = arith.constant 0 : i32
          %dma_start3A_32 = tpu.memref_slice %arg2[%dma_start3A_30, %dma_start3A_31] : memref<10240x128xf32, #tpu.memory_space<hbm>> -> memref<10240x128xf32, #tpu.memory_space<hbm>>
          tpu.enqueue_indirect_dma source(%dma_start3A_32 : memref<10240x128xf32, #tpu.memory_space<hbm>>) target(%arg10 : memref<125x128xf32, #tpu.memory_space<vmem>>) offsets(%dma_start3A_29 : memref<125xi32, #tpu.memory_space<vmem>>) semaphore(%arg13 : memref<!tpu.dma_semaphore, #tpu.memory_space<semaphore_mem>>)
          %dma_wait3A = arith.constant 0 : i32
          %dma_wait3A_33 = tpu.memref_slice %arg8[%mul3A_27, %dma_wait3A] : memref<16x125xi32, #tpu.memory_space<vmem>> -> memref<1x125xi32, #tpu.memory_space<vmem>>
          %dma_wait3A_34 = tpu.memref_squeeze %dma_wait3A_33 : memref<1x125xi32, #tpu.memory_space<vmem>> -> memref<125xi32, #tpu.memory_space<vmem>>
          %dma_wait3A_35 = arith.constant 0 : i32
          %dma_wait3A_36 = arith.constant 0 : i32
          %dma_wait3A_37 = tpu.memref_slice %arg2[%dma_wait3A_35, %dma_wait3A_36] : memref<10240x128xf32, #tpu.memory_space<hbm>> -> memref<10240x128xf32, #tpu.memory_space<hbm>>
          tpu.wait_indirect_dma semaphore(%arg13 : memref<!tpu.dma_semaphore, #tpu.memory_space<semaphore_mem>>) src(%dma_wait3A_37 : memref<10240x128xf32, #tpu.memory_space<hbm>>) dst(%arg10 : memref<125x128xf32, #tpu.memory_space<vmem>>)
          %dma_start3A_38 = arith.constant 0 : i32
          %dma_start3A_39 = tpu.memref_slice %arg9[%mul3A_27, %dma_start3A_38] : memref<16x125xi32, #tpu.memory_space<vmem>> -> memref<1x125xi32, #tpu.memory_space<vmem>>
          %dma_start3A_40 = tpu.memref_squeeze %dma_start3A_39 : memref<1x125xi32, #tpu.memory_space<vmem>> -> memref<125xi32, #tpu.memory_space<vmem>>
          %dma_start3A_41 = arith.constant 0 : i32
          %dma_start3A_42 = arith.constant 0 : i32
          %dma_start3A_43 = tpu.memref_slice %arg12[%dma_start3A_41, %dma_start3A_42] : memref<10240x128xf32, #tpu.memory_space<vmem_shared>> -> memref<10240x128xf32, #tpu.memory_space<vmem_shared>>
          tpu.enqueue_indirect_dma source(%arg10 : memref<125x128xf32, #tpu.memory_space<vmem>>) target(%dma_start3A_43 : memref<10240x128xf32, #tpu.memory_space<vmem_shared>>) offsets(%dma_start3A_40 : memref<125xi32, #tpu.memory_space<vmem>>) semaphore(%arg14 : memref<!tpu.dma_semaphore, #tpu.memory_space<semaphore_mem>>) {add = true}
          %add3A = arith.constant 1 : i32
          %add3A_44 = arith.addi %mul3A_27, %add3A : i32
          %dma_start3A_45 = arith.constant 0 : i32
          %dma_start3A_46 = tpu.memref_slice %arg8[%add3A_44, %dma_start3A_45] : memref<16x125xi32, #tpu.memory_space<vmem>> -> memref<1x125xi32, #tpu.memory_space<vmem>>
          %dma_start3A_47 = tpu.memref_squeeze %dma_start3A_46 : memref<1x125xi32, #tpu.memory_space<vmem>> -> memref<125xi32, #tpu.memory_space<vmem>>
          %dma_start3A_48 = arith.constant 0 : i32
          %dma_start3A_49 = arith.constant 0 : i32
          %dma_start3A_50 = tpu.memref_slice %arg2[%dma_start3A_48, %dma_start3A_49] : memref<10240x128xf32, #tpu.memory_space<hbm>> -> memref<10240x128xf32, #tpu.memory_space<hbm>>
          tpu.enqueue_indirect_dma source(%dma_start3A_50 : memref<10240x128xf32, #tpu.memory_space<hbm>>) target(%arg11 : memref<125x128xf32, #tpu.memory_space<vmem>>) offsets(%dma_start3A_47 : memref<125xi32, #tpu.memory_space<vmem>>) semaphore(%arg13 : memref<!tpu.dma_semaphore, #tpu.memory_space<semaphore_mem>>)
          %dma_wait3A_51 = arith.constant 0 : i32
          %dma_wait3A_52 = tpu.memref_slice %arg9[%mul3A_27, %dma_wait3A_51] : memref<16x125xi32, #tpu.memory_space<vmem>> -> memref<1x125xi32, #tpu.memory_space<vmem>>
          %dma_wait3A_53 = tpu.memref_squeeze %dma_wait3A_52 : memref<1x125xi32, #tpu.memory_space<vmem>> -> memref<125xi32, #tpu.memory_space<vmem>>
          %dma_wait3A_54 = arith.constant 0 : i32
          %dma_wait3A_55 = arith.constant 0 : i32
          %dma_wait3A_56 = tpu.memref_slice %arg12[%dma_wait3A_54, %dma_wait3A_55] : memref<10240x128xf32, #tpu.memory_space<vmem_shared>> -> memref<10240x128xf32, #tpu.memory_space<vmem_shared>>
          tpu.wait_indirect_dma semaphore(%arg14 : memref<!tpu.dma_semaphore, #tpu.memory_space<semaphore_mem>>) src(%arg10 : memref<125x128xf32, #tpu.memory_space<vmem>>) dst(%dma_wait3A_56 : memref<10240x128xf32, #tpu.memory_space<vmem_shared>>)
          %dma_wait3A_57 = arith.constant 0 : i32
          %dma_wait3A_58 = tpu.memref_slice %arg8[%add3A_44, %dma_wait3A_57] : memref<16x125xi32, #tpu.memory_space<vmem>> -> memref<1x125xi32, #tpu.memory_space<vmem>>
          %dma_wait3A_59 = tpu.memref_squeeze %dma_wait3A_58 : memref<1x125xi32, #tpu.memory_space<vmem>> -> memref<125xi32, #tpu.memory_space<vmem>>
          %dma_wait3A_60 = arith.constant 0 : i32
          %dma_wait3A_61 = arith.constant 0 : i32
          %dma_wait3A_62 = tpu.memref_slice %arg2[%dma_wait3A_60, %dma_wait3A_61] : memref<10240x128xf32, #tpu.memory_space<hbm>> -> memref<10240x128xf32, #tpu.memory_space<hbm>>
          tpu.wait_indirect_dma semaphore(%arg13 : memref<!tpu.dma_semaphore, #tpu.memory_space<semaphore_mem>>) src(%dma_wait3A_62 : memref<10240x128xf32, #tpu.memory_space<hbm>>) dst(%arg11 : memref<125x128xf32, #tpu.memory_space<vmem>>)
          %add3A_63 = arith.constant 1 : i32
          %add3A_64 = arith.addi %mul3A_27, %add3A_63 : i32
          "tpu.region"() ({
            %run_scoped3A = tpu.sem_alloc : memref<!tpu.dma_semaphore, #tpu.memory_space<semaphore_mem>>
            %dma_start3A_65 = arith.constant 0 : i32
            %dma_start3A_66 = tpu.memref_slice %arg9[%add3A_64, %dma_start3A_65] : memref<16x125xi32, #tpu.memory_space<vmem>> -> memref<1x125xi32, #tpu.memory_space<vmem>>
            %dma_start3A_67 = tpu.memref_squeeze %dma_start3A_66 : memref<1x125xi32, #tpu.memory_space<vmem>> -> memref<125xi32, #tpu.memory_space<vmem>>
            %dma_start3A_68 = arith.constant 0 : i32
            %dma_start3A_69 = arith.constant 0 : i32
            %dma_start3A_70 = tpu.memref_slice %arg12[%dma_start3A_68, %dma_start3A_69] : memref<10240x128xf32, #tpu.memory_space<vmem_shared>> -> memref<10240x128xf32, #tpu.memory_space<vmem_shared>>
            tpu.enqueue_indirect_dma source(%arg11 : memref<125x128xf32, #tpu.memory_space<vmem>>) target(%dma_start3A_70 : memref<10240x128xf32, #tpu.memory_space<vmem_shared>>) offsets(%dma_start3A_67 : memref<125xi32, #tpu.memory_space<vmem>>) semaphore(%run_scoped3A : memref<!tpu.dma_semaphore, #tpu.memory_space<semaphore_mem>>) {add = true}
            %dma_wait3A_71 = arith.constant 0 : i32
            %dma_wait3A_72 = tpu.memref_slice %arg9[%add3A_64, %dma_wait3A_71] : memref<16x125xi32, #tpu.memory_space<vmem>> -> memref<1x125xi32, #tpu.memory_space<vmem>>
            %dma_wait3A_73 = tpu.memref_squeeze %dma_wait3A_72 : memref<1x125xi32, #tpu.memory_space<vmem>> -> memref<125xi32, #tpu.memory_space<vmem>>
            %dma_wait3A_74 = arith.constant 0 : i32
            %dma_wait3A_75 = arith.constant 0 : i32
            %dma_wait3A_76 = tpu.memref_slice %arg12[%dma_wait3A_74, %dma_wait3A_75] : memref<10240x128xf32, #tpu.memory_space<vmem_shared>> -> memref<10240x128xf32, #tpu.memory_space<vmem_shared>>
            tpu.wait_indirect_dma semaphore(%run_scoped3A : memref<!tpu.dma_semaphore, #tpu.memory_space<semaphore_mem>>) src(%arg11 : memref<125x128xf32, #tpu.memory_space<vmem>>) dst(%dma_wait3A_76 : memref<10240x128xf32, #tpu.memory_space<vmem_shared>>)
            tpu.yield
          }) : () -> ()
        }
        %scan3A_24 = arith.constant 8 : i32
      }
      %scan3A_12 = arith.constant 10 : i32
      %barrier3A_13 = arith.constant 0 : index
      tpu.barrier barrier_id(%barrier3A_13)
      "tpu.region"() ({
        %run_scoped3A = tpu.sem_alloc : memref<!tpu.dma_semaphore, #tpu.memory_space<semaphore_mem>>
        %dma_start3A = arith.constant 0 : i32
        %dma_start3A_14 = tpu.memref_slice %arg6[%mul3A_0, %dma_start3A] : memref<10240x128xf32, #tpu.memory_space<hbm>> -> memref<640x128xf32, #tpu.memory_space<hbm>>
        %dma_start3A_15 = arith.constant 0 : i32
        %dma_start3A_16 = tpu.memref_slice %arg12[%mul3A_0, %dma_start3A_15] : memref<10240x128xf32, #tpu.memory_space<vmem_shared>> -> memref<640x128xf32, #tpu.memory_space<vmem_shared>>
        tpu.enqueue_dma source(%dma_start3A_16 : memref<640x128xf32, #tpu.memory_space<vmem_shared>>) target(%dma_start3A_14 : memref<640x128xf32, #tpu.memory_space<hbm>>) target_semaphore(%run_scoped3A : memref<!tpu.dma_semaphore, #tpu.memory_space<semaphore_mem>>)
        %dma_wait3A = arith.constant 0 : i32
        %dma_wait3A_17 = tpu.memref_slice %arg6[%mul3A_0, %dma_wait3A] : memref<10240x128xf32, #tpu.memory_space<hbm>> -> memref<640x128xf32, #tpu.memory_space<hbm>>
        %dma_wait3A_18 = arith.constant 0 : i32
        %dma_wait3A_19 = tpu.memref_slice %arg12[%mul3A_0, %dma_wait3A_18] : memref<10240x128xf32, #tpu.memory_space<vmem_shared>> -> memref<640x128xf32, #tpu.memory_space<vmem_shared>>
        tpu.wait_dma2 semaphore(%run_scoped3A : memref<!tpu.dma_semaphore, #tpu.memory_space<semaphore_mem>>) src(%dma_wait3A_19 : memref<640x128xf32, #tpu.memory_space<vmem_shared>>) dst(%dma_wait3A_17 : memref<640x128xf32, #tpu.memory_space<hbm>>)
        tpu.yield
      }) : () -> ()
    } else {
    }
    %eq3A_3 = arith.constant 1 : i32
    %eq3A_4 = arith.cmpi eq, %arg0, %eq3A_3 : i32
    %convert_element_type3A_5 = arith.extui %eq3A_4 : i1 to i32
    %cond3A_6 = arith.constant 0 : i32
    %cond3A_7 = arith.cmpi ne, %convert_element_type3A_5, %cond3A_6 : i32
    scf.if %cond3A_7 {
      "tpu.region"() ({
        %run_scoped3A = tpu.sem_alloc : memref<!tpu.dma_semaphore, #tpu.memory_space<semaphore_mem>>
        %dma_start3A = arith.constant 0 : i32
        %dma_start3A_14 = tpu.memref_slice %arg12[%mul3A_0, %dma_start3A] : memref<10240x128xf32, #tpu.memory_space<vmem_shared>> -> memref<640x128xf32, #tpu.memory_space<vmem_shared>>
        %dma_start3A_15 = arith.constant 0 : i32
        %dma_start3A_16 = tpu.memref_slice %arg3[%mul3A_0, %dma_start3A_15] : memref<10240x128xf32, #tpu.memory_space<hbm>> -> memref<640x128xf32, #tpu.memory_space<hbm>>
        tpu.enqueue_dma source(%dma_start3A_16 : memref<640x128xf32, #tpu.memory_space<hbm>>) target(%dma_start3A_14 : memref<640x128xf32, #tpu.memory_space<vmem_shared>>) target_semaphore(%run_scoped3A : memref<!tpu.dma_semaphore, #tpu.memory_space<semaphore_mem>>)
        %dma_wait3A = arith.constant 0 : i32
        %dma_wait3A_17 = tpu.memref_slice %arg12[%mul3A_0, %dma_wait3A] : memref<10240x128xf32, #tpu.memory_space<vmem_shared>> -> memref<640x128xf32, #tpu.memory_space<vmem_shared>>
        %dma_wait3A_18 = arith.constant 0 : i32
        %dma_wait3A_19 = tpu.memref_slice %arg3[%mul3A_0, %dma_wait3A_18] : memref<10240x128xf32, #tpu.memory_space<hbm>> -> memref<640x128xf32, #tpu.memory_space<hbm>>
        tpu.wait_dma2 semaphore(%run_scoped3A : memref<!tpu.dma_semaphore, #tpu.memory_space<semaphore_mem>>) src(%dma_wait3A_19 : memref<640x128xf32, #tpu.memory_space<hbm>>) dst(%dma_wait3A_17 : memref<640x128xf32, #tpu.memory_space<vmem_shared>>)
        tpu.yield
      }) : () -> ()
      %barrier3A = arith.constant 0 : index
      tpu.barrier barrier_id(%barrier3A)
      %scan3A = arith.constant 0 : i32
      %scan3A_8 = arith.constant 0 : i32
      %scan3A_9 = arith.constant 10 : i32
      %scan3A_10 = arith.addi %scan3A_8, %scan3A_9 : i32
      %scan3A_11 = arith.constant 1 : i32
      scf.for %scan3A_14 = %scan3A_8 to %scan3A_10 step %scan3A_11  : i32 {
        %mul3A_15 = arith.constant 16 : i32
        %mul3A_16 = arith.muli %scan3A_14, %mul3A_15 : i32
        "tpu.region"() ({
          %run_scoped3A = tpu.sem_alloc : memref<!tpu.dma_semaphore, #tpu.memory_space<semaphore_mem>>
          %dma_start3A = arith.constant 0 : i32
          %dma_start3A_25 = arith.constant 0 : i32
          %dma_start3A_26 = tpu.memref_slice %arg4[%arg1, %dma_start3A, %dma_start3A_25] : memref<16x160x125xi32, #tpu.memory_space<hbm>> -> memref<1x160x125xi32, #tpu.memory_space<hbm>>
          %dma_start3A_27 = tpu.memref_squeeze %dma_start3A_26 : memref<1x160x125xi32, #tpu.memory_space<hbm>> -> memref<160x125xi32, #tpu.memory_space<hbm>>
          %dma_start3A_28 = arith.constant 0 : i32
          %dma_start3A_29 = tpu.memref_slice %dma_start3A_27[%mul3A_16, %dma_start3A_28] : memref<160x125xi32, #tpu.memory_space<hbm>> -> memref<16x125xi32, #tpu.memory_space<hbm>>
          %dma_start3A_30 = arith.constant 0 : i32
          %dma_start3A_31 = arith.constant 0 : i32
          %dma_start3A_32 = tpu.memref_slice %arg4[%arg1, %dma_start3A_30, %dma_start3A_31] : memref<16x160x125xi32, #tpu.memory_space<hbm>> -> memref<1x160x125xi32, #tpu.memory_space<hbm>>
          %dma_start3A_33 = tpu.memref_squeeze %dma_start3A_32 : memref<1x160x125xi32, #tpu.memory_space<hbm>> -> memref<160x125xi32, #tpu.memory_space<hbm>>
          %dma_start3A_34 = arith.constant 0 : i32
          %dma_start3A_35 = tpu.memref_slice %dma_start3A_33[%mul3A_16, %dma_start3A_34] : memref<160x125xi32, #tpu.memory_space<hbm>> -> memref<16x125xi32, #tpu.memory_space<hbm>>
          tpu.enqueue_dma source(%dma_start3A_35 : memref<16x125xi32, #tpu.memory_space<hbm>>) target(%arg8 : memref<16x125xi32, #tpu.memory_space<vmem>>) target_semaphore(%run_scoped3A : memref<!tpu.dma_semaphore, #tpu.memory_space<semaphore_mem>>)
          %dma_wait3A = arith.constant 0 : i32
          %dma_wait3A_36 = arith.constant 0 : i32
          %dma_wait3A_37 = tpu.memref_slice %arg4[%arg1, %dma_wait3A, %dma_wait3A_36] : memref<16x160x125xi32, #tpu.memory_space<hbm>> -> memref<1x160x125xi32, #tpu.memory_space<hbm>>
          %dma_wait3A_38 = tpu.memref_squeeze %dma_wait3A_37 : memref<1x160x125xi32, #tpu.memory_space<hbm>> -> memref<160x125xi32, #tpu.memory_space<hbm>>
          %dma_wait3A_39 = arith.constant 0 : i32
          %dma_wait3A_40 = tpu.memref_slice %dma_wait3A_38[%mul3A_16, %dma_wait3A_39] : memref<160x125xi32, #tpu.memory_space<hbm>> -> memref<16x125xi32, #tpu.memory_space<hbm>>
          %dma_wait3A_41 = arith.constant 0 : i32
          %dma_wait3A_42 = arith.constant 0 : i32
          %dma_wait3A_43 = tpu.memref_slice %arg4[%arg1, %dma_wait3A_41, %dma_wait3A_42] : memref<16x160x125xi32, #tpu.memory_space<hbm>> -> memref<1x160x125xi32, #tpu.memory_space<hbm>>
          %dma_wait3A_44 = tpu.memref_squeeze %dma_wait3A_43 : memref<1x160x125xi32, #tpu.memory_space<hbm>> -> memref<160x125xi32, #tpu.memory_space<hbm>>
          %dma_wait3A_45 = arith.constant 0 : i32
          %dma_wait3A_46 = tpu.memref_slice %dma_wait3A_44[%mul3A_16, %dma_wait3A_45] : memref<160x125xi32, #tpu.memory_space<hbm>> -> memref<16x125xi32, #tpu.memory_space<hbm>>
          tpu.wait_dma2 semaphore(%run_scoped3A : memref<!tpu.dma_semaphore, #tpu.memory_space<semaphore_mem>>) src(%dma_wait3A_46 : memref<16x125xi32, #tpu.memory_space<hbm>>) dst(%arg8 : memref<16x125xi32, #tpu.memory_space<vmem>>)
          tpu.yield
        }) : () -> ()
        %mul3A_17 = arith.constant 16 : i32
        %mul3A_18 = arith.muli %scan3A_14, %mul3A_17 : i32
        "tpu.region"() ({
          %run_scoped3A = tpu.sem_alloc : memref<!tpu.dma_semaphore, #tpu.memory_space<semaphore_mem>>
          %dma_start3A = arith.constant 0 : i32
          %dma_start3A_25 = arith.constant 0 : i32
          %dma_start3A_26 = tpu.memref_slice %arg5[%arg1, %dma_start3A, %dma_start3A_25] : memref<16x160x125xi32, #tpu.memory_space<hbm>> -> memref<1x160x125xi32, #tpu.memory_space<hbm>>
          %dma_start3A_27 = tpu.memref_squeeze %dma_start3A_26 : memref<1x160x125xi32, #tpu.memory_space<hbm>> -> memref<160x125xi32, #tpu.memory_space<hbm>>
          %dma_start3A_28 = arith.constant 0 : i32
          %dma_start3A_29 = tpu.memref_slice %dma_start3A_27[%mul3A_18, %dma_start3A_28] : memref<160x125xi32, #tpu.memory_space<hbm>> -> memref<16x125xi32, #tpu.memory_space<hbm>>
          %dma_start3A_30 = arith.constant 0 : i32
          %dma_start3A_31 = arith.constant 0 : i32
          %dma_start3A_32 = tpu.memref_slice %arg5[%arg1, %dma_start3A_30, %dma_start3A_31] : memref<16x160x125xi32, #tpu.memory_space<hbm>> -> memref<1x160x125xi32, #tpu.memory_space<hbm>>
          %dma_start3A_33 = tpu.memref_squeeze %dma_start3A_32 : memref<1x160x125xi32, #tpu.memory_space<hbm>> -> memref<160x125xi32, #tpu.memory_space<hbm>>
          %dma_start3A_34 = arith.constant 0 : i32
          %dma_start3A_35 = tpu.memref_slice %dma_start3A_33[%mul3A_18, %dma_start3A_34] : memref<160x125xi32, #tpu.memory_space<hbm>> -> memref<16x125xi32, #tpu.memory_space<hbm>>
          tpu.enqueue_dma source(%dma_start3A_35 : memref<16x125xi32, #tpu.memory_space<hbm>>) target(%arg9 : memref<16x125xi32, #tpu.memory_space<vmem>>) target_semaphore(%run_scoped3A : memref<!tpu.dma_semaphore, #tpu.memory_space<semaphore_mem>>)
          %dma_wait3A = arith.constant 0 : i32
          %dma_wait3A_36 = arith.constant 0 : i32
          %dma_wait3A_37 = tpu.memref_slice %arg5[%arg1, %dma_wait3A, %dma_wait3A_36] : memref<16x160x125xi32, #tpu.memory_space<hbm>> -> memref<1x160x125xi32, #tpu.memory_space<hbm>>
          %dma_wait3A_38 = tpu.memref_squeeze %dma_wait3A_37 : memref<1x160x125xi32, #tpu.memory_space<hbm>> -> memref<160x125xi32, #tpu.memory_space<hbm>>
          %dma_wait3A_39 = arith.constant 0 : i32
          %dma_wait3A_40 = tpu.memref_slice %dma_wait3A_38[%mul3A_18, %dma_wait3A_39] : memref<160x125xi32, #tpu.memory_space<hbm>> -> memref<16x125xi32, #tpu.memory_space<hbm>>
          %dma_wait3A_41 = arith.constant 0 : i32
          %dma_wait3A_42 = arith.constant 0 : i32
          %dma_wait3A_43 = tpu.memref_slice %arg5[%arg1, %dma_wait3A_41, %dma_wait3A_42] : memref<16x160x125xi32, #tpu.memory_space<hbm>> -> memref<1x160x125xi32, #tpu.memory_space<hbm>>
          %dma_wait3A_44 = tpu.memref_squeeze %dma_wait3A_43 : memref<1x160x125xi32, #tpu.memory_space<hbm>> -> memref<160x125xi32, #tpu.memory_space<hbm>>
          %dma_wait3A_45 = arith.constant 0 : i32
          %dma_wait3A_46 = tpu.memref_slice %dma_wait3A_44[%mul3A_18, %dma_wait3A_45] : memref<160x125xi32, #tpu.memory_space<hbm>> -> memref<16x125xi32, #tpu.memory_space<hbm>>
          tpu.wait_dma2 semaphore(%run_scoped3A : memref<!tpu.dma_semaphore, #tpu.memory_space<semaphore_mem>>) src(%dma_wait3A_46 : memref<16x125xi32, #tpu.memory_space<hbm>>) dst(%arg9 : memref<16x125xi32, #tpu.memory_space<vmem>>)
          tpu.yield
        }) : () -> ()
        %scan3A_19 = arith.constant 0 : i32
        %scan3A_20 = arith.constant 0 : i32
        %scan3A_21 = arith.constant 8 : i32
        %scan3A_22 = arith.addi %scan3A_20, %scan3A_21 : i32
        %scan3A_23 = arith.constant 1 : i32
        scf.for %scan3A_25 = %scan3A_20 to %scan3A_22 step %scan3A_23  : i32 {
          %mul3A_26 = arith.constant 2 : i32
          %mul3A_27 = arith.muli %scan3A_25, %mul3A_26 : i32
          %dma_start3A = arith.constant 0 : i32
          %dma_start3A_28 = tpu.memref_slice %arg8[%mul3A_27, %dma_start3A] : memref<16x125xi32, #tpu.memory_space<vmem>> -> memref<1x125xi32, #tpu.memory_space<vmem>>
          %dma_start3A_29 = tpu.memref_squeeze %dma_start3A_28 : memref<1x125xi32, #tpu.memory_space<vmem>> -> memref<125xi32, #tpu.memory_space<vmem>>
          %dma_start3A_30 = arith.constant 0 : i32
          %dma_start3A_31 = arith.constant 0 : i32
          %dma_start3A_32 = tpu.memref_slice %arg3[%dma_start3A_30, %dma_start3A_31] : memref<10240x128xf32, #tpu.memory_space<hbm>> -> memref<10240x128xf32, #tpu.memory_space<hbm>>
          tpu.enqueue_indirect_dma source(%dma_start3A_32 : memref<10240x128xf32, #tpu.memory_space<hbm>>) target(%arg10 : memref<125x128xf32, #tpu.memory_space<vmem>>) offsets(%dma_start3A_29 : memref<125xi32, #tpu.memory_space<vmem>>) semaphore(%arg13 : memref<!tpu.dma_semaphore, #tpu.memory_space<semaphore_mem>>)
          %dma_wait3A = arith.constant 0 : i32
          %dma_wait3A_33 = tpu.memref_slice %arg8[%mul3A_27, %dma_wait3A] : memref<16x125xi32, #tpu.memory_space<vmem>> -> memref<1x125xi32, #tpu.memory_space<vmem>>
          %dma_wait3A_34 = tpu.memref_squeeze %dma_wait3A_33 : memref<1x125xi32, #tpu.memory_space<vmem>> -> memref<125xi32, #tpu.memory_space<vmem>>
          %dma_wait3A_35 = arith.constant 0 : i32
          %dma_wait3A_36 = arith.constant 0 : i32
          %dma_wait3A_37 = tpu.memref_slice %arg3[%dma_wait3A_35, %dma_wait3A_36] : memref<10240x128xf32, #tpu.memory_space<hbm>> -> memref<10240x128xf32, #tpu.memory_space<hbm>>
          tpu.wait_indirect_dma semaphore(%arg13 : memref<!tpu.dma_semaphore, #tpu.memory_space<semaphore_mem>>) src(%dma_wait3A_37 : memref<10240x128xf32, #tpu.memory_space<hbm>>) dst(%arg10 : memref<125x128xf32, #tpu.memory_space<vmem>>)
          %dma_start3A_38 = arith.constant 0 : i32
          %dma_start3A_39 = tpu.memref_slice %arg9[%mul3A_27, %dma_start3A_38] : memref<16x125xi32, #tpu.memory_space<vmem>> -> memref<1x125xi32, #tpu.memory_space<vmem>>
          %dma_start3A_40 = tpu.memref_squeeze %dma_start3A_39 : memref<1x125xi32, #tpu.memory_space<vmem>> -> memref<125xi32, #tpu.memory_space<vmem>>
          %dma_start3A_41 = arith.constant 0 : i32
          %dma_start3A_42 = arith.constant 0 : i32
          %dma_start3A_43 = tpu.memref_slice %arg12[%dma_start3A_41, %dma_start3A_42] : memref<10240x128xf32, #tpu.memory_space<vmem_shared>> -> memref<10240x128xf32, #tpu.memory_space<vmem_shared>>
          tpu.enqueue_indirect_dma source(%arg10 : memref<125x128xf32, #tpu.memory_space<vmem>>) target(%dma_start3A_43 : memref<10240x128xf32, #tpu.memory_space<vmem_shared>>) offsets(%dma_start3A_40 : memref<125xi32, #tpu.memory_space<vmem>>) semaphore(%arg14 : memref<!tpu.dma_semaphore, #tpu.memory_space<semaphore_mem>>) {add = true}
          %add3A = arith.constant 1 : i32
          %add3A_44 = arith.addi %mul3A_27, %add3A : i32
          %dma_start3A_45 = arith.constant 0 : i32
          %dma_start3A_46 = tpu.memref_slice %arg8[%add3A_44, %dma_start3A_45] : memref<16x125xi32, #tpu.memory_space<vmem>> -> memref<1x125xi32, #tpu.memory_space<vmem>>
          %dma_start3A_47 = tpu.memref_squeeze %dma_start3A_46 : memref<1x125xi32, #tpu.memory_space<vmem>> -> memref<125xi32, #tpu.memory_space<vmem>>
          %dma_start3A_48 = arith.constant 0 : i32
          %dma_start3A_49 = arith.constant 0 : i32
          %dma_start3A_50 = tpu.memref_slice %arg3[%dma_start3A_48, %dma_start3A_49] : memref<10240x128xf32, #tpu.memory_space<hbm>> -> memref<10240x128xf32, #tpu.memory_space<hbm>>
          tpu.enqueue_indirect_dma source(%dma_start3A_50 : memref<10240x128xf32, #tpu.memory_space<hbm>>) target(%arg11 : memref<125x128xf32, #tpu.memory_space<vmem>>) offsets(%dma_start3A_47 : memref<125xi32, #tpu.memory_space<vmem>>) semaphore(%arg13 : memref<!tpu.dma_semaphore, #tpu.memory_space<semaphore_mem>>)
          %dma_wait3A_51 = arith.constant 0 : i32
          %dma_wait3A_52 = tpu.memref_slice %arg9[%mul3A_27, %dma_wait3A_51] : memref<16x125xi32, #tpu.memory_space<vmem>> -> memref<1x125xi32, #tpu.memory_space<vmem>>
          %dma_wait3A_53 = tpu.memref_squeeze %dma_wait3A_52 : memref<1x125xi32, #tpu.memory_space<vmem>> -> memref<125xi32, #tpu.memory_space<vmem>>
          %dma_wait3A_54 = arith.constant 0 : i32
          %dma_wait3A_55 = arith.constant 0 : i32
          %dma_wait3A_56 = tpu.memref_slice %arg12[%dma_wait3A_54, %dma_wait3A_55] : memref<10240x128xf32, #tpu.memory_space<vmem_shared>> -> memref<10240x128xf32, #tpu.memory_space<vmem_shared>>
          tpu.wait_indirect_dma semaphore(%arg14 : memref<!tpu.dma_semaphore, #tpu.memory_space<semaphore_mem>>) src(%arg10 : memref<125x128xf32, #tpu.memory_space<vmem>>) dst(%dma_wait3A_56 : memref<10240x128xf32, #tpu.memory_space<vmem_shared>>)
          %dma_wait3A_57 = arith.constant 0 : i32
          %dma_wait3A_58 = tpu.memref_slice %arg8[%add3A_44, %dma_wait3A_57] : memref<16x125xi32, #tpu.memory_space<vmem>> -> memref<1x125xi32, #tpu.memory_space<vmem>>
          %dma_wait3A_59 = tpu.memref_squeeze %dma_wait3A_58 : memref<1x125xi32, #tpu.memory_space<vmem>> -> memref<125xi32, #tpu.memory_space<vmem>>
          %dma_wait3A_60 = arith.constant 0 : i32
          %dma_wait3A_61 = arith.constant 0 : i32
          %dma_wait3A_62 = tpu.memref_slice %arg3[%dma_wait3A_60, %dma_wait3A_61] : memref<10240x128xf32, #tpu.memory_space<hbm>> -> memref<10240x128xf32, #tpu.memory_space<hbm>>
          tpu.wait_indirect_dma semaphore(%arg13 : memref<!tpu.dma_semaphore, #tpu.memory_space<semaphore_mem>>) src(%dma_wait3A_62 : memref<10240x128xf32, #tpu.memory_space<hbm>>) dst(%arg11 : memref<125x128xf32, #tpu.memory_space<vmem>>)
          %add3A_63 = arith.constant 1 : i32
          %add3A_64 = arith.addi %mul3A_27, %add3A_63 : i32
          "tpu.region"() ({
            %run_scoped3A = tpu.sem_alloc : memref<!tpu.dma_semaphore, #tpu.memory_space<semaphore_mem>>
            %dma_start3A_65 = arith.constant 0 : i32
            %dma_start3A_66 = tpu.memref_slice %arg9[%add3A_64, %dma_start3A_65] : memref<16x125xi32, #tpu.memory_space<vmem>> -> memref<1x125xi32, #tpu.memory_space<vmem>>
            %dma_start3A_67 = tpu.memref_squeeze %dma_start3A_66 : memref<1x125xi32, #tpu.memory_space<vmem>> -> memref<125xi32, #tpu.memory_space<vmem>>
            %dma_start3A_68 = arith.constant 0 : i32
            %dma_start3A_69 = arith.constant 0 : i32
            %dma_start3A_70 = tpu.memref_slice %arg12[%dma_start3A_68, %dma_start3A_69] : memref<10240x128xf32, #tpu.memory_space<vmem_shared>> -> memref<10240x128xf32, #tpu.memory_space<vmem_shared>>
            tpu.enqueue_indirect_dma source(%arg11 : memref<125x128xf32, #tpu.memory_space<vmem>>) target(%dma_start3A_70 : memref<10240x128xf32, #tpu.memory_space<vmem_shared>>) offsets(%dma_start3A_67 : memref<125xi32, #tpu.memory_space<vmem>>) semaphore(%run_scoped3A : memref<!tpu.dma_semaphore, #tpu.memory_space<semaphore_mem>>) {add = true}
            %dma_wait3A_71 = arith.constant 0 : i32
            %dma_wait3A_72 = tpu.memref_slice %arg9[%add3A_64, %dma_wait3A_71] : memref<16x125xi32, #tpu.memory_space<vmem>> -> memref<1x125xi32, #tpu.memory_space<vmem>>
            %dma_wait3A_73 = tpu.memref_squeeze %dma_wait3A_72 : memref<1x125xi32, #tpu.memory_space<vmem>> -> memref<125xi32, #tpu.memory_space<vmem>>
            %dma_wait3A_74 = arith.constant 0 : i32
            %dma_wait3A_75 = arith.constant 0 : i32
            %dma_wait3A_76 = tpu.memref_slice %arg12[%dma_wait3A_74, %dma_wait3A_75] : memref<10240x128xf32, #tpu.memory_space<vmem_shared>> -> memref<10240x128xf32, #tpu.memory_space<vmem_shared>>
            tpu.wait_indirect_dma semaphore(%run_scoped3A : memref<!tpu.dma_semaphore, #tpu.memory_space<semaphore_mem>>) src(%arg11 : memref<125x128xf32, #tpu.memory_space<vmem>>) dst(%dma_wait3A_76 : memref<10240x128xf32, #tpu.memory_space<vmem_shared>>)
            tpu.yield
          }) : () -> ()
        }
        %scan3A_24 = arith.constant 8 : i32
      }
      %scan3A_12 = arith.constant 10 : i32
      %barrier3A_13 = arith.constant 0 : index
      tpu.barrier barrier_id(%barrier3A_13)
      "tpu.region"() ({
        %run_scoped3A = tpu.sem_alloc : memref<!tpu.dma_semaphore, #tpu.memory_space<semaphore_mem>>
        %dma_start3A = arith.constant 0 : i32
        %dma_start3A_14 = tpu.memref_slice %arg7[%mul3A_0, %dma_start3A] : memref<10240x128xf32, #tpu.memory_space<hbm>> -> memref<640x128xf32, #tpu.memory_space<hbm>>
        %dma_start3A_15 = arith.constant 0 : i32
        %dma_start3A_16 = tpu.memref_slice %arg12[%mul3A_0, %dma_start3A_15] : memref<10240x128xf32, #tpu.memory_space<vmem_shared>> -> memref<640x128xf32, #tpu.memory_space<vmem_shared>>
        tpu.enqueue_dma source(%dma_start3A_16 : memref<640x128xf32, #tpu.memory_space<vmem_shared>>) target(%dma_start3A_14 : memref<640x128xf32, #tpu.memory_space<hbm>>) target_semaphore(%run_scoped3A : memref<!tpu.dma_semaphore, #tpu.memory_space<semaphore_mem>>)
        %dma_wait3A = arith.constant 0 : i32
        %dma_wait3A_17 = tpu.memref_slice %arg7[%mul3A_0, %dma_wait3A] : memref<10240x128xf32, #tpu.memory_space<hbm>> -> memref<640x128xf32, #tpu.memory_space<hbm>>
        %dma_wait3A_18 = arith.constant 0 : i32
        %dma_wait3A_19 = tpu.memref_slice %arg12[%mul3A_0, %dma_wait3A_18] : memref<10240x128xf32, #tpu.memory_space<vmem_shared>> -> memref<640x128xf32, #tpu.memory_space<vmem_shared>>
        tpu.wait_dma2 semaphore(%run_scoped3A : memref<!tpu.dma_semaphore, #tpu.memory_space<semaphore_mem>>) src(%dma_wait3A_19 : memref<640x128xf32, #tpu.memory_space<vmem_shared>>) dst(%dma_wait3A_17 : memref<640x128xf32, #tpu.memory_space<hbm>>)
        tpu.yield
      }) : () -> ()
    } else {
    }
    return
  }
}

#map = affine_map<(d0, d1) -> (0, 0)>
#map1 = affine_map<(d0, d1) -> (0, 0, 0)>
module attributes {stable_mosaic.version = 14 : i64} {
  func.func @_sc_scatter(%arg0: i32, %arg1: i32, %arg2: memref<10240x128xf32, #tpu.memory_space<hbm>>, %arg3: memref<10240x128xf32, #tpu.memory_space<hbm>>, %arg4: memref<16x160x125xi32, #tpu.memory_space<hbm>>, %arg5: memref<16x160x125xi32, #tpu.memory_space<hbm>>, %arg6: memref<10240x128xf32, #tpu.memory_space<hbm>>, %arg7: memref<10240x128xf32, #tpu.memory_space<hbm>>, %arg8: memref<16x125xi32, #tpu.memory_space<vmem>>, %arg9: memref<16x125xi32, #tpu.memory_space<vmem>>, %arg10: memref<125x128xf32, #tpu.memory_space<vmem>>, %arg11: memref<125x128xf32, #tpu.memory_space<vmem>>, %arg12: memref<10240x128xf32, #tpu.memory_space<vmem_shared>>, %arg13: memref<!tpu.dma_semaphore, #tpu.memory_space<semaphore_mem>>, %arg14: memref<!tpu.dma_semaphore, #tpu.memory_space<semaphore_mem>>) attributes {dimension_semantics = [#tpu.dimension_semantics<core_parallel>, #tpu.dimension_semantics<subcore_parallel>], iteration_bounds = array<i64: 2, 16>, scalar_prefetch = 0 : i64, scratch_operands = 7 : i64, tpu.core_type = #tpu.core_type<sc_vector_subcore>, window_params = [{transform_indices = #map}, {transform_indices = #map}, {transform_indices = #map1}, {transform_indices = #map1}, {transform_indices = #map}, {transform_indices = #map}]} {
    %mul3A = arith.constant 640 : i32
    %mul3A_0 = arith.muli %arg1, %mul3A : i32
    %eq3A = arith.constant 0 : i32
    %eq3A_1 = arith.cmpi eq, %arg0, %eq3A : i32
    %convert_element_type3A = arith.extui %eq3A_1 : i1 to i32
    %cond3A = arith.constant 0 : i32
    %cond3A_2 = arith.cmpi ne, %convert_element_type3A, %cond3A : i32
    scf.if %cond3A_2 {
      "tpu.region"() ({
        %run_scoped3A = tpu.sem_alloc : memref<!tpu.dma_semaphore, #tpu.memory_space<semaphore_mem>>
        %dma_start3A = arith.constant 0 : i32
        %dma_start3A_14 = tpu.memref_slice %arg12[%mul3A_0, %dma_start3A] : memref<10240x128xf32, #tpu.memory_space<vmem_shared>> -> memref<640x128xf32, #tpu.memory_space<vmem_shared>>
        %dma_start3A_15 = arith.constant 0 : i32
        %dma_start3A_16 = tpu.memref_slice %arg2[%mul3A_0, %dma_start3A_15] : memref<10240x128xf32, #tpu.memory_space<hbm>> -> memref<640x128xf32, #tpu.memory_space<hbm>>
        tpu.enqueue_dma source(%dma_start3A_16 : memref<640x128xf32, #tpu.memory_space<hbm>>) target(%dma_start3A_14 : memref<640x128xf32, #tpu.memory_space<vmem_shared>>) target_semaphore(%run_scoped3A : memref<!tpu.dma_semaphore, #tpu.memory_space<semaphore_mem>>)
        %dma_wait3A = arith.constant 0 : i32
        %dma_wait3A_17 = tpu.memref_slice %arg12[%mul3A_0, %dma_wait3A] : memref<10240x128xf32, #tpu.memory_space<vmem_shared>> -> memref<640x128xf32, #tpu.memory_space<vmem_shared>>
        %dma_wait3A_18 = arith.constant 0 : i32
        %dma_wait3A_19 = tpu.memref_slice %arg2[%mul3A_0, %dma_wait3A_18] : memref<10240x128xf32, #tpu.memory_space<hbm>> -> memref<640x128xf32, #tpu.memory_space<hbm>>
        tpu.wait_dma2 semaphore(%run_scoped3A : memref<!tpu.dma_semaphore, #tpu.memory_space<semaphore_mem>>) src(%dma_wait3A_19 : memref<640x128xf32, #tpu.memory_space<hbm>>) dst(%dma_wait3A_17 : memref<640x128xf32, #tpu.memory_space<vmem_shared>>)
        tpu.yield
      }) : () -> ()
      %barrier3A = arith.constant 0 : index
      tpu.barrier barrier_id(%barrier3A)
      %scan3A = arith.constant 0 : i32
      %scan3A_8 = arith.constant 0 : i32
      %scan3A_9 = arith.constant 10 : i32
      %scan3A_10 = arith.addi %scan3A_8, %scan3A_9 : i32
      %scan3A_11 = arith.constant 1 : i32
      scf.for %scan3A_14 = %scan3A_8 to %scan3A_10 step %scan3A_11  : i32 {
        %mul3A_15 = arith.constant 16 : i32
        %mul3A_16 = arith.muli %scan3A_14, %mul3A_15 : i32
        "tpu.region"() ({
          %run_scoped3A = tpu.sem_alloc : memref<!tpu.dma_semaphore, #tpu.memory_space<semaphore_mem>>
          %dma_start3A = arith.constant 0 : i32
          %dma_start3A_25 = arith.constant 0 : i32
          %dma_start3A_26 = tpu.memref_slice %arg4[%arg1, %dma_start3A, %dma_start3A_25] : memref<16x160x125xi32, #tpu.memory_space<hbm>> -> memref<1x160x125xi32, #tpu.memory_space<hbm>>
          %dma_start3A_27 = tpu.memref_squeeze %dma_start3A_26 : memref<1x160x125xi32, #tpu.memory_space<hbm>> -> memref<160x125xi32, #tpu.memory_space<hbm>>
          %dma_start3A_28 = arith.constant 0 : i32
          %dma_start3A_29 = tpu.memref_slice %dma_start3A_27[%mul3A_16, %dma_start3A_28] : memref<160x125xi32, #tpu.memory_space<hbm>> -> memref<16x125xi32, #tpu.memory_space<hbm>>
          %dma_start3A_30 = arith.constant 0 : i32
          %dma_start3A_31 = arith.constant 0 : i32
          %dma_start3A_32 = tpu.memref_slice %arg4[%arg1, %dma_start3A_30, %dma_start3A_31] : memref<16x160x125xi32, #tpu.memory_space<hbm>> -> memref<1x160x125xi32, #tpu.memory_space<hbm>>
          %dma_start3A_33 = tpu.memref_squeeze %dma_start3A_32 : memref<1x160x125xi32, #tpu.memory_space<hbm>> -> memref<160x125xi32, #tpu.memory_space<hbm>>
          %dma_start3A_34 = arith.constant 0 : i32
          %dma_start3A_35 = tpu.memref_slice %dma_start3A_33[%mul3A_16, %dma_start3A_34] : memref<160x125xi32, #tpu.memory_space<hbm>> -> memref<16x125xi32, #tpu.memory_space<hbm>>
          tpu.enqueue_dma source(%dma_start3A_35 : memref<16x125xi32, #tpu.memory_space<hbm>>) target(%arg8 : memref<16x125xi32, #tpu.memory_space<vmem>>) target_semaphore(%run_scoped3A : memref<!tpu.dma_semaphore, #tpu.memory_space<semaphore_mem>>)
          %dma_wait3A = arith.constant 0 : i32
          %dma_wait3A_36 = arith.constant 0 : i32
          %dma_wait3A_37 = tpu.memref_slice %arg4[%arg1, %dma_wait3A, %dma_wait3A_36] : memref<16x160x125xi32, #tpu.memory_space<hbm>> -> memref<1x160x125xi32, #tpu.memory_space<hbm>>
          %dma_wait3A_38 = tpu.memref_squeeze %dma_wait3A_37 : memref<1x160x125xi32, #tpu.memory_space<hbm>> -> memref<160x125xi32, #tpu.memory_space<hbm>>
          %dma_wait3A_39 = arith.constant 0 : i32
          %dma_wait3A_40 = tpu.memref_slice %dma_wait3A_38[%mul3A_16, %dma_wait3A_39] : memref<160x125xi32, #tpu.memory_space<hbm>> -> memref<16x125xi32, #tpu.memory_space<hbm>>
          %dma_wait3A_41 = arith.constant 0 : i32
          %dma_wait3A_42 = arith.constant 0 : i32
          %dma_wait3A_43 = tpu.memref_slice %arg4[%arg1, %dma_wait3A_41, %dma_wait3A_42] : memref<16x160x125xi32, #tpu.memory_space<hbm>> -> memref<1x160x125xi32, #tpu.memory_space<hbm>>
          %dma_wait3A_44 = tpu.memref_squeeze %dma_wait3A_43 : memref<1x160x125xi32, #tpu.memory_space<hbm>> -> memref<160x125xi32, #tpu.memory_space<hbm>>
          %dma_wait3A_45 = arith.constant 0 : i32
          %dma_wait3A_46 = tpu.memref_slice %dma_wait3A_44[%mul3A_16, %dma_wait3A_45] : memref<160x125xi32, #tpu.memory_space<hbm>> -> memref<16x125xi32, #tpu.memory_space<hbm>>
          tpu.wait_dma2 semaphore(%run_scoped3A : memref<!tpu.dma_semaphore, #tpu.memory_space<semaphore_mem>>) src(%dma_wait3A_46 : memref<16x125xi32, #tpu.memory_space<hbm>>) dst(%arg8 : memref<16x125xi32, #tpu.memory_space<vmem>>)
          tpu.yield
        }) : () -> ()
        %mul3A_17 = arith.constant 16 : i32
        %mul3A_18 = arith.muli %scan3A_14, %mul3A_17 : i32
        "tpu.region"() ({
          %run_scoped3A = tpu.sem_alloc : memref<!tpu.dma_semaphore, #tpu.memory_space<semaphore_mem>>
          %dma_start3A = arith.constant 0 : i32
          %dma_start3A_25 = arith.constant 0 : i32
          %dma_start3A_26 = tpu.memref_slice %arg5[%arg1, %dma_start3A, %dma_start3A_25] : memref<16x160x125xi32, #tpu.memory_space<hbm>> -> memref<1x160x125xi32, #tpu.memory_space<hbm>>
          %dma_start3A_27 = tpu.memref_squeeze %dma_start3A_26 : memref<1x160x125xi32, #tpu.memory_space<hbm>> -> memref<160x125xi32, #tpu.memory_space<hbm>>
          %dma_start3A_28 = arith.constant 0 : i32
          %dma_start3A_29 = tpu.memref_slice %dma_start3A_27[%mul3A_18, %dma_start3A_28] : memref<160x125xi32, #tpu.memory_space<hbm>> -> memref<16x125xi32, #tpu.memory_space<hbm>>
          %dma_start3A_30 = arith.constant 0 : i32
          %dma_start3A_31 = arith.constant 0 : i32
          %dma_start3A_32 = tpu.memref_slice %arg5[%arg1, %dma_start3A_30, %dma_start3A_31] : memref<16x160x125xi32, #tpu.memory_space<hbm>> -> memref<1x160x125xi32, #tpu.memory_space<hbm>>
          %dma_start3A_33 = tpu.memref_squeeze %dma_start3A_32 : memref<1x160x125xi32, #tpu.memory_space<hbm>> -> memref<160x125xi32, #tpu.memory_space<hbm>>
          %dma_start3A_34 = arith.constant 0 : i32
          %dma_start3A_35 = tpu.memref_slice %dma_start3A_33[%mul3A_18, %dma_start3A_34] : memref<160x125xi32, #tpu.memory_space<hbm>> -> memref<16x125xi32, #tpu.memory_space<hbm>>
          tpu.enqueue_dma source(%dma_start3A_35 : memref<16x125xi32, #tpu.memory_space<hbm>>) target(%arg9 : memref<16x125xi32, #tpu.memory_space<vmem>>) target_semaphore(%run_scoped3A : memref<!tpu.dma_semaphore, #tpu.memory_space<semaphore_mem>>)
          %dma_wait3A = arith.constant 0 : i32
          %dma_wait3A_36 = arith.constant 0 : i32
          %dma_wait3A_37 = tpu.memref_slice %arg5[%arg1, %dma_wait3A, %dma_wait3A_36] : memref<16x160x125xi32, #tpu.memory_space<hbm>> -> memref<1x160x125xi32, #tpu.memory_space<hbm>>
          %dma_wait3A_38 = tpu.memref_squeeze %dma_wait3A_37 : memref<1x160x125xi32, #tpu.memory_space<hbm>> -> memref<160x125xi32, #tpu.memory_space<hbm>>
          %dma_wait3A_39 = arith.constant 0 : i32
          %dma_wait3A_40 = tpu.memref_slice %dma_wait3A_38[%mul3A_18, %dma_wait3A_39] : memref<160x125xi32, #tpu.memory_space<hbm>> -> memref<16x125xi32, #tpu.memory_space<hbm>>
          %dma_wait3A_41 = arith.constant 0 : i32
          %dma_wait3A_42 = arith.constant 0 : i32
          %dma_wait3A_43 = tpu.memref_slice %arg5[%arg1, %dma_wait3A_41, %dma_wait3A_42] : memref<16x160x125xi32, #tpu.memory_space<hbm>> -> memref<1x160x125xi32, #tpu.memory_space<hbm>>
          %dma_wait3A_44 = tpu.memref_squeeze %dma_wait3A_43 : memref<1x160x125xi32, #tpu.memory_space<hbm>> -> memref<160x125xi32, #tpu.memory_space<hbm>>
          %dma_wait3A_45 = arith.constant 0 : i32
          %dma_wait3A_46 = tpu.memref_slice %dma_wait3A_44[%mul3A_18, %dma_wait3A_45] : memref<160x125xi32, #tpu.memory_space<hbm>> -> memref<16x125xi32, #tpu.memory_space<hbm>>
          tpu.wait_dma2 semaphore(%run_scoped3A : memref<!tpu.dma_semaphore, #tpu.memory_space<semaphore_mem>>) src(%dma_wait3A_46 : memref<16x125xi32, #tpu.memory_space<hbm>>) dst(%arg9 : memref<16x125xi32, #tpu.memory_space<vmem>>)
          tpu.yield
        }) : () -> ()
        %scan3A_19 = arith.constant 0 : i32
        %scan3A_20 = arith.constant 0 : i32
        %scan3A_21 = arith.constant 8 : i32
        %scan3A_22 = arith.addi %scan3A_20, %scan3A_21 : i32
        %scan3A_23 = arith.constant 1 : i32
        scf.for %scan3A_25 = %scan3A_20 to %scan3A_22 step %scan3A_23  : i32 {
          %mul3A_26 = arith.constant 2 : i32
          %mul3A_27 = arith.muli %scan3A_25, %mul3A_26 : i32
          %dma_start3A = arith.constant 0 : i32
          %dma_start3A_28 = tpu.memref_slice %arg8[%mul3A_27, %dma_start3A] : memref<16x125xi32, #tpu.memory_space<vmem>> -> memref<1x125xi32, #tpu.memory_space<vmem>>
          %dma_start3A_29 = tpu.memref_squeeze %dma_start3A_28 : memref<1x125xi32, #tpu.memory_space<vmem>> -> memref<125xi32, #tpu.memory_space<vmem>>
          %dma_start3A_30 = arith.constant 0 : i32
          %dma_start3A_31 = arith.constant 0 : i32
          %dma_start3A_32 = tpu.memref_slice %arg2[%dma_start3A_30, %dma_start3A_31] : memref<10240x128xf32, #tpu.memory_space<hbm>> -> memref<10240x128xf32, #tpu.memory_space<hbm>>
          tpu.enqueue_indirect_dma source(%dma_start3A_32 : memref<10240x128xf32, #tpu.memory_space<hbm>>) target(%arg10 : memref<125x128xf32, #tpu.memory_space<vmem>>) offsets(%dma_start3A_29 : memref<125xi32, #tpu.memory_space<vmem>>) semaphore(%arg13 : memref<!tpu.dma_semaphore, #tpu.memory_space<semaphore_mem>>)
          %dma_wait3A = arith.constant 0 : i32
          %dma_wait3A_33 = tpu.memref_slice %arg8[%mul3A_27, %dma_wait3A] : memref<16x125xi32, #tpu.memory_space<vmem>> -> memref<1x125xi32, #tpu.memory_space<vmem>>
          %dma_wait3A_34 = tpu.memref_squeeze %dma_wait3A_33 : memref<1x125xi32, #tpu.memory_space<vmem>> -> memref<125xi32, #tpu.memory_space<vmem>>
          %dma_wait3A_35 = arith.constant 0 : i32
          %dma_wait3A_36 = arith.constant 0 : i32
          %dma_wait3A_37 = tpu.memref_slice %arg2[%dma_wait3A_35, %dma_wait3A_36] : memref<10240x128xf32, #tpu.memory_space<hbm>> -> memref<10240x128xf32, #tpu.memory_space<hbm>>
          tpu.wait_indirect_dma semaphore(%arg13 : memref<!tpu.dma_semaphore, #tpu.memory_space<semaphore_mem>>) src(%dma_wait3A_37 : memref<10240x128xf32, #tpu.memory_space<hbm>>) dst(%arg10 : memref<125x128xf32, #tpu.memory_space<vmem>>)
          %dma_start3A_38 = arith.constant 0 : i32
          %dma_start3A_39 = tpu.memref_slice %arg9[%mul3A_27, %dma_start3A_38] : memref<16x125xi32, #tpu.memory_space<vmem>> -> memref<1x125xi32, #tpu.memory_space<vmem>>
          %dma_start3A_40 = tpu.memref_squeeze %dma_start3A_39 : memref<1x125xi32, #tpu.memory_space<vmem>> -> memref<125xi32, #tpu.memory_space<vmem>>
          %dma_start3A_41 = arith.constant 0 : i32
          %dma_start3A_42 = arith.constant 0 : i32
          %dma_start3A_43 = tpu.memref_slice %arg12[%dma_start3A_41, %dma_start3A_42] : memref<10240x128xf32, #tpu.memory_space<vmem_shared>> -> memref<10240x128xf32, #tpu.memory_space<vmem_shared>>
          tpu.enqueue_indirect_dma source(%arg10 : memref<125x128xf32, #tpu.memory_space<vmem>>) target(%dma_start3A_43 : memref<10240x128xf32, #tpu.memory_space<vmem_shared>>) offsets(%dma_start3A_40 : memref<125xi32, #tpu.memory_space<vmem>>) semaphore(%arg14 : memref<!tpu.dma_semaphore, #tpu.memory_space<semaphore_mem>>) {add = true}
          %add3A = arith.constant 1 : i32
          %add3A_44 = arith.addi %mul3A_27, %add3A : i32
          %dma_start3A_45 = arith.constant 0 : i32
          %dma_start3A_46 = tpu.memref_slice %arg8[%add3A_44, %dma_start3A_45] : memref<16x125xi32, #tpu.memory_space<vmem>> -> memref<1x125xi32, #tpu.memory_space<vmem>>
          %dma_start3A_47 = tpu.memref_squeeze %dma_start3A_46 : memref<1x125xi32, #tpu.memory_space<vmem>> -> memref<125xi32, #tpu.memory_space<vmem>>
          %dma_start3A_48 = arith.constant 0 : i32
          %dma_start3A_49 = arith.constant 0 : i32
          %dma_start3A_50 = tpu.memref_slice %arg2[%dma_start3A_48, %dma_start3A_49] : memref<10240x128xf32, #tpu.memory_space<hbm>> -> memref<10240x128xf32, #tpu.memory_space<hbm>>
          tpu.enqueue_indirect_dma source(%dma_start3A_50 : memref<10240x128xf32, #tpu.memory_space<hbm>>) target(%arg11 : memref<125x128xf32, #tpu.memory_space<vmem>>) offsets(%dma_start3A_47 : memref<125xi32, #tpu.memory_space<vmem>>) semaphore(%arg13 : memref<!tpu.dma_semaphore, #tpu.memory_space<semaphore_mem>>)
          %dma_wait3A_51 = arith.constant 0 : i32
          %dma_wait3A_52 = tpu.memref_slice %arg9[%mul3A_27, %dma_wait3A_51] : memref<16x125xi32, #tpu.memory_space<vmem>> -> memref<1x125xi32, #tpu.memory_space<vmem>>
          %dma_wait3A_53 = tpu.memref_squeeze %dma_wait3A_52 : memref<1x125xi32, #tpu.memory_space<vmem>> -> memref<125xi32, #tpu.memory_space<vmem>>
          %dma_wait3A_54 = arith.constant 0 : i32
          %dma_wait3A_55 = arith.constant 0 : i32
          %dma_wait3A_56 = tpu.memref_slice %arg12[%dma_wait3A_54, %dma_wait3A_55] : memref<10240x128xf32, #tpu.memory_space<vmem_shared>> -> memref<10240x128xf32, #tpu.memory_space<vmem_shared>>
          tpu.wait_indirect_dma semaphore(%arg14 : memref<!tpu.dma_semaphore, #tpu.memory_space<semaphore_mem>>) src(%arg10 : memref<125x128xf32, #tpu.memory_space<vmem>>) dst(%dma_wait3A_56 : memref<10240x128xf32, #tpu.memory_space<vmem_shared>>)
          %dma_wait3A_57 = arith.constant 0 : i32
          %dma_wait3A_58 = tpu.memref_slice %arg8[%add3A_44, %dma_wait3A_57] : memref<16x125xi32, #tpu.memory_space<vmem>> -> memref<1x125xi32, #tpu.memory_space<vmem>>
          %dma_wait3A_59 = tpu.memref_squeeze %dma_wait3A_58 : memref<1x125xi32, #tpu.memory_space<vmem>> -> memref<125xi32, #tpu.memory_space<vmem>>
          %dma_wait3A_60 = arith.constant 0 : i32
          %dma_wait3A_61 = arith.constant 0 : i32
          %dma_wait3A_62 = tpu.memref_slice %arg2[%dma_wait3A_60, %dma_wait3A_61] : memref<10240x128xf32, #tpu.memory_space<hbm>> -> memref<10240x128xf32, #tpu.memory_space<hbm>>
          tpu.wait_indirect_dma semaphore(%arg13 : memref<!tpu.dma_semaphore, #tpu.memory_space<semaphore_mem>>) src(%dma_wait3A_62 : memref<10240x128xf32, #tpu.memory_space<hbm>>) dst(%arg11 : memref<125x128xf32, #tpu.memory_space<vmem>>)
          %add3A_63 = arith.constant 1 : i32
          %add3A_64 = arith.addi %mul3A_27, %add3A_63 : i32
          "tpu.region"() ({
            %run_scoped3A = tpu.sem_alloc : memref<!tpu.dma_semaphore, #tpu.memory_space<semaphore_mem>>
            %dma_start3A_65 = arith.constant 0 : i32
            %dma_start3A_66 = tpu.memref_slice %arg9[%add3A_64, %dma_start3A_65] : memref<16x125xi32, #tpu.memory_space<vmem>> -> memref<1x125xi32, #tpu.memory_space<vmem>>
            %dma_start3A_67 = tpu.memref_squeeze %dma_start3A_66 : memref<1x125xi32, #tpu.memory_space<vmem>> -> memref<125xi32, #tpu.memory_space<vmem>>
            %dma_start3A_68 = arith.constant 0 : i32
            %dma_start3A_69 = arith.constant 0 : i32
            %dma_start3A_70 = tpu.memref_slice %arg12[%dma_start3A_68, %dma_start3A_69] : memref<10240x128xf32, #tpu.memory_space<vmem_shared>> -> memref<10240x128xf32, #tpu.memory_space<vmem_shared>>
            tpu.enqueue_indirect_dma source(%arg11 : memref<125x128xf32, #tpu.memory_space<vmem>>) target(%dma_start3A_70 : memref<10240x128xf32, #tpu.memory_space<vmem_shared>>) offsets(%dma_start3A_67 : memref<125xi32, #tpu.memory_space<vmem>>) semaphore(%run_scoped3A : memref<!tpu.dma_semaphore, #tpu.memory_space<semaphore_mem>>) {add = true}
            %dma_wait3A_71 = arith.constant 0 : i32
            %dma_wait3A_72 = tpu.memref_slice %arg9[%add3A_64, %dma_wait3A_71] : memref<16x125xi32, #tpu.memory_space<vmem>> -> memref<1x125xi32, #tpu.memory_space<vmem>>
            %dma_wait3A_73 = tpu.memref_squeeze %dma_wait3A_72 : memref<1x125xi32, #tpu.memory_space<vmem>> -> memref<125xi32, #tpu.memory_space<vmem>>
            %dma_wait3A_74 = arith.constant 0 : i32
            %dma_wait3A_75 = arith.constant 0 : i32
            %dma_wait3A_76 = tpu.memref_slice %arg12[%dma_wait3A_74, %dma_wait3A_75] : memref<10240x128xf32, #tpu.memory_space<vmem_shared>> -> memref<10240x128xf32, #tpu.memory_space<vmem_shared>>
            tpu.wait_indirect_dma semaphore(%run_scoped3A : memref<!tpu.dma_semaphore, #tpu.memory_space<semaphore_mem>>) src(%arg11 : memref<125x128xf32, #tpu.memory_space<vmem>>) dst(%dma_wait3A_76 : memref<10240x128xf32, #tpu.memory_space<vmem_shared>>)
            tpu.yield
          }) : () -> ()
        }
        %scan3A_24 = arith.constant 8 : i32
      }
      %scan3A_12 = arith.constant 10 : i32
      %barrier3A_13 = arith.constant 0 : index
      tpu.barrier barrier_id(%barrier3A_13)
      "tpu.region"() ({
        %run_scoped3A = tpu.sem_alloc : memref<!tpu.dma_semaphore, #tpu.memory_space<semaphore_mem>>
        %dma_start3A = arith.constant 0 : i32
        %dma_start3A_14 = tpu.memref_slice %arg6[%mul3A_0, %dma_start3A] : memref<10240x128xf32, #tpu.memory_space<hbm>> -> memref<640x128xf32, #tpu.memory_space<hbm>>
        %dma_start3A_15 = arith.constant 0 : i32
        %dma_start3A_16 = tpu.memref_slice %arg12[%mul3A_0, %dma_start3A_15] : memref<10240x128xf32, #tpu.memory_space<vmem_shared>> -> memref<640x128xf32, #tpu.memory_space<vmem_shared>>
        tpu.enqueue_dma source(%dma_start3A_16 : memref<640x128xf32, #tpu.memory_space<vmem_shared>>) target(%dma_start3A_14 : memref<640x128xf32, #tpu.memory_space<hbm>>) target_semaphore(%run_scoped3A : memref<!tpu.dma_semaphore, #tpu.memory_space<semaphore_mem>>)
        %dma_wait3A = arith.constant 0 : i32
        %dma_wait3A_17 = tpu.memref_slice %arg6[%mul3A_0, %dma_wait3A] : memref<10240x128xf32, #tpu.memory_space<hbm>> -> memref<640x128xf32, #tpu.memory_space<hbm>>
        %dma_wait3A_18 = arith.constant 0 : i32
        %dma_wait3A_19 = tpu.memref_slice %arg12[%mul3A_0, %dma_wait3A_18] : memref<10240x128xf32, #tpu.memory_space<vmem_shared>> -> memref<640x128xf32, #tpu.memory_space<vmem_shared>>
        tpu.wait_dma2 semaphore(%run_scoped3A : memref<!tpu.dma_semaphore, #tpu.memory_space<semaphore_mem>>) src(%dma_wait3A_19 : memref<640x128xf32, #tpu.memory_space<vmem_shared>>) dst(%dma_wait3A_17 : memref<640x128xf32, #tpu.memory_space<hbm>>)
        tpu.yield
      }) : () -> ()
    } else {
    }
    %eq3A_3 = arith.constant 1 : i32
    %eq3A_4 = arith.cmpi eq, %arg0, %eq3A_3 : i32
    %convert_element_type3A_5 = arith.extui %eq3A_4 : i1 to i32
    %cond3A_6 = arith.constant 0 : i32
    %cond3A_7 = arith.cmpi ne, %convert_element_type3A_5, %cond3A_6 : i32
    scf.if %cond3A_7 {
      "tpu.region"() ({
        %run_scoped3A = tpu.sem_alloc : memref<!tpu.dma_semaphore, #tpu.memory_space<semaphore_mem>>
        %dma_start3A = arith.constant 0 : i32
        %dma_start3A_14 = tpu.memref_slice %arg12[%mul3A_0, %dma_start3A] : memref<10240x128xf32, #tpu.memory_space<vmem_shared>> -> memref<640x128xf32, #tpu.memory_space<vmem_shared>>
        %dma_start3A_15 = arith.constant 0 : i32
        %dma_start3A_16 = tpu.memref_slice %arg3[%mul3A_0, %dma_start3A_15] : memref<10240x128xf32, #tpu.memory_space<hbm>> -> memref<640x128xf32, #tpu.memory_space<hbm>>
        tpu.enqueue_dma source(%dma_start3A_16 : memref<640x128xf32, #tpu.memory_space<hbm>>) target(%dma_start3A_14 : memref<640x128xf32, #tpu.memory_space<vmem_shared>>) target_semaphore(%run_scoped3A : memref<!tpu.dma_semaphore, #tpu.memory_space<semaphore_mem>>)
        %dma_wait3A = arith.constant 0 : i32
        %dma_wait3A_17 = tpu.memref_slice %arg12[%mul3A_0, %dma_wait3A] : memref<10240x128xf32, #tpu.memory_space<vmem_shared>> -> memref<640x128xf32, #tpu.memory_space<vmem_shared>>
        %dma_wait3A_18 = arith.constant 0 : i32
        %dma_wait3A_19 = tpu.memref_slice %arg3[%mul3A_0, %dma_wait3A_18] : memref<10240x128xf32, #tpu.memory_space<hbm>> -> memref<640x128xf32, #tpu.memory_space<hbm>>
        tpu.wait_dma2 semaphore(%run_scoped3A : memref<!tpu.dma_semaphore, #tpu.memory_space<semaphore_mem>>) src(%dma_wait3A_19 : memref<640x128xf32, #tpu.memory_space<hbm>>) dst(%dma_wait3A_17 : memref<640x128xf32, #tpu.memory_space<vmem_shared>>)
        tpu.yield
      }) : () -> ()
      %barrier3A = arith.constant 0 : index
      tpu.barrier barrier_id(%barrier3A)
      %scan3A = arith.constant 0 : i32
      %scan3A_8 = arith.constant 0 : i32
      %scan3A_9 = arith.constant 10 : i32
      %scan3A_10 = arith.addi %scan3A_8, %scan3A_9 : i32
      %scan3A_11 = arith.constant 1 : i32
      scf.for %scan3A_14 = %scan3A_8 to %scan3A_10 step %scan3A_11  : i32 {
        %mul3A_15 = arith.constant 16 : i32
        %mul3A_16 = arith.muli %scan3A_14, %mul3A_15 : i32
        "tpu.region"() ({
          %run_scoped3A = tpu.sem_alloc : memref<!tpu.dma_semaphore, #tpu.memory_space<semaphore_mem>>
          %dma_start3A = arith.constant 0 : i32
          %dma_start3A_25 = arith.constant 0 : i32
          %dma_start3A_26 = tpu.memref_slice %arg4[%arg1, %dma_start3A, %dma_start3A_25] : memref<16x160x125xi32, #tpu.memory_space<hbm>> -> memref<1x160x125xi32, #tpu.memory_space<hbm>>
          %dma_start3A_27 = tpu.memref_squeeze %dma_start3A_26 : memref<1x160x125xi32, #tpu.memory_space<hbm>> -> memref<160x125xi32, #tpu.memory_space<hbm>>
          %dma_start3A_28 = arith.constant 0 : i32
          %dma_start3A_29 = tpu.memref_slice %dma_start3A_27[%mul3A_16, %dma_start3A_28] : memref<160x125xi32, #tpu.memory_space<hbm>> -> memref<16x125xi32, #tpu.memory_space<hbm>>
          %dma_start3A_30 = arith.constant 0 : i32
          %dma_start3A_31 = arith.constant 0 : i32
          %dma_start3A_32 = tpu.memref_slice %arg4[%arg1, %dma_start3A_30, %dma_start3A_31] : memref<16x160x125xi32, #tpu.memory_space<hbm>> -> memref<1x160x125xi32, #tpu.memory_space<hbm>>
          %dma_start3A_33 = tpu.memref_squeeze %dma_start3A_32 : memref<1x160x125xi32, #tpu.memory_space<hbm>> -> memref<160x125xi32, #tpu.memory_space<hbm>>
          %dma_start3A_34 = arith.constant 0 : i32
          %dma_start3A_35 = tpu.memref_slice %dma_start3A_33[%mul3A_16, %dma_start3A_34] : memref<160x125xi32, #tpu.memory_space<hbm>> -> memref<16x125xi32, #tpu.memory_space<hbm>>
          tpu.enqueue_dma source(%dma_start3A_35 : memref<16x125xi32, #tpu.memory_space<hbm>>) target(%arg8 : memref<16x125xi32, #tpu.memory_space<vmem>>) target_semaphore(%run_scoped3A : memref<!tpu.dma_semaphore, #tpu.memory_space<semaphore_mem>>)
          %dma_wait3A = arith.constant 0 : i32
          %dma_wait3A_36 = arith.constant 0 : i32
          %dma_wait3A_37 = tpu.memref_slice %arg4[%arg1, %dma_wait3A, %dma_wait3A_36] : memref<16x160x125xi32, #tpu.memory_space<hbm>> -> memref<1x160x125xi32, #tpu.memory_space<hbm>>
          %dma_wait3A_38 = tpu.memref_squeeze %dma_wait3A_37 : memref<1x160x125xi32, #tpu.memory_space<hbm>> -> memref<160x125xi32, #tpu.memory_space<hbm>>
          %dma_wait3A_39 = arith.constant 0 : i32
          %dma_wait3A_40 = tpu.memref_slice %dma_wait3A_38[%mul3A_16, %dma_wait3A_39] : memref<160x125xi32, #tpu.memory_space<hbm>> -> memref<16x125xi32, #tpu.memory_space<hbm>>
          %dma_wait3A_41 = arith.constant 0 : i32
          %dma_wait3A_42 = arith.constant 0 : i32
          %dma_wait3A_43 = tpu.memref_slice %arg4[%arg1, %dma_wait3A_41, %dma_wait3A_42] : memref<16x160x125xi32, #tpu.memory_space<hbm>> -> memref<1x160x125xi32, #tpu.memory_space<hbm>>
          %dma_wait3A_44 = tpu.memref_squeeze %dma_wait3A_43 : memref<1x160x125xi32, #tpu.memory_space<hbm>> -> memref<160x125xi32, #tpu.memory_space<hbm>>
          %dma_wait3A_45 = arith.constant 0 : i32
          %dma_wait3A_46 = tpu.memref_slice %dma_wait3A_44[%mul3A_16, %dma_wait3A_45] : memref<160x125xi32, #tpu.memory_space<hbm>> -> memref<16x125xi32, #tpu.memory_space<hbm>>
          tpu.wait_dma2 semaphore(%run_scoped3A : memref<!tpu.dma_semaphore, #tpu.memory_space<semaphore_mem>>) src(%dma_wait3A_46 : memref<16x125xi32, #tpu.memory_space<hbm>>) dst(%arg8 : memref<16x125xi32, #tpu.memory_space<vmem>>)
          tpu.yield
        }) : () -> ()
        %mul3A_17 = arith.constant 16 : i32
        %mul3A_18 = arith.muli %scan3A_14, %mul3A_17 : i32
        "tpu.region"() ({
          %run_scoped3A = tpu.sem_alloc : memref<!tpu.dma_semaphore, #tpu.memory_space<semaphore_mem>>
          %dma_start3A = arith.constant 0 : i32
          %dma_start3A_25 = arith.constant 0 : i32
          %dma_start3A_26 = tpu.memref_slice %arg5[%arg1, %dma_start3A, %dma_start3A_25] : memref<16x160x125xi32, #tpu.memory_space<hbm>> -> memref<1x160x125xi32, #tpu.memory_space<hbm>>
          %dma_start3A_27 = tpu.memref_squeeze %dma_start3A_26 : memref<1x160x125xi32, #tpu.memory_space<hbm>> -> memref<160x125xi32, #tpu.memory_space<hbm>>
          %dma_start3A_28 = arith.constant 0 : i32
          %dma_start3A_29 = tpu.memref_slice %dma_start3A_27[%mul3A_18, %dma_start3A_28] : memref<160x125xi32, #tpu.memory_space<hbm>> -> memref<16x125xi32, #tpu.memory_space<hbm>>
          %dma_start3A_30 = arith.constant 0 : i32
          %dma_start3A_31 = arith.constant 0 : i32
          %dma_start3A_32 = tpu.memref_slice %arg5[%arg1, %dma_start3A_30, %dma_start3A_31] : memref<16x160x125xi32, #tpu.memory_space<hbm>> -> memref<1x160x125xi32, #tpu.memory_space<hbm>>
          %dma_start3A_33 = tpu.memref_squeeze %dma_start3A_32 : memref<1x160x125xi32, #tpu.memory_space<hbm>> -> memref<160x125xi32, #tpu.memory_space<hbm>>
          %dma_start3A_34 = arith.constant 0 : i32
          %dma_start3A_35 = tpu.memref_slice %dma_start3A_33[%mul3A_18, %dma_start3A_34] : memref<160x125xi32, #tpu.memory_space<hbm>> -> memref<16x125xi32, #tpu.memory_space<hbm>>
          tpu.enqueue_dma source(%dma_start3A_35 : memref<16x125xi32, #tpu.memory_space<hbm>>) target(%arg9 : memref<16x125xi32, #tpu.memory_space<vmem>>) target_semaphore(%run_scoped3A : memref<!tpu.dma_semaphore, #tpu.memory_space<semaphore_mem>>)
          %dma_wait3A = arith.constant 0 : i32
          %dma_wait3A_36 = arith.constant 0 : i32
          %dma_wait3A_37 = tpu.memref_slice %arg5[%arg1, %dma_wait3A, %dma_wait3A_36] : memref<16x160x125xi32, #tpu.memory_space<hbm>> -> memref<1x160x125xi32, #tpu.memory_space<hbm>>
          %dma_wait3A_38 = tpu.memref_squeeze %dma_wait3A_37 : memref<1x160x125xi32, #tpu.memory_space<hbm>> -> memref<160x125xi32, #tpu.memory_space<hbm>>
          %dma_wait3A_39 = arith.constant 0 : i32
          %dma_wait3A_40 = tpu.memref_slice %dma_wait3A_38[%mul3A_18, %dma_wait3A_39] : memref<160x125xi32, #tpu.memory_space<hbm>> -> memref<16x125xi32, #tpu.memory_space<hbm>>
          %dma_wait3A_41 = arith.constant 0 : i32
          %dma_wait3A_42 = arith.constant 0 : i32
          %dma_wait3A_43 = tpu.memref_slice %arg5[%arg1, %dma_wait3A_41, %dma_wait3A_42] : memref<16x160x125xi32, #tpu.memory_space<hbm>> -> memref<1x160x125xi32, #tpu.memory_space<hbm>>
          %dma_wait3A_44 = tpu.memref_squeeze %dma_wait3A_43 : memref<1x160x125xi32, #tpu.memory_space<hbm>> -> memref<160x125xi32, #tpu.memory_space<hbm>>
          %dma_wait3A_45 = arith.constant 0 : i32
          %dma_wait3A_46 = tpu.memref_slice %dma_wait3A_44[%mul3A_18, %dma_wait3A_45] : memref<160x125xi32, #tpu.memory_space<hbm>> -> memref<16x125xi32, #tpu.memory_space<hbm>>
          tpu.wait_dma2 semaphore(%run_scoped3A : memref<!tpu.dma_semaphore, #tpu.memory_space<semaphore_mem>>) src(%dma_wait3A_46 : memref<16x125xi32, #tpu.memory_space<hbm>>) dst(%arg9 : memref<16x125xi32, #tpu.memory_space<vmem>>)
          tpu.yield
        }) : () -> ()
        %scan3A_19 = arith.constant 0 : i32
        %scan3A_20 = arith.constant 0 : i32
        %scan3A_21 = arith.constant 8 : i32
        %scan3A_22 = arith.addi %scan3A_20, %scan3A_21 : i32
        %scan3A_23 = arith.constant 1 : i32
        scf.for %scan3A_25 = %scan3A_20 to %scan3A_22 step %scan3A_23  : i32 {
          %mul3A_26 = arith.constant 2 : i32
          %mul3A_27 = arith.muli %scan3A_25, %mul3A_26 : i32
          %dma_start3A = arith.constant 0 : i32
          %dma_start3A_28 = tpu.memref_slice %arg8[%mul3A_27, %dma_start3A] : memref<16x125xi32, #tpu.memory_space<vmem>> -> memref<1x125xi32, #tpu.memory_space<vmem>>
          %dma_start3A_29 = tpu.memref_squeeze %dma_start3A_28 : memref<1x125xi32, #tpu.memory_space<vmem>> -> memref<125xi32, #tpu.memory_space<vmem>>
          %dma_start3A_30 = arith.constant 0 : i32
          %dma_start3A_31 = arith.constant 0 : i32
          %dma_start3A_32 = tpu.memref_slice %arg3[%dma_start3A_30, %dma_start3A_31] : memref<10240x128xf32, #tpu.memory_space<hbm>> -> memref<10240x128xf32, #tpu.memory_space<hbm>>
          tpu.enqueue_indirect_dma source(%dma_start3A_32 : memref<10240x128xf32, #tpu.memory_space<hbm>>) target(%arg10 : memref<125x128xf32, #tpu.memory_space<vmem>>) offsets(%dma_start3A_29 : memref<125xi32, #tpu.memory_space<vmem>>) semaphore(%arg13 : memref<!tpu.dma_semaphore, #tpu.memory_space<semaphore_mem>>)
          %dma_wait3A = arith.constant 0 : i32
          %dma_wait3A_33 = tpu.memref_slice %arg8[%mul3A_27, %dma_wait3A] : memref<16x125xi32, #tpu.memory_space<vmem>> -> memref<1x125xi32, #tpu.memory_space<vmem>>
          %dma_wait3A_34 = tpu.memref_squeeze %dma_wait3A_33 : memref<1x125xi32, #tpu.memory_space<vmem>> -> memref<125xi32, #tpu.memory_space<vmem>>
          %dma_wait3A_35 = arith.constant 0 : i32
          %dma_wait3A_36 = arith.constant 0 : i32
          %dma_wait3A_37 = tpu.memref_slice %arg3[%dma_wait3A_35, %dma_wait3A_36] : memref<10240x128xf32, #tpu.memory_space<hbm>> -> memref<10240x128xf32, #tpu.memory_space<hbm>>
          tpu.wait_indirect_dma semaphore(%arg13 : memref<!tpu.dma_semaphore, #tpu.memory_space<semaphore_mem>>) src(%dma_wait3A_37 : memref<10240x128xf32, #tpu.memory_space<hbm>>) dst(%arg10 : memref<125x128xf32, #tpu.memory_space<vmem>>)
          %dma_start3A_38 = arith.constant 0 : i32
          %dma_start3A_39 = tpu.memref_slice %arg9[%mul3A_27, %dma_start3A_38] : memref<16x125xi32, #tpu.memory_space<vmem>> -> memref<1x125xi32, #tpu.memory_space<vmem>>
          %dma_start3A_40 = tpu.memref_squeeze %dma_start3A_39 : memref<1x125xi32, #tpu.memory_space<vmem>> -> memref<125xi32, #tpu.memory_space<vmem>>
          %dma_start3A_41 = arith.constant 0 : i32
          %dma_start3A_42 = arith.constant 0 : i32
          %dma_start3A_43 = tpu.memref_slice %arg12[%dma_start3A_41, %dma_start3A_42] : memref<10240x128xf32, #tpu.memory_space<vmem_shared>> -> memref<10240x128xf32, #tpu.memory_space<vmem_shared>>
          tpu.enqueue_indirect_dma source(%arg10 : memref<125x128xf32, #tpu.memory_space<vmem>>) target(%dma_start3A_43 : memref<10240x128xf32, #tpu.memory_space<vmem_shared>>) offsets(%dma_start3A_40 : memref<125xi32, #tpu.memory_space<vmem>>) semaphore(%arg14 : memref<!tpu.dma_semaphore, #tpu.memory_space<semaphore_mem>>) {add = true}
          %add3A = arith.constant 1 : i32
          %add3A_44 = arith.addi %mul3A_27, %add3A : i32
          %dma_start3A_45 = arith.constant 0 : i32
          %dma_start3A_46 = tpu.memref_slice %arg8[%add3A_44, %dma_start3A_45] : memref<16x125xi32, #tpu.memory_space<vmem>> -> memref<1x125xi32, #tpu.memory_space<vmem>>
          %dma_start3A_47 = tpu.memref_squeeze %dma_start3A_46 : memref<1x125xi32, #tpu.memory_space<vmem>> -> memref<125xi32, #tpu.memory_space<vmem>>
          %dma_start3A_48 = arith.constant 0 : i32
          %dma_start3A_49 = arith.constant 0 : i32
          %dma_start3A_50 = tpu.memref_slice %arg3[%dma_start3A_48, %dma_start3A_49] : memref<10240x128xf32, #tpu.memory_space<hbm>> -> memref<10240x128xf32, #tpu.memory_space<hbm>>
          tpu.enqueue_indirect_dma source(%dma_start3A_50 : memref<10240x128xf32, #tpu.memory_space<hbm>>) target(%arg11 : memref<125x128xf32, #tpu.memory_space<vmem>>) offsets(%dma_start3A_47 : memref<125xi32, #tpu.memory_space<vmem>>) semaphore(%arg13 : memref<!tpu.dma_semaphore, #tpu.memory_space<semaphore_mem>>)
          %dma_wait3A_51 = arith.constant 0 : i32
          %dma_wait3A_52 = tpu.memref_slice %arg9[%mul3A_27, %dma_wait3A_51] : memref<16x125xi32, #tpu.memory_space<vmem>> -> memref<1x125xi32, #tpu.memory_space<vmem>>
          %dma_wait3A_53 = tpu.memref_squeeze %dma_wait3A_52 : memref<1x125xi32, #tpu.memory_space<vmem>> -> memref<125xi32, #tpu.memory_space<vmem>>
          %dma_wait3A_54 = arith.constant 0 : i32
          %dma_wait3A_55 = arith.constant 0 : i32
          %dma_wait3A_56 = tpu.memref_slice %arg12[%dma_wait3A_54, %dma_wait3A_55] : memref<10240x128xf32, #tpu.memory_space<vmem_shared>> -> memref<10240x128xf32, #tpu.memory_space<vmem_shared>>
          tpu.wait_indirect_dma semaphore(%arg14 : memref<!tpu.dma_semaphore, #tpu.memory_space<semaphore_mem>>) src(%arg10 : memref<125x128xf32, #tpu.memory_space<vmem>>) dst(%dma_wait3A_56 : memref<10240x128xf32, #tpu.memory_space<vmem_shared>>)
          %dma_wait3A_57 = arith.constant 0 : i32
          %dma_wait3A_58 = tpu.memref_slice %arg8[%add3A_44, %dma_wait3A_57] : memref<16x125xi32, #tpu.memory_space<vmem>> -> memref<1x125xi32, #tpu.memory_space<vmem>>
          %dma_wait3A_59 = tpu.memref_squeeze %dma_wait3A_58 : memref<1x125xi32, #tpu.memory_space<vmem>> -> memref<125xi32, #tpu.memory_space<vmem>>
          %dma_wait3A_60 = arith.constant 0 : i32
          %dma_wait3A_61 = arith.constant 0 : i32
          %dma_wait3A_62 = tpu.memref_slice %arg3[%dma_wait3A_60, %dma_wait3A_61] : memref<10240x128xf32, #tpu.memory_space<hbm>> -> memref<10240x128xf32, #tpu.memory_space<hbm>>
          tpu.wait_indirect_dma semaphore(%arg13 : memref<!tpu.dma_semaphore, #tpu.memory_space<semaphore_mem>>) src(%dma_wait3A_62 : memref<10240x128xf32, #tpu.memory_space<hbm>>) dst(%arg11 : memref<125x128xf32, #tpu.memory_space<vmem>>)
          %add3A_63 = arith.constant 1 : i32
          %add3A_64 = arith.addi %mul3A_27, %add3A_63 : i32
          "tpu.region"() ({
            %run_scoped3A = tpu.sem_alloc : memref<!tpu.dma_semaphore, #tpu.memory_space<semaphore_mem>>
            %dma_start3A_65 = arith.constant 0 : i32
            %dma_start3A_66 = tpu.memref_slice %arg9[%add3A_64, %dma_start3A_65] : memref<16x125xi32, #tpu.memory_space<vmem>> -> memref<1x125xi32, #tpu.memory_space<vmem>>
            %dma_start3A_67 = tpu.memref_squeeze %dma_start3A_66 : memref<1x125xi32, #tpu.memory_space<vmem>> -> memref<125xi32, #tpu.memory_space<vmem>>
            %dma_start3A_68 = arith.constant 0 : i32
            %dma_start3A_69 = arith.constant 0 : i32
            %dma_start3A_70 = tpu.memref_slice %arg12[%dma_start3A_68, %dma_start3A_69] : memref<10240x128xf32, #tpu.memory_space<vmem_shared>> -> memref<10240x128xf32, #tpu.memory_space<vmem_shared>>
            tpu.enqueue_indirect_dma source(%arg11 : memref<125x128xf32, #tpu.memory_space<vmem>>) target(%dma_start3A_70 : memref<10240x128xf32, #tpu.memory_space<vmem_shared>>) offsets(%dma_start3A_67 : memref<125xi32, #tpu.memory_space<vmem>>) semaphore(%run_scoped3A : memref<!tpu.dma_semaphore, #tpu.memory_space<semaphore_mem>>) {add = true}
            %dma_wait3A_71 = arith.constant 0 : i32
            %dma_wait3A_72 = tpu.memref_slice %arg9[%add3A_64, %dma_wait3A_71] : memref<16x125xi32, #tpu.memory_space<vmem>> -> memref<1x125xi32, #tpu.memory_space<vmem>>
            %dma_wait3A_73 = tpu.memref_squeeze %dma_wait3A_72 : memref<1x125xi32, #tpu.memory_space<vmem>> -> memref<125xi32, #tpu.memory_space<vmem>>
            %dma_wait3A_74 = arith.constant 0 : i32
            %dma_wait3A_75 = arith.constant 0 : i32
            %dma_wait3A_76 = tpu.memref_slice %arg12[%dma_wait3A_74, %dma_wait3A_75] : memref<10240x128xf32, #tpu.memory_space<vmem_shared>> -> memref<10240x128xf32, #tpu.memory_space<vmem_shared>>
            tpu.wait_indirect_dma semaphore(%run_scoped3A : memref<!tpu.dma_semaphore, #tpu.memory_space<semaphore_mem>>) src(%arg11 : memref<125x128xf32, #tpu.memory_space<vmem>>) dst(%dma_wait3A_76 : memref<10240x128xf32, #tpu.memory_space<vmem_shared>>)
            tpu.yield
          }) : () -> ()
        }
        %scan3A_24 = arith.constant 8 : i32
      }
      %scan3A_12 = arith.constant 10 : i32
      %barrier3A_13 = arith.constant 0 : index
      tpu.barrier barrier_id(%barrier3A_13)
      "tpu.region"() ({
        %run_scoped3A = tpu.sem_alloc : memref<!tpu.dma_semaphore, #tpu.memory_space<semaphore_mem>>
        %dma_start3A = arith.constant 0 : i32
        %dma_start3A_14 = tpu.memref_slice %arg7[%mul3A_0, %dma_start3A] : memref<10240x128xf32, #tpu.memory_space<hbm>> -> memref<640x128xf32, #tpu.memory_space<hbm>>
        %dma_start3A_15 = arith.constant 0 : i32
        %dma_start3A_16 = tpu.memref_slice %arg12[%mul3A_0, %dma_start3A_15] : memref<10240x128xf32, #tpu.memory_space<vmem_shared>> -> memref<640x128xf32, #tpu.memory_space<vmem_shared>>
        tpu.enqueue_dma source(%dma_start3A_16 : memref<640x128xf32, #tpu.memory_space<vmem_shared>>) target(%dma_start3A_14 : memref<640x128xf32, #tpu.memory_space<hbm>>) target_semaphore(%run_scoped3A : memref<!tpu.dma_semaphore, #tpu.memory_space<semaphore_mem>>)
        %dma_wait3A = arith.constant 0 : i32
        %dma_wait3A_17 = tpu.memref_slice %arg7[%mul3A_0, %dma_wait3A] : memref<10240x128xf32, #tpu.memory_space<hbm>> -> memref<640x128xf32, #tpu.memory_space<hbm>>
        %dma_wait3A_18 = arith.constant 0 : i32
        %dma_wait3A_19 = tpu.memref_slice %arg12[%mul3A_0, %dma_wait3A_18] : memref<10240x128xf32, #tpu.memory_space<vmem_shared>> -> memref<640x128xf32, #tpu.memory_space<vmem_shared>>
        tpu.wait_dma2 semaphore(%run_scoped3A : memref<!tpu.dma_semaphore, #tpu.memory_space<semaphore_mem>>) src(%dma_wait3A_19 : memref<640x128xf32, #tpu.memory_space<vmem_shared>>) dst(%dma_wait3A_17 : memref<640x128xf32, #tpu.memory_space<hbm>>)
        tpu.yield
      }) : () -> ()
    } else {
    }
    return
  }
}

#map = affine_map<(d0, d1) -> (0, 0)>
#map1 = affine_map<(d0, d1) -> (0, 0, 0)>
module attributes {stable_mosaic.version = 14 : i64} {
  func.func @_sc_gather(%arg0: i32, %arg1: i32, %arg2: memref<10240x256xf32, #tpu.memory_space<hbm>>, %arg3: memref<32x2x80xi32, #tpu.memory_space<hbm>>, %arg4: memref<5120x256xf32, #tpu.memory_space<hbm>>, %arg5: memref<2x80xi32, #tpu.memory_space<vmem>>, %arg6: memref<80x256xf32, #tpu.memory_space<vmem>>, %arg7: memref<!tpu.dma_semaphore, #tpu.memory_space<semaphore_mem>>) attributes {dimension_semantics = [#tpu.dimension_semantics<core_parallel>, #tpu.dimension_semantics<subcore_parallel>], iteration_bounds = array<i64: 2, 16>, scalar_prefetch = 0 : i64, scratch_operands = 3 : i64, tpu.core_type = #tpu.core_type<sc_vector_subcore>, window_params = [{transform_indices = #map}, {transform_indices = #map1}, {transform_indices = #map}]} {
    %mul3A = arith.constant 2 : i32
    %mul3A_0 = arith.muli %arg1, %mul3A : i32
    %add3A = arith.addi %mul3A_0, %arg0 : i32
    "tpu.region"() ({
      %run_scoped3A = tpu.sem_alloc : memref<!tpu.dma_semaphore, #tpu.memory_space<semaphore_mem>>
      %dma_start3A = arith.constant 0 : i32
      %dma_start3A_6 = arith.constant 0 : i32
      %dma_start3A_7 = tpu.memref_slice %arg3[%add3A, %dma_start3A, %dma_start3A_6] : memref<32x2x80xi32, #tpu.memory_space<hbm>> -> memref<1x2x80xi32, #tpu.memory_space<hbm>>
      %dma_start3A_8 = tpu.memref_squeeze %dma_start3A_7 : memref<1x2x80xi32, #tpu.memory_space<hbm>> -> memref<2x80xi32, #tpu.memory_space<hbm>>
      %dma_start3A_9 = arith.constant 0 : i32
      %dma_start3A_10 = arith.constant 0 : i32
      %dma_start3A_11 = tpu.memref_slice %arg3[%add3A, %dma_start3A_9, %dma_start3A_10] : memref<32x2x80xi32, #tpu.memory_space<hbm>> -> memref<1x2x80xi32, #tpu.memory_space<hbm>>
      %dma_start3A_12 = tpu.memref_squeeze %dma_start3A_11 : memref<1x2x80xi32, #tpu.memory_space<hbm>> -> memref<2x80xi32, #tpu.memory_space<hbm>>
      tpu.enqueue_dma source(%dma_start3A_12 : memref<2x80xi32, #tpu.memory_space<hbm>>) target(%arg5 : memref<2x80xi32, #tpu.memory_space<vmem>>) target_semaphore(%run_scoped3A : memref<!tpu.dma_semaphore, #tpu.memory_space<semaphore_mem>>)
      %dma_wait3A = arith.constant 0 : i32
      %dma_wait3A_13 = arith.constant 0 : i32
      %dma_wait3A_14 = tpu.memref_slice %arg3[%add3A, %dma_wait3A, %dma_wait3A_13] : memref<32x2x80xi32, #tpu.memory_space<hbm>> -> memref<1x2x80xi32, #tpu.memory_space<hbm>>
      %dma_wait3A_15 = tpu.memref_squeeze %dma_wait3A_14 : memref<1x2x80xi32, #tpu.memory_space<hbm>> -> memref<2x80xi32, #tpu.memory_space<hbm>>
      %dma_wait3A_16 = arith.constant 0 : i32
      %dma_wait3A_17 = arith.constant 0 : i32
      %dma_wait3A_18 = tpu.memref_slice %arg3[%add3A, %dma_wait3A_16, %dma_wait3A_17] : memref<32x2x80xi32, #tpu.memory_space<hbm>> -> memref<1x2x80xi32, #tpu.memory_space<hbm>>
      %dma_wait3A_19 = tpu.memref_squeeze %dma_wait3A_18 : memref<1x2x80xi32, #tpu.memory_space<hbm>> -> memref<2x80xi32, #tpu.memory_space<hbm>>
      tpu.wait_dma2 semaphore(%run_scoped3A : memref<!tpu.dma_semaphore, #tpu.memory_space<semaphore_mem>>) src(%dma_wait3A_19 : memref<2x80xi32, #tpu.memory_space<hbm>>) dst(%arg5 : memref<2x80xi32, #tpu.memory_space<vmem>>)
      tpu.yield
    }) : () -> ()
    %scan3A = arith.constant 0 : i32
    %scan3A_1 = arith.constant 0 : i32
    %scan3A_2 = arith.constant 2 : i32
    %scan3A_3 = arith.addi %scan3A_1, %scan3A_2 : i32
    %scan3A_4 = arith.constant 1 : i32
    scf.for %scan3A_6 = %scan3A_1 to %scan3A_3 step %scan3A_4  : i32 {
      %dma_start3A = arith.constant 0 : i32
      %dma_start3A_7 = tpu.memref_slice %arg5[%scan3A_6, %dma_start3A] : memref<2x80xi32, #tpu.memory_space<vmem>> -> memref<1x80xi32, #tpu.memory_space<vmem>>
      %dma_start3A_8 = tpu.memref_squeeze %dma_start3A_7 : memref<1x80xi32, #tpu.memory_space<vmem>> -> memref<80xi32, #tpu.memory_space<vmem>>
      %dma_start3A_9 = arith.constant 0 : i32
      %dma_start3A_10 = arith.constant 0 : i32
      %dma_start3A_11 = tpu.memref_slice %arg2[%dma_start3A_9, %dma_start3A_10] : memref<10240x256xf32, #tpu.memory_space<hbm>> -> memref<10240x256xf32, #tpu.memory_space<hbm>>
      tpu.enqueue_indirect_dma source(%dma_start3A_11 : memref<10240x256xf32, #tpu.memory_space<hbm>>) target(%arg6 : memref<80x256xf32, #tpu.memory_space<vmem>>) offsets(%dma_start3A_8 : memref<80xi32, #tpu.memory_space<vmem>>) semaphore(%arg7 : memref<!tpu.dma_semaphore, #tpu.memory_space<semaphore_mem>>)
      %dma_wait3A = arith.constant 0 : i32
      %dma_wait3A_12 = tpu.memref_slice %arg5[%scan3A_6, %dma_wait3A] : memref<2x80xi32, #tpu.memory_space<vmem>> -> memref<1x80xi32, #tpu.memory_space<vmem>>
      %dma_wait3A_13 = tpu.memref_squeeze %dma_wait3A_12 : memref<1x80xi32, #tpu.memory_space<vmem>> -> memref<80xi32, #tpu.memory_space<vmem>>
      %dma_wait3A_14 = arith.constant 0 : i32
      %dma_wait3A_15 = arith.constant 0 : i32
      %dma_wait3A_16 = tpu.memref_slice %arg2[%dma_wait3A_14, %dma_wait3A_15] : memref<10240x256xf32, #tpu.memory_space<hbm>> -> memref<10240x256xf32, #tpu.memory_space<hbm>>
      tpu.wait_indirect_dma semaphore(%arg7 : memref<!tpu.dma_semaphore, #tpu.memory_space<semaphore_mem>>) src(%dma_wait3A_16 : memref<10240x256xf32, #tpu.memory_space<hbm>>) dst(%arg6 : memref<80x256xf32, #tpu.memory_space<vmem>>)
      %mul3A_17 = arith.constant 160 : i32
      %mul3A_18 = arith.muli %add3A, %mul3A_17 : i32
      %mul3A_19 = arith.constant 80 : i32
      %mul3A_20 = arith.muli %scan3A_6, %mul3A_19 : i32
      %add3A_21 = arith.addi %mul3A_18, %mul3A_20 : i32
      "tpu.region"() ({
        %run_scoped3A = tpu.sem_alloc : memref<!tpu.dma_semaphore, #tpu.memory_space<semaphore_mem>>
        %dma_start3A_22 = arith.constant 0 : i32
        %dma_start3A_23 = tpu.memref_slice %arg4[%add3A_21, %dma_start3A_22] : memref<5120x256xf32, #tpu.memory_space<hbm>> -> memref<80x256xf32, #tpu.memory_space<hbm>>
        %dma_start3A_24 = arith.constant 0 : i32
        %dma_start3A_25 = tpu.memref_slice %arg4[%add3A_21, %dma_start3A_24] : memref<5120x256xf32, #tpu.memory_space<hbm>> -> memref<80x256xf32, #tpu.memory_space<hbm>>
        tpu.enqueue_dma source(%arg6 : memref<80x256xf32, #tpu.memory_space<vmem>>) target(%dma_start3A_25 : memref<80x256xf32, #tpu.memory_space<hbm>>) target_semaphore(%run_scoped3A : memref<!tpu.dma_semaphore, #tpu.memory_space<semaphore_mem>>)
        %dma_wait3A_26 = arith.constant 0 : i32
        %dma_wait3A_27 = tpu.memref_slice %arg4[%add3A_21, %dma_wait3A_26] : memref<5120x256xf32, #tpu.memory_space<hbm>> -> memref<80x256xf32, #tpu.memory_space<hbm>>
        %dma_wait3A_28 = arith.constant 0 : i32
        %dma_wait3A_29 = tpu.memref_slice %arg4[%add3A_21, %dma_wait3A_28] : memref<5120x256xf32, #tpu.memory_space<hbm>> -> memref<80x256xf32, #tpu.memory_space<hbm>>
        tpu.wait_dma2 semaphore(%run_scoped3A : memref<!tpu.dma_semaphore, #tpu.memory_space<semaphore_mem>>) src(%arg6 : memref<80x256xf32, #tpu.memory_space<vmem>>) dst(%dma_wait3A_29 : memref<80x256xf32, #tpu.memory_space<hbm>>)
        tpu.yield
      }) : () -> ()
    }
    %scan3A_5 = arith.constant 2 : i32
    return
  }
}

module attributes {stable_mosaic.version = 14 : i64} {
  func.func @_tc0_body(%arg0: memref<2x10240x128xf32, #tpu.memory_space<vmem>>, %arg1: memref<10240x128xf32, #tpu.memory_space<vmem>>, %arg2: memref<128x256xf32, #tpu.memory_space<vmem>>, %arg3: memref<10240x1xf32, #tpu.memory_space<vmem>>, %arg4: memref<10240x128xf32, #tpu.memory_space<vmem>>, %arg5: memref<10240x128xf32, #tpu.memory_space<vmem>>) attributes {dimension_semantics = [], scalar_prefetch = 0 : i64, scratch_operands = 0 : i64, tpu.core_type = #tpu.core_type<tc>} {
    %get3A = arith.constant 0 : index
    %get3A_0 = arith.constant 0 : index
    %get3A_1 = arith.constant 0 : index
    %get3A_2 = vector.load %arg0[%get3A, %get3A_0, %get3A_1] : memref<2x10240x128xf32, #tpu.memory_space<vmem>>, vector<1x10240x1xf32>
    %get3A_3 = vector.shape_cast %get3A_2 : vector<1x10240x1xf32> to vector<10240x1xf32>
    %get3A_4 = arith.constant 1 : index
    %get3A_5 = arith.constant 0 : index
    %get3A_6 = arith.constant 0 : index
    %get3A_7 = vector.load %arg0[%get3A_4, %get3A_5, %get3A_6] : memref<2x10240x128xf32, #tpu.memory_space<vmem>>, vector<1x10240x1xf32>
    %get3A_8 = vector.shape_cast %get3A_7 : vector<1x10240x1xf32> to vector<10240x1xf32>
    %add3A = arith.addf %get3A_3, %get3A_8 : vector<10240x1xf32>
    %add3A_9 = arith.constant 1.000000e+00 : f32
    %add3A_10 = vector.broadcast %add3A_9 : f32 to vector<10240x1xf32>
    %add3A_11 = arith.addf %add3A, %add3A_10 : vector<10240x1xf32>
    %rsqrt3A = math.rsqrt %add3A_11 : vector<10240x1xf32>
    %swap3A = arith.constant 0 : index
    %swap3A_12 = arith.constant 0 : index
    %swap3A_13 = vector.load %arg3[%swap3A, %swap3A_12] : memref<10240x1xf32, #tpu.memory_space<vmem>>, vector<10240x1xf32>
    tpu.vector_store %arg3[%swap3A, %swap3A_12], %rsqrt3A {strides = array<i32>} : memref<10240x1xf32, #tpu.memory_space<vmem>>, vector<10240x1xf32>,
    %get3A_14 = arith.constant 0 : index
    %get3A_15 = arith.constant 0 : index
    %get3A_16 = vector.load %arg1[%get3A_14, %get3A_15] : memref<10240x128xf32, #tpu.memory_space<vmem>>, vector<10240x128xf32>
    %get3A_17 = arith.constant 0 : index
    %get3A_18 = arith.constant 0 : index
    %get3A_19 = vector.load %arg2[%get3A_17, %get3A_18] : memref<128x256xf32, #tpu.memory_space<vmem>>, vector<128x256xf32>
    %dot_general3A = arith.constant dense<0.000000e+00> : vector<10240x256xf32>
    %dot_general3A_20 = tpu.matmul %get3A_16, %get3A_19, %dot_general3A {dimension_numbers = #tpu.dot_dimension_numbers<[1], [0], [0], [1], [0, 0, 1, 1], [], []>, transpose_lhs_hint = false} : vector<10240x128xf32>, vector<128x256xf32>, vector<10240x256xf32> -> vector<10240x256xf32>
    %mul3A = vector.broadcast %rsqrt3A : vector<10240x1xf32> to vector<10240x256xf32>
    %mul3A_21 = arith.mulf %mul3A, %dot_general3A_20 : vector<10240x256xf32>
    %slice3A = vector.extract_strided_slice %mul3A_21 {offsets = [0, 0], sizes = [10240, 128], strides = [1, 1]} : vector<10240x256xf32> to vector<10240x128xf32>
    %swap3A_22 = arith.constant 0 : index
    %swap3A_23 = arith.constant 0 : index
    %swap3A_24 = vector.load %arg4[%swap3A_22, %swap3A_23] : memref<10240x128xf32, #tpu.memory_space<vmem>>, vector<10240x128xf32>
    tpu.vector_store %arg4[%swap3A_22, %swap3A_23], %slice3A {strides = array<i32>} : memref<10240x128xf32, #tpu.memory_space<vmem>>, vector<10240x128xf32>,
    %slice3A_25 = vector.extract_strided_slice %mul3A_21 {offsets = [0, 128], sizes = [10240, 128], strides = [1, 1]} : vector<10240x256xf32> to vector<10240x128xf32>
    %swap3A_26 = arith.constant 0 : index
    %swap3A_27 = arith.constant 0 : index
    %swap3A_28 = vector.load %arg5[%swap3A_26, %swap3A_27] : memref<10240x128xf32, #tpu.memory_space<vmem>>, vector<10240x128xf32>
    tpu.vector_store %arg5[%swap3A_26, %swap3A_27], %slice3A_25 {strides = array<i32>} : memref<10240x128xf32, #tpu.memory_space<vmem>>, vector<10240x128xf32>,
    return
  }
}

module attributes {stable_mosaic.version = 14 : i64} {
  func.func @_tcmid_body(%arg0: memref<10240x128xf32, #tpu.memory_space<vmem>>, %arg1: memref<10240x128xf32, #tpu.memory_space<vmem>>, %arg2: memref<10240x1xf32, #tpu.memory_space<vmem>>, %arg3: memref<1x256xf32, #tpu.memory_space<vmem>>, %arg4: memref<1x256xf32, #tpu.memory_space<vmem>>, %arg5: memref<1x256xf32, #tpu.memory_space<vmem>>, %arg6: memref<256x256xf32, #tpu.memory_space<vmem>>, %arg7: memref<10240x128xf32, #tpu.memory_space<vmem>>, %arg8: memref<10240x128xf32, #tpu.memory_space<vmem>>) attributes {dimension_semantics = [], scalar_prefetch = 0 : i64, scratch_operands = 0 : i64, tpu.core_type = #tpu.core_type<tc>} {
    %get3A = arith.constant 0 : index
    %get3A_0 = arith.constant 0 : index
    %get3A_1 = vector.load %arg2[%get3A, %get3A_0] : memref<10240x1xf32, #tpu.memory_space<vmem>>, vector<10240x1xf32>
    %get3A_2 = arith.constant 0 : index
    %get3A_3 = arith.constant 0 : index
    %get3A_4 = vector.load %arg0[%get3A_2, %get3A_3] : memref<10240x128xf32, #tpu.memory_space<vmem>>, vector<10240x128xf32>
    %get3A_5 = arith.constant 0 : index
    %get3A_6 = arith.constant 0 : index
    %get3A_7 = vector.load %arg1[%get3A_5, %get3A_6] : memref<10240x128xf32, #tpu.memory_space<vmem>>, vector<10240x128xf32>
    %concatenate3A = tpu.concatenate %get3A_4, %get3A_7 in 1 : vector<10240x128xf32>, vector<10240x128xf32> -> vector<10240x256xf32>
    %mul3A = vector.broadcast %get3A_1 : vector<10240x1xf32> to vector<10240x256xf32>
    %mul3A_8 = arith.mulf %concatenate3A, %mul3A : vector<10240x256xf32>
    %get3A_9 = arith.constant 0 : index
    %get3A_10 = arith.constant 0 : index
    %get3A_11 = vector.load %arg3[%get3A_9, %get3A_10] : memref<1x256xf32, #tpu.memory_space<vmem>>, vector<1x256xf32>
    %add3A = vector.broadcast %get3A_11 : vector<1x256xf32> to vector<10240x256xf32>
    %add3A_12 = arith.addf %mul3A_8, %add3A : vector<10240x256xf32>
    %slice3A = vector.extract_strided_slice %add3A_12 {offsets = [0, 0], sizes = [10000, 256], strides = [1, 1]} : vector<10240x256xf32> to vector<10000x256xf32>
    %reduce_sum3A = arith.constant dense<0.000000e+00> : vector<256xf32>
    %reduce_sum3A_13 = vector.multi_reduction <add>, %slice3A, %reduce_sum3A [0] : vector<10000x256xf32> to vector<256xf32>
    %broadcast_in_dim3A = vector.shape_cast %reduce_sum3A_13 : vector<256xf32> to vector<1x256xf32>
    %div3A = arith.constant 1.000000e+04 : f32
    %div3A_14 = vector.broadcast %div3A : f32 to vector<1x256xf32>
    %div3A_15 = arith.divf %broadcast_in_dim3A, %div3A_14 : vector<1x256xf32>
    %sub3A = vector.broadcast %div3A_15 : vector<1x256xf32> to vector<10000x256xf32>
    %sub3A_16 = arith.subf %slice3A, %sub3A : vector<10000x256xf32>
    %sub3A_17 = vector.broadcast %div3A_15 : vector<1x256xf32> to vector<10000x256xf32>
    %sub3A_18 = arith.subf %slice3A, %sub3A_17 : vector<10000x256xf32>
    %mul3A_19 = arith.mulf %sub3A_16, %sub3A_18 : vector<10000x256xf32>
    %reduce_sum3A_20 = arith.constant dense<0.000000e+00> : vector<256xf32>
    %reduce_sum3A_21 = vector.multi_reduction <add>, %mul3A_19, %reduce_sum3A_20 [0] : vector<10000x256xf32> to vector<256xf32>
    %broadcast_in_dim3A_22 = vector.shape_cast %reduce_sum3A_21 : vector<256xf32> to vector<1x256xf32>
    %div3A_23 = arith.constant 1.000000e+04 : f32
    %div3A_24 = vector.broadcast %div3A_23 : f32 to vector<1x256xf32>
    %div3A_25 = arith.divf %broadcast_in_dim3A_22, %div3A_24 : vector<1x256xf32>
    %sub3A_26 = vector.broadcast %div3A_15 : vector<1x256xf32> to vector<10240x256xf32>
    %sub3A_27 = arith.subf %add3A_12, %sub3A_26 : vector<10240x256xf32>
    %add3A_28 = arith.constant 9.99999974E-6 : f32
    %add3A_29 = vector.broadcast %add3A_28 : f32 to vector<1x256xf32>
    %add3A_30 = arith.addf %div3A_25, %add3A_29 : vector<1x256xf32>
    %rsqrt3A = math.rsqrt %add3A_30 : vector<1x256xf32>
    %mul3A_31 = vector.broadcast %rsqrt3A : vector<1x256xf32> to vector<10240x256xf32>
    %mul3A_32 = arith.mulf %sub3A_27, %mul3A_31 : vector<10240x256xf32>
    %get3A_33 = arith.constant 0 : index
    %get3A_34 = arith.constant 0 : index
    %get3A_35 = vector.load %arg4[%get3A_33, %get3A_34] : memref<1x256xf32, #tpu.memory_space<vmem>>, vector<1x256xf32>
    %mul3A_36 = vector.broadcast %get3A_35 : vector<1x256xf32> to vector<10240x256xf32>
    %mul3A_37 = arith.mulf %mul3A_32, %mul3A_36 : vector<10240x256xf32>
    %get3A_38 = arith.constant 0 : index
    %get3A_39 = arith.constant 0 : index
    %get3A_40 = vector.load %arg5[%get3A_38, %get3A_39] : memref<1x256xf32, #tpu.memory_space<vmem>>, vector<1x256xf32>
    %add3A_41 = vector.broadcast %get3A_40 : vector<1x256xf32> to vector<10240x256xf32>
    %add3A_42 = arith.addf %mul3A_37, %add3A_41 : vector<10240x256xf32>
    %max3A = arith.constant 0.000000e+00 : f32
    %max3A_43 = vector.broadcast %max3A : f32 to vector<10240x256xf32>
    %max3A_44 = arith.maximumf %add3A_42, %max3A_43 : vector<10240x256xf32>
    %get3A_45 = arith.constant 0 : index
    %get3A_46 = arith.constant 0 : index
    %get3A_47 = vector.load %arg6[%get3A_45, %get3A_46] : memref<256x256xf32, #tpu.memory_space<vmem>>, vector<256x256xf32>
    %dot_general3A = arith.constant dense<0.000000e+00> : vector<10240x256xf32>
    %dot_general3A_48 = tpu.matmul %max3A_44, %get3A_47, %dot_general3A {dimension_numbers = #tpu.dot_dimension_numbers<[1], [0], [0], [1], [0, 0, 1, 1], [], []>, transpose_lhs_hint = false} : vector<10240x256xf32>, vector<256x256xf32>, vector<10240x256xf32> -> vector<10240x256xf32>
    %mul3A_49 = vector.broadcast %get3A_1 : vector<10240x1xf32> to vector<10240x256xf32>
    %mul3A_50 = arith.mulf %mul3A_49, %dot_general3A_48 : vector<10240x256xf32>
    %slice3A_51 = vector.extract_strided_slice %mul3A_50 {offsets = [0, 0], sizes = [10240, 128], strides = [1, 1]} : vector<10240x256xf32> to vector<10240x128xf32>
    %swap3A = arith.constant 0 : index
    %swap3A_52 = arith.constant 0 : index
    %swap3A_53 = vector.load %arg7[%swap3A, %swap3A_52] : memref<10240x128xf32, #tpu.memory_space<vmem>>, vector<10240x128xf32>
    tpu.vector_store %arg7[%swap3A, %swap3A_52], %slice3A_51 {strides = array<i32>} : memref<10240x128xf32, #tpu.memory_space<vmem>>, vector<10240x128xf32>,
    %slice3A_54 = vector.extract_strided_slice %mul3A_50 {offsets = [0, 128], sizes = [10240, 128], strides = [1, 1]} : vector<10240x256xf32> to vector<10240x128xf32>
    %swap3A_55 = arith.constant 0 : index
    %swap3A_56 = arith.constant 0 : index
    %swap3A_57 = vector.load %arg8[%swap3A_55, %swap3A_56] : memref<10240x128xf32, #tpu.memory_space<vmem>>, vector<10240x128xf32>
    tpu.vector_store %arg8[%swap3A_55, %swap3A_56], %slice3A_54 {strides = array<i32>} : memref<10240x128xf32, #tpu.memory_space<vmem>>, vector<10240x128xf32>,
    return
  }
}

module attributes {stable_mosaic.version = 14 : i64} {
  func.func @_tcbn3_body(%arg0: memref<10240x128xf32, #tpu.memory_space<vmem>>, %arg1: memref<10240x128xf32, #tpu.memory_space<vmem>>, %arg2: memref<10240x1xf32, #tpu.memory_space<vmem>>, %arg3: memref<1x256xf32, #tpu.memory_space<vmem>>, %arg4: memref<1x256xf32, #tpu.memory_space<vmem>>, %arg5: memref<1x256xf32, #tpu.memory_space<vmem>>, %arg6: memref<10240x256xf32, #tpu.memory_space<vmem>>) attributes {dimension_semantics = [], scalar_prefetch = 0 : i64, scratch_operands = 0 : i64, tpu.core_type = #tpu.core_type<tc>} {
    %get3A = arith.constant 0 : index
    %get3A_0 = arith.constant 0 : index
    %get3A_1 = vector.load %arg2[%get3A, %get3A_0] : memref<10240x1xf32, #tpu.memory_space<vmem>>, vector<10240x1xf32>
    %get3A_2 = arith.constant 0 : index
    %get3A_3 = arith.constant 0 : index
    %get3A_4 = vector.load %arg0[%get3A_2, %get3A_3] : memref<10240x128xf32, #tpu.memory_space<vmem>>, vector<10240x128xf32>
    %get3A_5 = arith.constant 0 : index
    %get3A_6 = arith.constant 0 : index
    %get3A_7 = vector.load %arg1[%get3A_5, %get3A_6] : memref<10240x128xf32, #tpu.memory_space<vmem>>, vector<10240x128xf32>
    %concatenate3A = tpu.concatenate %get3A_4, %get3A_7 in 1 : vector<10240x128xf32>, vector<10240x128xf32> -> vector<10240x256xf32>
    %mul3A = vector.broadcast %get3A_1 : vector<10240x1xf32> to vector<10240x256xf32>
    %mul3A_8 = arith.mulf %concatenate3A, %mul3A : vector<10240x256xf32>
    %get3A_9 = arith.constant 0 : index
    %get3A_10 = arith.constant 0 : index
    %get3A_11 = vector.load %arg3[%get3A_9, %get3A_10] : memref<1x256xf32, #tpu.memory_space<vmem>>, vector<1x256xf32>
    %add3A = vector.broadcast %get3A_11 : vector<1x256xf32> to vector<10240x256xf32>
    %add3A_12 = arith.addf %mul3A_8, %add3A : vector<10240x256xf32>
    %slice3A = vector.extract_strided_slice %add3A_12 {offsets = [0, 0], sizes = [10000, 256], strides = [1, 1]} : vector<10240x256xf32> to vector<10000x256xf32>
    %reduce_sum3A = arith.constant dense<0.000000e+00> : vector<256xf32>
    %reduce_sum3A_13 = vector.multi_reduction <add>, %slice3A, %reduce_sum3A [0] : vector<10000x256xf32> to vector<256xf32>
    %broadcast_in_dim3A = vector.shape_cast %reduce_sum3A_13 : vector<256xf32> to vector<1x256xf32>
    %div3A = arith.constant 1.000000e+04 : f32
    %div3A_14 = vector.broadcast %div3A : f32 to vector<1x256xf32>
    %div3A_15 = arith.divf %broadcast_in_dim3A, %div3A_14 : vector<1x256xf32>
    %sub3A = vector.broadcast %div3A_15 : vector<1x256xf32> to vector<10000x256xf32>
    %sub3A_16 = arith.subf %slice3A, %sub3A : vector<10000x256xf32>
    %sub3A_17 = vector.broadcast %div3A_15 : vector<1x256xf32> to vector<10000x256xf32>
    %sub3A_18 = arith.subf %slice3A, %sub3A_17 : vector<10000x256xf32>
    %mul3A_19 = arith.mulf %sub3A_16, %sub3A_18 : vector<10000x256xf32>
    %reduce_sum3A_20 = arith.constant dense<0.000000e+00> : vector<256xf32>
    %reduce_sum3A_21 = vector.multi_reduction <add>, %mul3A_19, %reduce_sum3A_20 [0] : vector<10000x256xf32> to vector<256xf32>
    %broadcast_in_dim3A_22 = vector.shape_cast %reduce_sum3A_21 : vector<256xf32> to vector<1x256xf32>
    %div3A_23 = arith.constant 1.000000e+04 : f32
    %div3A_24 = vector.broadcast %div3A_23 : f32 to vector<1x256xf32>
    %div3A_25 = arith.divf %broadcast_in_dim3A_22, %div3A_24 : vector<1x256xf32>
    %sub3A_26 = vector.broadcast %div3A_15 : vector<1x256xf32> to vector<10240x256xf32>
    %sub3A_27 = arith.subf %add3A_12, %sub3A_26 : vector<10240x256xf32>
    %add3A_28 = arith.constant 9.99999974E-6 : f32
    %add3A_29 = vector.broadcast %add3A_28 : f32 to vector<1x256xf32>
    %add3A_30 = arith.addf %div3A_25, %add3A_29 : vector<1x256xf32>
    %rsqrt3A = math.rsqrt %add3A_30 : vector<1x256xf32>
    %mul3A_31 = vector.broadcast %rsqrt3A : vector<1x256xf32> to vector<10240x256xf32>
    %mul3A_32 = arith.mulf %sub3A_27, %mul3A_31 : vector<10240x256xf32>
    %get3A_33 = arith.constant 0 : index
    %get3A_34 = arith.constant 0 : index
    %get3A_35 = vector.load %arg4[%get3A_33, %get3A_34] : memref<1x256xf32, #tpu.memory_space<vmem>>, vector<1x256xf32>
    %mul3A_36 = vector.broadcast %get3A_35 : vector<1x256xf32> to vector<10240x256xf32>
    %mul3A_37 = arith.mulf %mul3A_32, %mul3A_36 : vector<10240x256xf32>
    %get3A_38 = arith.constant 0 : index
    %get3A_39 = arith.constant 0 : index
    %get3A_40 = vector.load %arg5[%get3A_38, %get3A_39] : memref<1x256xf32, #tpu.memory_space<vmem>>, vector<1x256xf32>
    %add3A_41 = vector.broadcast %get3A_40 : vector<1x256xf32> to vector<10240x256xf32>
    %add3A_42 = arith.addf %mul3A_37, %add3A_41 : vector<10240x256xf32>
    %max3A = arith.constant 0.000000e+00 : f32
    %max3A_43 = vector.broadcast %max3A : f32 to vector<10240x256xf32>
    %max3A_44 = arith.maximumf %add3A_42, %max3A_43 : vector<10240x256xf32>
    %swap3A = arith.constant 0 : index
    %swap3A_45 = arith.constant 0 : index
    %swap3A_46 = vector.load %arg6[%swap3A, %swap3A_45] : memref<10240x256xf32, #tpu.memory_space<vmem>>, vector<10240x256xf32>
    tpu.vector_store %arg6[%swap3A, %swap3A_45], %max3A_44 {strides = array<i32>} : memref<10240x256xf32, #tpu.memory_space<vmem>>, vector<10240x256xf32>,
    return
  }
}

module attributes {stable_mosaic.version = 14 : i64} {
  func.func @_tchead_body(%arg0: memref<5120x256xf32, #tpu.memory_space<vmem>>, %arg1: memref<256x256xf32, #tpu.memory_space<vmem>>, %arg2: memref<1x256xf32, #tpu.memory_space<vmem>>, %arg3: memref<256x1xf32, #tpu.memory_space<vmem>>, %arg4: memref<1x1xf32, #tpu.memory_space<vmem>>, %arg5: memref<5120x1xf32, #tpu.memory_space<vmem>>) attributes {dimension_semantics = [], scalar_prefetch = 0 : i64, scratch_operands = 0 : i64, tpu.core_type = #tpu.core_type<tc>} {
    %get3A = arith.constant 0 : index
    %get3A_0 = arith.constant 0 : index
    %get3A_1 = vector.load %arg0[%get3A, %get3A_0] : memref<5120x256xf32, #tpu.memory_space<vmem>>, vector<5120x256xf32>
    %get3A_2 = arith.constant 0 : index
    %get3A_3 = arith.constant 0 : index
    %get3A_4 = vector.load %arg1[%get3A_2, %get3A_3] : memref<256x256xf32, #tpu.memory_space<vmem>>, vector<256x256xf32>
    %dot_general3A = arith.constant dense<0.000000e+00> : vector<5120x256xf32>
    %dot_general3A_5 = tpu.matmul %get3A_1, %get3A_4, %dot_general3A {dimension_numbers = #tpu.dot_dimension_numbers<[1], [0], [0], [1], [0, 0, 1, 1], [], []>, transpose_lhs_hint = false} : vector<5120x256xf32>, vector<256x256xf32>, vector<5120x256xf32> -> vector<5120x256xf32>
    %get3A_6 = arith.constant 0 : index
    %get3A_7 = arith.constant 0 : index
    %get3A_8 = vector.load %arg2[%get3A_6, %get3A_7] : memref<1x256xf32, #tpu.memory_space<vmem>>, vector<1x256xf32>
    %add3A = vector.broadcast %get3A_8 : vector<1x256xf32> to vector<5120x256xf32>
    %add3A_9 = arith.addf %dot_general3A_5, %add3A : vector<5120x256xf32>
    %max3A = arith.constant 0.000000e+00 : f32
    %max3A_10 = vector.broadcast %max3A : f32 to vector<5120x256xf32>
    %max3A_11 = arith.maximumf %add3A_9, %max3A_10 : vector<5120x256xf32>
    %get3A_12 = arith.constant 0 : index
    %get3A_13 = arith.constant 0 : index
    %get3A_14 = vector.load %arg3[%get3A_12, %get3A_13] : memref<256x1xf32, #tpu.memory_space<vmem>>, vector<256x1xf32>
    %dot_general3A_15 = arith.constant dense<0.000000e+00> : vector<5120x1xf32>
    %dot_general3A_16 = tpu.matmul %max3A_11, %get3A_14, %dot_general3A_15 {dimension_numbers = #tpu.dot_dimension_numbers<[1], [0], [0], [1], [0, 0, 1, 1], [], []>, transpose_lhs_hint = false} : vector<5120x256xf32>, vector<256x1xf32>, vector<5120x1xf32> -> vector<5120x1xf32>
    %get3A_17 = arith.constant 0 : index
    %get3A_18 = arith.constant 0 : index
    %get3A_19 = vector.load %arg4[%get3A_17, %get3A_18] : memref<1x1xf32, #tpu.memory_space<vmem>>, vector<1x1xf32>
    %add3A_20 = vector.broadcast %get3A_19 : vector<1x1xf32> to vector<5120x1xf32>
    %add3A_21 = arith.addf %dot_general3A_16, %add3A_20 : vector<5120x1xf32>
    %swap3A = arith.constant 0 : index
    %swap3A_22 = arith.constant 0 : index
    %swap3A_23 = vector.load %arg5[%swap3A, %swap3A_22] : memref<5120x1xf32, #tpu.memory_space<vmem>>, vector<5120x1xf32>
    tpu.vector_store %arg5[%swap3A, %swap3A_22], %add3A_21 {strides = array<i32>} : memref<5120x1xf32, #tpu.memory_space<vmem>>, vector<5120x1xf32>,
    return
  }
}

</mosaic_0001>

<sc_bundles>
// kernel: kernel.12.cloned.1.call-start
scs
__scs_entry_jumppad:
0x0: {  	(pc) =	sbr.rel $0x88, $3  }
0x1: {  	(tag) =	ssettag $0x0;
	lr =	simm.s32 $0x1  }
0x2: {  	[smem:$0x3F8E] =	sst lr;
	_ =	strace $0xD0000000  }
0x3: {  	_ = 	snop  }
0x4: {  	_ = 	snop  }
0x5: {  	_ = 	snop  }
0x6: {  	_ = 	snop  }
0x7: {  	_ = 	snop  }
__scs_overlays_trampoline_lowered:
0x8: {  	[smem:$0x3F9D] =	sst s0  }
0x9: {  	[smem:$0x3F9E] =	sst s1  }
0xa: {  	[smem:$0x3F9F] =	sst s2  }
0xb: {  	[smem:$0x3FA0] =	sst s3  }
0xc: {  	[smem:$0x3FA1] =	sst s4  }
0xd: {  	[smem:$0x3FA2] =	sst s5  }
0xe: {  	[smem:$0x3FA3] =	sst s6  }
0xf: {  	[smem:$0x3FA4] =	sst s7  }
0x10: {  	[smem:$0x3FA5] =	sst s8  }
0x11: {  	[smem:$0x3FA6] =	sst s9;
	s0 =	simm.s32 @!p0 $0x0  }
0x12: {  	s1 =	sld [smem:$0x3F8C];
	s0 =	simm.s32 @p0 $0x1  }
0x13: {  	[smem:$0x3FA7] =	sst s0;
	s0 =	simm.s32 @!p1 $0x0  }
0x14: {  	s2 =	sld [smem:$0x3F8B];
	s0 =	simm.s32 @p1 $0x1  }
0x15: {  	[smem:$0x3FA8] =	sst s0;
	s0 =	simm.s32 @!p2 $0x0  }
0x16: {  	s3 =	sld [smem:$0x3FDB];
	s0 =	simm.s32 @p2 $0x1  }
0x17: {  	s4 =	simm.s32 $0x1BF5;
	[smem:$0x3FAA] =	sst s0  }
0x18: {  	s0 =	sld [smem:$0x3F8D];
	_ =	swait.ge [sflag:s4], $0x0  }
0x19: {  	s7 =	sld [smem:$0x3F8E]  }
0x1a: {  	s8 =	sadd.s32 $0xFFFFE003, lr  }
0x1b: {  	s9 =	sadd.s32 $0xFFFFFEF7, lr;
	s5 =	simm.s32 $0xFFFFFFFF;
	p2 =	slt.u32 s8, $0xFFFFF086  }
0x1c: {  	p1 =	slt.u32 s9, $0xF7A;
	s5 =	simm.s32 @!p2 $0x0  }
0x1d: {  	s5 =	simm.s32 @p1 $0x1;
	p0 =	seq.s32 s7, s2  }
0x1e: {  	s7 =	smul.u32 @!p0 $0xF7A, s2;
	p2 =	seq.s32 @!p0 s5, $0x0  }
0x1f: {  	s9 =	smul.u32 $0xF7A, s1;
	s8 =	simm.s32 @!p0 $0x1BF5;
	p2 =	por !p2, p0  }
0x20: {  	[sflag:s8] =	ssyncset.s32 @!p0 $0xFFFFF086;
	s6 =	sadd.s32 @!p0 s3, s7;
	s7 =	simm.s32 @!p0 $0x108  }
0x21: {  	s3 =	sadd.s32 s3, s9;
	s6 =	sadd.s32 @!p0 $0x88, s6;
	s7 =	simm.s32 @p2 $0x1082  }
0x22: {  	[simem:s7], [sflag:s8] =	dma.local @!p0 [hbm:s6], $0xF7A  }
0x23: {  	s9 =	sor.u32 $0xD0000000, s2;
	s6 =	simm.s32 $0x108;
	_ =	swait.ge @!p0 [sflag:s8], $0x0  }
0x24: {  	s3 =	sadd.s32 $0x88, s3;
	s6 =	simm.s32 @!p1 $0x1082;
	[sflag:s4] =	ssyncset.s32 $0xFFFFF086  }
0x25: {  	[simem:s6], [sflag:s4] =	dma.local [hbm:s3], $0xF7A  }
0x26: {  	[smem:$0x3F8E] =	sst s1;
	(tag) =	ssettag s2;
	_ =	strace s9  }
0x27: {  	s1 =	sld [smem:$0x3F9E]  }
0x28: {  	s2 =	sld [smem:$0x3F9F]  }
0x29: {  	s4 =	sld [smem:$0x3FA1]  }
0x2a: {  	p0 =	seq.s32 s5, $0x0;
	s5 =	sld [smem:$0x3FA2]  }
0x2b: {  	s6 =	sld [smem:$0x3FA3]  }
0x2c: {  	s7 =	sld [smem:$0x3FA4]  }
0x2d: {  	s3 =	simm.s32 $0x108;
	s8 =	sld [smem:$0x3FA5]  }
0x2e: {  	s3 =	simm.s32 @!p0 $0x1082;
	s9 =	sld [smem:$0x3FA6]  }
0x2f: {  	lr =	sadd.s32 s0, s3;
	s0 =	sld [smem:$0x3F9D]  }
0x30: {  	s3 =	sld [smem:$0x3FA0]  }
0x31: {  	[smem:$0x3FA9] =	sst s10  }
0x32: {  	s10 =	sld [smem:$0x3FA7];
	_ =	sdelay $0x3  }
0x33: {  	p0 =	seq.s32 s10, $0x1;
	s10 =	sld [smem:$0x3FA9];
	_ =	sdelay $0x3  }
0x34: {  	[smem:$0x3FA9] =	sst s10  }
0x35: {  	s10 =	sld [smem:$0x3FA8];
	_ =	sdelay $0x3  }
0x36: {  	p1 =	seq.s32 s10, $0x1;
	s10 =	sld [smem:$0x3FA9];
	_ =	sdelay $0x3  }
0x37: {  	[smem:$0x3FA9] =	sst s10  }
0x38: {  	s10 =	sld [smem:$0x3FAA]  }
0x39: {  	_ = 	snop;
	(pc) =	sbr.ind lr, $3  }
0x3a: {  	_ = 	snop  }
0x3b: {  	_ = 	snop  }
0x3c: {  	p2 =	seq.s32 s10, $0x1;
	s10 =	sld [smem:$0x3FA9]  }
0x3d: {  	_ =	shalt  }
0x3e: {  	_ =	shalt  }
0x3f: {  	_ =	shalt  }
0x40: {  	_ =	shalt  }
0x41: {  	_ =	shalt  }
0x42: {  	_ =	shalt  }
0x43: {  	_ =	shalt  }
0x44: {  	_ =	shalt  }
0x45: {  	_ =	shalt  }
0x46: {  	_ =	shalt  }
0x47: {  	_ =	shalt  }
0x48: {  	_ =	shalt  }
0x49: {  	_ =	shalt  }
0x4a: {  	_ =	shalt  }
0x4b: {  	_ =	shalt  }
0x4c: {  	_ =	shalt  }
0x4d: {  	_ =	shalt  }
0x4e: {  	_ =	shalt  }
0x4f: {  	_ =	shalt  }
0x50: {  	_ =	shalt  }
0x51: {  	_ =	shalt  }
0x52: {  	_ =	shalt  }
0x53: {  	_ =	shalt  }
0x54: {  	_ =	shalt  }
0x55: {  	_ =	shalt  }
0x56: {  	_ =	shalt  }
0x57: {  	_ =	shalt  }
0x58: {  	_ =	shalt  }
0x59: {  	_ =	shalt  }
0x5a: {  	_ =	shalt  }
0x5b: {  	_ =	shalt  }
0x5c: {  	_ =	shalt  }
0x5d: {  	_ =	shalt  }
0x5e: {  	_ =	shalt  }
0x5f: {  	_ =	shalt  }
0x60: {  	_ =	shalt  }
0x61: {  	_ =	shalt  }
0x62: {  	_ =	shalt  }
0x63: {  	_ =	shalt  }
0x64: {  	_ =	shalt  }
0x65: {  	_ =	shalt  }
0x66: {  	_ =	shalt  }
0x67: {  	_ =	shalt  }
0x68: {  	_ =	shalt  }
0x69: {  	_ =	shalt  }
0x6a: {  	_ =	shalt  }
0x6b: {  	_ =	shalt  }
0x6c: {  	_ =	shalt  }
0x6d: {  	_ =	shalt  }
0x6e: {  	_ =	shalt  }
0x6f: {  	_ =	shalt  }
0x70: {  	_ =	shalt  }
0x71: {  	_ =	shalt  }
0x72: {  	_ =	shalt  }
0x73: {  	_ =	shalt  }
0x74: {  	_ =	shalt  }
0x75: {  	_ =	shalt  }
0x76: {  	_ =	shalt  }
0x77: {  	_ =	shalt  }
0x78: {  	_ =	shalt  }
0x79: {  	_ =	shalt  }
0x7a: {  	_ =	shalt  }
0x7b: {  	_ =	shalt  }
0x7c: {  	_ =	shalt  }
0x7d: {  	_ =	shalt  }
0x7e: {  	_ =	shalt  }
0x7f: {  	_ =	shalt  }
0x80: {  	_ =	shalt  }
0x81: {  	_ =	shalt  }
0x82: {  	_ =	shalt  }
0x83: {  	_ =	shalt  }
0x84: {  	_ =	shalt  }
0x85: {  	_ =	shalt  }
0x86: {  	_ =	shalt  }
0x87: {  	_ =	shalt  }
.Lfunc_end0:
.L_simem_size_0:
called_computation_lowered:
.L_overlay_start_0:
0x88: {  	s2 =	sld [smem:$0x3FD9]  }
0x89: {  	s3 =	sld [smem:$0x3FFE];
	_ =	sdelay $0x1  }
0x8a: {  	s1 =	srdreg.scid  }
0x8b: {  	s0 =	sand.u32 $0x1, s1  }
0x8c: {  	s16 =	sshll.u32 s0, $0xA;
	s2 =	sadd.s32 s3, s2  }
0x8d: {  	s2 =	sadd.s32 s2, s16  }
0x8e: {  	[smem:$0x3FB5] =	sst s2  }
0x8f: {  	_ = 	snop  }
0x90: {  	(tm) =	ssettm $0x1  }
0x91: {  	s17 =	sld [smem:$0x3FFB];
	_ =	sdelay $0x3  }
0x92: {  	_ =	strace s17  }
0x93: {  	s2 =	sld [smem:$0x3FFC];
	_ =	sdelay $0x3  }
0x94: {  	_ =	strace s2  }
0x95: {  	s2 =	sld [smem:$0x3FFD];
	_ =	sdelay $0x3  }
0x96: {  	_ =	strace s2  }
0x97: {  	_ =	strace $0x8FFFFFFF  }
0x98: {  	s18 =	sld [smem:$0x3FDB];
	_ =	sdelay $0x1  }
0x99: {  	s19 =	simm.s32 $_scs_section_size  }
0x9a: {  	s4 =	simm.s32 $_size__tile_overlayer_lowered;
	s5 =	simm.s32 $_tile_overlayer_lowered  }
0x9b: {  	s22 =	simm.s32 $0x1BFF;
	s21 =	sshll.u32 s5, $0x1;
	s2 =	sadd.s32 s19, s18  }
0x9c: {  	s6 =	simm.s32 $0x0;
	s20 =	sshll.u32 s4, $0x1;
	s4 =	sadd.s32 s21, s2  }
0x9d: {  	[timem:s6], [sflag:s22] =	dma.local [hbm:s4], s20  }
0x9e: {  	_ =	swait.ge [sflag:s22], s20  }
0x9f: {  	s3 =	ssub.s32 $0x0, s20;
	[sflag:s22] =	ssyncset.done $0x0  }
0xa0: {  	[sflag:s22] =	ssyncadd.s32 s3;
	_ =	sdelay $0x1  }
0xa1: {  	s23 =	simm.s32 $0x1B8B  }
0xa2: {  	_ =	swait.ge [sflag:s23], $0x1  }
0xa3: {  	[sflag:s23] =	ssyncset.done $0x0  }
0xa4: {  	s25 =	simm.s32 $0x1B8E;
	s24 =	sld [smem:$0x3FFE];
	[sflag:s23] =	ssyncadd.s32 $0xFFFFFFFF  }
0xa5: {  	s26 =	simm.s32 $execute0_lowered;
	[smem:$0x3FD2] =	sst s25  }
0xa6: {  	s4 =	sshll.u32 s26, $0x1;
	_ =	strace $0x80000046;
	[dreg:$0x1] =	wrdreg $0xFFFFFFFF  }
0xa7: {  	s28 =	simm.s32 $_size_execute0_lowered;
	s2 =	sadd.s32 s2, s4;
	[dreg:$0x0] =	wrdreg $0x0  }
0xa8: {  	s4 =	sshll.u32 s28, $0x1;
	[dreg:$0x2] =	wrdreg s2  }
0xa9: {  	[dreg:$0x3] =	wrdreg s4  }
0xaa: {  	[dreg:$0x4] =	wrdreg $0xC0  }
0xab: {  	_ =	task [dreg:s6], $0x5FFFF  }
0xac: {  	[dreg:$0x1] =	wrdreg $0xFFFFFFFF  }
0xad: {  	[dreg:$0x0] =	wrdreg $0x60  }
0xae: {  	[dreg:$0x2] =	wrdreg s24  }
0xaf: {  	[dreg:$0x3] =	wrdreg $0x68000  }
0xb0: {  	[dreg:$0x4] =	wrdreg $0x9  }
0xb1: {  	_ =	task.clear_ibuf [dreg:s6], $0x5FFFF;
	_ =	strace $0x90000046  }
0xb2: {  	s29 =	simm.s32 $0x9;
	_ =	strace $0x80000048  }
0xb3: {  	_ =	swait.ge [sflag:s29], $0x1  }
0xb4: {  	[sflag:s29] =	ssyncadd.s32 $0xFFFFFFFF  }
0xb5: {  	_ =	strace $0x90000048  }
0xb6: {  	_ =	sfence  }
0xb7: {  	s30 =	sld [smem:$0x0];
	_ =	sdelay $0x2  }
0xb8: {  	s31 =	sshll.u32 s1, $0xD;
	s1 =	sshrl.u32 s1, $0x2  }
0xb9: {  	s3 =	sand.u32 $0x4000, s31;
	s1 =	sadd.s32 s1, s30  }
0xba: {  	s0 =	sor.u32 s3, s0;
	s1 =	sshll.u32 s1, $0x11  }
0xbb: {  	s0 =	sor.u32 s1, s0  }
0xbc: {  	s0 =	sadd.s32 $0x8F2B, s0  }
0xbd: {  	[sflag:s0] =	ssyncadd.remote.s32 $0x1  }
0xbe: {  	_ =	sfence.sel $0xFFFF  }
0xbf: {  	[dreg:$0x0] =	wrdreg $0xFFFFFFFF;
	(pc) =	sbr.abs _section_cstart, $3  }
0xc0: {  	[dreg:$0x1] =	wrdreg $0xFFFFFFFF  }
0xc1: {  	_ =	task.clear_ibuf [dreg:s6], $0x2FFFF;
	_ =	strace $0x9FFFFFFF  }
0xc2: {  	(tm) =	ssettm $0x7FFFFFFF  }
0xc3: {  	_ =	shalt  }
tec
execute0_lowered:
.L_overlay_start_1:
0x0: {  	(tag) =	ssettag $0x1  }
0x1: {  	s6 =	rddreg [dreg:$0x0];
	s3 =	srdreg.scid  }
0x2: {  	s1 =	rddreg [dreg:$0x1];
	s7 =	sand.u32 $0x1, s3  }
0x3: {  	s0 =	rddreg [dreg:$0x2];
	s4 =	smul.u32 $0x5000, s7  }
0x4: {  	s2 =	simm.s32 $0x0;
	s3 =	stileid.u32;
	s8 =	smul.u32 $0x28000, s7  }
0x5: {  	[smem:$0x7FF] =	sst s2;
	s10 =	smul.u32 $0x50000, s3  }
0x6: {  	s5 =	sadd.s32 $0x10400, s6;
	_ =	strace $0x80000047;
	s12 =	smul.u32 $0x500, s3  }
0x7: {  	s30 =	ssub.s32 $0x2, s7;
	s11 =	sshll.u32 s3, $0x6;
	s14 =	smul.u32 $0x2800, s3  }
0x8: {  	s7 =	sshrl.u32 s30, $0x1;
	s9 =	sadd.s32 s4, s6;
	s4 =	sadd.s32 $0x12C00, s6  }
0x9: {  	s8 =	sadd.s32 s8, s6;
	s10 =	sshrl.u32 s10, $0x2;
	s7 =	ssub.s32 s30, s7  }
0xa: {  	s6 =	sor.u32 $0x1C01, s11;
	s10 =	sadd.s32 s10, s1;
	s31 =	sadd.s32 $0x6400, s9  }
0xb: {  	s13 =	sadd.s32 $0x13400, s8;
	s7 =	smax.u32 s7, $0x1;
	s9 =	simm.s32 $0x1  }
0xc: {  	s8 =	sshrl.u32 s10, $0x3;
	s10 =	simm.s32 $0x2800;
	s11 =	sadd.s32 s12, s31  }
0xd: {  	s12 =	simm.s32 $0x7D;
	s13 =	sadd.s32 s14, s13;
	s14 =	simm.s32 $0x0  }
.LBB2_1:
0xe: {  	[spmem:s8], [sflag:s6] =	dma.local [hbm:s5], $0x2800  }
0xf: {  	_ =	swait.ge [sflag:s9], $0x2800  }
0x10: {  	[sflag:s9] =	ssyncset.done $0x0  }
0x11: {  	[sflag:s9] =	ssyncadd.s32 $0xFFFFD800  }
0x12: {  	[tilespmem:s10], [sflag:$0x1] =	stream.linear.gather [hbm4b:s4+s2], $0x3E80, $0x38;
	[tilespmem:$0x1A800] =	vst v63  }
0x13: {  	_ =	swait.ge [sflag:s9], $0x3E80  }
0x14: {  	[sflag:s9] =	ssyncset.done $0x0  }
0x15: {  	[sflag:s9] =	ssyncadd.s32 $0xFFFFC180  }
0x16: {  	[tilespmem:s2], [sflag:$0x1] =	stream.linear.gather [hbm4b:s11+s2], $0x2800, $0x38;
	[tilespmem:$0x1A800] =	vst v63  }
0x17: {  	_ =	swait.ge [sflag:s9], $0x2800  }
0x18: {  	[sflag:s9] =	ssyncset.done $0x0  }
0x19: {  	[sflag:s9] =	ssyncadd.s32 $0xFFFFD800  }
0x1a: {  	s15 =	simm.s32 $0x0;
	[bflag:$0x0] =	sbarrier.arrive $0xFFFF  }
0x1b: {  	[spmem:s1] =	stream.indirect.scatter.add.f32 [tilespmem:s10], [sflag:$0x1], $0x80, s15, s12, $0xb8;
	[tilespmem:$0x1A800] =	vst v63  }
0x1c: {  	_ =	swait.ge [sflag:s9], $0x3E80  }
0x1d: {  	s15 =	simm.s32 $0x200;
	[sflag:s9] =	ssyncset.done $0x0  }
.LBB2_2:
0x1e: {  	s16 =	sshra.s32 s15, $0x2;
	[sflag:s9] =	ssyncadd.s32 $0xFFFFC180;
	p0 =	sne.s32 s15, $0x9E00  }
0x1f: {  	[spmem:s1] =	stream.indirect.scatter.add.f32 [tilespmem:s10], [sflag:$0x1], $0x80, s16, s12, $0xb8;
	[tilespmem:$0x1A800] =	vst v63  }
.Ltmp0:
0x20: {  	_ = 	snop;
	(pc) =	sbr.rel @p0 .LBB2_2-.Ltmp0, $4  }
0x21: {  	_ = 	snop  }
0x22: {  	s15 =	sadd.s32 $0x200, s15  }
0x23: {  	_ =	swait.ge [sflag:s9], $0x3E80  }
0x24: {  	[sflag:s9] =	ssyncset.done $0x0  }
0x25: {  	s14 =	sadd.s32 $0x1, s14  }
0x26: {  	[sflag:s9] =	ssyncadd.s32 $0xFFFFC180;
	p0 =	sne.s32 s14, s7  }
.Ltmp1:
0x27: {  	[bflag:$0x0] =	sbarrier.arrive $0xFFFF;
	(pc) =	sbr.rel @p0 .LBB2_1-.Ltmp1, $4  }
0x28: {  	[hbm:s13], [sflag:s6] =	dma.local [spmem:s8], $0x2800  }
0x29: {  	_ =	swait.ge [sflag:s9], $0x2800  }
0x2a: {  	[sflag:s9] =	ssyncset.done $0x0  }
0x2b: {  	[sflag:s9] =	ssyncadd.s32 $0xFFFFD800  }
0x2c: {  	_ =	sfence.sel $0x180000  }
0x2d: {  	[bflag:$0x0] =	sbarrier.arrive $0xFFFF  }
0x2e: {  	p0 =	sne.s32 s3, $0x0;
	_ =	strace $0x90000047  }
0x2f: {  	s0 =	sadd.s32 @!p0 $0x100000, s0;
	[bflag:$0x2] =	sbarrier.arrive $0xFFFF  }
0x30: {  	[sflag:s0] =	ssyncadd.tile.s32 @!p0 $0x1;
	_ =	shalt  }
.Lfunc_end2:
_tile_overlayer_lowered:
.L_overlay_start_2:
0x31: {  	(tag) =	ssettag $0x2  }
0x32: {  	s0 =	rddreg [dreg:$0x0];
	s2 =	stileid.u32  }
0x33: {  	s1 =	rddreg [dreg:$0x1];
	p0 =	sne.s32 s2, $0x0  }
0x34: {  	s3 =	rddreg [dreg:$0x2];
	[bflag:$0x3] =	sbarrier.arrive $0xFFFF;
	s2 =	simm.s32 @!p0 $0x1C01  }
0x35: {  	[timem:s3], [sflag:s2] =	dma.local @!p0 [hbm:s0], s1  }
0x36: {  	s0 =	simm.s32 @!p0 $0x1  }
0x37: {  	_ =	swait.ge @!p0 [sflag:s0], s1  }
0x38: {  	s1 =	ssub.s32 @!p0 $0x0, s1;
	[sflag:s0] =	ssyncset.done @!p0 $0x0  }
0x39: {  	[sflag:s0] =	ssyncadd.s32 @!p0 s1  }
0x3a: {  	[bflag:$0x3] =	sbarrier.arrive $0xFFFF  }
0x3b: {  	_ =	shalt  }

// kernel: kernel.15.cloned.1.call-start
scs
__scs_entry_jumppad:
0x0: {  	(pc) =	sbr.rel $0x88, $3  }
0x1: {  	(tag) =	ssettag $0x0;
	lr =	simm.s32 $0x1  }
0x2: {  	[smem:$0x3F8E] =	sst lr;
	_ =	strace $0xD0000000  }
0x3: {  	_ = 	snop  }
0x4: {  	_ = 	snop  }
0x5: {  	_ = 	snop  }
0x6: {  	_ = 	snop  }
0x7: {  	_ = 	snop  }
__scs_overlays_trampoline_lowered:
0x8: {  	[smem:$0x3F9D] =	sst s0  }
0x9: {  	[smem:$0x3F9E] =	sst s1  }
0xa: {  	[smem:$0x3F9F] =	sst s2  }
0xb: {  	[smem:$0x3FA0] =	sst s3  }
0xc: {  	[smem:$0x3FA1] =	sst s4  }
0xd: {  	[smem:$0x3FA2] =	sst s5  }
0xe: {  	[smem:$0x3FA3] =	sst s6  }
0xf: {  	[smem:$0x3FA4] =	sst s7  }
0x10: {  	[smem:$0x3FA5] =	sst s8  }
0x11: {  	[smem:$0x3FA6] =	sst s9;
	s0 =	simm.s32 @!p0 $0x0  }
0x12: {  	s1 =	sld [smem:$0x3F8C];
	s0 =	simm.s32 @p0 $0x1  }
0x13: {  	[smem:$0x3FA7] =	sst s0;
	s0 =	simm.s32 @!p1 $0x0  }
0x14: {  	s2 =	sld [smem:$0x3F8B];
	s0 =	simm.s32 @p1 $0x1  }
0x15: {  	[smem:$0x3FA8] =	sst s0;
	s0 =	simm.s32 @!p2 $0x0  }
0x16: {  	s3 =	sld [smem:$0x3FDB];
	s0 =	simm.s32 @p2 $0x1  }
0x17: {  	s4 =	simm.s32 $0x1BF5;
	[smem:$0x3FAA] =	sst s0  }
0x18: {  	s0 =	sld [smem:$0x3F8D];
	_ =	swait.ge [sflag:s4], $0x0  }
0x19: {  	s7 =	sld [smem:$0x3F8E]  }
0x1a: {  	s8 =	sadd.s32 $0xFFFFE003, lr  }
0x1b: {  	s9 =	sadd.s32 $0xFFFFFEF7, lr;
	s5 =	simm.s32 $0xFFFFFFFF;
	p2 =	slt.u32 s8, $0xFFFFF086  }
0x1c: {  	p1 =	slt.u32 s9, $0xF7A;
	s5 =	simm.s32 @!p2 $0x0  }
0x1d: {  	s5 =	simm.s32 @p1 $0x1;
	p0 =	seq.s32 s7, s2  }
0x1e: {  	s7 =	smul.u32 @!p0 $0xF7A, s2;
	p2 =	seq.s32 @!p0 s5, $0x0  }
0x1f: {  	s9 =	smul.u32 $0xF7A, s1;
	s8 =	simm.s32 @!p0 $0x1BF5;
	p2 =	por !p2, p0  }
0x20: {  	[sflag:s8] =	ssyncset.s32 @!p0 $0xFFFFF086;
	s6 =	sadd.s32 @!p0 s3, s7;
	s7 =	simm.s32 @!p0 $0x108  }
0x21: {  	s3 =	sadd.s32 s3, s9;
	s6 =	sadd.s32 @!p0 $0x88, s6;
	s7 =	simm.s32 @p2 $0x1082  }
0x22: {  	[simem:s7], [sflag:s8] =	dma.local @!p0 [hbm:s6], $0xF7A  }
0x23: {  	s9 =	sor.u32 $0xD0000000, s2;
	s6 =	simm.s32 $0x108;
	_ =	swait.ge @!p0 [sflag:s8], $0x0  }
0x24: {  	s3 =	sadd.s32 $0x88, s3;
	s6 =	simm.s32 @!p1 $0x1082;
	[sflag:s4] =	ssyncset.s32 $0xFFFFF086  }
0x25: {  	[simem:s6], [sflag:s4] =	dma.local [hbm:s3], $0xF7A  }
0x26: {  	[smem:$0x3F8E] =	sst s1;
	(tag) =	ssettag s2;
	_ =	strace s9  }
0x27: {  	s1 =	sld [smem:$0x3F9E]  }
0x28: {  	s2 =	sld [smem:$0x3F9F]  }
0x29: {  	s4 =	sld [smem:$0x3FA1]  }
0x2a: {  	p0 =	seq.s32 s5, $0x0;
	s5 =	sld [smem:$0x3FA2]  }
0x2b: {  	s6 =	sld [smem:$0x3FA3]  }
0x2c: {  	s7 =	sld [smem:$0x3FA4]  }
0x2d: {  	s3 =	simm.s32 $0x108;
	s8 =	sld [smem:$0x3FA5]  }
0x2e: {  	s3 =	simm.s32 @!p0 $0x1082;
	s9 =	sld [smem:$0x3FA6]  }
0x2f: {  	lr =	sadd.s32 s0, s3;
	s0 =	sld [smem:$0x3F9D]  }
0x30: {  	s3 =	sld [smem:$0x3FA0]  }
0x31: {  	[smem:$0x3FA9] =	sst s10  }
0x32: {  	s10 =	sld [smem:$0x3FA7];
	_ =	sdelay $0x3  }
0x33: {  	p0 =	seq.s32 s10, $0x1;
	s10 =	sld [smem:$0x3FA9];
	_ =	sdelay $0x3  }
0x34: {  	[smem:$0x3FA9] =	sst s10  }
0x35: {  	s10 =	sld [smem:$0x3FA8];
	_ =	sdelay $0x3  }
0x36: {  	p1 =	seq.s32 s10, $0x1;
	s10 =	sld [smem:$0x3FA9];
	_ =	sdelay $0x3  }
0x37: {  	[smem:$0x3FA9] =	sst s10  }
0x38: {  	s10 =	sld [smem:$0x3FAA]  }
0x39: {  	_ = 	snop;
	(pc) =	sbr.ind lr, $3  }
0x3a: {  	_ = 	snop  }
0x3b: {  	_ = 	snop  }
0x3c: {  	p2 =	seq.s32 s10, $0x1;
	s10 =	sld [smem:$0x3FA9]  }
0x3d: {  	_ =	shalt  }
0x3e: {  	_ =	shalt  }
0x3f: {  	_ =	shalt  }
0x40: {  	_ =	shalt  }
0x41: {  	_ =	shalt  }
0x42: {  	_ =	shalt  }
0x43: {  	_ =	shalt  }
0x44: {  	_ =	shalt  }
0x45: {  	_ =	shalt  }
0x46: {  	_ =	shalt  }
0x47: {  	_ =	shalt  }
0x48: {  	_ =	shalt  }
0x49: {  	_ =	shalt  }
0x4a: {  	_ =	shalt  }
0x4b: {  	_ =	shalt  }
0x4c: {  	_ =	shalt  }
0x4d: {  	_ =	shalt  }
0x4e: {  	_ =	shalt  }
0x4f: {  	_ =	shalt  }
0x50: {  	_ =	shalt  }
0x51: {  	_ =	shalt  }
0x52: {  	_ =	shalt  }
0x53: {  	_ =	shalt  }
0x54: {  	_ =	shalt  }
0x55: {  	_ =	shalt  }
0x56: {  	_ =	shalt  }
0x57: {  	_ =	shalt  }
0x58: {  	_ =	shalt  }
0x59: {  	_ =	shalt  }
0x5a: {  	_ =	shalt  }
0x5b: {  	_ =	shalt  }
0x5c: {  	_ =	shalt  }
0x5d: {  	_ =	shalt  }
0x5e: {  	_ =	shalt  }
0x5f: {  	_ =	shalt  }
0x60: {  	_ =	shalt  }
0x61: {  	_ =	shalt  }
0x62: {  	_ =	shalt  }
0x63: {  	_ =	shalt  }
0x64: {  	_ =	shalt  }
0x65: {  	_ =	shalt  }
0x66: {  	_ =	shalt  }
0x67: {  	_ =	shalt  }
0x68: {  	_ =	shalt  }
0x69: {  	_ =	shalt  }
0x6a: {  	_ =	shalt  }
0x6b: {  	_ =	shalt  }
0x6c: {  	_ =	shalt  }
0x6d: {  	_ =	shalt  }
0x6e: {  	_ =	shalt  }
0x6f: {  	_ =	shalt  }
0x70: {  	_ =	shalt  }
0x71: {  	_ =	shalt  }
0x72: {  	_ =	shalt  }
0x73: {  	_ =	shalt  }
0x74: {  	_ =	shalt  }
0x75: {  	_ =	shalt  }
0x76: {  	_ =	shalt  }
0x77: {  	_ =	shalt  }
0x78: {  	_ =	shalt  }
0x79: {  	_ =	shalt  }
0x7a: {  	_ =	shalt  }
0x7b: {  	_ =	shalt  }
0x7c: {  	_ =	shalt  }
0x7d: {  	_ =	shalt  }
0x7e: {  	_ =	shalt  }
0x7f: {  	_ =	shalt  }
0x80: {  	_ =	shalt  }
0x81: {  	_ =	shalt  }
0x82: {  	_ =	shalt  }
0x83: {  	_ =	shalt  }
0x84: {  	_ =	shalt  }
0x85: {  	_ =	shalt  }
0x86: {  	_ =	shalt  }
0x87: {  	_ =	shalt  }
.Lfunc_end0:
.L_simem_size_0:
called_computation.1_lowered:
.L_overlay_start_0:
0x88: {  	s2 =	sld [smem:$0x3FD9]  }
0x89: {  	s3 =	sld [smem:$0x3FFE];
	_ =	sdelay $0x1  }
0x8a: {  	s1 =	srdreg.scid  }
0x8b: {  	s0 =	sand.u32 $0x1, s1  }
0x8c: {  	s16 =	sshll.u32 s0, $0xA;
	s2 =	sadd.s32 s3, s2  }
0x8d: {  	s2 =	sadd.s32 s2, s16  }
0x8e: {  	[smem:$0x3FB5] =	sst s2  }
0x8f: {  	_ = 	snop  }
0x90: {  	(tm) =	ssettm $0x1  }
0x91: {  	s17 =	sld [smem:$0x3FFB];
	_ =	sdelay $0x3  }
0x92: {  	_ =	strace s17  }
0x93: {  	s2 =	sld [smem:$0x3FFC];
	_ =	sdelay $0x3  }
0x94: {  	_ =	strace s2  }
0x95: {  	s2 =	sld [smem:$0x3FFD];
	_ =	sdelay $0x3  }
0x96: {  	_ =	strace s2  }
0x97: {  	_ =	strace $0x8FFFFFFF  }
0x98: {  	s18 =	sld [smem:$0x3FDB];
	_ =	sdelay $0x1  }
0x99: {  	s19 =	simm.s32 $_scs_section_size  }
0x9a: {  	s4 =	simm.s32 $_size__tile_overlayer_lowered;
	s5 =	simm.s32 $_tile_overlayer_lowered  }
0x9b: {  	s22 =	simm.s32 $0x1BFF;
	s21 =	sshll.u32 s5, $0x1;
	s2 =	sadd.s32 s19, s18  }
0x9c: {  	s6 =	simm.s32 $0x0;
	s20 =	sshll.u32 s4, $0x1;
	s4 =	sadd.s32 s21, s2  }
0x9d: {  	[timem:s6], [sflag:s22] =	dma.local [hbm:s4], s20  }
0x9e: {  	_ =	swait.ge [sflag:s22], s20  }
0x9f: {  	s3 =	ssub.s32 $0x0, s20;
	[sflag:s22] =	ssyncset.done $0x0  }
0xa0: {  	[sflag:s22] =	ssyncadd.s32 s3;
	_ =	sdelay $0x1  }
0xa1: {  	s23 =	simm.s32 $0x1B8B  }
0xa2: {  	_ =	swait.ge [sflag:s23], $0x1  }
0xa3: {  	[sflag:s23] =	ssyncset.done $0x0  }
0xa4: {  	s25 =	simm.s32 $0x1B8E;
	s24 =	sld [smem:$0x3FFE];
	[sflag:s23] =	ssyncadd.s32 $0xFFFFFFFF  }
0xa5: {  	s26 =	simm.s32 $execute0_lowered;
	[smem:$0x3FD2] =	sst s25  }
0xa6: {  	s4 =	sshll.u32 s26, $0x1;
	_ =	strace $0x80000049;
	[dreg:$0x1] =	wrdreg $0xFFFFFFFF  }
0xa7: {  	s28 =	simm.s32 $_size_execute0_lowered;
	s2 =	sadd.s32 s2, s4;
	[dreg:$0x0] =	wrdreg $0x0  }
0xa8: {  	s4 =	sshll.u32 s28, $0x1;
	[dreg:$0x2] =	wrdreg s2  }
0xa9: {  	[dreg:$0x3] =	wrdreg s4  }
0xaa: {  	[dreg:$0x4] =	wrdreg $0xC0  }
0xab: {  	_ =	task [dreg:s6], $0x5FFFF  }
0xac: {  	[dreg:$0x1] =	wrdreg $0xFFFFFFFF  }
0xad: {  	[dreg:$0x0] =	wrdreg $0x60  }
0xae: {  	[dreg:$0x2] =	wrdreg s24  }
0xaf: {  	[dreg:$0x3] =	wrdreg $0x90000  }
0xb0: {  	[dreg:$0x4] =	wrdreg $0x9  }
0xb1: {  	_ =	task.clear_ibuf [dreg:s6], $0x5FFFF;
	_ =	strace $0x90000049  }
0xb2: {  	s29 =	simm.s32 $0x9;
	_ =	strace $0x8000004B  }
0xb3: {  	_ =	swait.ge [sflag:s29], $0x1  }
0xb4: {  	[sflag:s29] =	ssyncadd.s32 $0xFFFFFFFF  }
0xb5: {  	_ =	strace $0x9000004B  }
0xb6: {  	_ =	sfence  }
0xb7: {  	s30 =	sld [smem:$0x0];
	_ =	sdelay $0x2  }
0xb8: {  	s31 =	sshll.u32 s1, $0xD;
	s1 =	sshrl.u32 s1, $0x2  }
0xb9: {  	s3 =	sand.u32 $0x4000, s31;
	s1 =	sadd.s32 s1, s30  }
0xba: {  	s0 =	sor.u32 s3, s0;
	s1 =	sshll.u32 s1, $0x11  }
0xbb: {  	s0 =	sor.u32 s1, s0  }
0xbc: {  	s0 =	sadd.s32 $0x8F2B, s0  }
0xbd: {  	[sflag:s0] =	ssyncadd.remote.s32 $0x1  }
0xbe: {  	_ =	sfence.sel $0xFFFF  }
0xbf: {  	[dreg:$0x0] =	wrdreg $0xFFFFFFFF;
	(pc) =	sbr.abs _section_cstart, $3  }
0xc0: {  	[dreg:$0x1] =	wrdreg $0xFFFFFFFF  }
0xc1: {  	_ =	task.clear_ibuf [dreg:s6], $0x2FFFF;
	_ =	strace $0x9FFFFFFF  }
0xc2: {  	(tm) =	ssettm $0x7FFFFFFF  }
0xc3: {  	_ =	shalt  }
tec
execute0_lowered:
.L_overlay_start_1:
0x0: {  	(tag) =	ssettag $0x1  }
0x1: {  	s0 =	rddreg [dreg:$0x0]  }
0x2: {  	s2 =	rddreg [dreg:$0x1];
	s3 =	simm.s32 $0x0;
	s12 =	stileid.u32  }
0x3: {  	s6 =	srdreg.scid;
	s17 =	simm.s32 $0x3;
	s18 =	simm.s32 $0x800  }
0x4: {  	s15 =	simm.s32 $0x80;
	s14 =	simm.s32 $0x880;
	s16 =	simm.s32 $0x100  }
0x5: {  	s28 =	simm.s32 $0x200;
	s29 =	simm.s32 $0xA00;
	s30 =	simm.s32 $0x280  }
0x6: {  	s31 =	simm.s32 $0x0;
	[smem:$0x7FF] =	sst s3;
	s1 =	smul.u32 $0xA00, s12  }
0x7: {  	s4 =	sadd.s32 $0x6400, s0;
	s5 =	sadd.s32 $0x2E400, s0;
	s8 =	smul.u32 $0x50000, s12  }
0x8: {  	s6 =	sand.u32 $0x1, s6;
	s9 =	sadd.s32 $0x9F400, s0;
	s13 =	smul.u32 $0x2800, s12  }
0x9: {  	s24 =	sshll.u32 s12, $0x6;
	_ =	strace $0x8000004A;
	[dreg:$0x3] =	wrdreg s9  }
0xa: {  	s7 =	ssub.s32 $0x2, s6;
	p0 =	seq.s32 s6, $0x1;
	[dreg:$0x7] =	wrdreg s24  }
0xb: {  	s26 =	sor.u32 $0x1C03, s24;
	s24 =	simm.s32 $0x2;
	s9 =	simm.s32 $0xB00  }
0xc: {  	s1 =	sadd.s32 s1, s0;
	s19 =	sshrl.u32 s7, $0x1;
	s0 =	sadd.s32 $0xC7400, s0  }
0xd: {  	s21 =	sshrl.u32 s8, $0x2;
	s23 =	sadd.s32 s4, s13;
	[dreg:$0x4] =	wrdreg s13  }
0xe: {  	s25 =	sadd.s32 s5, s13;
	[dreg:$0xa] =	wrdreg s26;
	s26 =	simm.s32 $0x980  }
0xf: {  	s13 =	simm.s32 $0x380;
	[dreg:$0x5] =	wrdreg s0;
	s20 =	ssub.s32 s7, s19  }
0x10: {  	s22 =	sadd.s32 s21, s2;
	[dreg:$0x6] =	wrdreg s23;
	s10 =	sadd.s32 $0x6D400, s1  }
.Ltmp0:
0x11: {  	s11 =	sadd.s32 $0x63400, s1;
	[dreg:$0x8] =	wrdreg s25;
	(pc) =	sbr.rel .LBB2_1-.Ltmp0, $4  }
0x12: {  	s19 =	simm.s32 $0x7D;
	s21 =	simm.s32 $0x1;
	s23 =	simm.s32 $0x5000  }
0x13: {  	s25 =	simm.s32 $0x180;
	s1 =	simm.s32 $0x300;
	s0 =	smax.u32 s20, $0x1  }
0x14: {  	s12 =	sshrl.u32 s22, $0x3;
	s20 =	simm.s32 $0x1000;
	[dreg:$0x9] =	wrdreg s0  }
0x15: {  	s22 =	simm.s32 $0x900;
	s0 =	simm.s32 $0xA80;
	[dreg:$0xb] =	wrdreg s12  }
.LBB2_7:
0x16: {  	s7 =	sadd.s32 s8, s10;
	[sflag:s17] =	ssyncadd.s32 $0xFFFFC180  }
0x17: {  	[tilespmem:s3], [sflag:$0x3] =	stream.linear.gather [hbm4b:s7+s3], $0x800, $0x38;
	[tilespmem:$0x1D000] =	vst v63  }
0x18: {  	_ =	swait.ge [sflag:s17], $0x800  }
0x19: {  	[sflag:s17] =	ssyncset.done $0x0  }
0x1a: {  	s14 =	sadd.s32 s8, s11;
	[sflag:s17] =	ssyncadd.s32 $0xFFFFF800  }
0x1b: {  	[tilespmem:s18], [sflag:$0x3] =	stream.linear.gather [hbm4b:s14+s3], $0x800, $0x38;
	[tilespmem:$0x1D000] =	vst v63  }
0x1c: {  	_ =	swait.ge [sflag:s17], $0x800  }
0x1d: {  	[sflag:s17] =	ssyncset.done $0x0  }
0x1e: {  	[sflag:s17] =	ssyncadd.s32 $0xFFFFF800  }
0x1f: {  	[tilespmem:s20], [sflag:$0x1] =	stream.indirect.gather [hbm4b:s5+s19], $0x80, s3, s19, $0xb8;
	[tilespmem:$0x1D000] =	vst v63  }
0x20: {  	_ =	swait.ge [sflag:s21], $0x3E80  }
0x21: {  	[sflag:s21] =	ssyncset.done $0x0  }
0x22: {  	[sflag:s21] =	ssyncadd.s32 $0xFFFFC180  }
0x23: {  	[spmem:s2] =	stream.indirect.scatter.add.f32 [tilespmem:s20], [sflag:$0x2], $0x80, s18, s19, $0xb8;
	[tilespmem:$0x1D000] =	vst v63  }
0x24: {  	_ = 	snop  }
0x25: {  	[tilespmem:s23], [sflag:$0x1] =	stream.indirect.gather [hbm4b:s5+s19], $0x80, s15, s19, $0xb8;
	[tilespmem:$0x1D000] =	vst v63  }
0x26: {  	_ =	swait.ge [sflag:s24], $0x3E80  }
0x27: {  	[sflag:s24] =	ssyncset.done $0x0  }
0x28: {  	[sflag:s24] =	ssyncadd.s32 $0xFFFFC180  }
0x29: {  	_ =	swait.ge [sflag:s21], $0x3E80  }
0x2a: {  	[sflag:s21] =	ssyncset.done $0x0  }
0x2b: {  	[sflag:s21] =	ssyncadd.s32 $0xFFFFC180  }
0x2c: {  	[spmem:s2] =	stream.indirect.scatter.add.f32 [tilespmem:s23], [sflag:$0x3], $0x80, s16, s19, $0xb8;
	[tilespmem:$0x1D000] =	vst v63  }
0x2d: {  	_ =	swait.ge [sflag:s17], $0x3E80  }
0x2e: {  	[sflag:s17] =	ssyncset.done $0x0  }
0x2f: {  	[sflag:s17] =	ssyncadd.s32 $0xFFFFC180  }
0x30: {  	[tilespmem:s20], [sflag:$0x1] =	stream.indirect.gather [hbm4b:s5+s19], $0x80, s22, s19, $0xb8;
	[tilespmem:$0x1D000] =	vst v63  }
0x31: {  	_ =	swait.ge [sflag:s21], $0x3E80  }
0x32: {  	[sflag:s21] =	ssyncset.done $0x0  }
0x33: {  	[sflag:s21] =	ssyncadd.s32 $0xFFFFC180  }
0x34: {  	[spmem:s2] =	stream.indirect.scatter.add.f32 [tilespmem:s20], [sflag:$0x2], $0x80, s25, s19, $0xb8;
	[tilespmem:$0x1D000] =	vst v63  }
0x35: {  	_ = 	snop  }
0x36: {  	[tilespmem:s23], [sflag:$0x1] =	stream.indirect.gather [hbm4b:s5+s19], $0x80, s26, s19, $0xb8;
	[tilespmem:$0x1D000] =	vst v63  }
0x37: {  	_ =	swait.ge [sflag:s24], $0x3E80  }
0x38: {  	[sflag:s24] =	ssyncset.done $0x0  }
0x39: {  	[sflag:s24] =	ssyncadd.s32 $0xFFFFC180  }
0x3a: {  	_ =	swait.ge [sflag:s21], $0x3E80  }
0x3b: {  	[sflag:s21] =	ssyncset.done $0x0  }
0x3c: {  	[sflag:s21] =	ssyncadd.s32 $0xFFFFC180  }
0x3d: {  	[spmem:s2] =	stream.indirect.scatter.add.f32 [tilespmem:s23], [sflag:$0x3], $0x80, s28, s19, $0xb8;
	[tilespmem:$0x1D000] =	vst v63  }
0x3e: {  	_ =	swait.ge [sflag:s17], $0x3E80  }
0x3f: {  	[sflag:s17] =	ssyncset.done $0x0  }
0x40: {  	[sflag:s17] =	ssyncadd.s32 $0xFFFFC180  }
0x41: {  	[tilespmem:s20], [sflag:$0x1] =	stream.indirect.gather [hbm4b:s5+s19], $0x80, s29, s19, $0xb8;
	[tilespmem:$0x1D000] =	vst v63  }
0x42: {  	_ =	swait.ge [sflag:s21], $0x3E80  }
0x43: {  	[sflag:s21] =	ssyncset.done $0x0  }
0x44: {  	[sflag:s21] =	ssyncadd.s32 $0xFFFFC180  }
0x45: {  	[spmem:s2] =	stream.indirect.scatter.add.f32 [tilespmem:s20], [sflag:$0x2], $0x80, s30, s19, $0xb8;
	[tilespmem:$0x1D000] =	vst v63  }
0x46: {  	_ = 	snop  }
0x47: {  	[tilespmem:s23], [sflag:$0x1] =	stream.indirect.gather [hbm4b:s5+s19], $0x80, s31, s19, $0xb8;
	[tilespmem:$0x1D000] =	vst v63  }
0x48: {  	_ =	swait.ge [sflag:s24], $0x3E80  }
0x49: {  	[sflag:s24] =	ssyncset.done $0x0  }
0x4a: {  	[sflag:s24] =	ssyncadd.s32 $0xFFFFC180  }
0x4b: {  	_ =	swait.ge [sflag:s21], $0x3E80  }
0x4c: {  	[sflag:s21] =	ssyncset.done $0x0  }
0x4d: {  	[sflag:s21] =	ssyncadd.s32 $0xFFFFC180  }
0x4e: {  	[spmem:s2] =	stream.indirect.scatter.add.f32 [tilespmem:s23], [sflag:$0x3], $0x80, s0, s19, $0xb8;
	[tilespmem:$0x1D000] =	vst v63  }
0x4f: {  	_ =	swait.ge [sflag:s17], $0x3E80  }
0x50: {  	[sflag:s17] =	ssyncset.done $0x0  }
0x51: {  	[sflag:s17] =	ssyncadd.s32 $0xFFFFC180  }
0x52: {  	[tilespmem:s20], [sflag:$0x1] =	stream.indirect.gather [hbm4b:s5+s19], $0x80, s1, s19, $0xb8;
	[tilespmem:$0x1D000] =	vst v63  }
0x53: {  	_ =	swait.ge [sflag:s21], $0x3E80  }
0x54: {  	[sflag:s21] =	ssyncset.done $0x0  }
0x55: {  	[sflag:s21] =	ssyncadd.s32 $0xFFFFC180  }
0x56: {  	[spmem:s2] =	stream.indirect.scatter.add.f32 [tilespmem:s20], [sflag:$0x2], $0x80, s9, s19, $0xb8;
	[tilespmem:$0x1D000] =	vst v63  }
0x57: {  	_ = 	snop  }
0x58: {  	[tilespmem:s23], [sflag:$0x1] =	stream.indirect.gather [hbm4b:s5+s19], $0x80, s13, s19, $0xb8;
	[tilespmem:$0x1D000] =	vst v63  }
0x59: {  	_ =	swait.ge [sflag:s24], $0x3E80  }
0x5a: {  	[sflag:s24] =	ssyncset.done $0x0  }
0x5b: {  	[sflag:s24] =	ssyncadd.s32 $0xFFFFC180  }
0x5c: {  	_ =	swait.ge [sflag:s21], $0x3E80  }
0x5d: {  	[sflag:s21] =	ssyncset.done $0x0  }
0x5e: {  	[sflag:s21] =	ssyncadd.s32 $0xFFFFC180  }
0x5f: {  	[spmem:s2] =	stream.indirect.scatter.add.f32 [tilespmem:s23], [sflag:$0x3], $0x80, s6, s19, $0xb8;
	[tilespmem:$0x1D000] =	vst v63  }
0x60: {  	_ =	swait.ge [sflag:s17], $0x3E80  }
0x61: {  	[sflag:s17] =	ssyncset.done $0x0  }
0x62: {  	s16 =	simm.s32 $0x400;
	[sflag:s17] =	ssyncadd.s32 $0xFFFFC180  }
0x63: {  	[tilespmem:s20], [sflag:$0x1] =	stream.indirect.gather [hbm4b:s5+s19], $0x80, s16, s19, $0xb8;
	[tilespmem:$0x1D000] =	vst v63  }
0x64: {  	_ =	swait.ge [sflag:s21], $0x3E80  }
0x65: {  	[sflag:s21] =	ssyncset.done $0x0  }
0x66: {  	s22 =	simm.s32 $0xC00;
	[sflag:s21] =	ssyncadd.s32 $0xFFFFC180  }
0x67: {  	[spmem:s2] =	stream.indirect.scatter.add.f32 [tilespmem:s20], [sflag:$0x2], $0x80, s22, s19, $0xb8;
	[tilespmem:$0x1D000] =	vst v63  }
0x68: {  	s25 =	simm.s32 $0x480  }
0x69: {  	[tilespmem:s23], [sflag:$0x1] =	stream.indirect.gather [hbm4b:s5+s19], $0x80, s25, s19, $0xb8;
	[tilespmem:$0x1D000] =	vst v63  }
0x6a: {  	_ =	swait.ge [sflag:s24], $0x3E80  }
0x6b: {  	[sflag:s24] =	ssyncset.done $0x0  }
0x6c: {  	[sflag:s24] =	ssyncadd.s32 $0xFFFFC180  }
0x6d: {  	_ =	swait.ge [sflag:s21], $0x3E80  }
0x6e: {  	[sflag:s21] =	ssyncset.done $0x0  }
0x6f: {  	s26 =	simm.s32 $0xC80;
	[sflag:s21] =	ssyncadd.s32 $0xFFFFC180  }
0x70: {  	[spmem:s2] =	stream.indirect.scatter.add.f32 [tilespmem:s23], [sflag:$0x3], $0x80, s26, s19, $0xb8;
	[tilespmem:$0x1D000] =	vst v63  }
0x71: {  	_ =	swait.ge [sflag:s17], $0x3E80  }
0x72: {  	[sflag:s17] =	ssyncset.done $0x0  }
0x73: {  	s1 =	simm.s32 $0x500;
	[sflag:s17] =	ssyncadd.s32 $0xFFFFC180  }
0x74: {  	[tilespmem:s20], [sflag:$0x1] =	stream.indirect.gather [hbm4b:s5+s19], $0x80, s1, s19, $0xb8;
	[tilespmem:$0x1D000] =	vst v63  }
0x75: {  	_ =	swait.ge [sflag:s21], $0x3E80  }
0x76: {  	[sflag:s21] =	ssyncset.done $0x0  }
0x77: {  	s6 =	simm.s32 $0xD00;
	[sflag:s21] =	ssyncadd.s32 $0xFFFFC180  }
0x78: {  	[spmem:s2] =	stream.indirect.scatter.add.f32 [tilespmem:s20], [sflag:$0x2], $0x80, s6, s19, $0xb8;
	[tilespmem:$0x1D000] =	vst v63  }
0x79: {  	s7 =	simm.s32 $0x580  }
0x7a: {  	[tilespmem:s23], [sflag:$0x1] =	stream.indirect.gather [hbm4b:s5+s19], $0x80, s7, s19, $0xb8;
	[tilespmem:$0x1D000] =	vst v63  }
0x7b: {  	_ =	swait.ge [sflag:s24], $0x3E80  }
0x7c: {  	[sflag:s24] =	ssyncset.done $0x0  }
0x7d: {  	[sflag:s24] =	ssyncadd.s32 $0xFFFFC180  }
0x7e: {  	_ =	swait.ge [sflag:s21], $0x3E80  }
0x7f: {  	[sflag:s21] =	ssyncset.done $0x0  }
0x80: {  	s8 =	simm.s32 $0xD80;
	[sflag:s21] =	ssyncadd.s32 $0xFFFFC180  }
0x81: {  	[spmem:s2] =	stream.indirect.scatter.add.f32 [tilespmem:s23], [sflag:$0x3], $0x80, s8, s19, $0xb8;
	[tilespmem:$0x1D000] =	vst v63  }
0x82: {  	_ =	swait.ge [sflag:s17], $0x3E80  }
0x83: {  	[sflag:s17] =	ssyncset.done $0x0  }
0x84: {  	s9 =	simm.s32 $0x600;
	[sflag:s17] =	ssyncadd.s32 $0xFFFFC180  }
0x85: {  	[tilespmem:s20], [sflag:$0x1] =	stream.indirect.gather [hbm4b:s5+s19], $0x80, s9, s19, $0xb8;
	[tilespmem:$0x1D000] =	vst v63  }
0x86: {  	_ =	swait.ge [sflag:s21], $0x3E80  }
0x87: {  	[sflag:s21] =	ssyncset.done $0x0  }
0x88: {  	s12 =	simm.s32 $0xE00;
	[sflag:s21] =	ssyncadd.s32 $0xFFFFC180  }
0x89: {  	[spmem:s2] =	stream.indirect.scatter.add.f32 [tilespmem:s20], [sflag:$0x2], $0x80, s12, s19, $0xb8;
	[tilespmem:$0x1D000] =	vst v63  }
0x8a: {  	s13 =	simm.s32 $0x680  }
0x8b: {  	[tilespmem:s23], [sflag:$0x1] =	stream.indirect.gather [hbm4b:s5+s19], $0x80, s13, s19, $0xb8;
	[tilespmem:$0x1D000] =	vst v63  }
0x8c: {  	_ =	swait.ge [sflag:s24], $0x3E80  }
0x8d: {  	[sflag:s24] =	ssyncset.done $0x0  }
0x8e: {  	[sflag:s24] =	ssyncadd.s32 $0xFFFFC180  }
0x8f: {  	_ =	swait.ge [sflag:s21], $0x3E80  }
0x90: {  	[sflag:s21] =	ssyncset.done $0x0  }
0x91: {  	s14 =	simm.s32 $0xE80;
	[sflag:s21] =	ssyncadd.s32 $0xFFFFC180  }
0x92: {  	[spmem:s2] =	stream.indirect.scatter.add.f32 [tilespmem:s23], [sflag:$0x3], $0x80, s14, s19, $0xb8;
	[tilespmem:$0x1D000] =	vst v63  }
0x93: {  	_ =	swait.ge [sflag:s17], $0x3E80  }
0x94: {  	[sflag:s17] =	ssyncset.done $0x0  }
0x95: {  	s16 =	simm.s32 $0x700;
	[sflag:s17] =	ssyncadd.s32 $0xFFFFC180  }
0x96: {  	[tilespmem:s20], [sflag:$0x1] =	stream.indirect.gather [hbm4b:s5+s19], $0x80, s16, s19, $0xb8;
	[tilespmem:$0x1D000] =	vst v63  }
0x97: {  	_ =	swait.ge [sflag:s21], $0x3E80  }
0x98: {  	[sflag:s21] =	ssyncset.done $0x0  }
0x99: {  	s22 =	simm.s32 $0xF00;
	[sflag:s21] =	ssyncadd.s32 $0xFFFFC180  }
0x9a: {  	[spmem:s2] =	stream.indirect.scatter.add.f32 [tilespmem:s20], [sflag:$0x2], $0x80, s22, s19, $0xb8;
	[tilespmem:$0x1D000] =	vst v63  }
0x9b: {  	s25 =	simm.s32 $0x780  }
0x9c: {  	[tilespmem:s23], [sflag:$0x1] =	stream.indirect.gather [hbm4b:s5+s19], $0x80, s25, s19, $0xb8;
	[tilespmem:$0x1D000] =	vst v63  }
0x9d: {  	_ =	swait.ge [sflag:s24], $0x3E80  }
0x9e: {  	[sflag:s24] =	ssyncset.done $0x0  }
0x9f: {  	s28 =	simm.s32 $0x200;
	[sflag:s24] =	ssyncadd.s32 $0xFFFFC180  }
0xa0: {  	s29 =	simm.s32 $0xA00;
	s30 =	simm.s32 $0x280;
	_ =	swait.ge [sflag:s21], $0x3E80  }
0xa1: {  	s0 =	simm.s32 $0xA80;
	s26 =	simm.s32 $0xF80;
	[sflag:s21] =	ssyncset.done $0x0  }
0xa2: {  	s1 =	simm.s32 $0x300;
	s9 =	simm.s32 $0xB00;
	[sflag:s21] =	ssyncadd.s32 $0xFFFFC180  }
0xa3: {  	[spmem:s2] =	stream.indirect.scatter.add.f32 [tilespmem:s23], [sflag:$0x3], $0x80, s26, s19, $0xb8;
	[tilespmem:$0x1D000] =	vst v63  }
0xa4: {  	s13 =	simm.s32 $0x380;
	s14 =	simm.s32 $0x880;
	_ =	swait.ge [sflag:s17], $0x3E80  }
0xa5: {  	s16 =	simm.s32 $0x100;
	s22 =	simm.s32 $0x900;
	s8 =	rddreg [dreg:$0x5]  }
0xa6: {  	s25 =	simm.s32 $0x180;
	[sflag:s17] =	ssyncset.done $0x0;
	s6 =	rddreg [dreg:$0xa]  }
0xa7: {  	s26 =	simm.s32 $0x980;
	s31 =	rddreg [dreg:$0xc];
	[sflag:s17] =	ssyncadd.s32 $0xFFFFC180  }
.LBB2_8:
0xa8: {  	s7 =	rddreg [dreg:$0x4];
	[bflag:$0x0] =	sbarrier.arrive $0xFFFF  }
0xa9: {  	s7 =	sadd.s32 s8, s7;
	s12 =	rddreg [dreg:$0xb]  }
0xaa: {  	[hbm:s7], [sflag:s6] =	dma.local [spmem:s12], $0x2800  }
0xab: {  	_ =	swait.ge [sflag:s17], $0x2800  }
0xac: {  	s31 =	sadd.s32 $0x1, s31;
	s8 =	rddreg [dreg:$0x9]  }
0xad: {  	p1 =	sne.s32 s31, s8  }
.Ltmp1:
0xae: {  	_ = 	snop;
	(pc) =	sbr.rel @!p1 .LBB2_9-.Ltmp1, $3  }
0xaf: {  	_ =	sdelay $0x1  }
0xb0: {  	[sflag:s17] =	ssyncset.done $0x0  }
0xb1: {  	[sflag:s17] =	ssyncadd.s32 $0xFFFFD800  }
.LBB2_1:
.Ltmp2:
0xb2: {  	(pc) =	sbr.rel @!p0 .LBB2_2-.Ltmp2, $2  }
0xb3: {  	_ =	sdelay $0x2  }
0xb4: {  	[dreg:$0xc] =	wrdreg s31  }
0xb5: {  	s7 =	rddreg [dreg:$0x8]  }
0xb6: {  	s8 =	rddreg [dreg:$0xa]  }
0xb7: {  	[spmem:s12], [sflag:s8] =	dma.local [hbm:s7], $0x2800  }
0xb8: {  	_ =	swait.ge [sflag:s17], $0x2800  }
0xb9: {  	[sflag:s17] =	ssyncset.done $0x0  }
0xba: {  	[sflag:s17] =	ssyncadd.s32 $0xFFFFD800  }
0xbb: {  	s8 =	sadd.s32 $0x0, s10;
	[bflag:$0x0] =	sbarrier.arrive $0xFFFF  }
0xbc: {  	[tilespmem:s3], [sflag:$0x3] =	stream.linear.gather [hbm4b:s8+s3], $0x800, $0x38;
	[tilespmem:$0x1D000] =	vst v63  }
0xbd: {  	_ =	swait.ge [sflag:s17], $0x800  }
0xbe: {  	[sflag:s17] =	ssyncset.done $0x0  }
0xbf: {  	s12 =	sadd.s32 $0x0, s11;
	[sflag:s17] =	ssyncadd.s32 $0xFFFFF800  }
0xc0: {  	[tilespmem:s18], [sflag:$0x3] =	stream.linear.gather [hbm4b:s12+s3], $0x800, $0x38;
	[tilespmem:$0x1D000] =	vst v63  }
0xc1: {  	_ =	swait.ge [sflag:s17], $0x800  }
0xc2: {  	[sflag:s17] =	ssyncset.done $0x0  }
0xc3: {  	[sflag:s17] =	ssyncadd.s32 $0xFFFFF800  }
0xc4: {  	[tilespmem:s20], [sflag:$0x1] =	stream.indirect.gather [hbm4b:s5+s19], $0x80, s3, s19, $0xb8;
	[tilespmem:$0x1D000] =	vst v63  }
0xc5: {  	_ =	swait.ge [sflag:s21], $0x3E80  }
0xc6: {  	[sflag:s21] =	ssyncset.done $0x0  }
0xc7: {  	[sflag:s21] =	ssyncadd.s32 $0xFFFFC180  }
0xc8: {  	[spmem:s2] =	stream.indirect.scatter.add.f32 [tilespmem:s20], [sflag:$0x2], $0x80, s18, s19, $0xb8;
	[tilespmem:$0x1D000] =	vst v63  }
0xc9: {  	_ = 	snop  }
0xca: {  	[tilespmem:s23], [sflag:$0x1] =	stream.indirect.gather [hbm4b:s5+s19], $0x80, s15, s19, $0xb8;
	[tilespmem:$0x1D000] =	vst v63  }
0xcb: {  	_ =	swait.ge [sflag:s24], $0x3E80  }
0xcc: {  	[sflag:s24] =	ssyncset.done $0x0  }
0xcd: {  	[sflag:s24] =	ssyncadd.s32 $0xFFFFC180  }
0xce: {  	_ =	swait.ge [sflag:s21], $0x3E80  }
0xcf: {  	[sflag:s21] =	ssyncset.done $0x0  }
0xd0: {  	[sflag:s21] =	ssyncadd.s32 $0xFFFFC180  }
0xd1: {  	[spmem:s2] =	stream.indirect.scatter.add.f32 [tilespmem:s23], [sflag:$0x3], $0x80, s14, s19, $0xb8;
	[tilespmem:$0x1D000] =	vst v63  }
0xd2: {  	_ =	swait.ge [sflag:s17], $0x3E80  }
0xd3: {  	[sflag:s17] =	ssyncset.done $0x0  }
0xd4: {  	[sflag:s17] =	ssyncadd.s32 $0xFFFFC180  }
0xd5: {  	[tilespmem:s20], [sflag:$0x1] =	stream.indirect.gather [hbm4b:s5+s19], $0x80, s16, s19, $0xb8;
	[tilespmem:$0x1D000] =	vst v63  }
0xd6: {  	_ =	swait.ge [sflag:s21], $0x3E80  }
0xd7: {  	[sflag:s21] =	ssyncset.done $0x0  }
0xd8: {  	[sflag:s21] =	ssyncadd.s32 $0xFFFFC180  }
0xd9: {  	[spmem:s2] =	stream.indirect.scatter.add.f32 [tilespmem:s20], [sflag:$0x2], $0x80, s22, s19, $0xb8;
	[tilespmem:$0x1D000] =	vst v63  }
0xda: {  	_ = 	snop  }
0xdb: {  	[tilespmem:s23], [sflag:$0x1] =	stream.indirect.gather [hbm4b:s5+s19], $0x80, s25, s19, $0xb8;
	[tilespmem:$0x1D000] =	vst v63  }
0xdc: {  	_ =	swait.ge [sflag:s24], $0x3E80  }
0xdd: {  	[sflag:s24] =	ssyncset.done $0x0  }
0xde: {  	[sflag:s24] =	ssyncadd.s32 $0xFFFFC180  }
0xdf: {  	_ =	swait.ge [sflag:s21], $0x3E80  }
0xe0: {  	[sflag:s21] =	ssyncset.done $0x0  }
0xe1: {  	[sflag:s21] =	ssyncadd.s32 $0xFFFFC180  }
0xe2: {  	[spmem:s2] =	stream.indirect.scatter.add.f32 [tilespmem:s23], [sflag:$0x3], $0x80, s26, s19, $0xb8;
	[tilespmem:$0x1D000] =	vst v63  }
0xe3: {  	_ =	swait.ge [sflag:s17], $0x3E80  }
0xe4: {  	[sflag:s17] =	ssyncset.done $0x0  }
0xe5: {  	[sflag:s17] =	ssyncadd.s32 $0xFFFFC180  }
0xe6: {  	[tilespmem:s20], [sflag:$0x1] =	stream.indirect.gather [hbm4b:s5+s19], $0x80, s28, s19, $0xb8;
	[tilespmem:$0x1D000] =	vst v63  }
0xe7: {  	_ =	swait.ge [sflag:s21], $0x3E80  }
0xe8: {  	[sflag:s21] =	ssyncset.done $0x0  }
0xe9: {  	[sflag:s21] =	ssyncadd.s32 $0xFFFFC180  }
0xea: {  	[spmem:s2] =	stream.indirect.scatter.add.f32 [tilespmem:s20], [sflag:$0x2], $0x80, s29, s19, $0xb8;
	[tilespmem:$0x1D000] =	vst v63  }
0xeb: {  	_ = 	snop  }
0xec: {  	[tilespmem:s23], [sflag:$0x1] =	stream.indirect.gather [hbm4b:s5+s19], $0x80, s30, s19, $0xb8;
	[tilespmem:$0x1D000] =	vst v63  }
0xed: {  	_ =	swait.ge [sflag:s24], $0x3E80  }
0xee: {  	[sflag:s24] =	ssyncset.done $0x0  }
0xef: {  	[sflag:s24] =	ssyncadd.s32 $0xFFFFC180  }
0xf0: {  	_ =	swait.ge [sflag:s21], $0x3E80  }
0xf1: {  	[sflag:s21] =	ssyncset.done $0x0  }
0xf2: {  	[sflag:s21] =	ssyncadd.s32 $0xFFFFC180  }
0xf3: {  	[spmem:s2] =	stream.indirect.scatter.add.f32 [tilespmem:s23], [sflag:$0x3], $0x80, s0, s19, $0xb8;
	[tilespmem:$0x1D000] =	vst v63  }
0xf4: {  	_ =	swait.ge [sflag:s17], $0x3E80  }
0xf5: {  	[sflag:s17] =	ssyncset.done $0x0  }
0xf6: {  	[sflag:s17] =	ssyncadd.s32 $0xFFFFC180  }
0xf7: {  	[tilespmem:s20], [sflag:$0x1] =	stream.indirect.gather [hbm4b:s5+s19], $0x80, s1, s19, $0xb8;
	[tilespmem:$0x1D000] =	vst v63  }
0xf8: {  	_ =	swait.ge [sflag:s21], $0x3E80  }
0xf9: {  	[sflag:s21] =	ssyncset.done $0x0  }
0xfa: {  	[sflag:s21] =	ssyncadd.s32 $0xFFFFC180  }
0xfb: {  	[spmem:s2] =	stream.indirect.scatter.add.f32 [tilespmem:s20], [sflag:$0x2], $0x80, s9, s19, $0xb8;
	[tilespmem:$0x1D000] =	vst v63  }
0xfc: {  	_ = 	snop  }
0xfd: {  	[tilespmem:s23], [sflag:$0x1] =	stream.indirect.gather [hbm4b:s5+s19], $0x80, s13, s19, $0xb8;
	[tilespmem:$0x1D000] =	vst v63  }
0xfe: {  	_ =	swait.ge [sflag:s24], $0x3E80  }
0xff: {  	[sflag:s24] =	ssyncset.done $0x0  }
0x100: {  	[sflag:s24] =	ssyncadd.s32 $0xFFFFC180  }
0x101: {  	_ =	swait.ge [sflag:s21], $0x3E80  }
0x102: {  	[sflag:s21] =	ssyncset.done $0x0  }
0x103: {  	s16 =	simm.s32 $0xB80;
	[sflag:s21] =	ssyncadd.s32 $0xFFFFC180  }
0x104: {  	[spmem:s2] =	stream.indirect.scatter.add.f32 [tilespmem:s23], [sflag:$0x3], $0x80, s16, s19, $0xb8;
	[tilespmem:$0x1D000] =	vst v63  }
0x105: {  	_ =	swait.ge [sflag:s17], $0x3E80  }
0x106: {  	[sflag:s17] =	ssyncset.done $0x0  }
0x107: {  	s22 =	simm.s32 $0x400;
	[sflag:s17] =	ssyncadd.s32 $0xFFFFC180  }
0x108: {  	[tilespmem:s20], [sflag:$0x1] =	stream.indirect.gather [hbm4b:s5+s19], $0x80, s22, s19, $0xb8;
	[tilespmem:$0x1D000] =	vst v63  }
0x109: {  	_ =	swait.ge [sflag:s21], $0x3E80  }
0x10a: {  	[sflag:s21] =	ssyncset.done $0x0  }
0x10b: {  	s25 =	simm.s32 $0xC00;
	[sflag:s21] =	ssyncadd.s32 $0xFFFFC180  }
0x10c: {  	[spmem:s2] =	stream.indirect.scatter.add.f32 [tilespmem:s20], [sflag:$0x2], $0x80, s25, s19, $0xb8;
	[tilespmem:$0x1D000] =	vst v63  }
0x10d: {  	s26 =	simm.s32 $0x480  }
0x10e: {  	[tilespmem:s23], [sflag:$0x1] =	stream.indirect.gather [hbm4b:s5+s19], $0x80, s26, s19, $0xb8;
	[tilespmem:$0x1D000] =	vst v63  }
0x10f: {  	_ =	swait.ge [sflag:s24], $0x3E80  }
0x110: {  	[sflag:s24] =	ssyncset.done $0x0  }
0x111: {  	[sflag:s24] =	ssyncadd.s32 $0xFFFFC180  }
0x112: {  	_ =	swait.ge [sflag:s21], $0x3E80  }
0x113: {  	[sflag:s21] =	ssyncset.done $0x0  }
0x114: {  	s1 =	simm.s32 $0xC80;
	[sflag:s21] =	ssyncadd.s32 $0xFFFFC180  }
0x115: {  	[spmem:s2] =	stream.indirect.scatter.add.f32 [tilespmem:s23], [sflag:$0x3], $0x80, s1, s19, $0xb8;
	[tilespmem:$0x1D000] =	vst v63  }
0x116: {  	_ =	swait.ge [sflag:s17], $0x3E80  }
0x117: {  	[sflag:s17] =	ssyncset.done $0x0  }
0x118: {  	s6 =	simm.s32 $0x500;
	[sflag:s17] =	ssyncadd.s32 $0xFFFFC180  }
0x119: {  	[tilespmem:s20], [sflag:$0x1] =	stream.indirect.gather [hbm4b:s5+s19], $0x80, s6, s19, $0xb8;
	[tilespmem:$0x1D000] =	vst v63  }
0x11a: {  	_ =	swait.ge [sflag:s21], $0x3E80  }
0x11b: {  	[sflag:s21] =	ssyncset.done $0x0  }
0x11c: {  	s7 =	simm.s32 $0xD00;
	[sflag:s21] =	ssyncadd.s32 $0xFFFFC180  }
0x11d: {  	[spmem:s2] =	stream.indirect.scatter.add.f32 [tilespmem:s20], [sflag:$0x2], $0x80, s7, s19, $0xb8;
	[tilespmem:$0x1D000] =	vst v63  }
0x11e: {  	s8 =	simm.s32 $0x580  }
0x11f: {  	[tilespmem:s23], [sflag:$0x1] =	stream.indirect.gather [hbm4b:s5+s19], $0x80, s8, s19, $0xb8;
	[tilespmem:$0x1D000] =	vst v63  }
0x120: {  	_ =	swait.ge [sflag:s24], $0x3E80  }
0x121: {  	[sflag:s24] =	ssyncset.done $0x0  }
0x122: {  	[sflag:s24] =	ssyncadd.s32 $0xFFFFC180  }
0x123: {  	_ =	swait.ge [sflag:s21], $0x3E80  }
0x124: {  	[sflag:s21] =	ssyncset.done $0x0  }
0x125: {  	s9 =	simm.s32 $0xD80;
	[sflag:s21] =	ssyncadd.s32 $0xFFFFC180  }
0x126: {  	[spmem:s2] =	stream.indirect.scatter.add.f32 [tilespmem:s23], [sflag:$0x3], $0x80, s9, s19, $0xb8;
	[tilespmem:$0x1D000] =	vst v63  }
0x127: {  	_ =	swait.ge [sflag:s17], $0x3E80  }
0x128: {  	[sflag:s17] =	ssyncset.done $0x0  }
0x129: {  	s12 =	simm.s32 $0x600;
	[sflag:s17] =	ssyncadd.s32 $0xFFFFC180  }
0x12a: {  	[tilespmem:s20], [sflag:$0x1] =	stream.indirect.gather [hbm4b:s5+s19], $0x80, s12, s19, $0xb8;
	[tilespmem:$0x1D000] =	vst v63  }
0x12b: {  	_ =	swait.ge [sflag:s21], $0x3E80  }
0x12c: {  	[sflag:s21] =	ssyncset.done $0x0  }
0x12d: {  	s13 =	simm.s32 $0xE00;
	[sflag:s21] =	ssyncadd.s32 $0xFFFFC180  }
0x12e: {  	[spmem:s2] =	stream.indirect.scatter.add.f32 [tilespmem:s20], [sflag:$0x2], $0x80, s13, s19, $0xb8;
	[tilespmem:$0x1D000] =	vst v63  }
0x12f: {  	s14 =	simm.s32 $0x680  }
0x130: {  	[tilespmem:s23], [sflag:$0x1] =	stream.indirect.gather [hbm4b:s5+s19], $0x80, s14, s19, $0xb8;
	[tilespmem:$0x1D000] =	vst v63  }
0x131: {  	_ =	swait.ge [sflag:s24], $0x3E80  }
0x132: {  	[sflag:s24] =	ssyncset.done $0x0  }
0x133: {  	[sflag:s24] =	ssyncadd.s32 $0xFFFFC180  }
0x134: {  	_ =	swait.ge [sflag:s21], $0x3E80  }
0x135: {  	[sflag:s21] =	ssyncset.done $0x0  }
0x136: {  	s15 =	simm.s32 $0xE80;
	[sflag:s21] =	ssyncadd.s32 $0xFFFFC180  }
0x137: {  	[spmem:s2] =	stream.indirect.scatter.add.f32 [tilespmem:s23], [sflag:$0x3], $0x80, s15, s19, $0xb8;
	[tilespmem:$0x1D000] =	vst v63  }
0x138: {  	_ =	swait.ge [sflag:s17], $0x3E80  }
0x139: {  	[sflag:s17] =	ssyncset.done $0x0  }
0x13a: {  	s16 =	simm.s32 $0x700;
	[sflag:s17] =	ssyncadd.s32 $0xFFFFC180  }
0x13b: {  	[tilespmem:s20], [sflag:$0x1] =	stream.indirect.gather [hbm4b:s5+s19], $0x80, s16, s19, $0xb8;
	[tilespmem:$0x1D000] =	vst v63  }
0x13c: {  	_ =	swait.ge [sflag:s21], $0x3E80  }
0x13d: {  	[sflag:s21] =	ssyncset.done $0x0  }
0x13e: {  	s22 =	simm.s32 $0xF00;
	[sflag:s21] =	ssyncadd.s32 $0xFFFFC180  }
0x13f: {  	[spmem:s2] =	stream.indirect.scatter.add.f32 [tilespmem:s20], [sflag:$0x2], $0x80, s22, s19, $0xb8;
	[tilespmem:$0x1D000] =	vst v63  }
0x140: {  	s25 =	simm.s32 $0x780  }
0x141: {  	[tilespmem:s23], [sflag:$0x1] =	stream.indirect.gather [hbm4b:s5+s19], $0x80, s25, s19, $0xb8;
	[tilespmem:$0x1D000] =	vst v63  }
0x142: {  	s31 =	simm.s32 $0x280;
	s28 =	simm.s32 $0x980;
	_ =	swait.ge [sflag:s24], $0x3E80  }
0x143: {  	s29 =	simm.s32 $0x200;
	s30 =	simm.s32 $0xA00;
	[sflag:s24] =	ssyncset.done $0x0  }
0x144: {  	s0 =	simm.s32 $0xA80;
	s26 =	simm.s32 $0xF80;
	[sflag:s24] =	ssyncadd.s32 $0xFFFFC180  }
0x145: {  	s1 =	simm.s32 $0x300;
	s6 =	simm.s32 $0xB80;
	_ =	swait.ge [sflag:s21], $0x3E80  }
0x146: {  	s8 =	simm.s32 $0x100;
	s9 =	simm.s32 $0xB00;
	[sflag:s21] =	ssyncset.done $0x0  }
0x147: {  	s13 =	simm.s32 $0x380;
	s14 =	simm.s32 $0x200;
	[sflag:s21] =	ssyncadd.s32 $0xFFFFC180  }
0x148: {  	[spmem:s2] =	stream.indirect.scatter.add.f32 [tilespmem:s23], [sflag:$0x3], $0x80, s26, s19, $0xb8;
	[tilespmem:$0x1D000] =	vst v63  }
0x149: {  	s16 =	simm.s32 $0x880;
	s22 =	simm.s32 $0x100;
	_ =	swait.ge [sflag:s17], $0x3E80  }
0x14a: {  	s25 =	simm.s32 $0x900;
	s26 =	simm.s32 $0x180;
	[sflag:s17] =	ssyncset.done $0x0  }
.LBB2_6:
0x14b: {  	s7 =	sadd.s32 s8, s10  }
0x14c: {  	[sflag:s17] =	ssyncadd.s32 $0xFFFFC180;
	s15 =	smov.u32 s14;
	s12 =	sadd.s32 $0x100, s14  }
0x14d: {  	[tilespmem:s3], [sflag:$0x3] =	stream.linear.gather [hbm4b:s7+s3], $0x800, $0x38;
	[tilespmem:$0x1D000] =	vst v63  }
0x14e: {  	p1 =	sne.s32 s14, $0x900;
	_ =	swait.ge [sflag:s17], $0x800  }
0x14f: {  	s7 =	sadd.s32 s8, s11;
	[sflag:s17] =	ssyncset.done $0x0  }
0x150: {  	s8 =	smov.u32 s15;
	s15 =	simm.s32 $0x80;
	[sflag:s17] =	ssyncadd.s32 $0xFFFFF800  }
0x151: {  	[tilespmem:s18], [sflag:$0x3] =	stream.linear.gather [hbm4b:s7+s3], $0x800, $0x38;
	[tilespmem:$0x1D000] =	vst v63  }
0x152: {  	_ =	swait.ge [sflag:s17], $0x800  }
0x153: {  	[sflag:s17] =	ssyncset.done $0x0  }
0x154: {  	[sflag:s17] =	ssyncadd.s32 $0xFFFFF800  }
0x155: {  	[tilespmem:s20], [sflag:$0x1] =	stream.indirect.gather [hbm4b:s5+s19], $0x80, s3, s19, $0xb8;
	[tilespmem:$0x1D000] =	vst v63  }
0x156: {  	_ =	swait.ge [sflag:s21], $0x3E80  }
0x157: {  	[sflag:s21] =	ssyncset.done $0x0  }
0x158: {  	[sflag:s21] =	ssyncadd.s32 $0xFFFFC180  }
0x159: {  	[spmem:s2] =	stream.indirect.scatter.add.f32 [tilespmem:s20], [sflag:$0x2], $0x80, s18, s19, $0xb8;
	[tilespmem:$0x1D000] =	vst v63  }
0x15a: {  	_ = 	snop  }
0x15b: {  	[tilespmem:s23], [sflag:$0x1] =	stream.indirect.gather [hbm4b:s5+s19], $0x80, s15, s19, $0xb8;
	[tilespmem:$0x1D000] =	vst v63  }
0x15c: {  	_ =	swait.ge [sflag:s24], $0x3E80  }
0x15d: {  	[sflag:s24] =	ssyncset.done $0x0  }
0x15e: {  	[sflag:s24] =	ssyncadd.s32 $0xFFFFC180  }
0x15f: {  	_ =	swait.ge [sflag:s21], $0x3E80  }
0x160: {  	[sflag:s21] =	ssyncset.done $0x0  }
0x161: {  	[sflag:s21] =	ssyncadd.s32 $0xFFFFC180  }
0x162: {  	[spmem:s2] =	stream.indirect.scatter.add.f32 [tilespmem:s23], [sflag:$0x3], $0x80, s16, s19, $0xb8;
	[tilespmem:$0x1D000] =	vst v63  }
0x163: {  	_ =	swait.ge [sflag:s17], $0x3E80  }
0x164: {  	[sflag:s17] =	ssyncset.done $0x0  }
0x165: {  	[sflag:s17] =	ssyncadd.s32 $0xFFFFC180  }
0x166: {  	[tilespmem:s20], [sflag:$0x1] =	stream.indirect.gather [hbm4b:s5+s19], $0x80, s22, s19, $0xb8;
	[tilespmem:$0x1D000] =	vst v63  }
0x167: {  	_ =	swait.ge [sflag:s21], $0x3E80  }
0x168: {  	[sflag:s21] =	ssyncset.done $0x0  }
0x169: {  	[sflag:s21] =	ssyncadd.s32 $0xFFFFC180  }
0x16a: {  	[spmem:s2] =	stream.indirect.scatter.add.f32 [tilespmem:s20], [sflag:$0x2], $0x80, s25, s19, $0xb8;
	[tilespmem:$0x1D000] =	vst v63  }
0x16b: {  	_ = 	snop  }
0x16c: {  	[tilespmem:s23], [sflag:$0x1] =	stream.indirect.gather [hbm4b:s5+s19], $0x80, s26, s19, $0xb8;
	[tilespmem:$0x1D000] =	vst v63  }
0x16d: {  	_ =	swait.ge [sflag:s24], $0x3E80  }
0x16e: {  	[sflag:s24] =	ssyncset.done $0x0  }
0x16f: {  	[sflag:s24] =	ssyncadd.s32 $0xFFFFC180  }
0x170: {  	_ =	swait.ge [sflag:s21], $0x3E80  }
0x171: {  	[sflag:s21] =	ssyncset.done $0x0  }
0x172: {  	[sflag:s21] =	ssyncadd.s32 $0xFFFFC180  }
0x173: {  	[spmem:s2] =	stream.indirect.scatter.add.f32 [tilespmem:s23], [sflag:$0x3], $0x80, s28, s19, $0xb8;
	[tilespmem:$0x1D000] =	vst v63  }
0x174: {  	_ =	swait.ge [sflag:s17], $0x3E80  }
0x175: {  	[sflag:s17] =	ssyncset.done $0x0  }
0x176: {  	[sflag:s17] =	ssyncadd.s32 $0xFFFFC180  }
0x177: {  	[tilespmem:s20], [sflag:$0x1] =	stream.indirect.gather [hbm4b:s5+s19], $0x80, s29, s19, $0xb8;
	[tilespmem:$0x1D000] =	vst v63  }
0x178: {  	_ =	swait.ge [sflag:s21], $0x3E80  }
0x179: {  	[sflag:s21] =	ssyncset.done $0x0  }
0x17a: {  	[sflag:s21] =	ssyncadd.s32 $0xFFFFC180  }
0x17b: {  	[spmem:s2] =	stream.indirect.scatter.add.f32 [tilespmem:s20], [sflag:$0x2], $0x80, s30, s19, $0xb8;
	[tilespmem:$0x1D000] =	vst v63  }
0x17c: {  	_ = 	snop  }
0x17d: {  	[tilespmem:s23], [sflag:$0x1] =	stream.indirect.gather [hbm4b:s5+s19], $0x80, s31, s19, $0xb8;
	[tilespmem:$0x1D000] =	vst v63  }
0x17e: {  	_ =	swait.ge [sflag:s24], $0x3E80  }
0x17f: {  	[sflag:s24] =	ssyncset.done $0x0  }
0x180: {  	[sflag:s24] =	ssyncadd.s32 $0xFFFFC180  }
0x181: {  	_ =	swait.ge [sflag:s21], $0x3E80  }
0x182: {  	[sflag:s21] =	ssyncset.done $0x0  }
0x183: {  	[sflag:s21] =	ssyncadd.s32 $0xFFFFC180  }
0x184: {  	[spmem:s2] =	stream.indirect.scatter.add.f32 [tilespmem:s23], [sflag:$0x3], $0x80, s0, s19, $0xb8;
	[tilespmem:$0x1D000] =	vst v63  }
0x185: {  	_ =	swait.ge [sflag:s17], $0x3E80  }
0x186: {  	[sflag:s17] =	ssyncset.done $0x0  }
0x187: {  	[sflag:s17] =	ssyncadd.s32 $0xFFFFC180  }
0x188: {  	[tilespmem:s20], [sflag:$0x1] =	stream.indirect.gather [hbm4b:s5+s19], $0x80, s1, s19, $0xb8;
	[tilespmem:$0x1D000] =	vst v63  }
0x189: {  	_ =	swait.ge [sflag:s21], $0x3E80  }
0x18a: {  	[sflag:s21] =	ssyncset.done $0x0  }
0x18b: {  	[sflag:s21] =	ssyncadd.s32 $0xFFFFC180  }
0x18c: {  	[spmem:s2] =	stream.indirect.scatter.add.f32 [tilespmem:s20], [sflag:$0x2], $0x80, s9, s19, $0xb8;
	[tilespmem:$0x1D000] =	vst v63  }
0x18d: {  	_ = 	snop  }
0x18e: {  	[tilespmem:s23], [sflag:$0x1] =	stream.indirect.gather [hbm4b:s5+s19], $0x80, s13, s19, $0xb8;
	[tilespmem:$0x1D000] =	vst v63  }
0x18f: {  	_ =	swait.ge [sflag:s24], $0x3E80  }
0x190: {  	[sflag:s24] =	ssyncset.done $0x0  }
0x191: {  	[sflag:s24] =	ssyncadd.s32 $0xFFFFC180  }
0x192: {  	_ =	swait.ge [sflag:s21], $0x3E80  }
0x193: {  	[sflag:s21] =	ssyncset.done $0x0  }
0x194: {  	[sflag:s21] =	ssyncadd.s32 $0xFFFFC180  }
0x195: {  	[spmem:s2] =	stream.indirect.scatter.add.f32 [tilespmem:s23], [sflag:$0x3], $0x80, s6, s19, $0xb8;
	[tilespmem:$0x1D000] =	vst v63  }
0x196: {  	_ =	swait.ge [sflag:s17], $0x3E80  }
0x197: {  	[sflag:s17] =	ssyncset.done $0x0  }
0x198: {  	s7 =	simm.s32 $0x400;
	[sflag:s17] =	ssyncadd.s32 $0xFFFFC180  }
0x199: {  	[tilespmem:s20], [sflag:$0x1] =	stream.indirect.gather [hbm4b:s5+s19], $0x80, s7, s19, $0xb8;
	[tilespmem:$0x1D000] =	vst v63  }
0x19a: {  	_ =	swait.ge [sflag:s21], $0x3E80  }
0x19b: {  	[sflag:s21] =	ssyncset.done $0x0  }
0x19c: {  	s7 =	simm.s32 $0xC00;
	[sflag:s21] =	ssyncadd.s32 $0xFFFFC180  }
0x19d: {  	[spmem:s2] =	stream.indirect.scatter.add.f32 [tilespmem:s20], [sflag:$0x2], $0x80, s7, s19, $0xb8;
	[tilespmem:$0x1D000] =	vst v63  }
0x19e: {  	s7 =	simm.s32 $0x480  }
0x19f: {  	[tilespmem:s23], [sflag:$0x1] =	stream.indirect.gather [hbm4b:s5+s19], $0x80, s7, s19, $0xb8;
	[tilespmem:$0x1D000] =	vst v63  }
0x1a0: {  	_ =	swait.ge [sflag:s24], $0x3E80  }
0x1a1: {  	[sflag:s24] =	ssyncset.done $0x0  }
0x1a2: {  	[sflag:s24] =	ssyncadd.s32 $0xFFFFC180  }
0x1a3: {  	_ =	swait.ge [sflag:s21], $0x3E80  }
0x1a4: {  	[sflag:s21] =	ssyncset.done $0x0  }
0x1a5: {  	s7 =	simm.s32 $0xC80;
	[sflag:s21] =	ssyncadd.s32 $0xFFFFC180  }
0x1a6: {  	[spmem:s2] =	stream.indirect.scatter.add.f32 [tilespmem:s23], [sflag:$0x3], $0x80, s7, s19, $0xb8;
	[tilespmem:$0x1D000] =	vst v63  }
0x1a7: {  	_ =	swait.ge [sflag:s17], $0x3E80  }
0x1a8: {  	[sflag:s17] =	ssyncset.done $0x0  }
0x1a9: {  	s7 =	simm.s32 $0x500;
	[sflag:s17] =	ssyncadd.s32 $0xFFFFC180  }
0x1aa: {  	[tilespmem:s20], [sflag:$0x1] =	stream.indirect.gather [hbm4b:s5+s19], $0x80, s7, s19, $0xb8;
	[tilespmem:$0x1D000] =	vst v63  }
0x1ab: {  	_ =	swait.ge [sflag:s21], $0x3E80  }
0x1ac: {  	[sflag:s21] =	ssyncset.done $0x0  }
0x1ad: {  	s7 =	simm.s32 $0xD00;
	[sflag:s21] =	ssyncadd.s32 $0xFFFFC180  }
0x1ae: {  	[spmem:s2] =	stream.indirect.scatter.add.f32 [tilespmem:s20], [sflag:$0x2], $0x80, s7, s19, $0xb8;
	[tilespmem:$0x1D000] =	vst v63  }
0x1af: {  	s7 =	simm.s32 $0x580  }
0x1b0: {  	[tilespmem:s23], [sflag:$0x1] =	stream.indirect.gather [hbm4b:s5+s19], $0x80, s7, s19, $0xb8;
	[tilespmem:$0x1D000] =	vst v63  }
0x1b1: {  	_ =	swait.ge [sflag:s24], $0x3E80  }
0x1b2: {  	[sflag:s24] =	ssyncset.done $0x0  }
0x1b3: {  	[sflag:s24] =	ssyncadd.s32 $0xFFFFC180  }
0x1b4: {  	_ =	swait.ge [sflag:s21], $0x3E80  }
0x1b5: {  	[sflag:s21] =	ssyncset.done $0x0  }
0x1b6: {  	s7 =	simm.s32 $0xD80;
	[sflag:s21] =	ssyncadd.s32 $0xFFFFC180  }
0x1b7: {  	[spmem:s2] =	stream.indirect.scatter.add.f32 [tilespmem:s23], [sflag:$0x3], $0x80, s7, s19, $0xb8;
	[tilespmem:$0x1D000] =	vst v63  }
0x1b8: {  	_ =	swait.ge [sflag:s17], $0x3E80  }
0x1b9: {  	[sflag:s17] =	ssyncset.done $0x0  }
0x1ba: {  	s7 =	simm.s32 $0x600;
	[sflag:s17] =	ssyncadd.s32 $0xFFFFC180  }
0x1bb: {  	[tilespmem:s20], [sflag:$0x1] =	stream.indirect.gather [hbm4b:s5+s19], $0x80, s7, s19, $0xb8;
	[tilespmem:$0x1D000] =	vst v63  }
0x1bc: {  	_ =	swait.ge [sflag:s21], $0x3E80  }
0x1bd: {  	[sflag:s21] =	ssyncset.done $0x0  }
0x1be: {  	s7 =	simm.s32 $0xE00;
	[sflag:s21] =	ssyncadd.s32 $0xFFFFC180  }
0x1bf: {  	[spmem:s2] =	stream.indirect.scatter.add.f32 [tilespmem:s20], [sflag:$0x2], $0x80, s7, s19, $0xb8;
	[tilespmem:$0x1D000] =	vst v63  }
0x1c0: {  	s7 =	simm.s32 $0x680  }
0x1c1: {  	[tilespmem:s23], [sflag:$0x1] =	stream.indirect.gather [hbm4b:s5+s19], $0x80, s7, s19, $0xb8;
	[tilespmem:$0x1D000] =	vst v63  }
0x1c2: {  	_ =	swait.ge [sflag:s24], $0x3E80  }
0x1c3: {  	[sflag:s24] =	ssyncset.done $0x0  }
0x1c4: {  	[sflag:s24] =	ssyncadd.s32 $0xFFFFC180  }
0x1c5: {  	_ =	swait.ge [sflag:s21], $0x3E80  }
0x1c6: {  	[sflag:s21] =	ssyncset.done $0x0  }
0x1c7: {  	s7 =	simm.s32 $0xE80;
	[sflag:s21] =	ssyncadd.s32 $0xFFFFC180  }
0x1c8: {  	[spmem:s2] =	stream.indirect.scatter.add.f32 [tilespmem:s23], [sflag:$0x3], $0x80, s7, s19, $0xb8;
	[tilespmem:$0x1D000] =	vst v63  }
0x1c9: {  	_ =	swait.ge [sflag:s17], $0x3E80  }
0x1ca: {  	[sflag:s17] =	ssyncset.done $0x0  }
0x1cb: {  	s7 =	simm.s32 $0x700;
	[sflag:s17] =	ssyncadd.s32 $0xFFFFC180  }
0x1cc: {  	[tilespmem:s20], [sflag:$0x1] =	stream.indirect.gather [hbm4b:s5+s19], $0x80, s7, s19, $0xb8;
	[tilespmem:$0x1D000] =	vst v63  }
0x1cd: {  	_ =	swait.ge [sflag:s21], $0x3E80  }
0x1ce: {  	[sflag:s21] =	ssyncset.done $0x0  }
0x1cf: {  	s7 =	simm.s32 $0xF00;
	[sflag:s21] =	ssyncadd.s32 $0xFFFFC180  }
0x1d0: {  	[spmem:s2] =	stream.indirect.scatter.add.f32 [tilespmem:s20], [sflag:$0x2], $0x80, s7, s19, $0xb8;
	[tilespmem:$0x1D000] =	vst v63  }
0x1d1: {  	s7 =	simm.s32 $0x780  }
0x1d2: {  	[tilespmem:s23], [sflag:$0x1] =	stream.indirect.gather [hbm4b:s5+s19], $0x80, s7, s19, $0xb8;
	[tilespmem:$0x1D000] =	vst v63  }
0x1d3: {  	_ =	swait.ge [sflag:s24], $0x3E80  }
0x1d4: {  	[sflag:s24] =	ssyncset.done $0x0  }
0x1d5: {  	[sflag:s24] =	ssyncadd.s32 $0xFFFFC180  }
0x1d6: {  	_ =	swait.ge [sflag:s21], $0x3E80  }
.Ltmp3:
0x1d7: {  	[sflag:s21] =	ssyncset.done $0x0;
	(pc) =	sbr.rel @p1 .LBB2_6-.Ltmp3, $4  }
0x1d8: {  	s7 =	simm.s32 $0xF80;
	[sflag:s21] =	ssyncadd.s32 $0xFFFFC180  }
0x1d9: {  	[spmem:s2] =	stream.indirect.scatter.add.f32 [tilespmem:s23], [sflag:$0x3], $0x80, s7, s19, $0xb8;
	[tilespmem:$0x1D000] =	vst v63  }
0x1da: {  	_ =	swait.ge [sflag:s17], $0x3E80  }
0x1db: {  	s14 =	smov.u32 s12;
	[sflag:s17] =	ssyncset.done $0x0  }
.Ltmp4:
0x1dc: {  	_ = 	snop;
	(pc) =	sbr.rel .LBB2_7-.Ltmp4, $1  }
0x1dd: {  	_ =	sdelay $0x3  }
.LBB2_2:
0x1de: {  	s7 =	rddreg [dreg:$0x7]  }
0x1df: {  	s8 =	rddreg [dreg:$0x6];
	s6 =	sor.u32 $0x1C03, s7  }
0x1e0: {  	[dreg:$0xd] =	wrdreg s6  }
0x1e1: {  	[spmem:s12], [sflag:s6] =	dma.local [hbm:s8], $0x2800  }
0x1e2: {  	_ =	swait.ge [sflag:s17], $0x2800  }
0x1e3: {  	[sflag:s17] =	ssyncset.done $0x0  }
0x1e4: {  	[sflag:s17] =	ssyncadd.s32 $0xFFFFD800  }
0x1e5: {  	s8 =	sadd.s32 $0x0, s10;
	[bflag:$0x0] =	sbarrier.arrive $0xFFFF  }
0x1e6: {  	[tilespmem:s3], [sflag:$0x3] =	stream.linear.gather [hbm4b:s8+s3], $0x800, $0x38;
	[tilespmem:$0x1D000] =	vst v63  }
0x1e7: {  	_ =	swait.ge [sflag:s17], $0x800  }
0x1e8: {  	[sflag:s17] =	ssyncset.done $0x0  }
0x1e9: {  	s12 =	sadd.s32 $0x0, s11;
	[sflag:s17] =	ssyncadd.s32 $0xFFFFF800  }
0x1ea: {  	[tilespmem:s18], [sflag:$0x3] =	stream.linear.gather [hbm4b:s12+s3], $0x800, $0x38;
	[tilespmem:$0x1D000] =	vst v63  }
0x1eb: {  	_ =	swait.ge [sflag:s17], $0x800  }
0x1ec: {  	[sflag:s17] =	ssyncset.done $0x0  }
0x1ed: {  	[sflag:s17] =	ssyncadd.s32 $0xFFFFF800  }
0x1ee: {  	[tilespmem:s20], [sflag:$0x1] =	stream.indirect.gather [hbm4b:s4+s19], $0x80, s3, s19, $0xb8;
	[tilespmem:$0x1D000] =	vst v63  }
0x1ef: {  	_ =	swait.ge [sflag:s21], $0x3E80  }
0x1f0: {  	[sflag:s21] =	ssyncset.done $0x0  }
0x1f1: {  	[sflag:s21] =	ssyncadd.s32 $0xFFFFC180  }
0x1f2: {  	[spmem:s2] =	stream.indirect.scatter.add.f32 [tilespmem:s20], [sflag:$0x2], $0x80, s18, s19, $0xb8;
	[tilespmem:$0x1D000] =	vst v63  }
0x1f3: {  	_ = 	snop  }
0x1f4: {  	[tilespmem:s23], [sflag:$0x1] =	stream.indirect.gather [hbm4b:s4+s19], $0x80, s15, s19, $0xb8;
	[tilespmem:$0x1D000] =	vst v63  }
0x1f5: {  	_ =	swait.ge [sflag:s24], $0x3E80  }
0x1f6: {  	[sflag:s24] =	ssyncset.done $0x0  }
0x1f7: {  	[sflag:s24] =	ssyncadd.s32 $0xFFFFC180  }
0x1f8: {  	_ =	swait.ge [sflag:s21], $0x3E80  }
0x1f9: {  	[sflag:s21] =	ssyncset.done $0x0  }
0x1fa: {  	[sflag:s21] =	ssyncadd.s32 $0xFFFFC180  }
0x1fb: {  	[spmem:s2] =	stream.indirect.scatter.add.f32 [tilespmem:s23], [sflag:$0x3], $0x80, s14, s19, $0xb8;
	[tilespmem:$0x1D000] =	vst v63  }
0x1fc: {  	_ =	swait.ge [sflag:s17], $0x3E80  }
0x1fd: {  	[sflag:s17] =	ssyncset.done $0x0  }
0x1fe: {  	[sflag:s17] =	ssyncadd.s32 $0xFFFFC180  }
0x1ff: {  	[tilespmem:s20], [sflag:$0x1] =	stream.indirect.gather [hbm4b:s4+s19], $0x80, s16, s19, $0xb8;
	[tilespmem:$0x1D000] =	vst v63  }
0x200: {  	_ =	swait.ge [sflag:s21], $0x3E80  }
0x201: {  	[sflag:s21] =	ssyncset.done $0x0  }
0x202: {  	[sflag:s21] =	ssyncadd.s32 $0xFFFFC180  }
0x203: {  	[spmem:s2] =	stream.indirect.scatter.add.f32 [tilespmem:s20], [sflag:$0x2], $0x80, s22, s19, $0xb8;
	[tilespmem:$0x1D000] =	vst v63  }
0x204: {  	_ = 	snop  }
0x205: {  	[tilespmem:s23], [sflag:$0x1] =	stream.indirect.gather [hbm4b:s4+s19], $0x80, s25, s19, $0xb8;
	[tilespmem:$0x1D000] =	vst v63  }
0x206: {  	_ =	swait.ge [sflag:s24], $0x3E80  }
0x207: {  	[sflag:s24] =	ssyncset.done $0x0  }
0x208: {  	[sflag:s24] =	ssyncadd.s32 $0xFFFFC180  }
0x209: {  	_ =	swait.ge [sflag:s21], $0x3E80  }
0x20a: {  	[sflag:s21] =	ssyncset.done $0x0  }
0x20b: {  	[sflag:s21] =	ssyncadd.s32 $0xFFFFC180  }
0x20c: {  	[spmem:s2] =	stream.indirect.scatter.add.f32 [tilespmem:s23], [sflag:$0x3], $0x80, s26, s19, $0xb8;
	[tilespmem:$0x1D000] =	vst v63  }
0x20d: {  	_ =	swait.ge [sflag:s17], $0x3E80  }
0x20e: {  	[sflag:s17] =	ssyncset.done $0x0  }
0x20f: {  	[sflag:s17] =	ssyncadd.s32 $0xFFFFC180  }
0x210: {  	[tilespmem:s20], [sflag:$0x1] =	stream.indirect.gather [hbm4b:s4+s19], $0x80, s28, s19, $0xb8;
	[tilespmem:$0x1D000] =	vst v63  }
0x211: {  	_ =	swait.ge [sflag:s21], $0x3E80  }
0x212: {  	[sflag:s21] =	ssyncset.done $0x0  }
0x213: {  	[sflag:s21] =	ssyncadd.s32 $0xFFFFC180  }
0x214: {  	[spmem:s2] =	stream.indirect.scatter.add.f32 [tilespmem:s20], [sflag:$0x2], $0x80, s29, s19, $0xb8;
	[tilespmem:$0x1D000] =	vst v63  }
0x215: {  	_ = 	snop  }
0x216: {  	[tilespmem:s23], [sflag:$0x1] =	stream.indirect.gather [hbm4b:s4+s19], $0x80, s30, s19, $0xb8;
	[tilespmem:$0x1D000] =	vst v63  }
0x217: {  	_ =	swait.ge [sflag:s24], $0x3E80  }
0x218: {  	[sflag:s24] =	ssyncset.done $0x0  }
0x219: {  	[sflag:s24] =	ssyncadd.s32 $0xFFFFC180  }
0x21a: {  	_ =	swait.ge [sflag:s21], $0x3E80  }
0x21b: {  	[sflag:s21] =	ssyncset.done $0x0  }
0x21c: {  	[sflag:s21] =	ssyncadd.s32 $0xFFFFC180  }
0x21d: {  	[spmem:s2] =	stream.indirect.scatter.add.f32 [tilespmem:s23], [sflag:$0x3], $0x80, s0, s19, $0xb8;
	[tilespmem:$0x1D000] =	vst v63  }
0x21e: {  	_ =	swait.ge [sflag:s17], $0x3E80  }
0x21f: {  	[sflag:s17] =	ssyncset.done $0x0  }
0x220: {  	[sflag:s17] =	ssyncadd.s32 $0xFFFFC180  }
0x221: {  	[tilespmem:s20], [sflag:$0x1] =	stream.indirect.gather [hbm4b:s4+s19], $0x80, s1, s19, $0xb8;
	[tilespmem:$0x1D000] =	vst v63  }
0x222: {  	_ =	swait.ge [sflag:s21], $0x3E80  }
0x223: {  	[sflag:s21] =	ssyncset.done $0x0  }
0x224: {  	[sflag:s21] =	ssyncadd.s32 $0xFFFFC180  }
0x225: {  	[spmem:s2] =	stream.indirect.scatter.add.f32 [tilespmem:s20], [sflag:$0x2], $0x80, s9, s19, $0xb8;
	[tilespmem:$0x1D000] =	vst v63  }
0x226: {  	_ = 	snop  }
0x227: {  	[tilespmem:s23], [sflag:$0x1] =	stream.indirect.gather [hbm4b:s4+s19], $0x80, s13, s19, $0xb8;
	[tilespmem:$0x1D000] =	vst v63  }
0x228: {  	_ =	swait.ge [sflag:s24], $0x3E80  }
0x229: {  	[sflag:s24] =	ssyncset.done $0x0  }
0x22a: {  	[sflag:s24] =	ssyncadd.s32 $0xFFFFC180  }
0x22b: {  	_ =	swait.ge [sflag:s21], $0x3E80  }
0x22c: {  	[sflag:s21] =	ssyncset.done $0x0  }
0x22d: {  	s16 =	simm.s32 $0xB80;
	[sflag:s21] =	ssyncadd.s32 $0xFFFFC180  }
0x22e: {  	[spmem:s2] =	stream.indirect.scatter.add.f32 [tilespmem:s23], [sflag:$0x3], $0x80, s16, s19, $0xb8;
	[tilespmem:$0x1D000] =	vst v63  }
0x22f: {  	_ =	swait.ge [sflag:s17], $0x3E80  }
0x230: {  	[sflag:s17] =	ssyncset.done $0x0  }
0x231: {  	s22 =	simm.s32 $0x400;
	[sflag:s17] =	ssyncadd.s32 $0xFFFFC180  }
0x232: {  	[tilespmem:s20], [sflag:$0x1] =	stream.indirect.gather [hbm4b:s4+s19], $0x80, s22, s19, $0xb8;
	[tilespmem:$0x1D000] =	vst v63  }
0x233: {  	_ =	swait.ge [sflag:s21], $0x3E80  }
0x234: {  	[sflag:s21] =	ssyncset.done $0x0  }
0x235: {  	s25 =	simm.s32 $0xC00;
	[sflag:s21] =	ssyncadd.s32 $0xFFFFC180  }
0x236: {  	[spmem:s2] =	stream.indirect.scatter.add.f32 [tilespmem:s20], [sflag:$0x2], $0x80, s25, s19, $0xb8;
	[tilespmem:$0x1D000] =	vst v63  }
0x237: {  	s26 =	simm.s32 $0x480  }
0x238: {  	[tilespmem:s23], [sflag:$0x1] =	stream.indirect.gather [hbm4b:s4+s19], $0x80, s26, s19, $0xb8;
	[tilespmem:$0x1D000] =	vst v63  }
0x239: {  	_ =	swait.ge [sflag:s24], $0x3E80  }
0x23a: {  	[sflag:s24] =	ssyncset.done $0x0  }
0x23b: {  	[sflag:s24] =	ssyncadd.s32 $0xFFFFC180  }
0x23c: {  	_ =	swait.ge [sflag:s21], $0x3E80  }
0x23d: {  	[sflag:s21] =	ssyncset.done $0x0  }
0x23e: {  	s1 =	simm.s32 $0xC80;
	[sflag:s21] =	ssyncadd.s32 $0xFFFFC180  }
0x23f: {  	[spmem:s2] =	stream.indirect.scatter.add.f32 [tilespmem:s23], [sflag:$0x3], $0x80, s1, s19, $0xb8;
	[tilespmem:$0x1D000] =	vst v63  }
0x240: {  	_ =	swait.ge [sflag:s17], $0x3E80  }
0x241: {  	[sflag:s17] =	ssyncset.done $0x0  }
0x242: {  	s6 =	simm.s32 $0x500;
	[sflag:s17] =	ssyncadd.s32 $0xFFFFC180  }
0x243: {  	[tilespmem:s20], [sflag:$0x1] =	stream.indirect.gather [hbm4b:s4+s19], $0x80, s6, s19, $0xb8;
	[tilespmem:$0x1D000] =	vst v63  }
0x244: {  	_ =	swait.ge [sflag:s21], $0x3E80  }
0x245: {  	[sflag:s21] =	ssyncset.done $0x0  }
0x246: {  	s7 =	simm.s32 $0xD00;
	[sflag:s21] =	ssyncadd.s32 $0xFFFFC180  }
0x247: {  	[spmem:s2] =	stream.indirect.scatter.add.f32 [tilespmem:s20], [sflag:$0x2], $0x80, s7, s19, $0xb8;
	[tilespmem:$0x1D000] =	vst v63  }
0x248: {  	s8 =	simm.s32 $0x580  }
0x249: {  	[tilespmem:s23], [sflag:$0x1] =	stream.indirect.gather [hbm4b:s4+s19], $0x80, s8, s19, $0xb8;
	[tilespmem:$0x1D000] =	vst v63  }
0x24a: {  	_ =	swait.ge [sflag:s24], $0x3E80  }
0x24b: {  	[sflag:s24] =	ssyncset.done $0x0  }
0x24c: {  	[sflag:s24] =	ssyncadd.s32 $0xFFFFC180  }
0x24d: {  	_ =	swait.ge [sflag:s21], $0x3E80  }
0x24e: {  	[sflag:s21] =	ssyncset.done $0x0  }
0x24f: {  	s9 =	simm.s32 $0xD80;
	[sflag:s21] =	ssyncadd.s32 $0xFFFFC180  }
0x250: {  	[spmem:s2] =	stream.indirect.scatter.add.f32 [tilespmem:s23], [sflag:$0x3], $0x80, s9, s19, $0xb8;
	[tilespmem:$0x1D000] =	vst v63  }
0x251: {  	_ =	swait.ge [sflag:s17], $0x3E80  }
0x252: {  	[sflag:s17] =	ssyncset.done $0x0  }
0x253: {  	s12 =	simm.s32 $0x600;
	[sflag:s17] =	ssyncadd.s32 $0xFFFFC180  }
0x254: {  	[tilespmem:s20], [sflag:$0x1] =	stream.indirect.gather [hbm4b:s4+s19], $0x80, s12, s19, $0xb8;
	[tilespmem:$0x1D000] =	vst v63  }
0x255: {  	_ =	swait.ge [sflag:s21], $0x3E80  }
0x256: {  	[sflag:s21] =	ssyncset.done $0x0  }
0x257: {  	s13 =	simm.s32 $0xE00;
	[sflag:s21] =	ssyncadd.s32 $0xFFFFC180  }
0x258: {  	[spmem:s2] =	stream.indirect.scatter.add.f32 [tilespmem:s20], [sflag:$0x2], $0x80, s13, s19, $0xb8;
	[tilespmem:$0x1D000] =	vst v63  }
0x259: {  	s14 =	simm.s32 $0x680  }
0x25a: {  	[tilespmem:s23], [sflag:$0x1] =	stream.indirect.gather [hbm4b:s4+s19], $0x80, s14, s19, $0xb8;
	[tilespmem:$0x1D000] =	vst v63  }
0x25b: {  	_ =	swait.ge [sflag:s24], $0x3E80  }
0x25c: {  	[sflag:s24] =	ssyncset.done $0x0  }
0x25d: {  	[sflag:s24] =	ssyncadd.s32 $0xFFFFC180  }
0x25e: {  	_ =	swait.ge [sflag:s21], $0x3E80  }
0x25f: {  	[sflag:s21] =	ssyncset.done $0x0  }
0x260: {  	s15 =	simm.s32 $0xE80;
	[sflag:s21] =	ssyncadd.s32 $0xFFFFC180  }
0x261: {  	[spmem:s2] =	stream.indirect.scatter.add.f32 [tilespmem:s23], [sflag:$0x3], $0x80, s15, s19, $0xb8;
	[tilespmem:$0x1D000] =	vst v63  }
0x262: {  	_ =	swait.ge [sflag:s17], $0x3E80  }
0x263: {  	[sflag:s17] =	ssyncset.done $0x0  }
0x264: {  	s16 =	simm.s32 $0x700;
	[sflag:s17] =	ssyncadd.s32 $0xFFFFC180  }
0x265: {  	[tilespmem:s20], [sflag:$0x1] =	stream.indirect.gather [hbm4b:s4+s19], $0x80, s16, s19, $0xb8;
	[tilespmem:$0x1D000] =	vst v63  }
0x266: {  	_ =	swait.ge [sflag:s21], $0x3E80  }
0x267: {  	[sflag:s21] =	ssyncset.done $0x0  }
0x268: {  	s22 =	simm.s32 $0xF00;
	[sflag:s21] =	ssyncadd.s32 $0xFFFFC180  }
0x269: {  	[spmem:s2] =	stream.indirect.scatter.add.f32 [tilespmem:s20], [sflag:$0x2], $0x80, s22, s19, $0xb8;
	[tilespmem:$0x1D000] =	vst v63  }
0x26a: {  	s25 =	simm.s32 $0x780  }
0x26b: {  	[tilespmem:s23], [sflag:$0x1] =	stream.indirect.gather [hbm4b:s4+s19], $0x80, s25, s19, $0xb8;
	[tilespmem:$0x1D000] =	vst v63  }
0x26c: {  	s31 =	simm.s32 $0x280;
	s28 =	simm.s32 $0x980;
	_ =	swait.ge [sflag:s24], $0x3E80  }
0x26d: {  	s29 =	simm.s32 $0x200;
	s30 =	simm.s32 $0xA00;
	[sflag:s24] =	ssyncset.done $0x0  }
0x26e: {  	s0 =	simm.s32 $0xA80;
	s26 =	simm.s32 $0xF80;
	[sflag:s24] =	ssyncadd.s32 $0xFFFFC180  }
0x26f: {  	s1 =	simm.s32 $0x300;
	s6 =	simm.s32 $0xB80;
	_ =	swait.ge [sflag:s21], $0x3E80  }
0x270: {  	s8 =	simm.s32 $0x100;
	s9 =	simm.s32 $0xB00;
	[sflag:s21] =	ssyncset.done $0x0  }
0x271: {  	s12 =	simm.s32 $0x200;
	s13 =	simm.s32 $0x380;
	[sflag:s21] =	ssyncadd.s32 $0xFFFFC180  }
0x272: {  	[spmem:s2] =	stream.indirect.scatter.add.f32 [tilespmem:s23], [sflag:$0x3], $0x80, s26, s19, $0xb8;
	[tilespmem:$0x1D000] =	vst v63  }
0x273: {  	s16 =	simm.s32 $0x880;
	s22 =	simm.s32 $0x100;
	_ =	swait.ge [sflag:s17], $0x3E80  }
0x274: {  	s25 =	simm.s32 $0x900;
	s26 =	simm.s32 $0x180;
	[sflag:s17] =	ssyncset.done $0x0  }
.LBB2_3:
0x275: {  	s15 =	sadd.s32 s8, s10  }
0x276: {  	[sflag:s17] =	ssyncadd.s32 $0xFFFFC180;
	s7 =	smov.u32 s12;
	s14 =	sadd.s32 $0x100, s12  }
0x277: {  	[tilespmem:s3], [sflag:$0x3] =	stream.linear.gather [hbm4b:s15+s3], $0x800, $0x38;
	[tilespmem:$0x1D000] =	vst v63  }
0x278: {  	s15 =	simm.s32 $0x80  }
0x279: {  	p1 =	seq.s32 s12, $0x900;
	_ =	swait.ge [sflag:s17], $0x800  }
0x27a: {  	[sflag:s17] =	ssyncset.done $0x0  }
0x27b: {  	s12 =	sadd.s32 s8, s11;
	s8 =	smov.u32 s7;
	[sflag:s17] =	ssyncadd.s32 $0xFFFFF800  }
0x27c: {  	[tilespmem:s18], [sflag:$0x3] =	stream.linear.gather [hbm4b:s12+s3], $0x800, $0x38;
	[tilespmem:$0x1D000] =	vst v63  }
0x27d: {  	_ =	swait.ge [sflag:s17], $0x800  }
0x27e: {  	[sflag:s17] =	ssyncset.done $0x0  }
0x27f: {  	[sflag:s17] =	ssyncadd.s32 $0xFFFFF800  }
0x280: {  	[tilespmem:s20], [sflag:$0x1] =	stream.indirect.gather [hbm4b:s4+s19], $0x80, s3, s19, $0xb8;
	[tilespmem:$0x1D000] =	vst v63  }
0x281: {  	_ =	swait.ge [sflag:s21], $0x3E80  }
0x282: {  	[sflag:s21] =	ssyncset.done $0x0  }
0x283: {  	[sflag:s21] =	ssyncadd.s32 $0xFFFFC180  }
0x284: {  	[spmem:s2] =	stream.indirect.scatter.add.f32 [tilespmem:s20], [sflag:$0x2], $0x80, s18, s19, $0xb8;
	[tilespmem:$0x1D000] =	vst v63  }
0x285: {  	_ = 	snop  }
0x286: {  	[tilespmem:s23], [sflag:$0x1] =	stream.indirect.gather [hbm4b:s4+s19], $0x80, s15, s19, $0xb8;
	[tilespmem:$0x1D000] =	vst v63  }
0x287: {  	_ =	swait.ge [sflag:s24], $0x3E80  }
0x288: {  	[sflag:s24] =	ssyncset.done $0x0  }
0x289: {  	[sflag:s24] =	ssyncadd.s32 $0xFFFFC180  }
0x28a: {  	_ =	swait.ge [sflag:s21], $0x3E80  }
0x28b: {  	[sflag:s21] =	ssyncset.done $0x0  }
0x28c: {  	[sflag:s21] =	ssyncadd.s32 $0xFFFFC180  }
0x28d: {  	[spmem:s2] =	stream.indirect.scatter.add.f32 [tilespmem:s23], [sflag:$0x3], $0x80, s16, s19, $0xb8;
	[tilespmem:$0x1D000] =	vst v63  }
0x28e: {  	_ =	swait.ge [sflag:s17], $0x3E80  }
0x28f: {  	[sflag:s17] =	ssyncset.done $0x0  }
0x290: {  	[sflag:s17] =	ssyncadd.s32 $0xFFFFC180  }
0x291: {  	[tilespmem:s20], [sflag:$0x1] =	stream.indirect.gather [hbm4b:s4+s19], $0x80, s22, s19, $0xb8;
	[tilespmem:$0x1D000] =	vst v63  }
0x292: {  	_ =	swait.ge [sflag:s21], $0x3E80  }
0x293: {  	[sflag:s21] =	ssyncset.done $0x0  }
0x294: {  	[sflag:s21] =	ssyncadd.s32 $0xFFFFC180  }
0x295: {  	[spmem:s2] =	stream.indirect.scatter.add.f32 [tilespmem:s20], [sflag:$0x2], $0x80, s25, s19, $0xb8;
	[tilespmem:$0x1D000] =	vst v63  }
0x296: {  	_ = 	snop  }
0x297: {  	[tilespmem:s23], [sflag:$0x1] =	stream.indirect.gather [hbm4b:s4+s19], $0x80, s26, s19, $0xb8;
	[tilespmem:$0x1D000] =	vst v63  }
0x298: {  	_ =	swait.ge [sflag:s24], $0x3E80  }
0x299: {  	[sflag:s24] =	ssyncset.done $0x0  }
0x29a: {  	[sflag:s24] =	ssyncadd.s32 $0xFFFFC180  }
0x29b: {  	_ =	swait.ge [sflag:s21], $0x3E80  }
0x29c: {  	[sflag:s21] =	ssyncset.done $0x0  }
0x29d: {  	[sflag:s21] =	ssyncadd.s32 $0xFFFFC180  }
0x29e: {  	[spmem:s2] =	stream.indirect.scatter.add.f32 [tilespmem:s23], [sflag:$0x3], $0x80, s28, s19, $0xb8;
	[tilespmem:$0x1D000] =	vst v63  }
0x29f: {  	_ =	swait.ge [sflag:s17], $0x3E80  }
0x2a0: {  	[sflag:s17] =	ssyncset.done $0x0  }
0x2a1: {  	[sflag:s17] =	ssyncadd.s32 $0xFFFFC180  }
0x2a2: {  	[tilespmem:s20], [sflag:$0x1] =	stream.indirect.gather [hbm4b:s4+s19], $0x80, s29, s19, $0xb8;
	[tilespmem:$0x1D000] =	vst v63  }
0x2a3: {  	_ =	swait.ge [sflag:s21], $0x3E80  }
0x2a4: {  	[sflag:s21] =	ssyncset.done $0x0  }
0x2a5: {  	[sflag:s21] =	ssyncadd.s32 $0xFFFFC180  }
0x2a6: {  	[spmem:s2] =	stream.indirect.scatter.add.f32 [tilespmem:s20], [sflag:$0x2], $0x80, s30, s19, $0xb8;
	[tilespmem:$0x1D000] =	vst v63  }
0x2a7: {  	_ = 	snop  }
0x2a8: {  	[tilespmem:s23], [sflag:$0x1] =	stream.indirect.gather [hbm4b:s4+s19], $0x80, s31, s19, $0xb8;
	[tilespmem:$0x1D000] =	vst v63  }
0x2a9: {  	_ =	swait.ge [sflag:s24], $0x3E80  }
0x2aa: {  	[sflag:s24] =	ssyncset.done $0x0  }
0x2ab: {  	[sflag:s24] =	ssyncadd.s32 $0xFFFFC180  }
0x2ac: {  	_ =	swait.ge [sflag:s21], $0x3E80  }
0x2ad: {  	[sflag:s21] =	ssyncset.done $0x0  }
0x2ae: {  	[sflag:s21] =	ssyncadd.s32 $0xFFFFC180  }
0x2af: {  	[spmem:s2] =	stream.indirect.scatter.add.f32 [tilespmem:s23], [sflag:$0x3], $0x80, s0, s19, $0xb8;
	[tilespmem:$0x1D000] =	vst v63  }
0x2b0: {  	_ =	swait.ge [sflag:s17], $0x3E80  }
0x2b1: {  	[sflag:s17] =	ssyncset.done $0x0  }
0x2b2: {  	[sflag:s17] =	ssyncadd.s32 $0xFFFFC180  }
0x2b3: {  	[tilespmem:s20], [sflag:$0x1] =	stream.indirect.gather [hbm4b:s4+s19], $0x80, s1, s19, $0xb8;
	[tilespmem:$0x1D000] =	vst v63  }
0x2b4: {  	_ =	swait.ge [sflag:s21], $0x3E80  }
0x2b5: {  	[sflag:s21] =	ssyncset.done $0x0  }
0x2b6: {  	[sflag:s21] =	ssyncadd.s32 $0xFFFFC180  }
0x2b7: {  	[spmem:s2] =	stream.indirect.scatter.add.f32 [tilespmem:s20], [sflag:$0x2], $0x80, s9, s19, $0xb8;
	[tilespmem:$0x1D000] =	vst v63  }
0x2b8: {  	_ = 	snop  }
0x2b9: {  	[tilespmem:s23], [sflag:$0x1] =	stream.indirect.gather [hbm4b:s4+s19], $0x80, s13, s19, $0xb8;
	[tilespmem:$0x1D000] =	vst v63  }
0x2ba: {  	_ =	swait.ge [sflag:s24], $0x3E80  }
0x2bb: {  	[sflag:s24] =	ssyncset.done $0x0  }
0x2bc: {  	[sflag:s24] =	ssyncadd.s32 $0xFFFFC180  }
0x2bd: {  	_ =	swait.ge [sflag:s21], $0x3E80  }
0x2be: {  	[sflag:s21] =	ssyncset.done $0x0  }
0x2bf: {  	[sflag:s21] =	ssyncadd.s32 $0xFFFFC180  }
0x2c0: {  	[spmem:s2] =	stream.indirect.scatter.add.f32 [tilespmem:s23], [sflag:$0x3], $0x80, s6, s19, $0xb8;
	[tilespmem:$0x1D000] =	vst v63  }
0x2c1: {  	_ =	swait.ge [sflag:s17], $0x3E80  }
0x2c2: {  	[sflag:s17] =	ssyncset.done $0x0  }
0x2c3: {  	s7 =	simm.s32 $0x400;
	[sflag:s17] =	ssyncadd.s32 $0xFFFFC180  }
0x2c4: {  	[tilespmem:s20], [sflag:$0x1] =	stream.indirect.gather [hbm4b:s4+s19], $0x80, s7, s19, $0xb8;
	[tilespmem:$0x1D000] =	vst v63  }
0x2c5: {  	_ =	swait.ge [sflag:s21], $0x3E80  }
0x2c6: {  	[sflag:s21] =	ssyncset.done $0x0  }
0x2c7: {  	s7 =	simm.s32 $0xC00;
	[sflag:s21] =	ssyncadd.s32 $0xFFFFC180  }
0x2c8: {  	[spmem:s2] =	stream.indirect.scatter.add.f32 [tilespmem:s20], [sflag:$0x2], $0x80, s7, s19, $0xb8;
	[tilespmem:$0x1D000] =	vst v63  }
0x2c9: {  	s7 =	simm.s32 $0x480  }
0x2ca: {  	[tilespmem:s23], [sflag:$0x1] =	stream.indirect.gather [hbm4b:s4+s19], $0x80, s7, s19, $0xb8;
	[tilespmem:$0x1D000] =	vst v63  }
0x2cb: {  	_ =	swait.ge [sflag:s24], $0x3E80  }
0x2cc: {  	[sflag:s24] =	ssyncset.done $0x0  }
0x2cd: {  	[sflag:s24] =	ssyncadd.s32 $0xFFFFC180  }
0x2ce: {  	_ =	swait.ge [sflag:s21], $0x3E80  }
0x2cf: {  	[sflag:s21] =	ssyncset.done $0x0  }
0x2d0: {  	s7 =	simm.s32 $0xC80;
	[sflag:s21] =	ssyncadd.s32 $0xFFFFC180  }
0x2d1: {  	[spmem:s2] =	stream.indirect.scatter.add.f32 [tilespmem:s23], [sflag:$0x3], $0x80, s7, s19, $0xb8;
	[tilespmem:$0x1D000] =	vst v63  }
0x2d2: {  	_ =	swait.ge [sflag:s17], $0x3E80  }
0x2d3: {  	[sflag:s17] =	ssyncset.done $0x0  }
0x2d4: {  	s7 =	simm.s32 $0x500;
	[sflag:s17] =	ssyncadd.s32 $0xFFFFC180  }
0x2d5: {  	[tilespmem:s20], [sflag:$0x1] =	stream.indirect.gather [hbm4b:s4+s19], $0x80, s7, s19, $0xb8;
	[tilespmem:$0x1D000] =	vst v63  }
0x2d6: {  	_ =	swait.ge [sflag:s21], $0x3E80  }
0x2d7: {  	[sflag:s21] =	ssyncset.done $0x0  }
0x2d8: {  	s7 =	simm.s32 $0xD00;
	[sflag:s21] =	ssyncadd.s32 $0xFFFFC180  }
0x2d9: {  	[spmem:s2] =	stream.indirect.scatter.add.f32 [tilespmem:s20], [sflag:$0x2], $0x80, s7, s19, $0xb8;
	[tilespmem:$0x1D000] =	vst v63  }
0x2da: {  	s7 =	simm.s32 $0x580  }
0x2db: {  	[tilespmem:s23], [sflag:$0x1] =	stream.indirect.gather [hbm4b:s4+s19], $0x80, s7, s19, $0xb8;
	[tilespmem:$0x1D000] =	vst v63  }
0x2dc: {  	_ =	swait.ge [sflag:s24], $0x3E80  }
0x2dd: {  	[sflag:s24] =	ssyncset.done $0x0  }
0x2de: {  	[sflag:s24] =	ssyncadd.s32 $0xFFFFC180  }
0x2df: {  	_ =	swait.ge [sflag:s21], $0x3E80  }
0x2e0: {  	[sflag:s21] =	ssyncset.done $0x0  }
0x2e1: {  	s7 =	simm.s32 $0xD80;
	[sflag:s21] =	ssyncadd.s32 $0xFFFFC180  }
0x2e2: {  	[spmem:s2] =	stream.indirect.scatter.add.f32 [tilespmem:s23], [sflag:$0x3], $0x80, s7, s19, $0xb8;
	[tilespmem:$0x1D000] =	vst v63  }
0x2e3: {  	_ =	swait.ge [sflag:s17], $0x3E80  }
0x2e4: {  	[sflag:s17] =	ssyncset.done $0x0  }
0x2e5: {  	s7 =	simm.s32 $0x600;
	[sflag:s17] =	ssyncadd.s32 $0xFFFFC180  }
0x2e6: {  	[tilespmem:s20], [sflag:$0x1] =	stream.indirect.gather [hbm4b:s4+s19], $0x80, s7, s19, $0xb8;
	[tilespmem:$0x1D000] =	vst v63  }
0x2e7: {  	_ =	swait.ge [sflag:s21], $0x3E80  }
0x2e8: {  	[sflag:s21] =	ssyncset.done $0x0  }
0x2e9: {  	s7 =	simm.s32 $0xE00;
	[sflag:s21] =	ssyncadd.s32 $0xFFFFC180  }
0x2ea: {  	[spmem:s2] =	stream.indirect.scatter.add.f32 [tilespmem:s20], [sflag:$0x2], $0x80, s7, s19, $0xb8;
	[tilespmem:$0x1D000] =	vst v63  }
0x2eb: {  	s7 =	simm.s32 $0x680  }
0x2ec: {  	[tilespmem:s23], [sflag:$0x1] =	stream.indirect.gather [hbm4b:s4+s19], $0x80, s7, s19, $0xb8;
	[tilespmem:$0x1D000] =	vst v63  }
0x2ed: {  	_ =	swait.ge [sflag:s24], $0x3E80  }
0x2ee: {  	[sflag:s24] =	ssyncset.done $0x0  }
0x2ef: {  	[sflag:s24] =	ssyncadd.s32 $0xFFFFC180  }
0x2f0: {  	_ =	swait.ge [sflag:s21], $0x3E80  }
0x2f1: {  	[sflag:s21] =	ssyncset.done $0x0  }
0x2f2: {  	s7 =	simm.s32 $0xE80;
	[sflag:s21] =	ssyncadd.s32 $0xFFFFC180  }
0x2f3: {  	[spmem:s2] =	stream.indirect.scatter.add.f32 [tilespmem:s23], [sflag:$0x3], $0x80, s7, s19, $0xb8;
	[tilespmem:$0x1D000] =	vst v63  }
0x2f4: {  	_ =	swait.ge [sflag:s17], $0x3E80  }
0x2f5: {  	[sflag:s17] =	ssyncset.done $0x0  }
0x2f6: {  	s7 =	simm.s32 $0x700;
	[sflag:s17] =	ssyncadd.s32 $0xFFFFC180  }
0x2f7: {  	[tilespmem:s20], [sflag:$0x1] =	stream.indirect.gather [hbm4b:s4+s19], $0x80, s7, s19, $0xb8;
	[tilespmem:$0x1D000] =	vst v63  }
0x2f8: {  	_ =	swait.ge [sflag:s21], $0x3E80  }
0x2f9: {  	[sflag:s21] =	ssyncset.done $0x0  }
0x2fa: {  	s7 =	simm.s32 $0xF00;
	[sflag:s21] =	ssyncadd.s32 $0xFFFFC180  }
0x2fb: {  	[spmem:s2] =	stream.indirect.scatter.add.f32 [tilespmem:s20], [sflag:$0x2], $0x80, s7, s19, $0xb8;
	[tilespmem:$0x1D000] =	vst v63  }
0x2fc: {  	s7 =	simm.s32 $0x780  }
0x2fd: {  	[tilespmem:s23], [sflag:$0x1] =	stream.indirect.gather [hbm4b:s4+s19], $0x80, s7, s19, $0xb8;
	[tilespmem:$0x1D000] =	vst v63  }
0x2fe: {  	_ =	swait.ge [sflag:s24], $0x3E80  }
0x2ff: {  	[sflag:s24] =	ssyncset.done $0x0  }
0x300: {  	[sflag:s24] =	ssyncadd.s32 $0xFFFFC180  }
0x301: {  	_ =	swait.ge [sflag:s21], $0x3E80  }
.Ltmp5:
0x302: {  	[sflag:s21] =	ssyncset.done $0x0;
	(pc) =	sbr.rel @!p1 .LBB2_3-.Ltmp5, $4  }
0x303: {  	s7 =	simm.s32 $0xF80;
	[sflag:s21] =	ssyncadd.s32 $0xFFFFC180  }
0x304: {  	[spmem:s2] =	stream.indirect.scatter.add.f32 [tilespmem:s23], [sflag:$0x3], $0x80, s7, s19, $0xb8;
	[tilespmem:$0x1D000] =	vst v63  }
0x305: {  	_ =	swait.ge [sflag:s17], $0x3E80  }
0x306: {  	s12 =	smov.u32 s14;
	[sflag:s17] =	ssyncset.done $0x0  }
0x307: {  	s7 =	sadd.s32 s8, s10;
	[sflag:s17] =	ssyncadd.s32 $0xFFFFC180  }
0x308: {  	[tilespmem:s3], [sflag:$0x3] =	stream.linear.gather [hbm4b:s7+s3], $0x800, $0x38;
	[tilespmem:$0x1D000] =	vst v63  }
0x309: {  	_ =	swait.ge [sflag:s17], $0x800  }
0x30a: {  	[sflag:s17] =	ssyncset.done $0x0  }
0x30b: {  	s14 =	sadd.s32 s8, s11;
	[sflag:s17] =	ssyncadd.s32 $0xFFFFF800  }
0x30c: {  	[tilespmem:s18], [sflag:$0x3] =	stream.linear.gather [hbm4b:s14+s3], $0x800, $0x38;
	[tilespmem:$0x1D000] =	vst v63  }
0x30d: {  	_ =	swait.ge [sflag:s17], $0x800  }
0x30e: {  	[sflag:s17] =	ssyncset.done $0x0  }
0x30f: {  	[sflag:s17] =	ssyncadd.s32 $0xFFFFF800  }
0x310: {  	[tilespmem:s20], [sflag:$0x1] =	stream.indirect.gather [hbm4b:s4+s19], $0x80, s3, s19, $0xb8;
	[tilespmem:$0x1D000] =	vst v63  }
0x311: {  	_ =	swait.ge [sflag:s21], $0x3E80  }
0x312: {  	[sflag:s21] =	ssyncset.done $0x0  }
0x313: {  	[sflag:s21] =	ssyncadd.s32 $0xFFFFC180  }
0x314: {  	[spmem:s2] =	stream.indirect.scatter.add.f32 [tilespmem:s20], [sflag:$0x2], $0x80, s18, s19, $0xb8;
	[tilespmem:$0x1D000] =	vst v63  }
0x315: {  	_ = 	snop  }
0x316: {  	[tilespmem:s23], [sflag:$0x1] =	stream.indirect.gather [hbm4b:s4+s19], $0x80, s15, s19, $0xb8;
	[tilespmem:$0x1D000] =	vst v63  }
0x317: {  	_ =	swait.ge [sflag:s24], $0x3E80  }
0x318: {  	[sflag:s24] =	ssyncset.done $0x0  }
0x319: {  	[sflag:s24] =	ssyncadd.s32 $0xFFFFC180  }
0x31a: {  	_ =	swait.ge [sflag:s21], $0x3E80  }
0x31b: {  	[sflag:s21] =	ssyncset.done $0x0  }
0x31c: {  	[sflag:s21] =	ssyncadd.s32 $0xFFFFC180  }
0x31d: {  	[spmem:s2] =	stream.indirect.scatter.add.f32 [tilespmem:s23], [sflag:$0x3], $0x80, s16, s19, $0xb8;
	[tilespmem:$0x1D000] =	vst v63  }
0x31e: {  	_ =	swait.ge [sflag:s17], $0x3E80  }
0x31f: {  	[sflag:s17] =	ssyncset.done $0x0  }
0x320: {  	[sflag:s17] =	ssyncadd.s32 $0xFFFFC180  }
0x321: {  	[tilespmem:s20], [sflag:$0x1] =	stream.indirect.gather [hbm4b:s4+s19], $0x80, s22, s19, $0xb8;
	[tilespmem:$0x1D000] =	vst v63  }
0x322: {  	_ =	swait.ge [sflag:s21], $0x3E80  }
0x323: {  	[sflag:s21] =	ssyncset.done $0x0  }
0x324: {  	[sflag:s21] =	ssyncadd.s32 $0xFFFFC180  }
0x325: {  	[spmem:s2] =	stream.indirect.scatter.add.f32 [tilespmem:s20], [sflag:$0x2], $0x80, s25, s19, $0xb8;
	[tilespmem:$0x1D000] =	vst v63  }
0x326: {  	_ = 	snop  }
0x327: {  	[tilespmem:s23], [sflag:$0x1] =	stream.indirect.gather [hbm4b:s4+s19], $0x80, s26, s19, $0xb8;
	[tilespmem:$0x1D000] =	vst v63  }
0x328: {  	_ =	swait.ge [sflag:s24], $0x3E80  }
0x329: {  	[sflag:s24] =	ssyncset.done $0x0  }
0x32a: {  	[sflag:s24] =	ssyncadd.s32 $0xFFFFC180  }
0x32b: {  	_ =	swait.ge [sflag:s21], $0x3E80  }
0x32c: {  	[sflag:s21] =	ssyncset.done $0x0  }
0x32d: {  	[sflag:s21] =	ssyncadd.s32 $0xFFFFC180  }
0x32e: {  	[spmem:s2] =	stream.indirect.scatter.add.f32 [tilespmem:s23], [sflag:$0x3], $0x80, s28, s19, $0xb8;
	[tilespmem:$0x1D000] =	vst v63  }
0x32f: {  	_ =	swait.ge [sflag:s17], $0x3E80  }
0x330: {  	[sflag:s17] =	ssyncset.done $0x0  }
0x331: {  	[sflag:s17] =	ssyncadd.s32 $0xFFFFC180  }
0x332: {  	[tilespmem:s20], [sflag:$0x1] =	stream.indirect.gather [hbm4b:s4+s19], $0x80, s29, s19, $0xb8;
	[tilespmem:$0x1D000] =	vst v63  }
0x333: {  	_ =	swait.ge [sflag:s21], $0x3E80  }
0x334: {  	[sflag:s21] =	ssyncset.done $0x0  }
0x335: {  	[sflag:s21] =	ssyncadd.s32 $0xFFFFC180  }
0x336: {  	[spmem:s2] =	stream.indirect.scatter.add.f32 [tilespmem:s20], [sflag:$0x2], $0x80, s30, s19, $0xb8;
	[tilespmem:$0x1D000] =	vst v63  }
0x337: {  	_ = 	snop  }
0x338: {  	[tilespmem:s23], [sflag:$0x1] =	stream.indirect.gather [hbm4b:s4+s19], $0x80, s31, s19, $0xb8;
	[tilespmem:$0x1D000] =	vst v63  }
0x339: {  	_ =	swait.ge [sflag:s24], $0x3E80  }
0x33a: {  	[sflag:s24] =	ssyncset.done $0x0  }
0x33b: {  	[sflag:s24] =	ssyncadd.s32 $0xFFFFC180  }
0x33c: {  	_ =	swait.ge [sflag:s21], $0x3E80  }
0x33d: {  	[sflag:s21] =	ssyncset.done $0x0  }
0x33e: {  	[sflag:s21] =	ssyncadd.s32 $0xFFFFC180  }
0x33f: {  	[spmem:s2] =	stream.indirect.scatter.add.f32 [tilespmem:s23], [sflag:$0x3], $0x80, s0, s19, $0xb8;
	[tilespmem:$0x1D000] =	vst v63  }
0x340: {  	_ =	swait.ge [sflag:s17], $0x3E80  }
0x341: {  	[sflag:s17] =	ssyncset.done $0x0  }
0x342: {  	[sflag:s17] =	ssyncadd.s32 $0xFFFFC180  }
0x343: {  	[tilespmem:s20], [sflag:$0x1] =	stream.indirect.gather [hbm4b:s4+s19], $0x80, s1, s19, $0xb8;
	[tilespmem:$0x1D000] =	vst v63  }
0x344: {  	_ =	swait.ge [sflag:s21], $0x3E80  }
0x345: {  	[sflag:s21] =	ssyncset.done $0x0  }
0x346: {  	[sflag:s21] =	ssyncadd.s32 $0xFFFFC180  }
0x347: {  	[spmem:s2] =	stream.indirect.scatter.add.f32 [tilespmem:s20], [sflag:$0x2], $0x80, s9, s19, $0xb8;
	[tilespmem:$0x1D000] =	vst v63  }
0x348: {  	_ = 	snop  }
0x349: {  	[tilespmem:s23], [sflag:$0x1] =	stream.indirect.gather [hbm4b:s4+s19], $0x80, s13, s19, $0xb8;
	[tilespmem:$0x1D000] =	vst v63  }
0x34a: {  	_ =	swait.ge [sflag:s24], $0x3E80  }
0x34b: {  	[sflag:s24] =	ssyncset.done $0x0  }
0x34c: {  	[sflag:s24] =	ssyncadd.s32 $0xFFFFC180  }
0x34d: {  	_ =	swait.ge [sflag:s21], $0x3E80  }
0x34e: {  	[sflag:s21] =	ssyncset.done $0x0  }
0x34f: {  	[sflag:s21] =	ssyncadd.s32 $0xFFFFC180  }
0x350: {  	[spmem:s2] =	stream.indirect.scatter.add.f32 [tilespmem:s23], [sflag:$0x3], $0x80, s6, s19, $0xb8;
	[tilespmem:$0x1D000] =	vst v63  }
0x351: {  	_ =	swait.ge [sflag:s17], $0x3E80  }
0x352: {  	[sflag:s17] =	ssyncset.done $0x0  }
0x353: {  	s16 =	simm.s32 $0x400;
	[sflag:s17] =	ssyncadd.s32 $0xFFFFC180  }
0x354: {  	[tilespmem:s20], [sflag:$0x1] =	stream.indirect.gather [hbm4b:s4+s19], $0x80, s16, s19, $0xb8;
	[tilespmem:$0x1D000] =	vst v63  }
0x355: {  	_ =	swait.ge [sflag:s21], $0x3E80  }
0x356: {  	[sflag:s21] =	ssyncset.done $0x0  }
0x357: {  	s22 =	simm.s32 $0xC00;
	[sflag:s21] =	ssyncadd.s32 $0xFFFFC180  }
0x358: {  	[spmem:s2] =	stream.indirect.scatter.add.f32 [tilespmem:s20], [sflag:$0x2], $0x80, s22, s19, $0xb8;
	[tilespmem:$0x1D000] =	vst v63  }
0x359: {  	s25 =	simm.s32 $0x480  }
0x35a: {  	[tilespmem:s23], [sflag:$0x1] =	stream.indirect.gather [hbm4b:s4+s19], $0x80, s25, s19, $0xb8;
	[tilespmem:$0x1D000] =	vst v63  }
0x35b: {  	_ =	swait.ge [sflag:s24], $0x3E80  }
0x35c: {  	[sflag:s24] =	ssyncset.done $0x0  }
0x35d: {  	[sflag:s24] =	ssyncadd.s32 $0xFFFFC180  }
0x35e: {  	_ =	swait.ge [sflag:s21], $0x3E80  }
0x35f: {  	[sflag:s21] =	ssyncset.done $0x0  }
0x360: {  	s26 =	simm.s32 $0xC80;
	[sflag:s21] =	ssyncadd.s32 $0xFFFFC180  }
0x361: {  	[spmem:s2] =	stream.indirect.scatter.add.f32 [tilespmem:s23], [sflag:$0x3], $0x80, s26, s19, $0xb8;
	[tilespmem:$0x1D000] =	vst v63  }
0x362: {  	_ =	swait.ge [sflag:s17], $0x3E80  }
0x363: {  	[sflag:s17] =	ssyncset.done $0x0  }
0x364: {  	s1 =	simm.s32 $0x500;
	[sflag:s17] =	ssyncadd.s32 $0xFFFFC180  }
0x365: {  	[tilespmem:s20], [sflag:$0x1] =	stream.indirect.gather [hbm4b:s4+s19], $0x80, s1, s19, $0xb8;
	[tilespmem:$0x1D000] =	vst v63  }
0x366: {  	_ =	swait.ge [sflag:s21], $0x3E80  }
0x367: {  	[sflag:s21] =	ssyncset.done $0x0  }
0x368: {  	s6 =	simm.s32 $0xD00;
	[sflag:s21] =	ssyncadd.s32 $0xFFFFC180  }
0x369: {  	[spmem:s2] =	stream.indirect.scatter.add.f32 [tilespmem:s20], [sflag:$0x2], $0x80, s6, s19, $0xb8;
	[tilespmem:$0x1D000] =	vst v63  }
0x36a: {  	s7 =	simm.s32 $0x580  }
0x36b: {  	[tilespmem:s23], [sflag:$0x1] =	stream.indirect.gather [hbm4b:s4+s19], $0x80, s7, s19, $0xb8;
	[tilespmem:$0x1D000] =	vst v63  }
0x36c: {  	_ =	swait.ge [sflag:s24], $0x3E80  }
0x36d: {  	[sflag:s24] =	ssyncset.done $0x0  }
0x36e: {  	[sflag:s24] =	ssyncadd.s32 $0xFFFFC180  }
0x36f: {  	_ =	swait.ge [sflag:s21], $0x3E80  }
0x370: {  	[sflag:s21] =	ssyncset.done $0x0  }
0x371: {  	s8 =	simm.s32 $0xD80;
	[sflag:s21] =	ssyncadd.s32 $0xFFFFC180  }
0x372: {  	[spmem:s2] =	stream.indirect.scatter.add.f32 [tilespmem:s23], [sflag:$0x3], $0x80, s8, s19, $0xb8;
	[tilespmem:$0x1D000] =	vst v63  }
0x373: {  	_ =	swait.ge [sflag:s17], $0x3E80  }
0x374: {  	[sflag:s17] =	ssyncset.done $0x0  }
0x375: {  	s9 =	simm.s32 $0x600;
	[sflag:s17] =	ssyncadd.s32 $0xFFFFC180  }
0x376: {  	[tilespmem:s20], [sflag:$0x1] =	stream.indirect.gather [hbm4b:s4+s19], $0x80, s9, s19, $0xb8;
	[tilespmem:$0x1D000] =	vst v63  }
0x377: {  	_ =	swait.ge [sflag:s21], $0x3E80  }
0x378: {  	[sflag:s21] =	ssyncset.done $0x0  }
0x379: {  	s12 =	simm.s32 $0xE00;
	[sflag:s21] =	ssyncadd.s32 $0xFFFFC180  }
0x37a: {  	[spmem:s2] =	stream.indirect.scatter.add.f32 [tilespmem:s20], [sflag:$0x2], $0x80, s12, s19, $0xb8;
	[tilespmem:$0x1D000] =	vst v63  }
0x37b: {  	s13 =	simm.s32 $0x680  }
0x37c: {  	[tilespmem:s23], [sflag:$0x1] =	stream.indirect.gather [hbm4b:s4+s19], $0x80, s13, s19, $0xb8;
	[tilespmem:$0x1D000] =	vst v63  }
0x37d: {  	_ =	swait.ge [sflag:s24], $0x3E80  }
0x37e: {  	[sflag:s24] =	ssyncset.done $0x0  }
0x37f: {  	[sflag:s24] =	ssyncadd.s32 $0xFFFFC180  }
0x380: {  	_ =	swait.ge [sflag:s21], $0x3E80  }
0x381: {  	[sflag:s21] =	ssyncset.done $0x0  }
0x382: {  	s14 =	simm.s32 $0xE80;
	[sflag:s21] =	ssyncadd.s32 $0xFFFFC180  }
0x383: {  	[spmem:s2] =	stream.indirect.scatter.add.f32 [tilespmem:s23], [sflag:$0x3], $0x80, s14, s19, $0xb8;
	[tilespmem:$0x1D000] =	vst v63  }
0x384: {  	_ =	swait.ge [sflag:s17], $0x3E80  }
0x385: {  	[sflag:s17] =	ssyncset.done $0x0  }
0x386: {  	s16 =	simm.s32 $0x700;
	[sflag:s17] =	ssyncadd.s32 $0xFFFFC180  }
0x387: {  	[tilespmem:s20], [sflag:$0x1] =	stream.indirect.gather [hbm4b:s4+s19], $0x80, s16, s19, $0xb8;
	[tilespmem:$0x1D000] =	vst v63  }
0x388: {  	_ =	swait.ge [sflag:s21], $0x3E80  }
0x389: {  	[sflag:s21] =	ssyncset.done $0x0  }
0x38a: {  	s22 =	simm.s32 $0xF00;
	[sflag:s21] =	ssyncadd.s32 $0xFFFFC180  }
0x38b: {  	[spmem:s2] =	stream.indirect.scatter.add.f32 [tilespmem:s20], [sflag:$0x2], $0x80, s22, s19, $0xb8;
	[tilespmem:$0x1D000] =	vst v63  }
0x38c: {  	s25 =	simm.s32 $0x780  }
0x38d: {  	[tilespmem:s23], [sflag:$0x1] =	stream.indirect.gather [hbm4b:s4+s19], $0x80, s25, s19, $0xb8;
	[tilespmem:$0x1D000] =	vst v63  }
0x38e: {  	_ =	swait.ge [sflag:s24], $0x3E80  }
0x38f: {  	[sflag:s24] =	ssyncset.done $0x0  }
0x390: {  	[sflag:s24] =	ssyncadd.s32 $0xFFFFC180  }
0x391: {  	s28 =	simm.s32 $0x200;
	_ =	swait.ge [sflag:s21], $0x3E80  }
0x392: {  	s29 =	simm.s32 $0xA00;
	s30 =	simm.s32 $0x280;
	[sflag:s21] =	ssyncset.done $0x0  }
0x393: {  	s0 =	simm.s32 $0xA80;
	s26 =	simm.s32 $0xF80;
	[sflag:s21] =	ssyncadd.s32 $0xFFFFC180  }
0x394: {  	[spmem:s2] =	stream.indirect.scatter.add.f32 [tilespmem:s23], [sflag:$0x3], $0x80, s26, s19, $0xb8;
	[tilespmem:$0x1D000] =	vst v63  }
.Ltmp6:
0x395: {  	s1 =	simm.s32 $0x300;
	s9 =	simm.s32 $0xB00;
	(pc) =	sbr.rel .LBB2_8-.Ltmp6, $4  }
0x396: {  	s13 =	simm.s32 $0x380;
	s14 =	simm.s32 $0x880;
	_ =	swait.ge [sflag:s17], $0x3E80  }
0x397: {  	s16 =	simm.s32 $0x100;
	s22 =	simm.s32 $0x900;
	s8 =	rddreg [dreg:$0x3]  }
0x398: {  	s25 =	simm.s32 $0x180;
	[sflag:s17] =	ssyncset.done $0x0;
	s31 =	rddreg [dreg:$0xc]  }
0x399: {  	s26 =	simm.s32 $0x980;
	s6 =	rddreg [dreg:$0xd];
	[sflag:s17] =	ssyncadd.s32 $0xFFFFC180  }
.LBB2_9:
0x39a: {  	_ =	sfence.sel $0x180000  }
0x39b: {  	[bflag:$0x0] =	sbarrier.arrive $0xFFFF  }
0x39c: {  	_ =	strace $0x9000004A  }
0x39d: {  	s0 =	stileid.u32;
	[bflag:$0x2] =	sbarrier.arrive $0xFFFF  }
0x39e: {  	p0 =	sne.s32 s0, $0x0;
	s0 =	rddreg [dreg:$0x2]  }
0x39f: {  	s0 =	sadd.s32 @!p0 $0x100000, s0  }
0x3a0: {  	[sflag:s0] =	ssyncadd.tile.s32 @!p0 $0x1;
	_ =	shalt  }
.Lfunc_end2:
_tile_overlayer_lowered:
.L_overlay_start_2:
0x3a1: {  	(tag) =	ssettag $0x2  }
0x3a2: {  	s0 =	rddreg [dreg:$0x0];
	s2 =	stileid.u32  }
0x3a3: {  	s1 =	rddreg [dreg:$0x1];
	p0 =	sne.s32 s2, $0x0  }
0x3a4: {  	s3 =	rddreg [dreg:$0x2];
	[bflag:$0x3] =	sbarrier.arrive $0xFFFF;
	s2 =	simm.s32 @!p0 $0x1C03  }
0x3a5: {  	[timem:s3], [sflag:s2] =	dma.local @!p0 [hbm:s0], s1  }
0x3a6: {  	s0 =	simm.s32 @!p0 $0x3  }
0x3a7: {  	_ =	swait.ge @!p0 [sflag:s0], s1  }
0x3a8: {  	s1 =	ssub.s32 @!p0 $0x0, s1;
	[sflag:s0] =	ssyncset.done @!p0 $0x0  }
0x3a9: {  	[sflag:s0] =	ssyncadd.s32 @!p0 s1  }
0x3aa: {  	[bflag:$0x3] =	sbarrier.arrive $0xFFFF  }
0x3ab: {  	_ =	shalt  }

// kernel: kernel.18.cloned.1.call-start
scs
__scs_entry_jumppad:
0x0: {  	(pc) =	sbr.rel $0x88, $3  }
0x1: {  	(tag) =	ssettag $0x0;
	lr =	simm.s32 $0x1  }
0x2: {  	[smem:$0x3F8E] =	sst lr;
	_ =	strace $0xD0000000  }
0x3: {  	_ = 	snop  }
0x4: {  	_ = 	snop  }
0x5: {  	_ = 	snop  }
0x6: {  	_ = 	snop  }
0x7: {  	_ = 	snop  }
__scs_overlays_trampoline_lowered:
0x8: {  	[smem:$0x3F9D] =	sst s0  }
0x9: {  	[smem:$0x3F9E] =	sst s1  }
0xa: {  	[smem:$0x3F9F] =	sst s2  }
0xb: {  	[smem:$0x3FA0] =	sst s3  }
0xc: {  	[smem:$0x3FA1] =	sst s4  }
0xd: {  	[smem:$0x3FA2] =	sst s5  }
0xe: {  	[smem:$0x3FA3] =	sst s6  }
0xf: {  	[smem:$0x3FA4] =	sst s7  }
0x10: {  	[smem:$0x3FA5] =	sst s8  }
0x11: {  	[smem:$0x3FA6] =	sst s9;
	s0 =	simm.s32 @!p0 $0x0  }
0x12: {  	s1 =	sld [smem:$0x3F8C];
	s0 =	simm.s32 @p0 $0x1  }
0x13: {  	[smem:$0x3FA7] =	sst s0;
	s0 =	simm.s32 @!p1 $0x0  }
0x14: {  	s2 =	sld [smem:$0x3F8B];
	s0 =	simm.s32 @p1 $0x1  }
0x15: {  	[smem:$0x3FA8] =	sst s0;
	s0 =	simm.s32 @!p2 $0x0  }
0x16: {  	s3 =	sld [smem:$0x3FDB];
	s0 =	simm.s32 @p2 $0x1  }
0x17: {  	s4 =	simm.s32 $0x1BF5;
	[smem:$0x3FAA] =	sst s0  }
0x18: {  	s0 =	sld [smem:$0x3F8D];
	_ =	swait.ge [sflag:s4], $0x0  }
0x19: {  	s7 =	sld [smem:$0x3F8E]  }
0x1a: {  	s8 =	sadd.s32 $0xFFFFE003, lr  }
0x1b: {  	s9 =	sadd.s32 $0xFFFFFEF7, lr;
	s5 =	simm.s32 $0xFFFFFFFF;
	p2 =	slt.u32 s8, $0xFFFFF086  }
0x1c: {  	p1 =	slt.u32 s9, $0xF7A;
	s5 =	simm.s32 @!p2 $0x0  }
0x1d: {  	s5 =	simm.s32 @p1 $0x1;
	p0 =	seq.s32 s7, s2  }
0x1e: {  	s7 =	smul.u32 @!p0 $0xF7A, s2;
	p2 =	seq.s32 @!p0 s5, $0x0  }
0x1f: {  	s9 =	smul.u32 $0xF7A, s1;
	s8 =	simm.s32 @!p0 $0x1BF5;
	p2 =	por !p2, p0  }
0x20: {  	[sflag:s8] =	ssyncset.s32 @!p0 $0xFFFFF086;
	s6 =	sadd.s32 @!p0 s3, s7;
	s7 =	simm.s32 @!p0 $0x108  }
0x21: {  	s3 =	sadd.s32 s3, s9;
	s6 =	sadd.s32 @!p0 $0x88, s6;
	s7 =	simm.s32 @p2 $0x1082  }
0x22: {  	[simem:s7], [sflag:s8] =	dma.local @!p0 [hbm:s6], $0xF7A  }
0x23: {  	s9 =	sor.u32 $0xD0000000, s2;
	s6 =	simm.s32 $0x108;
	_ =	swait.ge @!p0 [sflag:s8], $0x0  }
0x24: {  	s3 =	sadd.s32 $0x88, s3;
	s6 =	simm.s32 @!p1 $0x1082;
	[sflag:s4] =	ssyncset.s32 $0xFFFFF086  }
0x25: {  	[simem:s6], [sflag:s4] =	dma.local [hbm:s3], $0xF7A  }
0x26: {  	[smem:$0x3F8E] =	sst s1;
	(tag) =	ssettag s2;
	_ =	strace s9  }
0x27: {  	s1 =	sld [smem:$0x3F9E]  }
0x28: {  	s2 =	sld [smem:$0x3F9F]  }
0x29: {  	s4 =	sld [smem:$0x3FA1]  }
0x2a: {  	p0 =	seq.s32 s5, $0x0;
	s5 =	sld [smem:$0x3FA2]  }
0x2b: {  	s6 =	sld [smem:$0x3FA3]  }
0x2c: {  	s7 =	sld [smem:$0x3FA4]  }
0x2d: {  	s3 =	simm.s32 $0x108;
	s8 =	sld [smem:$0x3FA5]  }
0x2e: {  	s3 =	simm.s32 @!p0 $0x1082;
	s9 =	sld [smem:$0x3FA6]  }
0x2f: {  	lr =	sadd.s32 s0, s3;
	s0 =	sld [smem:$0x3F9D]  }
0x30: {  	s3 =	sld [smem:$0x3FA0]  }
0x31: {  	[smem:$0x3FA9] =	sst s10  }
0x32: {  	s10 =	sld [smem:$0x3FA7];
	_ =	sdelay $0x3  }
0x33: {  	p0 =	seq.s32 s10, $0x1;
	s10 =	sld [smem:$0x3FA9];
	_ =	sdelay $0x3  }
0x34: {  	[smem:$0x3FA9] =	sst s10  }
0x35: {  	s10 =	sld [smem:$0x3FA8];
	_ =	sdelay $0x3  }
0x36: {  	p1 =	seq.s32 s10, $0x1;
	s10 =	sld [smem:$0x3FA9];
	_ =	sdelay $0x3  }
0x37: {  	[smem:$0x3FA9] =	sst s10  }
0x38: {  	s10 =	sld [smem:$0x3FAA]  }
0x39: {  	_ = 	snop;
	(pc) =	sbr.ind lr, $3  }
0x3a: {  	_ = 	snop  }
0x3b: {  	_ = 	snop  }
0x3c: {  	p2 =	seq.s32 s10, $0x1;
	s10 =	sld [smem:$0x3FA9]  }
0x3d: {  	_ =	shalt  }
0x3e: {  	_ =	shalt  }
0x3f: {  	_ =	shalt  }
0x40: {  	_ =	shalt  }
0x41: {  	_ =	shalt  }
0x42: {  	_ =	shalt  }
0x43: {  	_ =	shalt  }
0x44: {  	_ =	shalt  }
0x45: {  	_ =	shalt  }
0x46: {  	_ =	shalt  }
0x47: {  	_ =	shalt  }
0x48: {  	_ =	shalt  }
0x49: {  	_ =	shalt  }
0x4a: {  	_ =	shalt  }
0x4b: {  	_ =	shalt  }
0x4c: {  	_ =	shalt  }
0x4d: {  	_ =	shalt  }
0x4e: {  	_ =	shalt  }
0x4f: {  	_ =	shalt  }
0x50: {  	_ =	shalt  }
0x51: {  	_ =	shalt  }
0x52: {  	_ =	shalt  }
0x53: {  	_ =	shalt  }
0x54: {  	_ =	shalt  }
0x55: {  	_ =	shalt  }
0x56: {  	_ =	shalt  }
0x57: {  	_ =	shalt  }
0x58: {  	_ =	shalt  }
0x59: {  	_ =	shalt  }
0x5a: {  	_ =	shalt  }
0x5b: {  	_ =	shalt  }
0x5c: {  	_ =	shalt  }
0x5d: {  	_ =	shalt  }
0x5e: {  	_ =	shalt  }
0x5f: {  	_ =	shalt  }
0x60: {  	_ =	shalt  }
0x61: {  	_ =	shalt  }
0x62: {  	_ =	shalt  }
0x63: {  	_ =	shalt  }
0x64: {  	_ =	shalt  }
0x65: {  	_ =	shalt  }
0x66: {  	_ =	shalt  }
0x67: {  	_ =	shalt  }
0x68: {  	_ =	shalt  }
0x69: {  	_ =	shalt  }
0x6a: {  	_ =	shalt  }
0x6b: {  	_ =	shalt  }
0x6c: {  	_ =	shalt  }
0x6d: {  	_ =	shalt  }
0x6e: {  	_ =	shalt  }
0x6f: {  	_ =	shalt  }
0x70: {  	_ =	shalt  }
0x71: {  	_ =	shalt  }
0x72: {  	_ =	shalt  }
0x73: {  	_ =	shalt  }
0x74: {  	_ =	shalt  }
0x75: {  	_ =	shalt  }
0x76: {  	_ =	shalt  }
0x77: {  	_ =	shalt  }
0x78: {  	_ =	shalt  }
0x79: {  	_ =	shalt  }
0x7a: {  	_ =	shalt  }
0x7b: {  	_ =	shalt  }
0x7c: {  	_ =	shalt  }
0x7d: {  	_ =	shalt  }
0x7e: {  	_ =	shalt  }
0x7f: {  	_ =	shalt  }
0x80: {  	_ =	shalt  }
0x81: {  	_ =	shalt  }
0x82: {  	_ =	shalt  }
0x83: {  	_ =	shalt  }
0x84: {  	_ =	shalt  }
0x85: {  	_ =	shalt  }
0x86: {  	_ =	shalt  }
0x87: {  	_ =	shalt  }
.Lfunc_end0:
.L_simem_size_0:
called_computation.2_lowered:
.L_overlay_start_0:
0x88: {  	s2 =	sld [smem:$0x3FD9]  }
0x89: {  	s3 =	sld [smem:$0x3FFE];
	_ =	sdelay $0x1  }
0x8a: {  	s1 =	srdreg.scid  }
0x8b: {  	s0 =	sand.u32 $0x1, s1  }
0x8c: {  	s16 =	sshll.u32 s0, $0xA;
	s2 =	sadd.s32 s3, s2  }
0x8d: {  	s2 =	sadd.s32 s2, s16  }
0x8e: {  	[smem:$0x3FB5] =	sst s2  }
0x8f: {  	_ = 	snop  }
0x90: {  	(tm) =	ssettm $0x1  }
0x91: {  	s17 =	sld [smem:$0x3FFB];
	_ =	sdelay $0x3  }
0x92: {  	_ =	strace s17  }
0x93: {  	s2 =	sld [smem:$0x3FFC];
	_ =	sdelay $0x3  }
0x94: {  	_ =	strace s2  }
0x95: {  	s2 =	sld [smem:$0x3FFD];
	_ =	sdelay $0x3  }
0x96: {  	_ =	strace s2  }
0x97: {  	_ =	strace $0x8FFFFFFF  }
0x98: {  	s18 =	sld [smem:$0x3FDB];
	_ =	sdelay $0x1  }
0x99: {  	s19 =	simm.s32 $_scs_section_size  }
0x9a: {  	s4 =	simm.s32 $_size__tile_overlayer_lowered;
	s5 =	simm.s32 $_tile_overlayer_lowered  }
0x9b: {  	s22 =	simm.s32 $0x1BFF;
	s21 =	sshll.u32 s5, $0x1;
	s2 =	sadd.s32 s19, s18  }
0x9c: {  	s6 =	simm.s32 $0x0;
	s20 =	sshll.u32 s4, $0x1;
	s4 =	sadd.s32 s21, s2  }
0x9d: {  	[timem:s6], [sflag:s22] =	dma.local [hbm:s4], s20  }
0x9e: {  	_ =	swait.ge [sflag:s22], s20  }
0x9f: {  	s3 =	ssub.s32 $0x0, s20;
	[sflag:s22] =	ssyncset.done $0x0  }
0xa0: {  	[sflag:s22] =	ssyncadd.s32 s3;
	_ =	sdelay $0x1  }
0xa1: {  	s23 =	simm.s32 $0x1B8B  }
0xa2: {  	_ =	swait.ge [sflag:s23], $0x1  }
0xa3: {  	[sflag:s23] =	ssyncset.done $0x0  }
0xa4: {  	s25 =	simm.s32 $0x1B8E;
	s24 =	sld [smem:$0x3FFE];
	[sflag:s23] =	ssyncadd.s32 $0xFFFFFFFF  }
0xa5: {  	s26 =	simm.s32 $execute0_lowered;
	[smem:$0x3FD2] =	sst s25  }
0xa6: {  	s4 =	sshll.u32 s26, $0x1;
	_ =	strace $0x8000004C;
	[dreg:$0x1] =	wrdreg $0xFFFFFFFF  }
0xa7: {  	s28 =	simm.s32 $_size_execute0_lowered;
	s2 =	sadd.s32 s2, s4;
	[dreg:$0x0] =	wrdreg $0x0  }
0xa8: {  	s4 =	sshll.u32 s28, $0x1;
	[dreg:$0x2] =	wrdreg s2  }
0xa9: {  	[dreg:$0x3] =	wrdreg s4  }
0xaa: {  	[dreg:$0x4] =	wrdreg $0xC0  }
0xab: {  	_ =	task [dreg:s6], $0x5FFFF  }
0xac: {  	[dreg:$0x1] =	wrdreg $0xFFFFFFFF  }
0xad: {  	[dreg:$0x0] =	wrdreg $0x60  }
0xae: {  	[dreg:$0x2] =	wrdreg s24  }
0xaf: {  	[dreg:$0x3] =	wrdreg $0x90000  }
0xb0: {  	[dreg:$0x4] =	wrdreg $0x9  }
0xb1: {  	_ =	task.clear_ibuf [dreg:s6], $0x5FFFF;
	_ =	strace $0x9000004C  }
0xb2: {  	s29 =	simm.s32 $0x9;
	_ =	strace $0x8000004E  }
0xb3: {  	_ =	swait.ge [sflag:s29], $0x1  }
0xb4: {  	[sflag:s29] =	ssyncadd.s32 $0xFFFFFFFF  }
0xb5: {  	_ =	strace $0x9000004E  }
0xb6: {  	_ =	sfence  }
0xb7: {  	s30 =	sld [smem:$0x0];
	_ =	sdelay $0x2  }
0xb8: {  	s31 =	sshll.u32 s1, $0xD;
	s1 =	sshrl.u32 s1, $0x2  }
0xb9: {  	s3 =	sand.u32 $0x4000, s31;
	s1 =	sadd.s32 s1, s30  }
0xba: {  	s0 =	sor.u32 s3, s0;
	s1 =	sshll.u32 s1, $0x11  }
0xbb: {  	s0 =	sor.u32 s1, s0  }
0xbc: {  	s0 =	sadd.s32 $0x8F2B, s0  }
0xbd: {  	[sflag:s0] =	ssyncadd.remote.s32 $0x1  }
0xbe: {  	_ =	sfence.sel $0xFFFF  }
0xbf: {  	[dreg:$0x0] =	wrdreg $0xFFFFFFFF;
	(pc) =	sbr.abs _section_cstart, $3  }
0xc0: {  	[dreg:$0x1] =	wrdreg $0xFFFFFFFF  }
0xc1: {  	_ =	task.clear_ibuf [dreg:s6], $0x2FFFF;
	_ =	strace $0x9FFFFFFF  }
0xc2: {  	(tm) =	ssettm $0x7FFFFFFF  }
0xc3: {  	_ =	shalt  }
tec
execute0_lowered:
.L_overlay_start_1:
0x0: {  	(tag) =	ssettag $0x1  }
0x1: {  	s0 =	rddreg [dreg:$0x0]  }
0x2: {  	s2 =	rddreg [dreg:$0x1];
	s3 =	simm.s32 $0x0;
	s12 =	stileid.u32  }
0x3: {  	s6 =	srdreg.scid;
	s17 =	simm.s32 $0x3;
	s18 =	simm.s32 $0x800  }
0x4: {  	s15 =	simm.s32 $0x80;
	s14 =	simm.s32 $0x880;
	s16 =	simm.s32 $0x100  }
0x5: {  	s28 =	simm.s32 $0x200;
	s29 =	simm.s32 $0xA00;
	s30 =	simm.s32 $0x280  }
0x6: {  	s31 =	simm.s32 $0x0;
	[smem:$0x7FF] =	sst s3;
	s1 =	smul.u32 $0xA00, s12  }
0x7: {  	s4 =	sadd.s32 $0x6400, s0;
	s5 =	sadd.s32 $0x2E400, s0;
	s8 =	smul.u32 $0x50000, s12  }
0x8: {  	s6 =	sand.u32 $0x1, s6;
	s9 =	sadd.s32 $0x9F400, s0;
	s13 =	smul.u32 $0x2800, s12  }
0x9: {  	s24 =	sshll.u32 s12, $0x6;
	_ =	strace $0x8000004D;
	[dreg:$0x3] =	wrdreg s9  }
0xa: {  	s7 =	ssub.s32 $0x2, s6;
	p0 =	seq.s32 s6, $0x1;
	[dreg:$0x7] =	wrdreg s24  }
0xb: {  	s26 =	sor.u32 $0x1C03, s24;
	s24 =	simm.s32 $0x2;
	s9 =	simm.s32 $0xB00  }
0xc: {  	s1 =	sadd.s32 s1, s0;
	s19 =	sshrl.u32 s7, $0x1;
	s0 =	sadd.s32 $0xC7400, s0  }
0xd: {  	s21 =	sshrl.u32 s8, $0x2;
	s23 =	sadd.s32 s4, s13;
	[dreg:$0x4] =	wrdreg s13  }
0xe: {  	s25 =	sadd.s32 s5, s13;
	[dreg:$0xa] =	wrdreg s26;
	s26 =	simm.s32 $0x980  }
0xf: {  	s13 =	simm.s32 $0x380;
	[dreg:$0x5] =	wrdreg s0;
	s20 =	ssub.s32 s7, s19  }
0x10: {  	s22 =	sadd.s32 s21, s2;
	[dreg:$0x6] =	wrdreg s23;
	s10 =	sadd.s32 $0x6D400, s1  }
.Ltmp0:
0x11: {  	s11 =	sadd.s32 $0x63400, s1;
	[dreg:$0x8] =	wrdreg s25;
	(pc) =	sbr.rel .LBB2_1-.Ltmp0, $4  }
0x12: {  	s19 =	simm.s32 $0x7D;
	s21 =	simm.s32 $0x1;
	s23 =	simm.s32 $0x5000  }
0x13: {  	s25 =	simm.s32 $0x180;
	s1 =	simm.s32 $0x300;
	s0 =	smax.u32 s20, $0x1  }
0x14: {  	s12 =	sshrl.u32 s22, $0x3;
	s20 =	simm.s32 $0x1000;
	[dreg:$0x9] =	wrdreg s0  }
0x15: {  	s22 =	simm.s32 $0x900;
	s0 =	simm.s32 $0xA80;
	[dreg:$0xb] =	wrdreg s12  }
.LBB2_7:
0x16: {  	s7 =	sadd.s32 s8, s10;
	[sflag:s17] =	ssyncadd.s32 $0xFFFFC180  }
0x17: {  	[tilespmem:s3], [sflag:$0x3] =	stream.linear.gather [hbm4b:s7+s3], $0x800, $0x38;
	[tilespmem:$0x1D000] =	vst v63  }
0x18: {  	_ =	swait.ge [sflag:s17], $0x800  }
0x19: {  	[sflag:s17] =	ssyncset.done $0x0  }
0x1a: {  	s14 =	sadd.s32 s8, s11;
	[sflag:s17] =	ssyncadd.s32 $0xFFFFF800  }
0x1b: {  	[tilespmem:s18], [sflag:$0x3] =	stream.linear.gather [hbm4b:s14+s3], $0x800, $0x38;
	[tilespmem:$0x1D000] =	vst v63  }
0x1c: {  	_ =	swait.ge [sflag:s17], $0x800  }
0x1d: {  	[sflag:s17] =	ssyncset.done $0x0  }
0x1e: {  	[sflag:s17] =	ssyncadd.s32 $0xFFFFF800  }
0x1f: {  	[tilespmem:s20], [sflag:$0x1] =	stream.indirect.gather [hbm4b:s5+s19], $0x80, s3, s19, $0xb8;
	[tilespmem:$0x1D000] =	vst v63  }
0x20: {  	_ =	swait.ge [sflag:s21], $0x3E80  }
0x21: {  	[sflag:s21] =	ssyncset.done $0x0  }
0x22: {  	[sflag:s21] =	ssyncadd.s32 $0xFFFFC180  }
0x23: {  	[spmem:s2] =	stream.indirect.scatter.add.f32 [tilespmem:s20], [sflag:$0x2], $0x80, s18, s19, $0xb8;
	[tilespmem:$0x1D000] =	vst v63  }
0x24: {  	_ = 	snop  }
0x25: {  	[tilespmem:s23], [sflag:$0x1] =	stream.indirect.gather [hbm4b:s5+s19], $0x80, s15, s19, $0xb8;
	[tilespmem:$0x1D000] =	vst v63  }
0x26: {  	_ =	swait.ge [sflag:s24], $0x3E80  }
0x27: {  	[sflag:s24] =	ssyncset.done $0x0  }
0x28: {  	[sflag:s24] =	ssyncadd.s32 $0xFFFFC180  }
0x29: {  	_ =	swait.ge [sflag:s21], $0x3E80  }
0x2a: {  	[sflag:s21] =	ssyncset.done $0x0  }
0x2b: {  	[sflag:s21] =	ssyncadd.s32 $0xFFFFC180  }
0x2c: {  	[spmem:s2] =	stream.indirect.scatter.add.f32 [tilespmem:s23], [sflag:$0x3], $0x80, s16, s19, $0xb8;
	[tilespmem:$0x1D000] =	vst v63  }
0x2d: {  	_ =	swait.ge [sflag:s17], $0x3E80  }
0x2e: {  	[sflag:s17] =	ssyncset.done $0x0  }
0x2f: {  	[sflag:s17] =	ssyncadd.s32 $0xFFFFC180  }
0x30: {  	[tilespmem:s20], [sflag:$0x1] =	stream.indirect.gather [hbm4b:s5+s19], $0x80, s22, s19, $0xb8;
	[tilespmem:$0x1D000] =	vst v63  }
0x31: {  	_ =	swait.ge [sflag:s21], $0x3E80  }
0x32: {  	[sflag:s21] =	ssyncset.done $0x0  }
0x33: {  	[sflag:s21] =	ssyncadd.s32 $0xFFFFC180  }
0x34: {  	[spmem:s2] =	stream.indirect.scatter.add.f32 [tilespmem:s20], [sflag:$0x2], $0x80, s25, s19, $0xb8;
	[tilespmem:$0x1D000] =	vst v63  }
0x35: {  	_ = 	snop  }
0x36: {  	[tilespmem:s23], [sflag:$0x1] =	stream.indirect.gather [hbm4b:s5+s19], $0x80, s26, s19, $0xb8;
	[tilespmem:$0x1D000] =	vst v63  }
0x37: {  	_ =	swait.ge [sflag:s24], $0x3E80  }
0x38: {  	[sflag:s24] =	ssyncset.done $0x0  }
0x39: {  	[sflag:s24] =	ssyncadd.s32 $0xFFFFC180  }
0x3a: {  	_ =	swait.ge [sflag:s21], $0x3E80  }
0x3b: {  	[sflag:s21] =	ssyncset.done $0x0  }
0x3c: {  	[sflag:s21] =	ssyncadd.s32 $0xFFFFC180  }
0x3d: {  	[spmem:s2] =	stream.indirect.scatter.add.f32 [tilespmem:s23], [sflag:$0x3], $0x80, s28, s19, $0xb8;
	[tilespmem:$0x1D000] =	vst v63  }
0x3e: {  	_ =	swait.ge [sflag:s17], $0x3E80  }
0x3f: {  	[sflag:s17] =	ssyncset.done $0x0  }
0x40: {  	[sflag:s17] =	ssyncadd.s32 $0xFFFFC180  }
0x41: {  	[tilespmem:s20], [sflag:$0x1] =	stream.indirect.gather [hbm4b:s5+s19], $0x80, s29, s19, $0xb8;
	[tilespmem:$0x1D000] =	vst v63  }
0x42: {  	_ =	swait.ge [sflag:s21], $0x3E80  }
0x43: {  	[sflag:s21] =	ssyncset.done $0x0  }
0x44: {  	[sflag:s21] =	ssyncadd.s32 $0xFFFFC180  }
0x45: {  	[spmem:s2] =	stream.indirect.scatter.add.f32 [tilespmem:s20], [sflag:$0x2], $0x80, s30, s19, $0xb8;
	[tilespmem:$0x1D000] =	vst v63  }
0x46: {  	_ = 	snop  }
0x47: {  	[tilespmem:s23], [sflag:$0x1] =	stream.indirect.gather [hbm4b:s5+s19], $0x80, s31, s19, $0xb8;
	[tilespmem:$0x1D000] =	vst v63  }
0x48: {  	_ =	swait.ge [sflag:s24], $0x3E80  }
0x49: {  	[sflag:s24] =	ssyncset.done $0x0  }
0x4a: {  	[sflag:s24] =	ssyncadd.s32 $0xFFFFC180  }
0x4b: {  	_ =	swait.ge [sflag:s21], $0x3E80  }
0x4c: {  	[sflag:s21] =	ssyncset.done $0x0  }
0x4d: {  	[sflag:s21] =	ssyncadd.s32 $0xFFFFC180  }
0x4e: {  	[spmem:s2] =	stream.indirect.scatter.add.f32 [tilespmem:s23], [sflag:$0x3], $0x80, s0, s19, $0xb8;
	[tilespmem:$0x1D000] =	vst v63  }
0x4f: {  	_ =	swait.ge [sflag:s17], $0x3E80  }
0x50: {  	[sflag:s17] =	ssyncset.done $0x0  }
0x51: {  	[sflag:s17] =	ssyncadd.s32 $0xFFFFC180  }
0x52: {  	[tilespmem:s20], [sflag:$0x1] =	stream.indirect.gather [hbm4b:s5+s19], $0x80, s1, s19, $0xb8;
	[tilespmem:$0x1D000] =	vst v63  }
0x53: {  	_ =	swait.ge [sflag:s21], $0x3E80  }
0x54: {  	[sflag:s21] =	ssyncset.done $0x0  }
0x55: {  	[sflag:s21] =	ssyncadd.s32 $0xFFFFC180  }
0x56: {  	[spmem:s2] =	stream.indirect.scatter.add.f32 [tilespmem:s20], [sflag:$0x2], $0x80, s9, s19, $0xb8;
	[tilespmem:$0x1D000] =	vst v63  }
0x57: {  	_ = 	snop  }
0x58: {  	[tilespmem:s23], [sflag:$0x1] =	stream.indirect.gather [hbm4b:s5+s19], $0x80, s13, s19, $0xb8;
	[tilespmem:$0x1D000] =	vst v63  }
0x59: {  	_ =	swait.ge [sflag:s24], $0x3E80  }
0x5a: {  	[sflag:s24] =	ssyncset.done $0x0  }
0x5b: {  	[sflag:s24] =	ssyncadd.s32 $0xFFFFC180  }
0x5c: {  	_ =	swait.ge [sflag:s21], $0x3E80  }
0x5d: {  	[sflag:s21] =	ssyncset.done $0x0  }
0x5e: {  	[sflag:s21] =	ssyncadd.s32 $0xFFFFC180  }
0x5f: {  	[spmem:s2] =	stream.indirect.scatter.add.f32 [tilespmem:s23], [sflag:$0x3], $0x80, s6, s19, $0xb8;
	[tilespmem:$0x1D000] =	vst v63  }
0x60: {  	_ =	swait.ge [sflag:s17], $0x3E80  }
0x61: {  	[sflag:s17] =	ssyncset.done $0x0  }
0x62: {  	s16 =	simm.s32 $0x400;
	[sflag:s17] =	ssyncadd.s32 $0xFFFFC180  }
0x63: {  	[tilespmem:s20], [sflag:$0x1] =	stream.indirect.gather [hbm4b:s5+s19], $0x80, s16, s19, $0xb8;
	[tilespmem:$0x1D000] =	vst v63  }
0x64: {  	_ =	swait.ge [sflag:s21], $0x3E80  }
0x65: {  	[sflag:s21] =	ssyncset.done $0x0  }
0x66: {  	s22 =	simm.s32 $0xC00;
	[sflag:s21] =	ssyncadd.s32 $0xFFFFC180  }
0x67: {  	[spmem:s2] =	stream.indirect.scatter.add.f32 [tilespmem:s20], [sflag:$0x2], $0x80, s22, s19, $0xb8;
	[tilespmem:$0x1D000] =	vst v63  }
0x68: {  	s25 =	simm.s32 $0x480  }
0x69: {  	[tilespmem:s23], [sflag:$0x1] =	stream.indirect.gather [hbm4b:s5+s19], $0x80, s25, s19, $0xb8;
	[tilespmem:$0x1D000] =	vst v63  }
0x6a: {  	_ =	swait.ge [sflag:s24], $0x3E80  }
0x6b: {  	[sflag:s24] =	ssyncset.done $0x0  }
0x6c: {  	[sflag:s24] =	ssyncadd.s32 $0xFFFFC180  }
0x6d: {  	_ =	swait.ge [sflag:s21], $0x3E80  }
0x6e: {  	[sflag:s21] =	ssyncset.done $0x0  }
0x6f: {  	s26 =	simm.s32 $0xC80;
	[sflag:s21] =	ssyncadd.s32 $0xFFFFC180  }
0x70: {  	[spmem:s2] =	stream.indirect.scatter.add.f32 [tilespmem:s23], [sflag:$0x3], $0x80, s26, s19, $0xb8;
	[tilespmem:$0x1D000] =	vst v63  }
0x71: {  	_ =	swait.ge [sflag:s17], $0x3E80  }
0x72: {  	[sflag:s17] =	ssyncset.done $0x0  }
0x73: {  	s1 =	simm.s32 $0x500;
	[sflag:s17] =	ssyncadd.s32 $0xFFFFC180  }
0x74: {  	[tilespmem:s20], [sflag:$0x1] =	stream.indirect.gather [hbm4b:s5+s19], $0x80, s1, s19, $0xb8;
	[tilespmem:$0x1D000] =	vst v63  }
0x75: {  	_ =	swait.ge [sflag:s21], $0x3E80  }
0x76: {  	[sflag:s21] =	ssyncset.done $0x0  }
0x77: {  	s6 =	simm.s32 $0xD00;
	[sflag:s21] =	ssyncadd.s32 $0xFFFFC180  }
0x78: {  	[spmem:s2] =	stream.indirect.scatter.add.f32 [tilespmem:s20], [sflag:$0x2], $0x80, s6, s19, $0xb8;
	[tilespmem:$0x1D000] =	vst v63  }
0x79: {  	s7 =	simm.s32 $0x580  }
0x7a: {  	[tilespmem:s23], [sflag:$0x1] =	stream.indirect.gather [hbm4b:s5+s19], $0x80, s7, s19, $0xb8;
	[tilespmem:$0x1D000] =	vst v63  }
0x7b: {  	_ =	swait.ge [sflag:s24], $0x3E80  }
0x7c: {  	[sflag:s24] =	ssyncset.done $0x0  }
0x7d: {  	[sflag:s24] =	ssyncadd.s32 $0xFFFFC180  }
0x7e: {  	_ =	swait.ge [sflag:s21], $0x3E80  }
0x7f: {  	[sflag:s21] =	ssyncset.done $0x0  }
0x80: {  	s8 =	simm.s32 $0xD80;
	[sflag:s21] =	ssyncadd.s32 $0xFFFFC180  }
0x81: {  	[spmem:s2] =	stream.indirect.scatter.add.f32 [tilespmem:s23], [sflag:$0x3], $0x80, s8, s19, $0xb8;
	[tilespmem:$0x1D000] =	vst v63  }
0x82: {  	_ =	swait.ge [sflag:s17], $0x3E80  }
0x83: {  	[sflag:s17] =	ssyncset.done $0x0  }
0x84: {  	s9 =	simm.s32 $0x600;
	[sflag:s17] =	ssyncadd.s32 $0xFFFFC180  }
0x85: {  	[tilespmem:s20], [sflag:$0x1] =	stream.indirect.gather [hbm4b:s5+s19], $0x80, s9, s19, $0xb8;
	[tilespmem:$0x1D000] =	vst v63  }
0x86: {  	_ =	swait.ge [sflag:s21], $0x3E80  }
0x87: {  	[sflag:s21] =	ssyncset.done $0x0  }
0x88: {  	s12 =	simm.s32 $0xE00;
	[sflag:s21] =	ssyncadd.s32 $0xFFFFC180  }
0x89: {  	[spmem:s2] =	stream.indirect.scatter.add.f32 [tilespmem:s20], [sflag:$0x2], $0x80, s12, s19, $0xb8;
	[tilespmem:$0x1D000] =	vst v63  }
0x8a: {  	s13 =	simm.s32 $0x680  }
0x8b: {  	[tilespmem:s23], [sflag:$0x1] =	stream.indirect.gather [hbm4b:s5+s19], $0x80, s13, s19, $0xb8;
	[tilespmem:$0x1D000] =	vst v63  }
0x8c: {  	_ =	swait.ge [sflag:s24], $0x3E80  }
0x8d: {  	[sflag:s24] =	ssyncset.done $0x0  }
0x8e: {  	[sflag:s24] =	ssyncadd.s32 $0xFFFFC180  }
0x8f: {  	_ =	swait.ge [sflag:s21], $0x3E80  }
0x90: {  	[sflag:s21] =	ssyncset.done $0x0  }
0x91: {  	s14 =	simm.s32 $0xE80;
	[sflag:s21] =	ssyncadd.s32 $0xFFFFC180  }
0x92: {  	[spmem:s2] =	stream.indirect.scatter.add.f32 [tilespmem:s23], [sflag:$0x3], $0x80, s14, s19, $0xb8;
	[tilespmem:$0x1D000] =	vst v63  }
0x93: {  	_ =	swait.ge [sflag:s17], $0x3E80  }
0x94: {  	[sflag:s17] =	ssyncset.done $0x0  }
0x95: {  	s16 =	simm.s32 $0x700;
	[sflag:s17] =	ssyncadd.s32 $0xFFFFC180  }
0x96: {  	[tilespmem:s20], [sflag:$0x1] =	stream.indirect.gather [hbm4b:s5+s19], $0x80, s16, s19, $0xb8;
	[tilespmem:$0x1D000] =	vst v63  }
0x97: {  	_ =	swait.ge [sflag:s21], $0x3E80  }
0x98: {  	[sflag:s21] =	ssyncset.done $0x0  }
0x99: {  	s22 =	simm.s32 $0xF00;
	[sflag:s21] =	ssyncadd.s32 $0xFFFFC180  }
0x9a: {  	[spmem:s2] =	stream.indirect.scatter.add.f32 [tilespmem:s20], [sflag:$0x2], $0x80, s22, s19, $0xb8;
	[tilespmem:$0x1D000] =	vst v63  }
0x9b: {  	s25 =	simm.s32 $0x780  }
0x9c: {  	[tilespmem:s23], [sflag:$0x1] =	stream.indirect.gather [hbm4b:s5+s19], $0x80, s25, s19, $0xb8;
	[tilespmem:$0x1D000] =	vst v63  }
0x9d: {  	_ =	swait.ge [sflag:s24], $0x3E80  }
0x9e: {  	[sflag:s24] =	ssyncset.done $0x0  }
0x9f: {  	s28 =	simm.s32 $0x200;
	[sflag:s24] =	ssyncadd.s32 $0xFFFFC180  }
0xa0: {  	s29 =	simm.s32 $0xA00;
	s30 =	simm.s32 $0x280;
	_ =	swait.ge [sflag:s21], $0x3E80  }
0xa1: {  	s0 =	simm.s32 $0xA80;
	s26 =	simm.s32 $0xF80;
	[sflag:s21] =	ssyncset.done $0x0  }
0xa2: {  	s1 =	simm.s32 $0x300;
	s9 =	simm.s32 $0xB00;
	[sflag:s21] =	ssyncadd.s32 $0xFFFFC180  }
0xa3: {  	[spmem:s2] =	stream.indirect.scatter.add.f32 [tilespmem:s23], [sflag:$0x3], $0x80, s26, s19, $0xb8;
	[tilespmem:$0x1D000] =	vst v63  }
0xa4: {  	s13 =	simm.s32 $0x380;
	s14 =	simm.s32 $0x880;
	_ =	swait.ge [sflag:s17], $0x3E80  }
0xa5: {  	s16 =	simm.s32 $0x100;
	s22 =	simm.s32 $0x900;
	s8 =	rddreg [dreg:$0x5]  }
0xa6: {  	s25 =	simm.s32 $0x180;
	[sflag:s17] =	ssyncset.done $0x0;
	s6 =	rddreg [dreg:$0xa]  }
0xa7: {  	s26 =	simm.s32 $0x980;
	s31 =	rddreg [dreg:$0xc];
	[sflag:s17] =	ssyncadd.s32 $0xFFFFC180  }
.LBB2_8:
0xa8: {  	s7 =	rddreg [dreg:$0x4];
	[bflag:$0x0] =	sbarrier.arrive $0xFFFF  }
0xa9: {  	s7 =	sadd.s32 s8, s7;
	s12 =	rddreg [dreg:$0xb]  }
0xaa: {  	[hbm:s7], [sflag:s6] =	dma.local [spmem:s12], $0x2800  }
0xab: {  	_ =	swait.ge [sflag:s17], $0x2800  }
0xac: {  	s31 =	sadd.s32 $0x1, s31;
	s8 =	rddreg [dreg:$0x9]  }
0xad: {  	p1 =	sne.s32 s31, s8  }
.Ltmp1:
0xae: {  	_ = 	snop;
	(pc) =	sbr.rel @!p1 .LBB2_9-.Ltmp1, $3  }
0xaf: {  	_ =	sdelay $0x1  }
0xb0: {  	[sflag:s17] =	ssyncset.done $0x0  }
0xb1: {  	[sflag:s17] =	ssyncadd.s32 $0xFFFFD800  }
.LBB2_1:
.Ltmp2:
0xb2: {  	(pc) =	sbr.rel @!p0 .LBB2_2-.Ltmp2, $2  }
0xb3: {  	_ =	sdelay $0x2  }
0xb4: {  	[dreg:$0xc] =	wrdreg s31  }
0xb5: {  	s7 =	rddreg [dreg:$0x8]  }
0xb6: {  	s8 =	rddreg [dreg:$0xa]  }
0xb7: {  	[spmem:s12], [sflag:s8] =	dma.local [hbm:s7], $0x2800  }
0xb8: {  	_ =	swait.ge [sflag:s17], $0x2800  }
0xb9: {  	[sflag:s17] =	ssyncset.done $0x0  }
0xba: {  	[sflag:s17] =	ssyncadd.s32 $0xFFFFD800  }
0xbb: {  	s8 =	sadd.s32 $0x0, s10;
	[bflag:$0x0] =	sbarrier.arrive $0xFFFF  }
0xbc: {  	[tilespmem:s3], [sflag:$0x3] =	stream.linear.gather [hbm4b:s8+s3], $0x800, $0x38;
	[tilespmem:$0x1D000] =	vst v63  }
0xbd: {  	_ =	swait.ge [sflag:s17], $0x800  }
0xbe: {  	[sflag:s17] =	ssyncset.done $0x0  }
0xbf: {  	s12 =	sadd.s32 $0x0, s11;
	[sflag:s17] =	ssyncadd.s32 $0xFFFFF800  }
0xc0: {  	[tilespmem:s18], [sflag:$0x3] =	stream.linear.gather [hbm4b:s12+s3], $0x800, $0x38;
	[tilespmem:$0x1D000] =	vst v63  }
0xc1: {  	_ =	swait.ge [sflag:s17], $0x800  }
0xc2: {  	[sflag:s17] =	ssyncset.done $0x0  }
0xc3: {  	[sflag:s17] =	ssyncadd.s32 $0xFFFFF800  }
0xc4: {  	[tilespmem:s20], [sflag:$0x1] =	stream.indirect.gather [hbm4b:s5+s19], $0x80, s3, s19, $0xb8;
	[tilespmem:$0x1D000] =	vst v63  }
0xc5: {  	_ =	swait.ge [sflag:s21], $0x3E80  }
0xc6: {  	[sflag:s21] =	ssyncset.done $0x0  }
0xc7: {  	[sflag:s21] =	ssyncadd.s32 $0xFFFFC180  }
0xc8: {  	[spmem:s2] =	stream.indirect.scatter.add.f32 [tilespmem:s20], [sflag:$0x2], $0x80, s18, s19, $0xb8;
	[tilespmem:$0x1D000] =	vst v63  }
0xc9: {  	_ = 	snop  }
0xca: {  	[tilespmem:s23], [sflag:$0x1] =	stream.indirect.gather [hbm4b:s5+s19], $0x80, s15, s19, $0xb8;
	[tilespmem:$0x1D000] =	vst v63  }
0xcb: {  	_ =	swait.ge [sflag:s24], $0x3E80  }
0xcc: {  	[sflag:s24] =	ssyncset.done $0x0  }
0xcd: {  	[sflag:s24] =	ssyncadd.s32 $0xFFFFC180  }
0xce: {  	_ =	swait.ge [sflag:s21], $0x3E80  }
0xcf: {  	[sflag:s21] =	ssyncset.done $0x0  }
0xd0: {  	[sflag:s21] =	ssyncadd.s32 $0xFFFFC180  }
0xd1: {  	[spmem:s2] =	stream.indirect.scatter.add.f32 [tilespmem:s23], [sflag:$0x3], $0x80, s14, s19, $0xb8;
	[tilespmem:$0x1D000] =	vst v63  }
0xd2: {  	_ =	swait.ge [sflag:s17], $0x3E80  }
0xd3: {  	[sflag:s17] =	ssyncset.done $0x0  }
0xd4: {  	[sflag:s17] =	ssyncadd.s32 $0xFFFFC180  }
0xd5: {  	[tilespmem:s20], [sflag:$0x1] =	stream.indirect.gather [hbm4b:s5+s19], $0x80, s16, s19, $0xb8;
	[tilespmem:$0x1D000] =	vst v63  }
0xd6: {  	_ =	swait.ge [sflag:s21], $0x3E80  }
0xd7: {  	[sflag:s21] =	ssyncset.done $0x0  }
0xd8: {  	[sflag:s21] =	ssyncadd.s32 $0xFFFFC180  }
0xd9: {  	[spmem:s2] =	stream.indirect.scatter.add.f32 [tilespmem:s20], [sflag:$0x2], $0x80, s22, s19, $0xb8;
	[tilespmem:$0x1D000] =	vst v63  }
0xda: {  	_ = 	snop  }
0xdb: {  	[tilespmem:s23], [sflag:$0x1] =	stream.indirect.gather [hbm4b:s5+s19], $0x80, s25, s19, $0xb8;
	[tilespmem:$0x1D000] =	vst v63  }
0xdc: {  	_ =	swait.ge [sflag:s24], $0x3E80  }
0xdd: {  	[sflag:s24] =	ssyncset.done $0x0  }
0xde: {  	[sflag:s24] =	ssyncadd.s32 $0xFFFFC180  }
0xdf: {  	_ =	swait.ge [sflag:s21], $0x3E80  }
0xe0: {  	[sflag:s21] =	ssyncset.done $0x0  }
0xe1: {  	[sflag:s21] =	ssyncadd.s32 $0xFFFFC180  }
0xe2: {  	[spmem:s2] =	stream.indirect.scatter.add.f32 [tilespmem:s23], [sflag:$0x3], $0x80, s26, s19, $0xb8;
	[tilespmem:$0x1D000] =	vst v63  }
0xe3: {  	_ =	swait.ge [sflag:s17], $0x3E80  }
0xe4: {  	[sflag:s17] =	ssyncset.done $0x0  }
0xe5: {  	[sflag:s17] =	ssyncadd.s32 $0xFFFFC180  }
0xe6: {  	[tilespmem:s20], [sflag:$0x1] =	stream.indirect.gather [hbm4b:s5+s19], $0x80, s28, s19, $0xb8;
	[tilespmem:$0x1D000] =	vst v63  }
0xe7: {  	_ =	swait.ge [sflag:s21], $0x3E80  }
0xe8: {  	[sflag:s21] =	ssyncset.done $0x0  }
0xe9: {  	[sflag:s21] =	ssyncadd.s32 $0xFFFFC180  }
0xea: {  	[spmem:s2] =	stream.indirect.scatter.add.f32 [tilespmem:s20], [sflag:$0x2], $0x80, s29, s19, $0xb8;
	[tilespmem:$0x1D000] =	vst v63  }
0xeb: {  	_ = 	snop  }
0xec: {  	[tilespmem:s23], [sflag:$0x1] =	stream.indirect.gather [hbm4b:s5+s19], $0x80, s30, s19, $0xb8;
	[tilespmem:$0x1D000] =	vst v63  }
0xed: {  	_ =	swait.ge [sflag:s24], $0x3E80  }
0xee: {  	[sflag:s24] =	ssyncset.done $0x0  }
0xef: {  	[sflag:s24] =	ssyncadd.s32 $0xFFFFC180  }
0xf0: {  	_ =	swait.ge [sflag:s21], $0x3E80  }
0xf1: {  	[sflag:s21] =	ssyncset.done $0x0  }
0xf2: {  	[sflag:s21] =	ssyncadd.s32 $0xFFFFC180  }
0xf3: {  	[spmem:s2] =	stream.indirect.scatter.add.f32 [tilespmem:s23], [sflag:$0x3], $0x80, s0, s19, $0xb8;
	[tilespmem:$0x1D000] =	vst v63  }
0xf4: {  	_ =	swait.ge [sflag:s17], $0x3E80  }
0xf5: {  	[sflag:s17] =	ssyncset.done $0x0  }
0xf6: {  	[sflag:s17] =	ssyncadd.s32 $0xFFFFC180  }
0xf7: {  	[tilespmem:s20], [sflag:$0x1] =	stream.indirect.gather [hbm4b:s5+s19], $0x80, s1, s19, $0xb8;
	[tilespmem:$0x1D000] =	vst v63  }
0xf8: {  	_ =	swait.ge [sflag:s21], $0x3E80  }
0xf9: {  	[sflag:s21] =	ssyncset.done $0x0  }
0xfa: {  	[sflag:s21] =	ssyncadd.s32 $0xFFFFC180  }
0xfb: {  	[spmem:s2] =	stream.indirect.scatter.add.f32 [tilespmem:s20], [sflag:$0x2], $0x80, s9, s19, $0xb8;
	[tilespmem:$0x1D000] =	vst v63  }
0xfc: {  	_ = 	snop  }
0xfd: {  	[tilespmem:s23], [sflag:$0x1] =	stream.indirect.gather [hbm4b:s5+s19], $0x80, s13, s19, $0xb8;
	[tilespmem:$0x1D000] =	vst v63  }
0xfe: {  	_ =	swait.ge [sflag:s24], $0x3E80  }
0xff: {  	[sflag:s24] =	ssyncset.done $0x0  }
0x100: {  	[sflag:s24] =	ssyncadd.s32 $0xFFFFC180  }
0x101: {  	_ =	swait.ge [sflag:s21], $0x3E80  }
0x102: {  	[sflag:s21] =	ssyncset.done $0x0  }
0x103: {  	s16 =	simm.s32 $0xB80;
	[sflag:s21] =	ssyncadd.s32 $0xFFFFC180  }
0x104: {  	[spmem:s2] =	stream.indirect.scatter.add.f32 [tilespmem:s23], [sflag:$0x3], $0x80, s16, s19, $0xb8;
	[tilespmem:$0x1D000] =	vst v63  }
0x105: {  	_ =	swait.ge [sflag:s17], $0x3E80  }
0x106: {  	[sflag:s17] =	ssyncset.done $0x0  }
0x107: {  	s22 =	simm.s32 $0x400;
	[sflag:s17] =	ssyncadd.s32 $0xFFFFC180  }
0x108: {  	[tilespmem:s20], [sflag:$0x1] =	stream.indirect.gather [hbm4b:s5+s19], $0x80, s22, s19, $0xb8;
	[tilespmem:$0x1D000] =	vst v63  }
0x109: {  	_ =	swait.ge [sflag:s21], $0x3E80  }
0x10a: {  	[sflag:s21] =	ssyncset.done $0x0  }
0x10b: {  	s25 =	simm.s32 $0xC00;
	[sflag:s21] =	ssyncadd.s32 $0xFFFFC180  }
0x10c: {  	[spmem:s2] =	stream.indirect.scatter.add.f32 [tilespmem:s20], [sflag:$0x2], $0x80, s25, s19, $0xb8;
	[tilespmem:$0x1D000] =	vst v63  }
0x10d: {  	s26 =	simm.s32 $0x480  }
0x10e: {  	[tilespmem:s23], [sflag:$0x1] =	stream.indirect.gather [hbm4b:s5+s19], $0x80, s26, s19, $0xb8;
	[tilespmem:$0x1D000] =	vst v63  }
0x10f: {  	_ =	swait.ge [sflag:s24], $0x3E80  }
0x110: {  	[sflag:s24] =	ssyncset.done $0x0  }
0x111: {  	[sflag:s24] =	ssyncadd.s32 $0xFFFFC180  }
0x112: {  	_ =	swait.ge [sflag:s21], $0x3E80  }
0x113: {  	[sflag:s21] =	ssyncset.done $0x0  }
0x114: {  	s1 =	simm.s32 $0xC80;
	[sflag:s21] =	ssyncadd.s32 $0xFFFFC180  }
0x115: {  	[spmem:s2] =	stream.indirect.scatter.add.f32 [tilespmem:s23], [sflag:$0x3], $0x80, s1, s19, $0xb8;
	[tilespmem:$0x1D000] =	vst v63  }
0x116: {  	_ =	swait.ge [sflag:s17], $0x3E80  }
0x117: {  	[sflag:s17] =	ssyncset.done $0x0  }
0x118: {  	s6 =	simm.s32 $0x500;
	[sflag:s17] =	ssyncadd.s32 $0xFFFFC180  }
0x119: {  	[tilespmem:s20], [sflag:$0x1] =	stream.indirect.gather [hbm4b:s5+s19], $0x80, s6, s19, $0xb8;
	[tilespmem:$0x1D000] =	vst v63  }
0x11a: {  	_ =	swait.ge [sflag:s21], $0x3E80  }
0x11b: {  	[sflag:s21] =	ssyncset.done $0x0  }
0x11c: {  	s7 =	simm.s32 $0xD00;
	[sflag:s21] =	ssyncadd.s32 $0xFFFFC180  }
0x11d: {  	[spmem:s2] =	stream.indirect.scatter.add.f32 [tilespmem:s20], [sflag:$0x2], $0x80, s7, s19, $0xb8;
	[tilespmem:$0x1D000] =	vst v63  }
0x11e: {  	s8 =	simm.s32 $0x580  }
0x11f: {  	[tilespmem:s23], [sflag:$0x1] =	stream.indirect.gather [hbm4b:s5+s19], $0x80, s8, s19, $0xb8;
	[tilespmem:$0x1D000] =	vst v63  }
0x120: {  	_ =	swait.ge [sflag:s24], $0x3E80  }
0x121: {  	[sflag:s24] =	ssyncset.done $0x0  }
0x122: {  	[sflag:s24] =	ssyncadd.s32 $0xFFFFC180  }
0x123: {  	_ =	swait.ge [sflag:s21], $0x3E80  }
0x124: {  	[sflag:s21] =	ssyncset.done $0x0  }
0x125: {  	s9 =	simm.s32 $0xD80;
	[sflag:s21] =	ssyncadd.s32 $0xFFFFC180  }
0x126: {  	[spmem:s2] =	stream.indirect.scatter.add.f32 [tilespmem:s23], [sflag:$0x3], $0x80, s9, s19, $0xb8;
	[tilespmem:$0x1D000] =	vst v63  }
0x127: {  	_ =	swait.ge [sflag:s17], $0x3E80  }
0x128: {  	[sflag:s17] =	ssyncset.done $0x0  }
0x129: {  	s12 =	simm.s32 $0x600;
	[sflag:s17] =	ssyncadd.s32 $0xFFFFC180  }
0x12a: {  	[tilespmem:s20], [sflag:$0x1] =	stream.indirect.gather [hbm4b:s5+s19], $0x80, s12, s19, $0xb8;
	[tilespmem:$0x1D000] =	vst v63  }
0x12b: {  	_ =	swait.ge [sflag:s21], $0x3E80  }
0x12c: {  	[sflag:s21] =	ssyncset.done $0x0  }
0x12d: {  	s13 =	simm.s32 $0xE00;
	[sflag:s21] =	ssyncadd.s32 $0xFFFFC180  }
0x12e: {  	[spmem:s2] =	stream.indirect.scatter.add.f32 [tilespmem:s20], [sflag:$0x2], $0x80, s13, s19, $0xb8;
	[tilespmem:$0x1D000] =	vst v63  }
0x12f: {  	s14 =	simm.s32 $0x680  }
0x130: {  	[tilespmem:s23], [sflag:$0x1] =	stream.indirect.gather [hbm4b:s5+s19], $0x80, s14, s19, $0xb8;
	[tilespmem:$0x1D000] =	vst v63  }
0x131: {  	_ =	swait.ge [sflag:s24], $0x3E80  }
0x132: {  	[sflag:s24] =	ssyncset.done $0x0  }
0x133: {  	[sflag:s24] =	ssyncadd.s32 $0xFFFFC180  }
0x134: {  	_ =	swait.ge [sflag:s21], $0x3E80  }
0x135: {  	[sflag:s21] =	ssyncset.done $0x0  }
0x136: {  	s15 =	simm.s32 $0xE80;
	[sflag:s21] =	ssyncadd.s32 $0xFFFFC180  }
0x137: {  	[spmem:s2] =	stream.indirect.scatter.add.f32 [tilespmem:s23], [sflag:$0x3], $0x80, s15, s19, $0xb8;
	[tilespmem:$0x1D000] =	vst v63  }
0x138: {  	_ =	swait.ge [sflag:s17], $0x3E80  }
0x139: {  	[sflag:s17] =	ssyncset.done $0x0  }
0x13a: {  	s16 =	simm.s32 $0x700;
	[sflag:s17] =	ssyncadd.s32 $0xFFFFC180  }
0x13b: {  	[tilespmem:s20], [sflag:$0x1] =	stream.indirect.gather [hbm4b:s5+s19], $0x80, s16, s19, $0xb8;
	[tilespmem:$0x1D000] =	vst v63  }
0x13c: {  	_ =	swait.ge [sflag:s21], $0x3E80  }
0x13d: {  	[sflag:s21] =	ssyncset.done $0x0  }
0x13e: {  	s22 =	simm.s32 $0xF00;
	[sflag:s21] =	ssyncadd.s32 $0xFFFFC180  }
0x13f: {  	[spmem:s2] =	stream.indirect.scatter.add.f32 [tilespmem:s20], [sflag:$0x2], $0x80, s22, s19, $0xb8;
	[tilespmem:$0x1D000] =	vst v63  }
0x140: {  	s25 =	simm.s32 $0x780  }
0x141: {  	[tilespmem:s23], [sflag:$0x1] =	stream.indirect.gather [hbm4b:s5+s19], $0x80, s25, s19, $0xb8;
	[tilespmem:$0x1D000] =	vst v63  }
0x142: {  	s31 =	simm.s32 $0x280;
	s28 =	simm.s32 $0x980;
	_ =	swait.ge [sflag:s24], $0x3E80  }
0x143: {  	s29 =	simm.s32 $0x200;
	s30 =	simm.s32 $0xA00;
	[sflag:s24] =	ssyncset.done $0x0  }
0x144: {  	s0 =	simm.s32 $0xA80;
	s26 =	simm.s32 $0xF80;
	[sflag:s24] =	ssyncadd.s32 $0xFFFFC180  }
0x145: {  	s1 =	simm.s32 $0x300;
	s6 =	simm.s32 $0xB80;
	_ =	swait.ge [sflag:s21], $0x3E80  }
0x146: {  	s8 =	simm.s32 $0x100;
	s9 =	simm.s32 $0xB00;
	[sflag:s21] =	ssyncset.done $0x0  }
0x147: {  	s13 =	simm.s32 $0x380;
	s14 =	simm.s32 $0x200;
	[sflag:s21] =	ssyncadd.s32 $0xFFFFC180  }
0x148: {  	[spmem:s2] =	stream.indirect.scatter.add.f32 [tilespmem:s23], [sflag:$0x3], $0x80, s26, s19, $0xb8;
	[tilespmem:$0x1D000] =	vst v63  }
0x149: {  	s16 =	simm.s32 $0x880;
	s22 =	simm.s32 $0x100;
	_ =	swait.ge [sflag:s17], $0x3E80  }
0x14a: {  	s25 =	simm.s32 $0x900;
	s26 =	simm.s32 $0x180;
	[sflag:s17] =	ssyncset.done $0x0  }
.LBB2_6:
0x14b: {  	s7 =	sadd.s32 s8, s10  }
0x14c: {  	[sflag:s17] =	ssyncadd.s32 $0xFFFFC180;
	s15 =	smov.u32 s14;
	s12 =	sadd.s32 $0x100, s14  }
0x14d: {  	[tilespmem:s3], [sflag:$0x3] =	stream.linear.gather [hbm4b:s7+s3], $0x800, $0x38;
	[tilespmem:$0x1D000] =	vst v63  }
0x14e: {  	p1 =	sne.s32 s14, $0x900;
	_ =	swait.ge [sflag:s17], $0x800  }
0x14f: {  	s7 =	sadd.s32 s8, s11;
	[sflag:s17] =	ssyncset.done $0x0  }
0x150: {  	s8 =	smov.u32 s15;
	s15 =	simm.s32 $0x80;
	[sflag:s17] =	ssyncadd.s32 $0xFFFFF800  }
0x151: {  	[tilespmem:s18], [sflag:$0x3] =	stream.linear.gather [hbm4b:s7+s3], $0x800, $0x38;
	[tilespmem:$0x1D000] =	vst v63  }
0x152: {  	_ =	swait.ge [sflag:s17], $0x800  }
0x153: {  	[sflag:s17] =	ssyncset.done $0x0  }
0x154: {  	[sflag:s17] =	ssyncadd.s32 $0xFFFFF800  }
0x155: {  	[tilespmem:s20], [sflag:$0x1] =	stream.indirect.gather [hbm4b:s5+s19], $0x80, s3, s19, $0xb8;
	[tilespmem:$0x1D000] =	vst v63  }
0x156: {  	_ =	swait.ge [sflag:s21], $0x3E80  }
0x157: {  	[sflag:s21] =	ssyncset.done $0x0  }
0x158: {  	[sflag:s21] =	ssyncadd.s32 $0xFFFFC180  }
0x159: {  	[spmem:s2] =	stream.indirect.scatter.add.f32 [tilespmem:s20], [sflag:$0x2], $0x80, s18, s19, $0xb8;
	[tilespmem:$0x1D000] =	vst v63  }
0x15a: {  	_ = 	snop  }
0x15b: {  	[tilespmem:s23], [sflag:$0x1] =	stream.indirect.gather [hbm4b:s5+s19], $0x80, s15, s19, $0xb8;
	[tilespmem:$0x1D000] =	vst v63  }
0x15c: {  	_ =	swait.ge [sflag:s24], $0x3E80  }
0x15d: {  	[sflag:s24] =	ssyncset.done $0x0  }
0x15e: {  	[sflag:s24] =	ssyncadd.s32 $0xFFFFC180  }
0x15f: {  	_ =	swait.ge [sflag:s21], $0x3E80  }
0x160: {  	[sflag:s21] =	ssyncset.done $0x0  }
0x161: {  	[sflag:s21] =	ssyncadd.s32 $0xFFFFC180  }
0x162: {  	[spmem:s2] =	stream.indirect.scatter.add.f32 [tilespmem:s23], [sflag:$0x3], $0x80, s16, s19, $0xb8;
	[tilespmem:$0x1D000] =	vst v63  }
0x163: {  	_ =	swait.ge [sflag:s17], $0x3E80  }
0x164: {  	[sflag:s17] =	ssyncset.done $0x0  }
0x165: {  	[sflag:s17] =	ssyncadd.s32 $0xFFFFC180  }
0x166: {  	[tilespmem:s20], [sflag:$0x1] =	stream.indirect.gather [hbm4b:s5+s19], $0x80, s22, s19, $0xb8;
	[tilespmem:$0x1D000] =	vst v63  }
0x167: {  	_ =	swait.ge [sflag:s21], $0x3E80  }
0x168: {  	[sflag:s21] =	ssyncset.done $0x0  }
0x169: {  	[sflag:s21] =	ssyncadd.s32 $0xFFFFC180  }
0x16a: {  	[spmem:s2] =	stream.indirect.scatter.add.f32 [tilespmem:s20], [sflag:$0x2], $0x80, s25, s19, $0xb8;
	[tilespmem:$0x1D000] =	vst v63  }
0x16b: {  	_ = 	snop  }
0x16c: {  	[tilespmem:s23], [sflag:$0x1] =	stream.indirect.gather [hbm4b:s5+s19], $0x80, s26, s19, $0xb8;
	[tilespmem:$0x1D000] =	vst v63  }
0x16d: {  	_ =	swait.ge [sflag:s24], $0x3E80  }
0x16e: {  	[sflag:s24] =	ssyncset.done $0x0  }
0x16f: {  	[sflag:s24] =	ssyncadd.s32 $0xFFFFC180  }
0x170: {  	_ =	swait.ge [sflag:s21], $0x3E80  }
0x171: {  	[sflag:s21] =	ssyncset.done $0x0  }
0x172: {  	[sflag:s21] =	ssyncadd.s32 $0xFFFFC180  }
0x173: {  	[spmem:s2] =	stream.indirect.scatter.add.f32 [tilespmem:s23], [sflag:$0x3], $0x80, s28, s19, $0xb8;
	[tilespmem:$0x1D000] =	vst v63  }
0x174: {  	_ =	swait.ge [sflag:s17], $0x3E80  }
0x175: {  	[sflag:s17] =	ssyncset.done $0x0  }
0x176: {  	[sflag:s17] =	ssyncadd.s32 $0xFFFFC180  }
0x177: {  	[tilespmem:s20], [sflag:$0x1] =	stream.indirect.gather [hbm4b:s5+s19], $0x80, s29, s19, $0xb8;
	[tilespmem:$0x1D000] =	vst v63  }
0x178: {  	_ =	swait.ge [sflag:s21], $0x3E80  }
0x179: {  	[sflag:s21] =	ssyncset.done $0x0  }
0x17a: {  	[sflag:s21] =	ssyncadd.s32 $0xFFFFC180  }
0x17b: {  	[spmem:s2] =	stream.indirect.scatter.add.f32 [tilespmem:s20], [sflag:$0x2], $0x80, s30, s19, $0xb8;
	[tilespmem:$0x1D000] =	vst v63  }
0x17c: {  	_ = 	snop  }
0x17d: {  	[tilespmem:s23], [sflag:$0x1] =	stream.indirect.gather [hbm4b:s5+s19], $0x80, s31, s19, $0xb8;
	[tilespmem:$0x1D000] =	vst v63  }
0x17e: {  	_ =	swait.ge [sflag:s24], $0x3E80  }
0x17f: {  	[sflag:s24] =	ssyncset.done $0x0  }
0x180: {  	[sflag:s24] =	ssyncadd.s32 $0xFFFFC180  }
0x181: {  	_ =	swait.ge [sflag:s21], $0x3E80  }
0x182: {  	[sflag:s21] =	ssyncset.done $0x0  }
0x183: {  	[sflag:s21] =	ssyncadd.s32 $0xFFFFC180  }
0x184: {  	[spmem:s2] =	stream.indirect.scatter.add.f32 [tilespmem:s23], [sflag:$0x3], $0x80, s0, s19, $0xb8;
	[tilespmem:$0x1D000] =	vst v63  }
0x185: {  	_ =	swait.ge [sflag:s17], $0x3E80  }
0x186: {  	[sflag:s17] =	ssyncset.done $0x0  }
0x187: {  	[sflag:s17] =	ssyncadd.s32 $0xFFFFC180  }
0x188: {  	[tilespmem:s20], [sflag:$0x1] =	stream.indirect.gather [hbm4b:s5+s19], $0x80, s1, s19, $0xb8;
	[tilespmem:$0x1D000] =	vst v63  }
0x189: {  	_ =	swait.ge [sflag:s21], $0x3E80  }
0x18a: {  	[sflag:s21] =	ssyncset.done $0x0  }
0x18b: {  	[sflag:s21] =	ssyncadd.s32 $0xFFFFC180  }
0x18c: {  	[spmem:s2] =	stream.indirect.scatter.add.f32 [tilespmem:s20], [sflag:$0x2], $0x80, s9, s19, $0xb8;
	[tilespmem:$0x1D000] =	vst v63  }
0x18d: {  	_ = 	snop  }
0x18e: {  	[tilespmem:s23], [sflag:$0x1] =	stream.indirect.gather [hbm4b:s5+s19], $0x80, s13, s19, $0xb8;
	[tilespmem:$0x1D000] =	vst v63  }
0x18f: {  	_ =	swait.ge [sflag:s24], $0x3E80  }
0x190: {  	[sflag:s24] =	ssyncset.done $0x0  }
0x191: {  	[sflag:s24] =	ssyncadd.s32 $0xFFFFC180  }
0x192: {  	_ =	swait.ge [sflag:s21], $0x3E80  }
0x193: {  	[sflag:s21] =	ssyncset.done $0x0  }
0x194: {  	[sflag:s21] =	ssyncadd.s32 $0xFFFFC180  }
0x195: {  	[spmem:s2] =	stream.indirect.scatter.add.f32 [tilespmem:s23], [sflag:$0x3], $0x80, s6, s19, $0xb8;
	[tilespmem:$0x1D000] =	vst v63  }
0x196: {  	_ =	swait.ge [sflag:s17], $0x3E80  }
0x197: {  	[sflag:s17] =	ssyncset.done $0x0  }
0x198: {  	s7 =	simm.s32 $0x400;
	[sflag:s17] =	ssyncadd.s32 $0xFFFFC180  }
0x199: {  	[tilespmem:s20], [sflag:$0x1] =	stream.indirect.gather [hbm4b:s5+s19], $0x80, s7, s19, $0xb8;
	[tilespmem:$0x1D000] =	vst v63  }
0x19a: {  	_ =	swait.ge [sflag:s21], $0x3E80  }
0x19b: {  	[sflag:s21] =	ssyncset.done $0x0  }
0x19c: {  	s7 =	simm.s32 $0xC00;
	[sflag:s21] =	ssyncadd.s32 $0xFFFFC180  }
0x19d: {  	[spmem:s2] =	stream.indirect.scatter.add.f32 [tilespmem:s20], [sflag:$0x2], $0x80, s7, s19, $0xb8;
	[tilespmem:$0x1D000] =	vst v63  }
0x19e: {  	s7 =	simm.s32 $0x480  }
0x19f: {  	[tilespmem:s23], [sflag:$0x1] =	stream.indirect.gather [hbm4b:s5+s19], $0x80, s7, s19, $0xb8;
	[tilespmem:$0x1D000] =	vst v63  }
0x1a0: {  	_ =	swait.ge [sflag:s24], $0x3E80  }
0x1a1: {  	[sflag:s24] =	ssyncset.done $0x0  }
0x1a2: {  	[sflag:s24] =	ssyncadd.s32 $0xFFFFC180  }
0x1a3: {  	_ =	swait.ge [sflag:s21], $0x3E80  }
0x1a4: {  	[sflag:s21] =	ssyncset.done $0x0  }
0x1a5: {  	s7 =	simm.s32 $0xC80;
	[sflag:s21] =	ssyncadd.s32 $0xFFFFC180  }
0x1a6: {  	[spmem:s2] =	stream.indirect.scatter.add.f32 [tilespmem:s23], [sflag:$0x3], $0x80, s7, s19, $0xb8;
	[tilespmem:$0x1D000] =	vst v63  }
0x1a7: {  	_ =	swait.ge [sflag:s17], $0x3E80  }
0x1a8: {  	[sflag:s17] =	ssyncset.done $0x0  }
0x1a9: {  	s7 =	simm.s32 $0x500;
	[sflag:s17] =	ssyncadd.s32 $0xFFFFC180  }
0x1aa: {  	[tilespmem:s20], [sflag:$0x1] =	stream.indirect.gather [hbm4b:s5+s19], $0x80, s7, s19, $0xb8;
	[tilespmem:$0x1D000] =	vst v63  }
0x1ab: {  	_ =	swait.ge [sflag:s21], $0x3E80  }
0x1ac: {  	[sflag:s21] =	ssyncset.done $0x0  }
0x1ad: {  	s7 =	simm.s32 $0xD00;
	[sflag:s21] =	ssyncadd.s32 $0xFFFFC180  }
0x1ae: {  	[spmem:s2] =	stream.indirect.scatter.add.f32 [tilespmem:s20], [sflag:$0x2], $0x80, s7, s19, $0xb8;
	[tilespmem:$0x1D000] =	vst v63  }
0x1af: {  	s7 =	simm.s32 $0x580  }
0x1b0: {  	[tilespmem:s23], [sflag:$0x1] =	stream.indirect.gather [hbm4b:s5+s19], $0x80, s7, s19, $0xb8;
	[tilespmem:$0x1D000] =	vst v63  }
0x1b1: {  	_ =	swait.ge [sflag:s24], $0x3E80  }
0x1b2: {  	[sflag:s24] =	ssyncset.done $0x0  }
0x1b3: {  	[sflag:s24] =	ssyncadd.s32 $0xFFFFC180  }
0x1b4: {  	_ =	swait.ge [sflag:s21], $0x3E80  }
0x1b5: {  	[sflag:s21] =	ssyncset.done $0x0  }
0x1b6: {  	s7 =	simm.s32 $0xD80;
	[sflag:s21] =	ssyncadd.s32 $0xFFFFC180  }
0x1b7: {  	[spmem:s2] =	stream.indirect.scatter.add.f32 [tilespmem:s23], [sflag:$0x3], $0x80, s7, s19, $0xb8;
	[tilespmem:$0x1D000] =	vst v63  }
0x1b8: {  	_ =	swait.ge [sflag:s17], $0x3E80  }
0x1b9: {  	[sflag:s17] =	ssyncset.done $0x0  }
0x1ba: {  	s7 =	simm.s32 $0x600;
	[sflag:s17] =	ssyncadd.s32 $0xFFFFC180  }
0x1bb: {  	[tilespmem:s20], [sflag:$0x1] =	stream.indirect.gather [hbm4b:s5+s19], $0x80, s7, s19, $0xb8;
	[tilespmem:$0x1D000] =	vst v63  }
0x1bc: {  	_ =	swait.ge [sflag:s21], $0x3E80  }
0x1bd: {  	[sflag:s21] =	ssyncset.done $0x0  }
0x1be: {  	s7 =	simm.s32 $0xE00;
	[sflag:s21] =	ssyncadd.s32 $0xFFFFC180  }
0x1bf: {  	[spmem:s2] =	stream.indirect.scatter.add.f32 [tilespmem:s20], [sflag:$0x2], $0x80, s7, s19, $0xb8;
	[tilespmem:$0x1D000] =	vst v63  }
0x1c0: {  	s7 =	simm.s32 $0x680  }
0x1c1: {  	[tilespmem:s23], [sflag:$0x1] =	stream.indirect.gather [hbm4b:s5+s19], $0x80, s7, s19, $0xb8;
	[tilespmem:$0x1D000] =	vst v63  }
0x1c2: {  	_ =	swait.ge [sflag:s24], $0x3E80  }
0x1c3: {  	[sflag:s24] =	ssyncset.done $0x0  }
0x1c4: {  	[sflag:s24] =	ssyncadd.s32 $0xFFFFC180  }
0x1c5: {  	_ =	swait.ge [sflag:s21], $0x3E80  }
0x1c6: {  	[sflag:s21] =	ssyncset.done $0x0  }
0x1c7: {  	s7 =	simm.s32 $0xE80;
	[sflag:s21] =	ssyncadd.s32 $0xFFFFC180  }
0x1c8: {  	[spmem:s2] =	stream.indirect.scatter.add.f32 [tilespmem:s23], [sflag:$0x3], $0x80, s7, s19, $0xb8;
	[tilespmem:$0x1D000] =	vst v63  }
0x1c9: {  	_ =	swait.ge [sflag:s17], $0x3E80  }
0x1ca: {  	[sflag:s17] =	ssyncset.done $0x0  }
0x1cb: {  	s7 =	simm.s32 $0x700;
	[sflag:s17] =	ssyncadd.s32 $0xFFFFC180  }
0x1cc: {  	[tilespmem:s20], [sflag:$0x1] =	stream.indirect.gather [hbm4b:s5+s19], $0x80, s7, s19, $0xb8;
	[tilespmem:$0x1D000] =	vst v63  }
0x1cd: {  	_ =	swait.ge [sflag:s21], $0x3E80  }
0x1ce: {  	[sflag:s21] =	ssyncset.done $0x0  }
0x1cf: {  	s7 =	simm.s32 $0xF00;
	[sflag:s21] =	ssyncadd.s32 $0xFFFFC180  }
0x1d0: {  	[spmem:s2] =	stream.indirect.scatter.add.f32 [tilespmem:s20], [sflag:$0x2], $0x80, s7, s19, $0xb8;
	[tilespmem:$0x1D000] =	vst v63  }
0x1d1: {  	s7 =	simm.s32 $0x780  }
0x1d2: {  	[tilespmem:s23], [sflag:$0x1] =	stream.indirect.gather [hbm4b:s5+s19], $0x80, s7, s19, $0xb8;
	[tilespmem:$0x1D000] =	vst v63  }
0x1d3: {  	_ =	swait.ge [sflag:s24], $0x3E80  }
0x1d4: {  	[sflag:s24] =	ssyncset.done $0x0  }
0x1d5: {  	[sflag:s24] =	ssyncadd.s32 $0xFFFFC180  }
0x1d6: {  	_ =	swait.ge [sflag:s21], $0x3E80  }
.Ltmp3:
0x1d7: {  	[sflag:s21] =	ssyncset.done $0x0;
	(pc) =	sbr.rel @p1 .LBB2_6-.Ltmp3, $4  }
0x1d8: {  	s7 =	simm.s32 $0xF80;
	[sflag:s21] =	ssyncadd.s32 $0xFFFFC180  }
0x1d9: {  	[spmem:s2] =	stream.indirect.scatter.add.f32 [tilespmem:s23], [sflag:$0x3], $0x80, s7, s19, $0xb8;
	[tilespmem:$0x1D000] =	vst v63  }
0x1da: {  	_ =	swait.ge [sflag:s17], $0x3E80  }
0x1db: {  	s14 =	smov.u32 s12;
	[sflag:s17] =	ssyncset.done $0x0  }
.Ltmp4:
0x1dc: {  	_ = 	snop;
	(pc) =	sbr.rel .LBB2_7-.Ltmp4, $1  }
0x1dd: {  	_ =	sdelay $0x3  }
.LBB2_2:
0x1de: {  	s7 =	rddreg [dreg:$0x7]  }
0x1df: {  	s8 =	rddreg [dreg:$0x6];
	s6 =	sor.u32 $0x1C03, s7  }
0x1e0: {  	[dreg:$0xd] =	wrdreg s6  }
0x1e1: {  	[spmem:s12], [sflag:s6] =	dma.local [hbm:s8], $0x2800  }
0x1e2: {  	_ =	swait.ge [sflag:s17], $0x2800  }
0x1e3: {  	[sflag:s17] =	ssyncset.done $0x0  }
0x1e4: {  	[sflag:s17] =	ssyncadd.s32 $0xFFFFD800  }
0x1e5: {  	s8 =	sadd.s32 $0x0, s10;
	[bflag:$0x0] =	sbarrier.arrive $0xFFFF  }
0x1e6: {  	[tilespmem:s3], [sflag:$0x3] =	stream.linear.gather [hbm4b:s8+s3], $0x800, $0x38;
	[tilespmem:$0x1D000] =	vst v63  }
0x1e7: {  	_ =	swait.ge [sflag:s17], $0x800  }
0x1e8: {  	[sflag:s17] =	ssyncset.done $0x0  }
0x1e9: {  	s12 =	sadd.s32 $0x0, s11;
	[sflag:s17] =	ssyncadd.s32 $0xFFFFF800  }
0x1ea: {  	[tilespmem:s18], [sflag:$0x3] =	stream.linear.gather [hbm4b:s12+s3], $0x800, $0x38;
	[tilespmem:$0x1D000] =	vst v63  }
0x1eb: {  	_ =	swait.ge [sflag:s17], $0x800  }
0x1ec: {  	[sflag:s17] =	ssyncset.done $0x0  }
0x1ed: {  	[sflag:s17] =	ssyncadd.s32 $0xFFFFF800  }
0x1ee: {  	[tilespmem:s20], [sflag:$0x1] =	stream.indirect.gather [hbm4b:s4+s19], $0x80, s3, s19, $0xb8;
	[tilespmem:$0x1D000] =	vst v63  }
0x1ef: {  	_ =	swait.ge [sflag:s21], $0x3E80  }
0x1f0: {  	[sflag:s21] =	ssyncset.done $0x0  }
0x1f1: {  	[sflag:s21] =	ssyncadd.s32 $0xFFFFC180  }
0x1f2: {  	[spmem:s2] =	stream.indirect.scatter.add.f32 [tilespmem:s20], [sflag:$0x2], $0x80, s18, s19, $0xb8;
	[tilespmem:$0x1D000] =	vst v63  }
0x1f3: {  	_ = 	snop  }
0x1f4: {  	[tilespmem:s23], [sflag:$0x1] =	stream.indirect.gather [hbm4b:s4+s19], $0x80, s15, s19, $0xb8;
	[tilespmem:$0x1D000] =	vst v63  }
0x1f5: {  	_ =	swait.ge [sflag:s24], $0x3E80  }
0x1f6: {  	[sflag:s24] =	ssyncset.done $0x0  }
0x1f7: {  	[sflag:s24] =	ssyncadd.s32 $0xFFFFC180  }
0x1f8: {  	_ =	swait.ge [sflag:s21], $0x3E80  }
0x1f9: {  	[sflag:s21] =	ssyncset.done $0x0  }
0x1fa: {  	[sflag:s21] =	ssyncadd.s32 $0xFFFFC180  }
0x1fb: {  	[spmem:s2] =	stream.indirect.scatter.add.f32 [tilespmem:s23], [sflag:$0x3], $0x80, s14, s19, $0xb8;
	[tilespmem:$0x1D000] =	vst v63  }
0x1fc: {  	_ =	swait.ge [sflag:s17], $0x3E80  }
0x1fd: {  	[sflag:s17] =	ssyncset.done $0x0  }
0x1fe: {  	[sflag:s17] =	ssyncadd.s32 $0xFFFFC180  }
0x1ff: {  	[tilespmem:s20], [sflag:$0x1] =	stream.indirect.gather [hbm4b:s4+s19], $0x80, s16, s19, $0xb8;
	[tilespmem:$0x1D000] =	vst v63  }
0x200: {  	_ =	swait.ge [sflag:s21], $0x3E80  }
0x201: {  	[sflag:s21] =	ssyncset.done $0x0  }
0x202: {  	[sflag:s21] =	ssyncadd.s32 $0xFFFFC180  }
0x203: {  	[spmem:s2] =	stream.indirect.scatter.add.f32 [tilespmem:s20], [sflag:$0x2], $0x80, s22, s19, $0xb8;
	[tilespmem:$0x1D000] =	vst v63  }
0x204: {  	_ = 	snop  }
0x205: {  	[tilespmem:s23], [sflag:$0x1] =	stream.indirect.gather [hbm4b:s4+s19], $0x80, s25, s19, $0xb8;
	[tilespmem:$0x1D000] =	vst v63  }
0x206: {  	_ =	swait.ge [sflag:s24], $0x3E80  }
0x207: {  	[sflag:s24] =	ssyncset.done $0x0  }
0x208: {  	[sflag:s24] =	ssyncadd.s32 $0xFFFFC180  }
0x209: {  	_ =	swait.ge [sflag:s21], $0x3E80  }
0x20a: {  	[sflag:s21] =	ssyncset.done $0x0  }
0x20b: {  	[sflag:s21] =	ssyncadd.s32 $0xFFFFC180  }
0x20c: {  	[spmem:s2] =	stream.indirect.scatter.add.f32 [tilespmem:s23], [sflag:$0x3], $0x80, s26, s19, $0xb8;
	[tilespmem:$0x1D000] =	vst v63  }
0x20d: {  	_ =	swait.ge [sflag:s17], $0x3E80  }
0x20e: {  	[sflag:s17] =	ssyncset.done $0x0  }
0x20f: {  	[sflag:s17] =	ssyncadd.s32 $0xFFFFC180  }
0x210: {  	[tilespmem:s20], [sflag:$0x1] =	stream.indirect.gather [hbm4b:s4+s19], $0x80, s28, s19, $0xb8;
	[tilespmem:$0x1D000] =	vst v63  }
0x211: {  	_ =	swait.ge [sflag:s21], $0x3E80  }
0x212: {  	[sflag:s21] =	ssyncset.done $0x0  }
0x213: {  	[sflag:s21] =	ssyncadd.s32 $0xFFFFC180  }
0x214: {  	[spmem:s2] =	stream.indirect.scatter.add.f32 [tilespmem:s20], [sflag:$0x2], $0x80, s29, s19, $0xb8;
	[tilespmem:$0x1D000] =	vst v63  }
0x215: {  	_ = 	snop  }
0x216: {  	[tilespmem:s23], [sflag:$0x1] =	stream.indirect.gather [hbm4b:s4+s19], $0x80, s30, s19, $0xb8;
	[tilespmem:$0x1D000] =	vst v63  }
0x217: {  	_ =	swait.ge [sflag:s24], $0x3E80  }
0x218: {  	[sflag:s24] =	ssyncset.done $0x0  }
0x219: {  	[sflag:s24] =	ssyncadd.s32 $0xFFFFC180  }
0x21a: {  	_ =	swait.ge [sflag:s21], $0x3E80  }
0x21b: {  	[sflag:s21] =	ssyncset.done $0x0  }
0x21c: {  	[sflag:s21] =	ssyncadd.s32 $0xFFFFC180  }
0x21d: {  	[spmem:s2] =	stream.indirect.scatter.add.f32 [tilespmem:s23], [sflag:$0x3], $0x80, s0, s19, $0xb8;
	[tilespmem:$0x1D000] =	vst v63  }
0x21e: {  	_ =	swait.ge [sflag:s17], $0x3E80  }
0x21f: {  	[sflag:s17] =	ssyncset.done $0x0  }
0x220: {  	[sflag:s17] =	ssyncadd.s32 $0xFFFFC180  }
0x221: {  	[tilespmem:s20], [sflag:$0x1] =	stream.indirect.gather [hbm4b:s4+s19], $0x80, s1, s19, $0xb8;
	[tilespmem:$0x1D000] =	vst v63  }
0x222: {  	_ =	swait.ge [sflag:s21], $0x3E80  }
0x223: {  	[sflag:s21] =	ssyncset.done $0x0  }
0x224: {  	[sflag:s21] =	ssyncadd.s32 $0xFFFFC180  }
0x225: {  	[spmem:s2] =	stream.indirect.scatter.add.f32 [tilespmem:s20], [sflag:$0x2], $0x80, s9, s19, $0xb8;
	[tilespmem:$0x1D000] =	vst v63  }
0x226: {  	_ = 	snop  }
0x227: {  	[tilespmem:s23], [sflag:$0x1] =	stream.indirect.gather [hbm4b:s4+s19], $0x80, s13, s19, $0xb8;
	[tilespmem:$0x1D000] =	vst v63  }
0x228: {  	_ =	swait.ge [sflag:s24], $0x3E80  }
0x229: {  	[sflag:s24] =	ssyncset.done $0x0  }
0x22a: {  	[sflag:s24] =	ssyncadd.s32 $0xFFFFC180  }
0x22b: {  	_ =	swait.ge [sflag:s21], $0x3E80  }
0x22c: {  	[sflag:s21] =	ssyncset.done $0x0  }
0x22d: {  	s16 =	simm.s32 $0xB80;
	[sflag:s21] =	ssyncadd.s32 $0xFFFFC180  }
0x22e: {  	[spmem:s2] =	stream.indirect.scatter.add.f32 [tilespmem:s23], [sflag:$0x3], $0x80, s16, s19, $0xb8;
	[tilespmem:$0x1D000] =	vst v63  }
0x22f: {  	_ =	swait.ge [sflag:s17], $0x3E80  }
0x230: {  	[sflag:s17] =	ssyncset.done $0x0  }
0x231: {  	s22 =	simm.s32 $0x400;
	[sflag:s17] =	ssyncadd.s32 $0xFFFFC180  }
0x232: {  	[tilespmem:s20], [sflag:$0x1] =	stream.indirect.gather [hbm4b:s4+s19], $0x80, s22, s19, $0xb8;
	[tilespmem:$0x1D000] =	vst v63  }
0x233: {  	_ =	swait.ge [sflag:s21], $0x3E80  }
0x234: {  	[sflag:s21] =	ssyncset.done $0x0  }
0x235: {  	s25 =	simm.s32 $0xC00;
	[sflag:s21] =	ssyncadd.s32 $0xFFFFC180  }
0x236: {  	[spmem:s2] =	stream.indirect.scatter.add.f32 [tilespmem:s20], [sflag:$0x2], $0x80, s25, s19, $0xb8;
	[tilespmem:$0x1D000] =	vst v63  }
0x237: {  	s26 =	simm.s32 $0x480  }
0x238: {  	[tilespmem:s23], [sflag:$0x1] =	stream.indirect.gather [hbm4b:s4+s19], $0x80, s26, s19, $0xb8;
	[tilespmem:$0x1D000] =	vst v63  }
0x239: {  	_ =	swait.ge [sflag:s24], $0x3E80  }
0x23a: {  	[sflag:s24] =	ssyncset.done $0x0  }
0x23b: {  	[sflag:s24] =	ssyncadd.s32 $0xFFFFC180  }
0x23c: {  	_ =	swait.ge [sflag:s21], $0x3E80  }
0x23d: {  	[sflag:s21] =	ssyncset.done $0x0  }
0x23e: {  	s1 =	simm.s32 $0xC80;
	[sflag:s21] =	ssyncadd.s32 $0xFFFFC180  }
0x23f: {  	[spmem:s2] =	stream.indirect.scatter.add.f32 [tilespmem:s23], [sflag:$0x3], $0x80, s1, s19, $0xb8;
	[tilespmem:$0x1D000] =	vst v63  }
0x240: {  	_ =	swait.ge [sflag:s17], $0x3E80  }
0x241: {  	[sflag:s17] =	ssyncset.done $0x0  }
0x242: {  	s6 =	simm.s32 $0x500;
	[sflag:s17] =	ssyncadd.s32 $0xFFFFC180  }
0x243: {  	[tilespmem:s20], [sflag:$0x1] =	stream.indirect.gather [hbm4b:s4+s19], $0x80, s6, s19, $0xb8;
	[tilespmem:$0x1D000] =	vst v63  }
0x244: {  	_ =	swait.ge [sflag:s21], $0x3E80  }
0x245: {  	[sflag:s21] =	ssyncset.done $0x0  }
0x246: {  	s7 =	simm.s32 $0xD00;
	[sflag:s21] =	ssyncadd.s32 $0xFFFFC180  }
0x247: {  	[spmem:s2] =	stream.indirect.scatter.add.f32 [tilespmem:s20], [sflag:$0x2], $0x80, s7, s19, $0xb8;
	[tilespmem:$0x1D000] =	vst v63  }
0x248: {  	s8 =	simm.s32 $0x580  }
0x249: {  	[tilespmem:s23], [sflag:$0x1] =	stream.indirect.gather [hbm4b:s4+s19], $0x80, s8, s19, $0xb8;
	[tilespmem:$0x1D000] =	vst v63  }
0x24a: {  	_ =	swait.ge [sflag:s24], $0x3E80  }
0x24b: {  	[sflag:s24] =	ssyncset.done $0x0  }
0x24c: {  	[sflag:s24] =	ssyncadd.s32 $0xFFFFC180  }
0x24d: {  	_ =	swait.ge [sflag:s21], $0x3E80  }
0x24e: {  	[sflag:s21] =	ssyncset.done $0x0  }
0x24f: {  	s9 =	simm.s32 $0xD80;
	[sflag:s21] =	ssyncadd.s32 $0xFFFFC180  }
0x250: {  	[spmem:s2] =	stream.indirect.scatter.add.f32 [tilespmem:s23], [sflag:$0x3], $0x80, s9, s19, $0xb8;
	[tilespmem:$0x1D000] =	vst v63  }
0x251: {  	_ =	swait.ge [sflag:s17], $0x3E80  }
0x252: {  	[sflag:s17] =	ssyncset.done $0x0  }
0x253: {  	s12 =	simm.s32 $0x600;
	[sflag:s17] =	ssyncadd.s32 $0xFFFFC180  }
0x254: {  	[tilespmem:s20], [sflag:$0x1] =	stream.indirect.gather [hbm4b:s4+s19], $0x80, s12, s19, $0xb8;
	[tilespmem:$0x1D000] =	vst v63  }
0x255: {  	_ =	swait.ge [sflag:s21], $0x3E80  }
0x256: {  	[sflag:s21] =	ssyncset.done $0x0  }
0x257: {  	s13 =	simm.s32 $0xE00;
	[sflag:s21] =	ssyncadd.s32 $0xFFFFC180  }
0x258: {  	[spmem:s2] =	stream.indirect.scatter.add.f32 [tilespmem:s20], [sflag:$0x2], $0x80, s13, s19, $0xb8;
	[tilespmem:$0x1D000] =	vst v63  }
0x259: {  	s14 =	simm.s32 $0x680  }
0x25a: {  	[tilespmem:s23], [sflag:$0x1] =	stream.indirect.gather [hbm4b:s4+s19], $0x80, s14, s19, $0xb8;
	[tilespmem:$0x1D000] =	vst v63  }
0x25b: {  	_ =	swait.ge [sflag:s24], $0x3E80  }
0x25c: {  	[sflag:s24] =	ssyncset.done $0x0  }
0x25d: {  	[sflag:s24] =	ssyncadd.s32 $0xFFFFC180  }
0x25e: {  	_ =	swait.ge [sflag:s21], $0x3E80  }
0x25f: {  	[sflag:s21] =	ssyncset.done $0x0  }
0x260: {  	s15 =	simm.s32 $0xE80;
	[sflag:s21] =	ssyncadd.s32 $0xFFFFC180  }
0x261: {  	[spmem:s2] =	stream.indirect.scatter.add.f32 [tilespmem:s23], [sflag:$0x3], $0x80, s15, s19, $0xb8;
	[tilespmem:$0x1D000] =	vst v63  }
0x262: {  	_ =	swait.ge [sflag:s17], $0x3E80  }
0x263: {  	[sflag:s17] =	ssyncset.done $0x0  }
0x264: {  	s16 =	simm.s32 $0x700;
	[sflag:s17] =	ssyncadd.s32 $0xFFFFC180  }
0x265: {  	[tilespmem:s20], [sflag:$0x1] =	stream.indirect.gather [hbm4b:s4+s19], $0x80, s16, s19, $0xb8;
	[tilespmem:$0x1D000] =	vst v63  }
0x266: {  	_ =	swait.ge [sflag:s21], $0x3E80  }
0x267: {  	[sflag:s21] =	ssyncset.done $0x0  }
0x268: {  	s22 =	simm.s32 $0xF00;
	[sflag:s21] =	ssyncadd.s32 $0xFFFFC180  }
0x269: {  	[spmem:s2] =	stream.indirect.scatter.add.f32 [tilespmem:s20], [sflag:$0x2], $0x80, s22, s19, $0xb8;
	[tilespmem:$0x1D000] =	vst v63  }
0x26a: {  	s25 =	simm.s32 $0x780  }
0x26b: {  	[tilespmem:s23], [sflag:$0x1] =	stream.indirect.gather [hbm4b:s4+s19], $0x80, s25, s19, $0xb8;
	[tilespmem:$0x1D000] =	vst v63  }
0x26c: {  	s31 =	simm.s32 $0x280;
	s28 =	simm.s32 $0x980;
	_ =	swait.ge [sflag:s24], $0x3E80  }
0x26d: {  	s29 =	simm.s32 $0x200;
	s30 =	simm.s32 $0xA00;
	[sflag:s24] =	ssyncset.done $0x0  }
0x26e: {  	s0 =	simm.s32 $0xA80;
	s26 =	simm.s32 $0xF80;
	[sflag:s24] =	ssyncadd.s32 $0xFFFFC180  }
0x26f: {  	s1 =	simm.s32 $0x300;
	s6 =	simm.s32 $0xB80;
	_ =	swait.ge [sflag:s21], $0x3E80  }
0x270: {  	s8 =	simm.s32 $0x100;
	s9 =	simm.s32 $0xB00;
	[sflag:s21] =	ssyncset.done $0x0  }
0x271: {  	s12 =	simm.s32 $0x200;
	s13 =	simm.s32 $0x380;
	[sflag:s21] =	ssyncadd.s32 $0xFFFFC180  }
0x272: {  	[spmem:s2] =	stream.indirect.scatter.add.f32 [tilespmem:s23], [sflag:$0x3], $0x80, s26, s19, $0xb8;
	[tilespmem:$0x1D000] =	vst v63  }
0x273: {  	s16 =	simm.s32 $0x880;
	s22 =	simm.s32 $0x100;
	_ =	swait.ge [sflag:s17], $0x3E80  }
0x274: {  	s25 =	simm.s32 $0x900;
	s26 =	simm.s32 $0x180;
	[sflag:s17] =	ssyncset.done $0x0  }
.LBB2_3:
0x275: {  	s15 =	sadd.s32 s8, s10  }
0x276: {  	[sflag:s17] =	ssyncadd.s32 $0xFFFFC180;
	s7 =	smov.u32 s12;
	s14 =	sadd.s32 $0x100, s12  }
0x277: {  	[tilespmem:s3], [sflag:$0x3] =	stream.linear.gather [hbm4b:s15+s3], $0x800, $0x38;
	[tilespmem:$0x1D000] =	vst v63  }
0x278: {  	s15 =	simm.s32 $0x80  }
0x279: {  	p1 =	seq.s32 s12, $0x900;
	_ =	swait.ge [sflag:s17], $0x800  }
0x27a: {  	[sflag:s17] =	ssyncset.done $0x0  }
0x27b: {  	s12 =	sadd.s32 s8, s11;
	s8 =	smov.u32 s7;
	[sflag:s17] =	ssyncadd.s32 $0xFFFFF800  }
0x27c: {  	[tilespmem:s18], [sflag:$0x3] =	stream.linear.gather [hbm4b:s12+s3], $0x800, $0x38;
	[tilespmem:$0x1D000] =	vst v63  }
0x27d: {  	_ =	swait.ge [sflag:s17], $0x800  }
0x27e: {  	[sflag:s17] =	ssyncset.done $0x0  }
0x27f: {  	[sflag:s17] =	ssyncadd.s32 $0xFFFFF800  }
0x280: {  	[tilespmem:s20], [sflag:$0x1] =	stream.indirect.gather [hbm4b:s4+s19], $0x80, s3, s19, $0xb8;
	[tilespmem:$0x1D000] =	vst v63  }
0x281: {  	_ =	swait.ge [sflag:s21], $0x3E80  }
0x282: {  	[sflag:s21] =	ssyncset.done $0x0  }
0x283: {  	[sflag:s21] =	ssyncadd.s32 $0xFFFFC180  }
0x284: {  	[spmem:s2] =	stream.indirect.scatter.add.f32 [tilespmem:s20], [sflag:$0x2], $0x80, s18, s19, $0xb8;
	[tilespmem:$0x1D000] =	vst v63  }
0x285: {  	_ = 	snop  }
0x286: {  	[tilespmem:s23], [sflag:$0x1] =	stream.indirect.gather [hbm4b:s4+s19], $0x80, s15, s19, $0xb8;
	[tilespmem:$0x1D000] =	vst v63  }
0x287: {  	_ =	swait.ge [sflag:s24], $0x3E80  }
0x288: {  	[sflag:s24] =	ssyncset.done $0x0  }
0x289: {  	[sflag:s24] =	ssyncadd.s32 $0xFFFFC180  }
0x28a: {  	_ =	swait.ge [sflag:s21], $0x3E80  }
0x28b: {  	[sflag:s21] =	ssyncset.done $0x0  }
0x28c: {  	[sflag:s21] =	ssyncadd.s32 $0xFFFFC180  }
0x28d: {  	[spmem:s2] =	stream.indirect.scatter.add.f32 [tilespmem:s23], [sflag:$0x3], $0x80, s16, s19, $0xb8;
	[tilespmem:$0x1D000] =	vst v63  }
0x28e: {  	_ =	swait.ge [sflag:s17], $0x3E80  }
0x28f: {  	[sflag:s17] =	ssyncset.done $0x0  }
0x290: {  	[sflag:s17] =	ssyncadd.s32 $0xFFFFC180  }
0x291: {  	[tilespmem:s20], [sflag:$0x1] =	stream.indirect.gather [hbm4b:s4+s19], $0x80, s22, s19, $0xb8;
	[tilespmem:$0x1D000] =	vst v63  }
0x292: {  	_ =	swait.ge [sflag:s21], $0x3E80  }
0x293: {  	[sflag:s21] =	ssyncset.done $0x0  }
0x294: {  	[sflag:s21] =	ssyncadd.s32 $0xFFFFC180  }
0x295: {  	[spmem:s2] =	stream.indirect.scatter.add.f32 [tilespmem:s20], [sflag:$0x2], $0x80, s25, s19, $0xb8;
	[tilespmem:$0x1D000] =	vst v63  }
0x296: {  	_ = 	snop  }
0x297: {  	[tilespmem:s23], [sflag:$0x1] =	stream.indirect.gather [hbm4b:s4+s19], $0x80, s26, s19, $0xb8;
	[tilespmem:$0x1D000] =	vst v63  }
0x298: {  	_ =	swait.ge [sflag:s24], $0x3E80  }
0x299: {  	[sflag:s24] =	ssyncset.done $0x0  }
0x29a: {  	[sflag:s24] =	ssyncadd.s32 $0xFFFFC180  }
0x29b: {  	_ =	swait.ge [sflag:s21], $0x3E80  }
0x29c: {  	[sflag:s21] =	ssyncset.done $0x0  }
0x29d: {  	[sflag:s21] =	ssyncadd.s32 $0xFFFFC180  }
0x29e: {  	[spmem:s2] =	stream.indirect.scatter.add.f32 [tilespmem:s23], [sflag:$0x3], $0x80, s28, s19, $0xb8;
	[tilespmem:$0x1D000] =	vst v63  }
0x29f: {  	_ =	swait.ge [sflag:s17], $0x3E80  }
0x2a0: {  	[sflag:s17] =	ssyncset.done $0x0  }
0x2a1: {  	[sflag:s17] =	ssyncadd.s32 $0xFFFFC180  }
0x2a2: {  	[tilespmem:s20], [sflag:$0x1] =	stream.indirect.gather [hbm4b:s4+s19], $0x80, s29, s19, $0xb8;
	[tilespmem:$0x1D000] =	vst v63  }
0x2a3: {  	_ =	swait.ge [sflag:s21], $0x3E80  }
0x2a4: {  	[sflag:s21] =	ssyncset.done $0x0  }
0x2a5: {  	[sflag:s21] =	ssyncadd.s32 $0xFFFFC180  }
0x2a6: {  	[spmem:s2] =	stream.indirect.scatter.add.f32 [tilespmem:s20], [sflag:$0x2], $0x80, s30, s19, $0xb8;
	[tilespmem:$0x1D000] =	vst v63  }
0x2a7: {  	_ = 	snop  }
0x2a8: {  	[tilespmem:s23], [sflag:$0x1] =	stream.indirect.gather [hbm4b:s4+s19], $0x80, s31, s19, $0xb8;
	[tilespmem:$0x1D000] =	vst v63  }
0x2a9: {  	_ =	swait.ge [sflag:s24], $0x3E80  }
0x2aa: {  	[sflag:s24] =	ssyncset.done $0x0  }
0x2ab: {  	[sflag:s24] =	ssyncadd.s32 $0xFFFFC180  }
0x2ac: {  	_ =	swait.ge [sflag:s21], $0x3E80  }
0x2ad: {  	[sflag:s21] =	ssyncset.done $0x0  }
0x2ae: {  	[sflag:s21] =	ssyncadd.s32 $0xFFFFC180  }
0x2af: {  	[spmem:s2] =	stream.indirect.scatter.add.f32 [tilespmem:s23], [sflag:$0x3], $0x80, s0, s19, $0xb8;
	[tilespmem:$0x1D000] =	vst v63  }
0x2b0: {  	_ =	swait.ge [sflag:s17], $0x3E80  }
0x2b1: {  	[sflag:s17] =	ssyncset.done $0x0  }
0x2b2: {  	[sflag:s17] =	ssyncadd.s32 $0xFFFFC180  }
0x2b3: {  	[tilespmem:s20], [sflag:$0x1] =	stream.indirect.gather [hbm4b:s4+s19], $0x80, s1, s19, $0xb8;
	[tilespmem:$0x1D000] =	vst v63  }
0x2b4: {  	_ =	swait.ge [sflag:s21], $0x3E80  }
0x2b5: {  	[sflag:s21] =	ssyncset.done $0x0  }
0x2b6: {  	[sflag:s21] =	ssyncadd.s32 $0xFFFFC180  }
0x2b7: {  	[spmem:s2] =	stream.indirect.scatter.add.f32 [tilespmem:s20], [sflag:$0x2], $0x80, s9, s19, $0xb8;
	[tilespmem:$0x1D000] =	vst v63  }
0x2b8: {  	_ = 	snop  }
0x2b9: {  	[tilespmem:s23], [sflag:$0x1] =	stream.indirect.gather [hbm4b:s4+s19], $0x80, s13, s19, $0xb8;
	[tilespmem:$0x1D000] =	vst v63  }
0x2ba: {  	_ =	swait.ge [sflag:s24], $0x3E80  }
0x2bb: {  	[sflag:s24] =	ssyncset.done $0x0  }
0x2bc: {  	[sflag:s24] =	ssyncadd.s32 $0xFFFFC180  }
0x2bd: {  	_ =	swait.ge [sflag:s21], $0x3E80  }
0x2be: {  	[sflag:s21] =	ssyncset.done $0x0  }
0x2bf: {  	[sflag:s21] =	ssyncadd.s32 $0xFFFFC180  }
0x2c0: {  	[spmem:s2] =	stream.indirect.scatter.add.f32 [tilespmem:s23], [sflag:$0x3], $0x80, s6, s19, $0xb8;
	[tilespmem:$0x1D000] =	vst v63  }
0x2c1: {  	_ =	swait.ge [sflag:s17], $0x3E80  }
0x2c2: {  	[sflag:s17] =	ssyncset.done $0x0  }
0x2c3: {  	s7 =	simm.s32 $0x400;
	[sflag:s17] =	ssyncadd.s32 $0xFFFFC180  }
0x2c4: {  	[tilespmem:s20], [sflag:$0x1] =	stream.indirect.gather [hbm4b:s4+s19], $0x80, s7, s19, $0xb8;
	[tilespmem:$0x1D000] =	vst v63  }
0x2c5: {  	_ =	swait.ge [sflag:s21], $0x3E80  }
0x2c6: {  	[sflag:s21] =	ssyncset.done $0x0  }
0x2c7: {  	s7 =	simm.s32 $0xC00;
	[sflag:s21] =	ssyncadd.s32 $0xFFFFC180  }
0x2c8: {  	[spmem:s2] =	stream.indirect.scatter.add.f32 [tilespmem:s20], [sflag:$0x2], $0x80, s7, s19, $0xb8;
	[tilespmem:$0x1D000] =	vst v63  }
0x2c9: {  	s7 =	simm.s32 $0x480  }
0x2ca: {  	[tilespmem:s23], [sflag:$0x1] =	stream.indirect.gather [hbm4b:s4+s19], $0x80, s7, s19, $0xb8;
	[tilespmem:$0x1D000] =	vst v63  }
0x2cb: {  	_ =	swait.ge [sflag:s24], $0x3E80  }
0x2cc: {  	[sflag:s24] =	ssyncset.done $0x0  }
0x2cd: {  	[sflag:s24] =	ssyncadd.s32 $0xFFFFC180  }
0x2ce: {  	_ =	swait.ge [sflag:s21], $0x3E80  }
0x2cf: {  	[sflag:s21] =	ssyncset.done $0x0  }
0x2d0: {  	s7 =	simm.s32 $0xC80;
	[sflag:s21] =	ssyncadd.s32 $0xFFFFC180  }
0x2d1: {  	[spmem:s2] =	stream.indirect.scatter.add.f32 [tilespmem:s23], [sflag:$0x3], $0x80, s7, s19, $0xb8;
	[tilespmem:$0x1D000] =	vst v63  }
0x2d2: {  	_ =	swait.ge [sflag:s17], $0x3E80  }
0x2d3: {  	[sflag:s17] =	ssyncset.done $0x0  }
0x2d4: {  	s7 =	simm.s32 $0x500;
	[sflag:s17] =	ssyncadd.s32 $0xFFFFC180  }
0x2d5: {  	[tilespmem:s20], [sflag:$0x1] =	stream.indirect.gather [hbm4b:s4+s19], $0x80, s7, s19, $0xb8;
	[tilespmem:$0x1D000] =	vst v63  }
0x2d6: {  	_ =	swait.ge [sflag:s21], $0x3E80  }
0x2d7: {  	[sflag:s21] =	ssyncset.done $0x0  }
0x2d8: {  	s7 =	simm.s32 $0xD00;
	[sflag:s21] =	ssyncadd.s32 $0xFFFFC180  }
0x2d9: {  	[spmem:s2] =	stream.indirect.scatter.add.f32 [tilespmem:s20], [sflag:$0x2], $0x80, s7, s19, $0xb8;
	[tilespmem:$0x1D000] =	vst v63  }
0x2da: {  	s7 =	simm.s32 $0x580  }
0x2db: {  	[tilespmem:s23], [sflag:$0x1] =	stream.indirect.gather [hbm4b:s4+s19], $0x80, s7, s19, $0xb8;
	[tilespmem:$0x1D000] =	vst v63  }
0x2dc: {  	_ =	swait.ge [sflag:s24], $0x3E80  }
0x2dd: {  	[sflag:s24] =	ssyncset.done $0x0  }
0x2de: {  	[sflag:s24] =	ssyncadd.s32 $0xFFFFC180  }
0x2df: {  	_ =	swait.ge [sflag:s21], $0x3E80  }
0x2e0: {  	[sflag:s21] =	ssyncset.done $0x0  }
0x2e1: {  	s7 =	simm.s32 $0xD80;
	[sflag:s21] =	ssyncadd.s32 $0xFFFFC180  }
0x2e2: {  	[spmem:s2] =	stream.indirect.scatter.add.f32 [tilespmem:s23], [sflag:$0x3], $0x80, s7, s19, $0xb8;
	[tilespmem:$0x1D000] =	vst v63  }
0x2e3: {  	_ =	swait.ge [sflag:s17], $0x3E80  }
0x2e4: {  	[sflag:s17] =	ssyncset.done $0x0  }
0x2e5: {  	s7 =	simm.s32 $0x600;
	[sflag:s17] =	ssyncadd.s32 $0xFFFFC180  }
0x2e6: {  	[tilespmem:s20], [sflag:$0x1] =	stream.indirect.gather [hbm4b:s4+s19], $0x80, s7, s19, $0xb8;
	[tilespmem:$0x1D000] =	vst v63  }
0x2e7: {  	_ =	swait.ge [sflag:s21], $0x3E80  }
0x2e8: {  	[sflag:s21] =	ssyncset.done $0x0  }
0x2e9: {  	s7 =	simm.s32 $0xE00;
	[sflag:s21] =	ssyncadd.s32 $0xFFFFC180  }
0x2ea: {  	[spmem:s2] =	stream.indirect.scatter.add.f32 [tilespmem:s20], [sflag:$0x2], $0x80, s7, s19, $0xb8;
	[tilespmem:$0x1D000] =	vst v63  }
0x2eb: {  	s7 =	simm.s32 $0x680  }
0x2ec: {  	[tilespmem:s23], [sflag:$0x1] =	stream.indirect.gather [hbm4b:s4+s19], $0x80, s7, s19, $0xb8;
	[tilespmem:$0x1D000] =	vst v63  }
0x2ed: {  	_ =	swait.ge [sflag:s24], $0x3E80  }
0x2ee: {  	[sflag:s24] =	ssyncset.done $0x0  }
0x2ef: {  	[sflag:s24] =	ssyncadd.s32 $0xFFFFC180  }
0x2f0: {  	_ =	swait.ge [sflag:s21], $0x3E80  }
0x2f1: {  	[sflag:s21] =	ssyncset.done $0x0  }
0x2f2: {  	s7 =	simm.s32 $0xE80;
	[sflag:s21] =	ssyncadd.s32 $0xFFFFC180  }
0x2f3: {  	[spmem:s2] =	stream.indirect.scatter.add.f32 [tilespmem:s23], [sflag:$0x3], $0x80, s7, s19, $0xb8;
	[tilespmem:$0x1D000] =	vst v63  }
0x2f4: {  	_ =	swait.ge [sflag:s17], $0x3E80  }
0x2f5: {  	[sflag:s17] =	ssyncset.done $0x0  }
0x2f6: {  	s7 =	simm.s32 $0x700;
	[sflag:s17] =	ssyncadd.s32 $0xFFFFC180  }
0x2f7: {  	[tilespmem:s20], [sflag:$0x1] =	stream.indirect.gather [hbm4b:s4+s19], $0x80, s7, s19, $0xb8;
	[tilespmem:$0x1D000] =	vst v63  }
0x2f8: {  	_ =	swait.ge [sflag:s21], $0x3E80  }
0x2f9: {  	[sflag:s21] =	ssyncset.done $0x0  }
0x2fa: {  	s7 =	simm.s32 $0xF00;
	[sflag:s21] =	ssyncadd.s32 $0xFFFFC180  }
0x2fb: {  	[spmem:s2] =	stream.indirect.scatter.add.f32 [tilespmem:s20], [sflag:$0x2], $0x80, s7, s19, $0xb8;
	[tilespmem:$0x1D000] =	vst v63  }
0x2fc: {  	s7 =	simm.s32 $0x780  }
0x2fd: {  	[tilespmem:s23], [sflag:$0x1] =	stream.indirect.gather [hbm4b:s4+s19], $0x80, s7, s19, $0xb8;
	[tilespmem:$0x1D000] =	vst v63  }
0x2fe: {  	_ =	swait.ge [sflag:s24], $0x3E80  }
0x2ff: {  	[sflag:s24] =	ssyncset.done $0x0  }
0x300: {  	[sflag:s24] =	ssyncadd.s32 $0xFFFFC180  }
0x301: {  	_ =	swait.ge [sflag:s21], $0x3E80  }
.Ltmp5:
0x302: {  	[sflag:s21] =	ssyncset.done $0x0;
	(pc) =	sbr.rel @!p1 .LBB2_3-.Ltmp5, $4  }
0x303: {  	s7 =	simm.s32 $0xF80;
	[sflag:s21] =	ssyncadd.s32 $0xFFFFC180  }
0x304: {  	[spmem:s2] =	stream.indirect.scatter.add.f32 [tilespmem:s23], [sflag:$0x3], $0x80, s7, s19, $0xb8;
	[tilespmem:$0x1D000] =	vst v63  }
0x305: {  	_ =	swait.ge [sflag:s17], $0x3E80  }
0x306: {  	s12 =	smov.u32 s14;
	[sflag:s17] =	ssyncset.done $0x0  }
0x307: {  	s7 =	sadd.s32 s8, s10;
	[sflag:s17] =	ssyncadd.s32 $0xFFFFC180  }
0x308: {  	[tilespmem:s3], [sflag:$0x3] =	stream.linear.gather [hbm4b:s7+s3], $0x800, $0x38;
	[tilespmem:$0x1D000] =	vst v63  }
0x309: {  	_ =	swait.ge [sflag:s17], $0x800  }
0x30a: {  	[sflag:s17] =	ssyncset.done $0x0  }
0x30b: {  	s14 =	sadd.s32 s8, s11;
	[sflag:s17] =	ssyncadd.s32 $0xFFFFF800  }
0x30c: {  	[tilespmem:s18], [sflag:$0x3] =	stream.linear.gather [hbm4b:s14+s3], $0x800, $0x38;
	[tilespmem:$0x1D000] =	vst v63  }
0x30d: {  	_ =	swait.ge [sflag:s17], $0x800  }
0x30e: {  	[sflag:s17] =	ssyncset.done $0x0  }
0x30f: {  	[sflag:s17] =	ssyncadd.s32 $0xFFFFF800  }
0x310: {  	[tilespmem:s20], [sflag:$0x1] =	stream.indirect.gather [hbm4b:s4+s19], $0x80, s3, s19, $0xb8;
	[tilespmem:$0x1D000] =	vst v63  }
0x311: {  	_ =	swait.ge [sflag:s21], $0x3E80  }
0x312: {  	[sflag:s21] =	ssyncset.done $0x0  }
0x313: {  	[sflag:s21] =	ssyncadd.s32 $0xFFFFC180  }
0x314: {  	[spmem:s2] =	stream.indirect.scatter.add.f32 [tilespmem:s20], [sflag:$0x2], $0x80, s18, s19, $0xb8;
	[tilespmem:$0x1D000] =	vst v63  }
0x315: {  	_ = 	snop  }
0x316: {  	[tilespmem:s23], [sflag:$0x1] =	stream.indirect.gather [hbm4b:s4+s19], $0x80, s15, s19, $0xb8;
	[tilespmem:$0x1D000] =	vst v63  }
0x317: {  	_ =	swait.ge [sflag:s24], $0x3E80  }
0x318: {  	[sflag:s24] =	ssyncset.done $0x0  }
0x319: {  	[sflag:s24] =	ssyncadd.s32 $0xFFFFC180  }
0x31a: {  	_ =	swait.ge [sflag:s21], $0x3E80  }
0x31b: {  	[sflag:s21] =	ssyncset.done $0x0  }
0x31c: {  	[sflag:s21] =	ssyncadd.s32 $0xFFFFC180  }
0x31d: {  	[spmem:s2] =	stream.indirect.scatter.add.f32 [tilespmem:s23], [sflag:$0x3], $0x80, s16, s19, $0xb8;
	[tilespmem:$0x1D000] =	vst v63  }
0x31e: {  	_ =	swait.ge [sflag:s17], $0x3E80  }
0x31f: {  	[sflag:s17] =	ssyncset.done $0x0  }
0x320: {  	[sflag:s17] =	ssyncadd.s32 $0xFFFFC180  }
0x321: {  	[tilespmem:s20], [sflag:$0x1] =	stream.indirect.gather [hbm4b:s4+s19], $0x80, s22, s19, $0xb8;
	[tilespmem:$0x1D000] =	vst v63  }
0x322: {  	_ =	swait.ge [sflag:s21], $0x3E80  }
0x323: {  	[sflag:s21] =	ssyncset.done $0x0  }
0x324: {  	[sflag:s21] =	ssyncadd.s32 $0xFFFFC180  }
0x325: {  	[spmem:s2] =	stream.indirect.scatter.add.f32 [tilespmem:s20], [sflag:$0x2], $0x80, s25, s19, $0xb8;
	[tilespmem:$0x1D000] =	vst v63  }
0x326: {  	_ = 	snop  }
0x327: {  	[tilespmem:s23], [sflag:$0x1] =	stream.indirect.gather [hbm4b:s4+s19], $0x80, s26, s19, $0xb8;
	[tilespmem:$0x1D000] =	vst v63  }
0x328: {  	_ =	swait.ge [sflag:s24], $0x3E80  }
0x329: {  	[sflag:s24] =	ssyncset.done $0x0  }
0x32a: {  	[sflag:s24] =	ssyncadd.s32 $0xFFFFC180  }
0x32b: {  	_ =	swait.ge [sflag:s21], $0x3E80  }
0x32c: {  	[sflag:s21] =	ssyncset.done $0x0  }
0x32d: {  	[sflag:s21] =	ssyncadd.s32 $0xFFFFC180  }
0x32e: {  	[spmem:s2] =	stream.indirect.scatter.add.f32 [tilespmem:s23], [sflag:$0x3], $0x80, s28, s19, $0xb8;
	[tilespmem:$0x1D000] =	vst v63  }
0x32f: {  	_ =	swait.ge [sflag:s17], $0x3E80  }
0x330: {  	[sflag:s17] =	ssyncset.done $0x0  }
0x331: {  	[sflag:s17] =	ssyncadd.s32 $0xFFFFC180  }
0x332: {  	[tilespmem:s20], [sflag:$0x1] =	stream.indirect.gather [hbm4b:s4+s19], $0x80, s29, s19, $0xb8;
	[tilespmem:$0x1D000] =	vst v63  }
0x333: {  	_ =	swait.ge [sflag:s21], $0x3E80  }
0x334: {  	[sflag:s21] =	ssyncset.done $0x0  }
0x335: {  	[sflag:s21] =	ssyncadd.s32 $0xFFFFC180  }
0x336: {  	[spmem:s2] =	stream.indirect.scatter.add.f32 [tilespmem:s20], [sflag:$0x2], $0x80, s30, s19, $0xb8;
	[tilespmem:$0x1D000] =	vst v63  }
0x337: {  	_ = 	snop  }
0x338: {  	[tilespmem:s23], [sflag:$0x1] =	stream.indirect.gather [hbm4b:s4+s19], $0x80, s31, s19, $0xb8;
	[tilespmem:$0x1D000] =	vst v63  }
0x339: {  	_ =	swait.ge [sflag:s24], $0x3E80  }
0x33a: {  	[sflag:s24] =	ssyncset.done $0x0  }
0x33b: {  	[sflag:s24] =	ssyncadd.s32 $0xFFFFC180  }
0x33c: {  	_ =	swait.ge [sflag:s21], $0x3E80  }
0x33d: {  	[sflag:s21] =	ssyncset.done $0x0  }
0x33e: {  	[sflag:s21] =	ssyncadd.s32 $0xFFFFC180  }
0x33f: {  	[spmem:s2] =	stream.indirect.scatter.add.f32 [tilespmem:s23], [sflag:$0x3], $0x80, s0, s19, $0xb8;
	[tilespmem:$0x1D000] =	vst v63  }
0x340: {  	_ =	swait.ge [sflag:s17], $0x3E80  }
0x341: {  	[sflag:s17] =	ssyncset.done $0x0  }
0x342: {  	[sflag:s17] =	ssyncadd.s32 $0xFFFFC180  }
0x343: {  	[tilespmem:s20], [sflag:$0x1] =	stream.indirect.gather [hbm4b:s4+s19], $0x80, s1, s19, $0xb8;
	[tilespmem:$0x1D000] =	vst v63  }
0x344: {  	_ =	swait.ge [sflag:s21], $0x3E80  }
0x345: {  	[sflag:s21] =	ssyncset.done $0x0  }
0x346: {  	[sflag:s21] =	ssyncadd.s32 $0xFFFFC180  }
0x347: {  	[spmem:s2] =	stream.indirect.scatter.add.f32 [tilespmem:s20], [sflag:$0x2], $0x80, s9, s19, $0xb8;
	[tilespmem:$0x1D000] =	vst v63  }
0x348: {  	_ = 	snop  }
0x349: {  	[tilespmem:s23], [sflag:$0x1] =	stream.indirect.gather [hbm4b:s4+s19], $0x80, s13, s19, $0xb8;
	[tilespmem:$0x1D000] =	vst v63  }
0x34a: {  	_ =	swait.ge [sflag:s24], $0x3E80  }
0x34b: {  	[sflag:s24] =	ssyncset.done $0x0  }
0x34c: {  	[sflag:s24] =	ssyncadd.s32 $0xFFFFC180  }
0x34d: {  	_ =	swait.ge [sflag:s21], $0x3E80  }
0x34e: {  	[sflag:s21] =	ssyncset.done $0x0  }
0x34f: {  	[sflag:s21] =	ssyncadd.s32 $0xFFFFC180  }
0x350: {  	[spmem:s2] =	stream.indirect.scatter.add.f32 [tilespmem:s23], [sflag:$0x3], $0x80, s6, s19, $0xb8;
	[tilespmem:$0x1D000] =	vst v63  }
0x351: {  	_ =	swait.ge [sflag:s17], $0x3E80  }
0x352: {  	[sflag:s17] =	ssyncset.done $0x0  }
0x353: {  	s16 =	simm.s32 $0x400;
	[sflag:s17] =	ssyncadd.s32 $0xFFFFC180  }
0x354: {  	[tilespmem:s20], [sflag:$0x1] =	stream.indirect.gather [hbm4b:s4+s19], $0x80, s16, s19, $0xb8;
	[tilespmem:$0x1D000] =	vst v63  }
0x355: {  	_ =	swait.ge [sflag:s21], $0x3E80  }
0x356: {  	[sflag:s21] =	ssyncset.done $0x0  }
0x357: {  	s22 =	simm.s32 $0xC00;
	[sflag:s21] =	ssyncadd.s32 $0xFFFFC180  }
0x358: {  	[spmem:s2] =	stream.indirect.scatter.add.f32 [tilespmem:s20], [sflag:$0x2], $0x80, s22, s19, $0xb8;
	[tilespmem:$0x1D000] =	vst v63  }
0x359: {  	s25 =	simm.s32 $0x480  }
0x35a: {  	[tilespmem:s23], [sflag:$0x1] =	stream.indirect.gather [hbm4b:s4+s19], $0x80, s25, s19, $0xb8;
	[tilespmem:$0x1D000] =	vst v63  }
0x35b: {  	_ =	swait.ge [sflag:s24], $0x3E80  }
0x35c: {  	[sflag:s24] =	ssyncset.done $0x0  }
0x35d: {  	[sflag:s24] =	ssyncadd.s32 $0xFFFFC180  }
0x35e: {  	_ =	swait.ge [sflag:s21], $0x3E80  }
0x35f: {  	[sflag:s21] =	ssyncset.done $0x0  }
0x360: {  	s26 =	simm.s32 $0xC80;
	[sflag:s21] =	ssyncadd.s32 $0xFFFFC180  }
0x361: {  	[spmem:s2] =	stream.indirect.scatter.add.f32 [tilespmem:s23], [sflag:$0x3], $0x80, s26, s19, $0xb8;
	[tilespmem:$0x1D000] =	vst v63  }
0x362: {  	_ =	swait.ge [sflag:s17], $0x3E80  }
0x363: {  	[sflag:s17] =	ssyncset.done $0x0  }
0x364: {  	s1 =	simm.s32 $0x500;
	[sflag:s17] =	ssyncadd.s32 $0xFFFFC180  }
0x365: {  	[tilespmem:s20], [sflag:$0x1] =	stream.indirect.gather [hbm4b:s4+s19], $0x80, s1, s19, $0xb8;
	[tilespmem:$0x1D000] =	vst v63  }
0x366: {  	_ =	swait.ge [sflag:s21], $0x3E80  }
0x367: {  	[sflag:s21] =	ssyncset.done $0x0  }
0x368: {  	s6 =	simm.s32 $0xD00;
	[sflag:s21] =	ssyncadd.s32 $0xFFFFC180  }
0x369: {  	[spmem:s2] =	stream.indirect.scatter.add.f32 [tilespmem:s20], [sflag:$0x2], $0x80, s6, s19, $0xb8;
	[tilespmem:$0x1D000] =	vst v63  }
0x36a: {  	s7 =	simm.s32 $0x580  }
0x36b: {  	[tilespmem:s23], [sflag:$0x1] =	stream.indirect.gather [hbm4b:s4+s19], $0x80, s7, s19, $0xb8;
	[tilespmem:$0x1D000] =	vst v63  }
0x36c: {  	_ =	swait.ge [sflag:s24], $0x3E80  }
0x36d: {  	[sflag:s24] =	ssyncset.done $0x0  }
0x36e: {  	[sflag:s24] =	ssyncadd.s32 $0xFFFFC180  }
0x36f: {  	_ =	swait.ge [sflag:s21], $0x3E80  }
0x370: {  	[sflag:s21] =	ssyncset.done $0x0  }
0x371: {  	s8 =	simm.s32 $0xD80;
	[sflag:s21] =	ssyncadd.s32 $0xFFFFC180  }
0x372: {  	[spmem:s2] =	stream.indirect.scatter.add.f32 [tilespmem:s23], [sflag:$0x3], $0x80, s8, s19, $0xb8;
	[tilespmem:$0x1D000] =	vst v63  }
0x373: {  	_ =	swait.ge [sflag:s17], $0x3E80  }
0x374: {  	[sflag:s17] =	ssyncset.done $0x0  }
0x375: {  	s9 =	simm.s32 $0x600;
	[sflag:s17] =	ssyncadd.s32 $0xFFFFC180  }
0x376: {  	[tilespmem:s20], [sflag:$0x1] =	stream.indirect.gather [hbm4b:s4+s19], $0x80, s9, s19, $0xb8;
	[tilespmem:$0x1D000] =	vst v63  }
0x377: {  	_ =	swait.ge [sflag:s21], $0x3E80  }
0x378: {  	[sflag:s21] =	ssyncset.done $0x0  }
0x379: {  	s12 =	simm.s32 $0xE00;
	[sflag:s21] =	ssyncadd.s32 $0xFFFFC180  }
0x37a: {  	[spmem:s2] =	stream.indirect.scatter.add.f32 [tilespmem:s20], [sflag:$0x2], $0x80, s12, s19, $0xb8;
	[tilespmem:$0x1D000] =	vst v63  }
0x37b: {  	s13 =	simm.s32 $0x680  }
0x37c: {  	[tilespmem:s23], [sflag:$0x1] =	stream.indirect.gather [hbm4b:s4+s19], $0x80, s13, s19, $0xb8;
	[tilespmem:$0x1D000] =	vst v63  }
0x37d: {  	_ =	swait.ge [sflag:s24], $0x3E80  }
0x37e: {  	[sflag:s24] =	ssyncset.done $0x0  }
0x37f: {  	[sflag:s24] =	ssyncadd.s32 $0xFFFFC180  }
0x380: {  	_ =	swait.ge [sflag:s21], $0x3E80  }
0x381: {  	[sflag:s21] =	ssyncset.done $0x0  }
0x382: {  	s14 =	simm.s32 $0xE80;
	[sflag:s21] =	ssyncadd.s32 $0xFFFFC180  }
0x383: {  	[spmem:s2] =	stream.indirect.scatter.add.f32 [tilespmem:s23], [sflag:$0x3], $0x80, s14, s19, $0xb8;
	[tilespmem:$0x1D000] =	vst v63  }
0x384: {  	_ =	swait.ge [sflag:s17], $0x3E80  }
0x385: {  	[sflag:s17] =	ssyncset.done $0x0  }
0x386: {  	s16 =	simm.s32 $0x700;
	[sflag:s17] =	ssyncadd.s32 $0xFFFFC180  }
0x387: {  	[tilespmem:s20], [sflag:$0x1] =	stream.indirect.gather [hbm4b:s4+s19], $0x80, s16, s19, $0xb8;
	[tilespmem:$0x1D000] =	vst v63  }
0x388: {  	_ =	swait.ge [sflag:s21], $0x3E80  }
0x389: {  	[sflag:s21] =	ssyncset.done $0x0  }
0x38a: {  	s22 =	simm.s32 $0xF00;
	[sflag:s21] =	ssyncadd.s32 $0xFFFFC180  }
0x38b: {  	[spmem:s2] =	stream.indirect.scatter.add.f32 [tilespmem:s20], [sflag:$0x2], $0x80, s22, s19, $0xb8;
	[tilespmem:$0x1D000] =	vst v63  }
0x38c: {  	s25 =	simm.s32 $0x780  }
0x38d: {  	[tilespmem:s23], [sflag:$0x1] =	stream.indirect.gather [hbm4b:s4+s19], $0x80, s25, s19, $0xb8;
	[tilespmem:$0x1D000] =	vst v63  }
0x38e: {  	_ =	swait.ge [sflag:s24], $0x3E80  }
0x38f: {  	[sflag:s24] =	ssyncset.done $0x0  }
0x390: {  	[sflag:s24] =	ssyncadd.s32 $0xFFFFC180  }
0x391: {  	s28 =	simm.s32 $0x200;
	_ =	swait.ge [sflag:s21], $0x3E80  }
0x392: {  	s29 =	simm.s32 $0xA00;
	s30 =	simm.s32 $0x280;
	[sflag:s21] =	ssyncset.done $0x0  }
0x393: {  	s0 =	simm.s32 $0xA80;
	s26 =	simm.s32 $0xF80;
	[sflag:s21] =	ssyncadd.s32 $0xFFFFC180  }
0x394: {  	[spmem:s2] =	stream.indirect.scatter.add.f32 [tilespmem:s23], [sflag:$0x3], $0x80, s26, s19, $0xb8;
	[tilespmem:$0x1D000] =	vst v63  }
.Ltmp6:
0x395: {  	s1 =	simm.s32 $0x300;
	s9 =	simm.s32 $0xB00;
	(pc) =	sbr.rel .LBB2_8-.Ltmp6, $4  }
0x396: {  	s13 =	simm.s32 $0x380;
	s14 =	simm.s32 $0x880;
	_ =	swait.ge [sflag:s17], $0x3E80  }
0x397: {  	s16 =	simm.s32 $0x100;
	s22 =	simm.s32 $0x900;
	s8 =	rddreg [dreg:$0x3]  }
0x398: {  	s25 =	simm.s32 $0x180;
	[sflag:s17] =	ssyncset.done $0x0;
	s31 =	rddreg [dreg:$0xc]  }
0x399: {  	s26 =	simm.s32 $0x980;
	s6 =	rddreg [dreg:$0xd];
	[sflag:s17] =	ssyncadd.s32 $0xFFFFC180  }
.LBB2_9:
0x39a: {  	_ =	sfence.sel $0x180000  }
0x39b: {  	[bflag:$0x0] =	sbarrier.arrive $0xFFFF  }
0x39c: {  	_ =	strace $0x9000004D  }
0x39d: {  	s0 =	stileid.u32;
	[bflag:$0x2] =	sbarrier.arrive $0xFFFF  }
0x39e: {  	p0 =	sne.s32 s0, $0x0;
	s0 =	rddreg [dreg:$0x2]  }
0x39f: {  	s0 =	sadd.s32 @!p0 $0x100000, s0  }
0x3a0: {  	[sflag:s0] =	ssyncadd.tile.s32 @!p0 $0x1;
	_ =	shalt  }
.Lfunc_end2:
_tile_overlayer_lowered:
.L_overlay_start_2:
0x3a1: {  	(tag) =	ssettag $0x2  }
0x3a2: {  	s0 =	rddreg [dreg:$0x0];
	s2 =	stileid.u32  }
0x3a3: {  	s1 =	rddreg [dreg:$0x1];
	p0 =	sne.s32 s2, $0x0  }
0x3a4: {  	s3 =	rddreg [dreg:$0x2];
	[bflag:$0x3] =	sbarrier.arrive $0xFFFF;
	s2 =	simm.s32 @!p0 $0x1C03  }
0x3a5: {  	[timem:s3], [sflag:s2] =	dma.local @!p0 [hbm:s0], s1  }
0x3a6: {  	s0 =	simm.s32 @!p0 $0x3  }
0x3a7: {  	_ =	swait.ge @!p0 [sflag:s0], s1  }
0x3a8: {  	s1 =	ssub.s32 @!p0 $0x0, s1;
	[sflag:s0] =	ssyncset.done @!p0 $0x0  }
0x3a9: {  	[sflag:s0] =	ssyncadd.s32 @!p0 s1  }
0x3aa: {  	[bflag:$0x3] =	sbarrier.arrive $0xFFFF  }
0x3ab: {  	_ =	shalt  }

// kernel: kernel.21.cloned.1.call-start
scs
__scs_entry_jumppad:
0x0: {  	(pc) =	sbr.rel $0x88, $3  }
0x1: {  	(tag) =	ssettag $0x0;
	lr =	simm.s32 $0x1  }
0x2: {  	[smem:$0x3F8E] =	sst lr;
	_ =	strace $0xD0000000  }
0x3: {  	_ = 	snop  }
0x4: {  	_ = 	snop  }
0x5: {  	_ = 	snop  }
0x6: {  	_ = 	snop  }
0x7: {  	_ = 	snop  }
__scs_overlays_trampoline_lowered:
0x8: {  	[smem:$0x3F9D] =	sst s0  }
0x9: {  	[smem:$0x3F9E] =	sst s1  }
0xa: {  	[smem:$0x3F9F] =	sst s2  }
0xb: {  	[smem:$0x3FA0] =	sst s3  }
0xc: {  	[smem:$0x3FA1] =	sst s4  }
0xd: {  	[smem:$0x3FA2] =	sst s5  }
0xe: {  	[smem:$0x3FA3] =	sst s6  }
0xf: {  	[smem:$0x3FA4] =	sst s7  }
0x10: {  	[smem:$0x3FA5] =	sst s8  }
0x11: {  	[smem:$0x3FA6] =	sst s9;
	s0 =	simm.s32 @!p0 $0x0  }
0x12: {  	s1 =	sld [smem:$0x3F8C];
	s0 =	simm.s32 @p0 $0x1  }
0x13: {  	[smem:$0x3FA7] =	sst s0;
	s0 =	simm.s32 @!p1 $0x0  }
0x14: {  	s2 =	sld [smem:$0x3F8B];
	s0 =	simm.s32 @p1 $0x1  }
0x15: {  	[smem:$0x3FA8] =	sst s0;
	s0 =	simm.s32 @!p2 $0x0  }
0x16: {  	s3 =	sld [smem:$0x3FDB];
	s0 =	simm.s32 @p2 $0x1  }
0x17: {  	s4 =	simm.s32 $0x1BF5;
	[smem:$0x3FAA] =	sst s0  }
0x18: {  	s0 =	sld [smem:$0x3F8D];
	_ =	swait.ge [sflag:s4], $0x0  }
0x19: {  	s7 =	sld [smem:$0x3F8E]  }
0x1a: {  	s8 =	sadd.s32 $0xFFFFE003, lr  }
0x1b: {  	s9 =	sadd.s32 $0xFFFFFEF7, lr;
	s5 =	simm.s32 $0xFFFFFFFF;
	p2 =	slt.u32 s8, $0xFFFFF086  }
0x1c: {  	p1 =	slt.u32 s9, $0xF7A;
	s5 =	simm.s32 @!p2 $0x0  }
0x1d: {  	s5 =	simm.s32 @p1 $0x1;
	p0 =	seq.s32 s7, s2  }
0x1e: {  	s7 =	smul.u32 @!p0 $0xF7A, s2;
	p2 =	seq.s32 @!p0 s5, $0x0  }
0x1f: {  	s9 =	smul.u32 $0xF7A, s1;
	s8 =	simm.s32 @!p0 $0x1BF5;
	p2 =	por !p2, p0  }
0x20: {  	[sflag:s8] =	ssyncset.s32 @!p0 $0xFFFFF086;
	s6 =	sadd.s32 @!p0 s3, s7;
	s7 =	simm.s32 @!p0 $0x108  }
0x21: {  	s3 =	sadd.s32 s3, s9;
	s6 =	sadd.s32 @!p0 $0x88, s6;
	s7 =	simm.s32 @p2 $0x1082  }
0x22: {  	[simem:s7], [sflag:s8] =	dma.local @!p0 [hbm:s6], $0xF7A  }
0x23: {  	s9 =	sor.u32 $0xD0000000, s2;
	s6 =	simm.s32 $0x108;
	_ =	swait.ge @!p0 [sflag:s8], $0x0  }
0x24: {  	s3 =	sadd.s32 $0x88, s3;
	s6 =	simm.s32 @!p1 $0x1082;
	[sflag:s4] =	ssyncset.s32 $0xFFFFF086  }
0x25: {  	[simem:s6], [sflag:s4] =	dma.local [hbm:s3], $0xF7A  }
0x26: {  	[smem:$0x3F8E] =	sst s1;
	(tag) =	ssettag s2;
	_ =	strace s9  }
0x27: {  	s1 =	sld [smem:$0x3F9E]  }
0x28: {  	s2 =	sld [smem:$0x3F9F]  }
0x29: {  	s4 =	sld [smem:$0x3FA1]  }
0x2a: {  	p0 =	seq.s32 s5, $0x0;
	s5 =	sld [smem:$0x3FA2]  }
0x2b: {  	s6 =	sld [smem:$0x3FA3]  }
0x2c: {  	s7 =	sld [smem:$0x3FA4]  }
0x2d: {  	s3 =	simm.s32 $0x108;
	s8 =	sld [smem:$0x3FA5]  }
0x2e: {  	s3 =	simm.s32 @!p0 $0x1082;
	s9 =	sld [smem:$0x3FA6]  }
0x2f: {  	lr =	sadd.s32 s0, s3;
	s0 =	sld [smem:$0x3F9D]  }
0x30: {  	s3 =	sld [smem:$0x3FA0]  }
0x31: {  	[smem:$0x3FA9] =	sst s10  }
0x32: {  	s10 =	sld [smem:$0x3FA7];
	_ =	sdelay $0x3  }
0x33: {  	p0 =	seq.s32 s10, $0x1;
	s10 =	sld [smem:$0x3FA9];
	_ =	sdelay $0x3  }
0x34: {  	[smem:$0x3FA9] =	sst s10  }
0x35: {  	s10 =	sld [smem:$0x3FA8];
	_ =	sdelay $0x3  }
0x36: {  	p1 =	seq.s32 s10, $0x1;
	s10 =	sld [smem:$0x3FA9];
	_ =	sdelay $0x3  }
0x37: {  	[smem:$0x3FA9] =	sst s10  }
0x38: {  	s10 =	sld [smem:$0x3FAA]  }
0x39: {  	_ = 	snop;
	(pc) =	sbr.ind lr, $3  }
0x3a: {  	_ = 	snop  }
0x3b: {  	_ = 	snop  }
0x3c: {  	p2 =	seq.s32 s10, $0x1;
	s10 =	sld [smem:$0x3FA9]  }
0x3d: {  	_ =	shalt  }
0x3e: {  	_ =	shalt  }
0x3f: {  	_ =	shalt  }
0x40: {  	_ =	shalt  }
0x41: {  	_ =	shalt  }
0x42: {  	_ =	shalt  }
0x43: {  	_ =	shalt  }
0x44: {  	_ =	shalt  }
0x45: {  	_ =	shalt  }
0x46: {  	_ =	shalt  }
0x47: {  	_ =	shalt  }
0x48: {  	_ =	shalt  }
0x49: {  	_ =	shalt  }
0x4a: {  	_ =	shalt  }
0x4b: {  	_ =	shalt  }
0x4c: {  	_ =	shalt  }
0x4d: {  	_ =	shalt  }
0x4e: {  	_ =	shalt  }
0x4f: {  	_ =	shalt  }
0x50: {  	_ =	shalt  }
0x51: {  	_ =	shalt  }
0x52: {  	_ =	shalt  }
0x53: {  	_ =	shalt  }
0x54: {  	_ =	shalt  }
0x55: {  	_ =	shalt  }
0x56: {  	_ =	shalt  }
0x57: {  	_ =	shalt  }
0x58: {  	_ =	shalt  }
0x59: {  	_ =	shalt  }
0x5a: {  	_ =	shalt  }
0x5b: {  	_ =	shalt  }
0x5c: {  	_ =	shalt  }
0x5d: {  	_ =	shalt  }
0x5e: {  	_ =	shalt  }
0x5f: {  	_ =	shalt  }
0x60: {  	_ =	shalt  }
0x61: {  	_ =	shalt  }
0x62: {  	_ =	shalt  }
0x63: {  	_ =	shalt  }
0x64: {  	_ =	shalt  }
0x65: {  	_ =	shalt  }
0x66: {  	_ =	shalt  }
0x67: {  	_ =	shalt  }
0x68: {  	_ =	shalt  }
0x69: {  	_ =	shalt  }
0x6a: {  	_ =	shalt  }
0x6b: {  	_ =	shalt  }
0x6c: {  	_ =	shalt  }
0x6d: {  	_ =	shalt  }
0x6e: {  	_ =	shalt  }
0x6f: {  	_ =	shalt  }
0x70: {  	_ =	shalt  }
0x71: {  	_ =	shalt  }
0x72: {  	_ =	shalt  }
0x73: {  	_ =	shalt  }
0x74: {  	_ =	shalt  }
0x75: {  	_ =	shalt  }
0x76: {  	_ =	shalt  }
0x77: {  	_ =	shalt  }
0x78: {  	_ =	shalt  }
0x79: {  	_ =	shalt  }
0x7a: {  	_ =	shalt  }
0x7b: {  	_ =	shalt  }
0x7c: {  	_ =	shalt  }
0x7d: {  	_ =	shalt  }
0x7e: {  	_ =	shalt  }
0x7f: {  	_ =	shalt  }
0x80: {  	_ =	shalt  }
0x81: {  	_ =	shalt  }
0x82: {  	_ =	shalt  }
0x83: {  	_ =	shalt  }
0x84: {  	_ =	shalt  }
0x85: {  	_ =	shalt  }
0x86: {  	_ =	shalt  }
0x87: {  	_ =	shalt  }
.Lfunc_end0:
.L_simem_size_0:
called_computation.3_lowered:
.L_overlay_start_0:
0x88: {  	s2 =	sld [smem:$0x3FD9]  }
0x89: {  	s3 =	sld [smem:$0x3FFE];
	_ =	sdelay $0x1  }
0x8a: {  	s1 =	srdreg.scid  }
0x8b: {  	s0 =	sand.u32 $0x1, s1  }
0x8c: {  	s16 =	sshll.u32 s0, $0xA;
	s2 =	sadd.s32 s3, s2  }
0x8d: {  	s2 =	sadd.s32 s2, s16  }
0x8e: {  	[smem:$0x3FB5] =	sst s2  }
0x8f: {  	_ = 	snop  }
0x90: {  	(tm) =	ssettm $0x1  }
0x91: {  	s17 =	sld [smem:$0x3FFB];
	_ =	sdelay $0x3  }
0x92: {  	_ =	strace s17  }
0x93: {  	s2 =	sld [smem:$0x3FFC];
	_ =	sdelay $0x3  }
0x94: {  	_ =	strace s2  }
0x95: {  	s2 =	sld [smem:$0x3FFD];
	_ =	sdelay $0x3  }
0x96: {  	_ =	strace s2  }
0x97: {  	_ =	strace $0x8FFFFFFF  }
0x98: {  	s18 =	sld [smem:$0x3FDB];
	_ =	sdelay $0x1  }
0x99: {  	s19 =	simm.s32 $_scs_section_size  }
0x9a: {  	s4 =	simm.s32 $_size__tile_overlayer_lowered;
	s5 =	simm.s32 $_tile_overlayer_lowered  }
0x9b: {  	s22 =	simm.s32 $0x1BFF;
	s21 =	sshll.u32 s5, $0x1;
	s2 =	sadd.s32 s19, s18  }
0x9c: {  	s6 =	simm.s32 $0x0;
	s20 =	sshll.u32 s4, $0x1;
	s4 =	sadd.s32 s21, s2  }
0x9d: {  	[timem:s6], [sflag:s22] =	dma.local [hbm:s4], s20  }
0x9e: {  	_ =	swait.ge [sflag:s22], s20  }
0x9f: {  	s3 =	ssub.s32 $0x0, s20;
	[sflag:s22] =	ssyncset.done $0x0  }
0xa0: {  	[sflag:s22] =	ssyncadd.s32 s3;
	_ =	sdelay $0x1  }
0xa1: {  	s23 =	simm.s32 $0x1B8B  }
0xa2: {  	_ =	swait.ge [sflag:s23], $0x1  }
0xa3: {  	[sflag:s23] =	ssyncset.done $0x0  }
0xa4: {  	s25 =	simm.s32 $0x1B8E;
	s24 =	sld [smem:$0x3FFE];
	[sflag:s23] =	ssyncadd.s32 $0xFFFFFFFF  }
0xa5: {  	s26 =	simm.s32 $execute0_lowered;
	[smem:$0x3FD2] =	sst s25  }
0xa6: {  	s4 =	sshll.u32 s26, $0x1;
	_ =	strace $0x8000004F;
	[dreg:$0x1] =	wrdreg $0xFFFFFFFF  }
0xa7: {  	s28 =	simm.s32 $_size_execute0_lowered;
	s2 =	sadd.s32 s2, s4;
	[dreg:$0x0] =	wrdreg $0x0  }
0xa8: {  	s4 =	sshll.u32 s28, $0x1;
	[dreg:$0x2] =	wrdreg s2  }
0xa9: {  	[dreg:$0x3] =	wrdreg s4  }
0xaa: {  	[dreg:$0x4] =	wrdreg $0xC0  }
0xab: {  	_ =	task [dreg:s6], $0x5FFFF  }
0xac: {  	[dreg:$0x1] =	wrdreg $0xFFFFFFFF  }
0xad: {  	[dreg:$0x0] =	wrdreg $0x60  }
0xae: {  	[dreg:$0x2] =	wrdreg s24  }
0xaf: {  	[dreg:$0x3] =	wrdreg $0x90000  }
0xb0: {  	[dreg:$0x4] =	wrdreg $0x9  }
0xb1: {  	_ =	task.clear_ibuf [dreg:s6], $0x5FFFF;
	_ =	strace $0x9000004F  }
0xb2: {  	s29 =	simm.s32 $0x9;
	_ =	strace $0x80000051  }
0xb3: {  	_ =	swait.ge [sflag:s29], $0x1  }
0xb4: {  	[sflag:s29] =	ssyncadd.s32 $0xFFFFFFFF  }
0xb5: {  	_ =	strace $0x90000051  }
0xb6: {  	_ =	sfence  }
0xb7: {  	s30 =	sld [smem:$0x0];
	_ =	sdelay $0x2  }
0xb8: {  	s31 =	sshll.u32 s1, $0xD;
	s1 =	sshrl.u32 s1, $0x2  }
0xb9: {  	s3 =	sand.u32 $0x4000, s31;
	s1 =	sadd.s32 s1, s30  }
0xba: {  	s0 =	sor.u32 s3, s0;
	s1 =	sshll.u32 s1, $0x11  }
0xbb: {  	s0 =	sor.u32 s1, s0  }
0xbc: {  	s0 =	sadd.s32 $0x8F2B, s0  }
0xbd: {  	[sflag:s0] =	ssyncadd.remote.s32 $0x1  }
0xbe: {  	_ =	sfence.sel $0xFFFF  }
0xbf: {  	[dreg:$0x0] =	wrdreg $0xFFFFFFFF;
	(pc) =	sbr.abs _section_cstart, $3  }
0xc0: {  	[dreg:$0x1] =	wrdreg $0xFFFFFFFF  }
0xc1: {  	_ =	task.clear_ibuf [dreg:s6], $0x2FFFF;
	_ =	strace $0x9FFFFFFF  }
0xc2: {  	(tm) =	ssettm $0x7FFFFFFF  }
0xc3: {  	_ =	shalt  }
tec
execute0_lowered:
.L_overlay_start_1:
0x0: {  	(tag) =	ssettag $0x1  }
0x1: {  	s0 =	rddreg [dreg:$0x0]  }
0x2: {  	s2 =	rddreg [dreg:$0x1];
	s3 =	simm.s32 $0x0;
	s12 =	stileid.u32  }
0x3: {  	s6 =	srdreg.scid;
	s17 =	simm.s32 $0x3;
	s18 =	simm.s32 $0x800  }
0x4: {  	s15 =	simm.s32 $0x80;
	s14 =	simm.s32 $0x880;
	s16 =	simm.s32 $0x100  }
0x5: {  	s28 =	simm.s32 $0x200;
	s29 =	simm.s32 $0xA00;
	s30 =	simm.s32 $0x280  }
0x6: {  	s31 =	simm.s32 $0x0;
	[smem:$0x7FF] =	sst s3;
	s1 =	smul.u32 $0xA00, s12  }
0x7: {  	s4 =	sadd.s32 $0x6400, s0;
	s5 =	sadd.s32 $0x2E400, s0;
	s8 =	smul.u32 $0x50000, s12  }
0x8: {  	s6 =	sand.u32 $0x1, s6;
	s9 =	sadd.s32 $0x9F400, s0;
	s13 =	smul.u32 $0x2800, s12  }
0x9: {  	s24 =	sshll.u32 s12, $0x6;
	_ =	strace $0x80000050;
	[dreg:$0x3] =	wrdreg s9  }
0xa: {  	s7 =	ssub.s32 $0x2, s6;
	p0 =	seq.s32 s6, $0x1;
	[dreg:$0x7] =	wrdreg s24  }
0xb: {  	s26 =	sor.u32 $0x1C03, s24;
	s24 =	simm.s32 $0x2;
	s9 =	simm.s32 $0xB00  }
0xc: {  	s1 =	sadd.s32 s1, s0;
	s19 =	sshrl.u32 s7, $0x1;
	s0 =	sadd.s32 $0xC7400, s0  }
0xd: {  	s21 =	sshrl.u32 s8, $0x2;
	s23 =	sadd.s32 s4, s13;
	[dreg:$0x4] =	wrdreg s13  }
0xe: {  	s25 =	sadd.s32 s5, s13;
	[dreg:$0xa] =	wrdreg s26;
	s26 =	simm.s32 $0x980  }
0xf: {  	s13 =	simm.s32 $0x380;
	[dreg:$0x5] =	wrdreg s0;
	s20 =	ssub.s32 s7, s19  }
0x10: {  	s22 =	sadd.s32 s21, s2;
	[dreg:$0x6] =	wrdreg s23;
	s10 =	sadd.s32 $0x6D400, s1  }
.Ltmp0:
0x11: {  	s11 =	sadd.s32 $0x63400, s1;
	[dreg:$0x8] =	wrdreg s25;
	(pc) =	sbr.rel .LBB2_1-.Ltmp0, $4  }
0x12: {  	s19 =	simm.s32 $0x7D;
	s21 =	simm.s32 $0x1;
	s23 =	simm.s32 $0x5000  }
0x13: {  	s25 =	simm.s32 $0x180;
	s1 =	simm.s32 $0x300;
	s0 =	smax.u32 s20, $0x1  }
0x14: {  	s12 =	sshrl.u32 s22, $0x3;
	s20 =	simm.s32 $0x1000;
	[dreg:$0x9] =	wrdreg s0  }
0x15: {  	s22 =	simm.s32 $0x900;
	s0 =	simm.s32 $0xA80;
	[dreg:$0xb] =	wrdreg s12  }
.LBB2_7:
0x16: {  	s7 =	sadd.s32 s8, s10;
	[sflag:s17] =	ssyncadd.s32 $0xFFFFC180  }
0x17: {  	[tilespmem:s3], [sflag:$0x3] =	stream.linear.gather [hbm4b:s7+s3], $0x800, $0x38;
	[tilespmem:$0x1D000] =	vst v63  }
0x18: {  	_ =	swait.ge [sflag:s17], $0x800  }
0x19: {  	[sflag:s17] =	ssyncset.done $0x0  }
0x1a: {  	s14 =	sadd.s32 s8, s11;
	[sflag:s17] =	ssyncadd.s32 $0xFFFFF800  }
0x1b: {  	[tilespmem:s18], [sflag:$0x3] =	stream.linear.gather [hbm4b:s14+s3], $0x800, $0x38;
	[tilespmem:$0x1D000] =	vst v63  }
0x1c: {  	_ =	swait.ge [sflag:s17], $0x800  }
0x1d: {  	[sflag:s17] =	ssyncset.done $0x0  }
0x1e: {  	[sflag:s17] =	ssyncadd.s32 $0xFFFFF800  }
0x1f: {  	[tilespmem:s20], [sflag:$0x1] =	stream.indirect.gather [hbm4b:s5+s19], $0x80, s3, s19, $0xb8;
	[tilespmem:$0x1D000] =	vst v63  }
0x20: {  	_ =	swait.ge [sflag:s21], $0x3E80  }
0x21: {  	[sflag:s21] =	ssyncset.done $0x0  }
0x22: {  	[sflag:s21] =	ssyncadd.s32 $0xFFFFC180  }
0x23: {  	[spmem:s2] =	stream.indirect.scatter.add.f32 [tilespmem:s20], [sflag:$0x2], $0x80, s18, s19, $0xb8;
	[tilespmem:$0x1D000] =	vst v63  }
0x24: {  	_ = 	snop  }
0x25: {  	[tilespmem:s23], [sflag:$0x1] =	stream.indirect.gather [hbm4b:s5+s19], $0x80, s15, s19, $0xb8;
	[tilespmem:$0x1D000] =	vst v63  }
0x26: {  	_ =	swait.ge [sflag:s24], $0x3E80  }
0x27: {  	[sflag:s24] =	ssyncset.done $0x0  }
0x28: {  	[sflag:s24] =	ssyncadd.s32 $0xFFFFC180  }
0x29: {  	_ =	swait.ge [sflag:s21], $0x3E80  }
0x2a: {  	[sflag:s21] =	ssyncset.done $0x0  }
0x2b: {  	[sflag:s21] =	ssyncadd.s32 $0xFFFFC180  }
0x2c: {  	[spmem:s2] =	stream.indirect.scatter.add.f32 [tilespmem:s23], [sflag:$0x3], $0x80, s16, s19, $0xb8;
	[tilespmem:$0x1D000] =	vst v63  }
0x2d: {  	_ =	swait.ge [sflag:s17], $0x3E80  }
0x2e: {  	[sflag:s17] =	ssyncset.done $0x0  }
0x2f: {  	[sflag:s17] =	ssyncadd.s32 $0xFFFFC180  }
0x30: {  	[tilespmem:s20], [sflag:$0x1] =	stream.indirect.gather [hbm4b:s5+s19], $0x80, s22, s19, $0xb8;
	[tilespmem:$0x1D000] =	vst v63  }
0x31: {  	_ =	swait.ge [sflag:s21], $0x3E80  }
0x32: {  	[sflag:s21] =	ssyncset.done $0x0  }
0x33: {  	[sflag:s21] =	ssyncadd.s32 $0xFFFFC180  }
0x34: {  	[spmem:s2] =	stream.indirect.scatter.add.f32 [tilespmem:s20], [sflag:$0x2], $0x80, s25, s19, $0xb8;
	[tilespmem:$0x1D000] =	vst v63  }
0x35: {  	_ = 	snop  }
0x36: {  	[tilespmem:s23], [sflag:$0x1] =	stream.indirect.gather [hbm4b:s5+s19], $0x80, s26, s19, $0xb8;
	[tilespmem:$0x1D000] =	vst v63  }
0x37: {  	_ =	swait.ge [sflag:s24], $0x3E80  }
0x38: {  	[sflag:s24] =	ssyncset.done $0x0  }
0x39: {  	[sflag:s24] =	ssyncadd.s32 $0xFFFFC180  }
0x3a: {  	_ =	swait.ge [sflag:s21], $0x3E80  }
0x3b: {  	[sflag:s21] =	ssyncset.done $0x0  }
0x3c: {  	[sflag:s21] =	ssyncadd.s32 $0xFFFFC180  }
0x3d: {  	[spmem:s2] =	stream.indirect.scatter.add.f32 [tilespmem:s23], [sflag:$0x3], $0x80, s28, s19, $0xb8;
	[tilespmem:$0x1D000] =	vst v63  }
0x3e: {  	_ =	swait.ge [sflag:s17], $0x3E80  }
0x3f: {  	[sflag:s17] =	ssyncset.done $0x0  }
0x40: {  	[sflag:s17] =	ssyncadd.s32 $0xFFFFC180  }
0x41: {  	[tilespmem:s20], [sflag:$0x1] =	stream.indirect.gather [hbm4b:s5+s19], $0x80, s29, s19, $0xb8;
	[tilespmem:$0x1D000] =	vst v63  }
0x42: {  	_ =	swait.ge [sflag:s21], $0x3E80  }
0x43: {  	[sflag:s21] =	ssyncset.done $0x0  }
0x44: {  	[sflag:s21] =	ssyncadd.s32 $0xFFFFC180  }
0x45: {  	[spmem:s2] =	stream.indirect.scatter.add.f32 [tilespmem:s20], [sflag:$0x2], $0x80, s30, s19, $0xb8;
	[tilespmem:$0x1D000] =	vst v63  }
0x46: {  	_ = 	snop  }
0x47: {  	[tilespmem:s23], [sflag:$0x1] =	stream.indirect.gather [hbm4b:s5+s19], $0x80, s31, s19, $0xb8;
	[tilespmem:$0x1D000] =	vst v63  }
0x48: {  	_ =	swait.ge [sflag:s24], $0x3E80  }
0x49: {  	[sflag:s24] =	ssyncset.done $0x0  }
0x4a: {  	[sflag:s24] =	ssyncadd.s32 $0xFFFFC180  }
0x4b: {  	_ =	swait.ge [sflag:s21], $0x3E80  }
0x4c: {  	[sflag:s21] =	ssyncset.done $0x0  }
0x4d: {  	[sflag:s21] =	ssyncadd.s32 $0xFFFFC180  }
0x4e: {  	[spmem:s2] =	stream.indirect.scatter.add.f32 [tilespmem:s23], [sflag:$0x3], $0x80, s0, s19, $0xb8;
	[tilespmem:$0x1D000] =	vst v63  }
0x4f: {  	_ =	swait.ge [sflag:s17], $0x3E80  }
0x50: {  	[sflag:s17] =	ssyncset.done $0x0  }
0x51: {  	[sflag:s17] =	ssyncadd.s32 $0xFFFFC180  }
0x52: {  	[tilespmem:s20], [sflag:$0x1] =	stream.indirect.gather [hbm4b:s5+s19], $0x80, s1, s19, $0xb8;
	[tilespmem:$0x1D000] =	vst v63  }
0x53: {  	_ =	swait.ge [sflag:s21], $0x3E80  }
0x54: {  	[sflag:s21] =	ssyncset.done $0x0  }
0x55: {  	[sflag:s21] =	ssyncadd.s32 $0xFFFFC180  }
0x56: {  	[spmem:s2] =	stream.indirect.scatter.add.f32 [tilespmem:s20], [sflag:$0x2], $0x80, s9, s19, $0xb8;
	[tilespmem:$0x1D000] =	vst v63  }
0x57: {  	_ = 	snop  }
0x58: {  	[tilespmem:s23], [sflag:$0x1] =	stream.indirect.gather [hbm4b:s5+s19], $0x80, s13, s19, $0xb8;
	[tilespmem:$0x1D000] =	vst v63  }
0x59: {  	_ =	swait.ge [sflag:s24], $0x3E80  }
0x5a: {  	[sflag:s24] =	ssyncset.done $0x0  }
0x5b: {  	[sflag:s24] =	ssyncadd.s32 $0xFFFFC180  }
0x5c: {  	_ =	swait.ge [sflag:s21], $0x3E80  }
0x5d: {  	[sflag:s21] =	ssyncset.done $0x0  }
0x5e: {  	[sflag:s21] =	ssyncadd.s32 $0xFFFFC180  }
0x5f: {  	[spmem:s2] =	stream.indirect.scatter.add.f32 [tilespmem:s23], [sflag:$0x3], $0x80, s6, s19, $0xb8;
	[tilespmem:$0x1D000] =	vst v63  }
0x60: {  	_ =	swait.ge [sflag:s17], $0x3E80  }
0x61: {  	[sflag:s17] =	ssyncset.done $0x0  }
0x62: {  	s16 =	simm.s32 $0x400;
	[sflag:s17] =	ssyncadd.s32 $0xFFFFC180  }
0x63: {  	[tilespmem:s20], [sflag:$0x1] =	stream.indirect.gather [hbm4b:s5+s19], $0x80, s16, s19, $0xb8;
	[tilespmem:$0x1D000] =	vst v63  }
0x64: {  	_ =	swait.ge [sflag:s21], $0x3E80  }
0x65: {  	[sflag:s21] =	ssyncset.done $0x0  }
0x66: {  	s22 =	simm.s32 $0xC00;
	[sflag:s21] =	ssyncadd.s32 $0xFFFFC180  }
0x67: {  	[spmem:s2] =	stream.indirect.scatter.add.f32 [tilespmem:s20], [sflag:$0x2], $0x80, s22, s19, $0xb8;
	[tilespmem:$0x1D000] =	vst v63  }
0x68: {  	s25 =	simm.s32 $0x480  }
0x69: {  	[tilespmem:s23], [sflag:$0x1] =	stream.indirect.gather [hbm4b:s5+s19], $0x80, s25, s19, $0xb8;
	[tilespmem:$0x1D000] =	vst v63  }
0x6a: {  	_ =	swait.ge [sflag:s24], $0x3E80  }
0x6b: {  	[sflag:s24] =	ssyncset.done $0x0  }
0x6c: {  	[sflag:s24] =	ssyncadd.s32 $0xFFFFC180  }
0x6d: {  	_ =	swait.ge [sflag:s21], $0x3E80  }
0x6e: {  	[sflag:s21] =	ssyncset.done $0x0  }
0x6f: {  	s26 =	simm.s32 $0xC80;
	[sflag:s21] =	ssyncadd.s32 $0xFFFFC180  }
0x70: {  	[spmem:s2] =	stream.indirect.scatter.add.f32 [tilespmem:s23], [sflag:$0x3], $0x80, s26, s19, $0xb8;
	[tilespmem:$0x1D000] =	vst v63  }
0x71: {  	_ =	swait.ge [sflag:s17], $0x3E80  }
0x72: {  	[sflag:s17] =	ssyncset.done $0x0  }
0x73: {  	s1 =	simm.s32 $0x500;
	[sflag:s17] =	ssyncadd.s32 $0xFFFFC180  }
0x74: {  	[tilespmem:s20], [sflag:$0x1] =	stream.indirect.gather [hbm4b:s5+s19], $0x80, s1, s19, $0xb8;
	[tilespmem:$0x1D000] =	vst v63  }
0x75: {  	_ =	swait.ge [sflag:s21], $0x3E80  }
0x76: {  	[sflag:s21] =	ssyncset.done $0x0  }
0x77: {  	s6 =	simm.s32 $0xD00;
	[sflag:s21] =	ssyncadd.s32 $0xFFFFC180  }
0x78: {  	[spmem:s2] =	stream.indirect.scatter.add.f32 [tilespmem:s20], [sflag:$0x2], $0x80, s6, s19, $0xb8;
	[tilespmem:$0x1D000] =	vst v63  }
0x79: {  	s7 =	simm.s32 $0x580  }
0x7a: {  	[tilespmem:s23], [sflag:$0x1] =	stream.indirect.gather [hbm4b:s5+s19], $0x80, s7, s19, $0xb8;
	[tilespmem:$0x1D000] =	vst v63  }
0x7b: {  	_ =	swait.ge [sflag:s24], $0x3E80  }
0x7c: {  	[sflag:s24] =	ssyncset.done $0x0  }
0x7d: {  	[sflag:s24] =	ssyncadd.s32 $0xFFFFC180  }
0x7e: {  	_ =	swait.ge [sflag:s21], $0x3E80  }
0x7f: {  	[sflag:s21] =	ssyncset.done $0x0  }
0x80: {  	s8 =	simm.s32 $0xD80;
	[sflag:s21] =	ssyncadd.s32 $0xFFFFC180  }
0x81: {  	[spmem:s2] =	stream.indirect.scatter.add.f32 [tilespmem:s23], [sflag:$0x3], $0x80, s8, s19, $0xb8;
	[tilespmem:$0x1D000] =	vst v63  }
0x82: {  	_ =	swait.ge [sflag:s17], $0x3E80  }
0x83: {  	[sflag:s17] =	ssyncset.done $0x0  }
0x84: {  	s9 =	simm.s32 $0x600;
	[sflag:s17] =	ssyncadd.s32 $0xFFFFC180  }
0x85: {  	[tilespmem:s20], [sflag:$0x1] =	stream.indirect.gather [hbm4b:s5+s19], $0x80, s9, s19, $0xb8;
	[tilespmem:$0x1D000] =	vst v63  }
0x86: {  	_ =	swait.ge [sflag:s21], $0x3E80  }
0x87: {  	[sflag:s21] =	ssyncset.done $0x0  }
0x88: {  	s12 =	simm.s32 $0xE00;
	[sflag:s21] =	ssyncadd.s32 $0xFFFFC180  }
0x89: {  	[spmem:s2] =	stream.indirect.scatter.add.f32 [tilespmem:s20], [sflag:$0x2], $0x80, s12, s19, $0xb8;
	[tilespmem:$0x1D000] =	vst v63  }
0x8a: {  	s13 =	simm.s32 $0x680  }
0x8b: {  	[tilespmem:s23], [sflag:$0x1] =	stream.indirect.gather [hbm4b:s5+s19], $0x80, s13, s19, $0xb8;
	[tilespmem:$0x1D000] =	vst v63  }
0x8c: {  	_ =	swait.ge [sflag:s24], $0x3E80  }
0x8d: {  	[sflag:s24] =	ssyncset.done $0x0  }
0x8e: {  	[sflag:s24] =	ssyncadd.s32 $0xFFFFC180  }
0x8f: {  	_ =	swait.ge [sflag:s21], $0x3E80  }
0x90: {  	[sflag:s21] =	ssyncset.done $0x0  }
0x91: {  	s14 =	simm.s32 $0xE80;
	[sflag:s21] =	ssyncadd.s32 $0xFFFFC180  }
0x92: {  	[spmem:s2] =	stream.indirect.scatter.add.f32 [tilespmem:s23], [sflag:$0x3], $0x80, s14, s19, $0xb8;
	[tilespmem:$0x1D000] =	vst v63  }
0x93: {  	_ =	swait.ge [sflag:s17], $0x3E80  }
0x94: {  	[sflag:s17] =	ssyncset.done $0x0  }
0x95: {  	s16 =	simm.s32 $0x700;
	[sflag:s17] =	ssyncadd.s32 $0xFFFFC180  }
0x96: {  	[tilespmem:s20], [sflag:$0x1] =	stream.indirect.gather [hbm4b:s5+s19], $0x80, s16, s19, $0xb8;
	[tilespmem:$0x1D000] =	vst v63  }
0x97: {  	_ =	swait.ge [sflag:s21], $0x3E80  }
0x98: {  	[sflag:s21] =	ssyncset.done $0x0  }
0x99: {  	s22 =	simm.s32 $0xF00;
	[sflag:s21] =	ssyncadd.s32 $0xFFFFC180  }
0x9a: {  	[spmem:s2] =	stream.indirect.scatter.add.f32 [tilespmem:s20], [sflag:$0x2], $0x80, s22, s19, $0xb8;
	[tilespmem:$0x1D000] =	vst v63  }
0x9b: {  	s25 =	simm.s32 $0x780  }
0x9c: {  	[tilespmem:s23], [sflag:$0x1] =	stream.indirect.gather [hbm4b:s5+s19], $0x80, s25, s19, $0xb8;
	[tilespmem:$0x1D000] =	vst v63  }
0x9d: {  	_ =	swait.ge [sflag:s24], $0x3E80  }
0x9e: {  	[sflag:s24] =	ssyncset.done $0x0  }
0x9f: {  	s28 =	simm.s32 $0x200;
	[sflag:s24] =	ssyncadd.s32 $0xFFFFC180  }
0xa0: {  	s29 =	simm.s32 $0xA00;
	s30 =	simm.s32 $0x280;
	_ =	swait.ge [sflag:s21], $0x3E80  }
0xa1: {  	s0 =	simm.s32 $0xA80;
	s26 =	simm.s32 $0xF80;
	[sflag:s21] =	ssyncset.done $0x0  }
0xa2: {  	s1 =	simm.s32 $0x300;
	s9 =	simm.s32 $0xB00;
	[sflag:s21] =	ssyncadd.s32 $0xFFFFC180  }
0xa3: {  	[spmem:s2] =	stream.indirect.scatter.add.f32 [tilespmem:s23], [sflag:$0x3], $0x80, s26, s19, $0xb8;
	[tilespmem:$0x1D000] =	vst v63  }
0xa4: {  	s13 =	simm.s32 $0x380;
	s14 =	simm.s32 $0x880;
	_ =	swait.ge [sflag:s17], $0x3E80  }
0xa5: {  	s16 =	simm.s32 $0x100;
	s22 =	simm.s32 $0x900;
	s8 =	rddreg [dreg:$0x5]  }
0xa6: {  	s25 =	simm.s32 $0x180;
	[sflag:s17] =	ssyncset.done $0x0;
	s6 =	rddreg [dreg:$0xa]  }
0xa7: {  	s26 =	simm.s32 $0x980;
	s31 =	rddreg [dreg:$0xc];
	[sflag:s17] =	ssyncadd.s32 $0xFFFFC180  }
.LBB2_8:
0xa8: {  	s7 =	rddreg [dreg:$0x4];
	[bflag:$0x0] =	sbarrier.arrive $0xFFFF  }
0xa9: {  	s7 =	sadd.s32 s8, s7;
	s12 =	rddreg [dreg:$0xb]  }
0xaa: {  	[hbm:s7], [sflag:s6] =	dma.local [spmem:s12], $0x2800  }
0xab: {  	_ =	swait.ge [sflag:s17], $0x2800  }
0xac: {  	s31 =	sadd.s32 $0x1, s31;
	s8 =	rddreg [dreg:$0x9]  }
0xad: {  	p1 =	sne.s32 s31, s8  }
.Ltmp1:
0xae: {  	_ = 	snop;
	(pc) =	sbr.rel @!p1 .LBB2_9-.Ltmp1, $3  }
0xaf: {  	_ =	sdelay $0x1  }
0xb0: {  	[sflag:s17] =	ssyncset.done $0x0  }
0xb1: {  	[sflag:s17] =	ssyncadd.s32 $0xFFFFD800  }
.LBB2_1:
.Ltmp2:
0xb2: {  	(pc) =	sbr.rel @!p0 .LBB2_2-.Ltmp2, $2  }
0xb3: {  	_ =	sdelay $0x2  }
0xb4: {  	[dreg:$0xc] =	wrdreg s31  }
0xb5: {  	s7 =	rddreg [dreg:$0x8]  }
0xb6: {  	s8 =	rddreg [dreg:$0xa]  }
0xb7: {  	[spmem:s12], [sflag:s8] =	dma.local [hbm:s7], $0x2800  }
0xb8: {  	_ =	swait.ge [sflag:s17], $0x2800  }
0xb9: {  	[sflag:s17] =	ssyncset.done $0x0  }
0xba: {  	[sflag:s17] =	ssyncadd.s32 $0xFFFFD800  }
0xbb: {  	s8 =	sadd.s32 $0x0, s10;
	[bflag:$0x0] =	sbarrier.arrive $0xFFFF  }
0xbc: {  	[tilespmem:s3], [sflag:$0x3] =	stream.linear.gather [hbm4b:s8+s3], $0x800, $0x38;
	[tilespmem:$0x1D000] =	vst v63  }
0xbd: {  	_ =	swait.ge [sflag:s17], $0x800  }
0xbe: {  	[sflag:s17] =	ssyncset.done $0x0  }
0xbf: {  	s12 =	sadd.s32 $0x0, s11;
	[sflag:s17] =	ssyncadd.s32 $0xFFFFF800  }
0xc0: {  	[tilespmem:s18], [sflag:$0x3] =	stream.linear.gather [hbm4b:s12+s3], $0x800, $0x38;
	[tilespmem:$0x1D000] =	vst v63  }
0xc1: {  	_ =	swait.ge [sflag:s17], $0x800  }
0xc2: {  	[sflag:s17] =	ssyncset.done $0x0  }
0xc3: {  	[sflag:s17] =	ssyncadd.s32 $0xFFFFF800  }
0xc4: {  	[tilespmem:s20], [sflag:$0x1] =	stream.indirect.gather [hbm4b:s5+s19], $0x80, s3, s19, $0xb8;
	[tilespmem:$0x1D000] =	vst v63  }
0xc5: {  	_ =	swait.ge [sflag:s21], $0x3E80  }
0xc6: {  	[sflag:s21] =	ssyncset.done $0x0  }
0xc7: {  	[sflag:s21] =	ssyncadd.s32 $0xFFFFC180  }
0xc8: {  	[spmem:s2] =	stream.indirect.scatter.add.f32 [tilespmem:s20], [sflag:$0x2], $0x80, s18, s19, $0xb8;
	[tilespmem:$0x1D000] =	vst v63  }
0xc9: {  	_ = 	snop  }
0xca: {  	[tilespmem:s23], [sflag:$0x1] =	stream.indirect.gather [hbm4b:s5+s19], $0x80, s15, s19, $0xb8;
	[tilespmem:$0x1D000] =	vst v63  }
0xcb: {  	_ =	swait.ge [sflag:s24], $0x3E80  }
0xcc: {  	[sflag:s24] =	ssyncset.done $0x0  }
0xcd: {  	[sflag:s24] =	ssyncadd.s32 $0xFFFFC180  }
0xce: {  	_ =	swait.ge [sflag:s21], $0x3E80  }
0xcf: {  	[sflag:s21] =	ssyncset.done $0x0  }
0xd0: {  	[sflag:s21] =	ssyncadd.s32 $0xFFFFC180  }
0xd1: {  	[spmem:s2] =	stream.indirect.scatter.add.f32 [tilespmem:s23], [sflag:$0x3], $0x80, s14, s19, $0xb8;
	[tilespmem:$0x1D000] =	vst v63  }
0xd2: {  	_ =	swait.ge [sflag:s17], $0x3E80  }
0xd3: {  	[sflag:s17] =	ssyncset.done $0x0  }
0xd4: {  	[sflag:s17] =	ssyncadd.s32 $0xFFFFC180  }
0xd5: {  	[tilespmem:s20], [sflag:$0x1] =	stream.indirect.gather [hbm4b:s5+s19], $0x80, s16, s19, $0xb8;
	[tilespmem:$0x1D000] =	vst v63  }
0xd6: {  	_ =	swait.ge [sflag:s21], $0x3E80  }
0xd7: {  	[sflag:s21] =	ssyncset.done $0x0  }
0xd8: {  	[sflag:s21] =	ssyncadd.s32 $0xFFFFC180  }
0xd9: {  	[spmem:s2] =	stream.indirect.scatter.add.f32 [tilespmem:s20], [sflag:$0x2], $0x80, s22, s19, $0xb8;
	[tilespmem:$0x1D000] =	vst v63  }
0xda: {  	_ = 	snop  }
0xdb: {  	[tilespmem:s23], [sflag:$0x1] =	stream.indirect.gather [hbm4b:s5+s19], $0x80, s25, s19, $0xb8;
	[tilespmem:$0x1D000] =	vst v63  }
0xdc: {  	_ =	swait.ge [sflag:s24], $0x3E80  }
0xdd: {  	[sflag:s24] =	ssyncset.done $0x0  }
0xde: {  	[sflag:s24] =	ssyncadd.s32 $0xFFFFC180  }
0xdf: {  	_ =	swait.ge [sflag:s21], $0x3E80  }
0xe0: {  	[sflag:s21] =	ssyncset.done $0x0  }
0xe1: {  	[sflag:s21] =	ssyncadd.s32 $0xFFFFC180  }
0xe2: {  	[spmem:s2] =	stream.indirect.scatter.add.f32 [tilespmem:s23], [sflag:$0x3], $0x80, s26, s19, $0xb8;
	[tilespmem:$0x1D000] =	vst v63  }
0xe3: {  	_ =	swait.ge [sflag:s17], $0x3E80  }
0xe4: {  	[sflag:s17] =	ssyncset.done $0x0  }
0xe5: {  	[sflag:s17] =	ssyncadd.s32 $0xFFFFC180  }
0xe6: {  	[tilespmem:s20], [sflag:$0x1] =	stream.indirect.gather [hbm4b:s5+s19], $0x80, s28, s19, $0xb8;
	[tilespmem:$0x1D000] =	vst v63  }
0xe7: {  	_ =	swait.ge [sflag:s21], $0x3E80  }
0xe8: {  	[sflag:s21] =	ssyncset.done $0x0  }
0xe9: {  	[sflag:s21] =	ssyncadd.s32 $0xFFFFC180  }
0xea: {  	[spmem:s2] =	stream.indirect.scatter.add.f32 [tilespmem:s20], [sflag:$0x2], $0x80, s29, s19, $0xb8;
	[tilespmem:$0x1D000] =	vst v63  }
0xeb: {  	_ = 	snop  }
0xec: {  	[tilespmem:s23], [sflag:$0x1] =	stream.indirect.gather [hbm4b:s5+s19], $0x80, s30, s19, $0xb8;
	[tilespmem:$0x1D000] =	vst v63  }
0xed: {  	_ =	swait.ge [sflag:s24], $0x3E80  }
0xee: {  	[sflag:s24] =	ssyncset.done $0x0  }
0xef: {  	[sflag:s24] =	ssyncadd.s32 $0xFFFFC180  }
0xf0: {  	_ =	swait.ge [sflag:s21], $0x3E80  }
0xf1: {  	[sflag:s21] =	ssyncset.done $0x0  }
0xf2: {  	[sflag:s21] =	ssyncadd.s32 $0xFFFFC180  }
0xf3: {  	[spmem:s2] =	stream.indirect.scatter.add.f32 [tilespmem:s23], [sflag:$0x3], $0x80, s0, s19, $0xb8;
	[tilespmem:$0x1D000] =	vst v63  }
0xf4: {  	_ =	swait.ge [sflag:s17], $0x3E80  }
0xf5: {  	[sflag:s17] =	ssyncset.done $0x0  }
0xf6: {  	[sflag:s17] =	ssyncadd.s32 $0xFFFFC180  }
0xf7: {  	[tilespmem:s20], [sflag:$0x1] =	stream.indirect.gather [hbm4b:s5+s19], $0x80, s1, s19, $0xb8;
	[tilespmem:$0x1D000] =	vst v63  }
0xf8: {  	_ =	swait.ge [sflag:s21], $0x3E80  }
0xf9: {  	[sflag:s21] =	ssyncset.done $0x0  }
0xfa: {  	[sflag:s21] =	ssyncadd.s32 $0xFFFFC180  }
0xfb: {  	[spmem:s2] =	stream.indirect.scatter.add.f32 [tilespmem:s20], [sflag:$0x2], $0x80, s9, s19, $0xb8;
	[tilespmem:$0x1D000] =	vst v63  }
0xfc: {  	_ = 	snop  }
0xfd: {  	[tilespmem:s23], [sflag:$0x1] =	stream.indirect.gather [hbm4b:s5+s19], $0x80, s13, s19, $0xb8;
	[tilespmem:$0x1D000] =	vst v63  }
0xfe: {  	_ =	swait.ge [sflag:s24], $0x3E80  }
0xff: {  	[sflag:s24] =	ssyncset.done $0x0  }
0x100: {  	[sflag:s24] =	ssyncadd.s32 $0xFFFFC180  }
0x101: {  	_ =	swait.ge [sflag:s21], $0x3E80  }
0x102: {  	[sflag:s21] =	ssyncset.done $0x0  }
0x103: {  	s16 =	simm.s32 $0xB80;
	[sflag:s21] =	ssyncadd.s32 $0xFFFFC180  }
0x104: {  	[spmem:s2] =	stream.indirect.scatter.add.f32 [tilespmem:s23], [sflag:$0x3], $0x80, s16, s19, $0xb8;
	[tilespmem:$0x1D000] =	vst v63  }
0x105: {  	_ =	swait.ge [sflag:s17], $0x3E80  }
0x106: {  	[sflag:s17] =	ssyncset.done $0x0  }
0x107: {  	s22 =	simm.s32 $0x400;
	[sflag:s17] =	ssyncadd.s32 $0xFFFFC180  }
0x108: {  	[tilespmem:s20], [sflag:$0x1] =	stream.indirect.gather [hbm4b:s5+s19], $0x80, s22, s19, $0xb8;
	[tilespmem:$0x1D000] =	vst v63  }
0x109: {  	_ =	swait.ge [sflag:s21], $0x3E80  }
0x10a: {  	[sflag:s21] =	ssyncset.done $0x0  }
0x10b: {  	s25 =	simm.s32 $0xC00;
	[sflag:s21] =	ssyncadd.s32 $0xFFFFC180  }
0x10c: {  	[spmem:s2] =	stream.indirect.scatter.add.f32 [tilespmem:s20], [sflag:$0x2], $0x80, s25, s19, $0xb8;
	[tilespmem:$0x1D000] =	vst v63  }
0x10d: {  	s26 =	simm.s32 $0x480  }
0x10e: {  	[tilespmem:s23], [sflag:$0x1] =	stream.indirect.gather [hbm4b:s5+s19], $0x80, s26, s19, $0xb8;
	[tilespmem:$0x1D000] =	vst v63  }
0x10f: {  	_ =	swait.ge [sflag:s24], $0x3E80  }
0x110: {  	[sflag:s24] =	ssyncset.done $0x0  }
0x111: {  	[sflag:s24] =	ssyncadd.s32 $0xFFFFC180  }
0x112: {  	_ =	swait.ge [sflag:s21], $0x3E80  }
0x113: {  	[sflag:s21] =	ssyncset.done $0x0  }
0x114: {  	s1 =	simm.s32 $0xC80;
	[sflag:s21] =	ssyncadd.s32 $0xFFFFC180  }
0x115: {  	[spmem:s2] =	stream.indirect.scatter.add.f32 [tilespmem:s23], [sflag:$0x3], $0x80, s1, s19, $0xb8;
	[tilespmem:$0x1D000] =	vst v63  }
0x116: {  	_ =	swait.ge [sflag:s17], $0x3E80  }
0x117: {  	[sflag:s17] =	ssyncset.done $0x0  }
0x118: {  	s6 =	simm.s32 $0x500;
	[sflag:s17] =	ssyncadd.s32 $0xFFFFC180  }
0x119: {  	[tilespmem:s20], [sflag:$0x1] =	stream.indirect.gather [hbm4b:s5+s19], $0x80, s6, s19, $0xb8;
	[tilespmem:$0x1D000] =	vst v63  }
0x11a: {  	_ =	swait.ge [sflag:s21], $0x3E80  }
0x11b: {  	[sflag:s21] =	ssyncset.done $0x0  }
0x11c: {  	s7 =	simm.s32 $0xD00;
	[sflag:s21] =	ssyncadd.s32 $0xFFFFC180  }
0x11d: {  	[spmem:s2] =	stream.indirect.scatter.add.f32 [tilespmem:s20], [sflag:$0x2], $0x80, s7, s19, $0xb8;
	[tilespmem:$0x1D000] =	vst v63  }
0x11e: {  	s8 =	simm.s32 $0x580  }
0x11f: {  	[tilespmem:s23], [sflag:$0x1] =	stream.indirect.gather [hbm4b:s5+s19], $0x80, s8, s19, $0xb8;
	[tilespmem:$0x1D000] =	vst v63  }
0x120: {  	_ =	swait.ge [sflag:s24], $0x3E80  }
0x121: {  	[sflag:s24] =	ssyncset.done $0x0  }
0x122: {  	[sflag:s24] =	ssyncadd.s32 $0xFFFFC180  }
0x123: {  	_ =	swait.ge [sflag:s21], $0x3E80  }
0x124: {  	[sflag:s21] =	ssyncset.done $0x0  }
0x125: {  	s9 =	simm.s32 $0xD80;
	[sflag:s21] =	ssyncadd.s32 $0xFFFFC180  }
0x126: {  	[spmem:s2] =	stream.indirect.scatter.add.f32 [tilespmem:s23], [sflag:$0x3], $0x80, s9, s19, $0xb8;
	[tilespmem:$0x1D000] =	vst v63  }
0x127: {  	_ =	swait.ge [sflag:s17], $0x3E80  }
0x128: {  	[sflag:s17] =	ssyncset.done $0x0  }
0x129: {  	s12 =	simm.s32 $0x600;
	[sflag:s17] =	ssyncadd.s32 $0xFFFFC180  }
0x12a: {  	[tilespmem:s20], [sflag:$0x1] =	stream.indirect.gather [hbm4b:s5+s19], $0x80, s12, s19, $0xb8;
	[tilespmem:$0x1D000] =	vst v63  }
0x12b: {  	_ =	swait.ge [sflag:s21], $0x3E80  }
0x12c: {  	[sflag:s21] =	ssyncset.done $0x0  }
0x12d: {  	s13 =	simm.s32 $0xE00;
	[sflag:s21] =	ssyncadd.s32 $0xFFFFC180  }
0x12e: {  	[spmem:s2] =	stream.indirect.scatter.add.f32 [tilespmem:s20], [sflag:$0x2], $0x80, s13, s19, $0xb8;
	[tilespmem:$0x1D000] =	vst v63  }
0x12f: {  	s14 =	simm.s32 $0x680  }
0x130: {  	[tilespmem:s23], [sflag:$0x1] =	stream.indirect.gather [hbm4b:s5+s19], $0x80, s14, s19, $0xb8;
	[tilespmem:$0x1D000] =	vst v63  }
0x131: {  	_ =	swait.ge [sflag:s24], $0x3E80  }
0x132: {  	[sflag:s24] =	ssyncset.done $0x0  }
0x133: {  	[sflag:s24] =	ssyncadd.s32 $0xFFFFC180  }
0x134: {  	_ =	swait.ge [sflag:s21], $0x3E80  }
0x135: {  	[sflag:s21] =	ssyncset.done $0x0  }
0x136: {  	s15 =	simm.s32 $0xE80;
	[sflag:s21] =	ssyncadd.s32 $0xFFFFC180  }
0x137: {  	[spmem:s2] =	stream.indirect.scatter.add.f32 [tilespmem:s23], [sflag:$0x3], $0x80, s15, s19, $0xb8;
	[tilespmem:$0x1D000] =	vst v63  }
0x138: {  	_ =	swait.ge [sflag:s17], $0x3E80  }
0x139: {  	[sflag:s17] =	ssyncset.done $0x0  }
0x13a: {  	s16 =	simm.s32 $0x700;
	[sflag:s17] =	ssyncadd.s32 $0xFFFFC180  }
0x13b: {  	[tilespmem:s20], [sflag:$0x1] =	stream.indirect.gather [hbm4b:s5+s19], $0x80, s16, s19, $0xb8;
	[tilespmem:$0x1D000] =	vst v63  }
0x13c: {  	_ =	swait.ge [sflag:s21], $0x3E80  }
0x13d: {  	[sflag:s21] =	ssyncset.done $0x0  }
0x13e: {  	s22 =	simm.s32 $0xF00;
	[sflag:s21] =	ssyncadd.s32 $0xFFFFC180  }
0x13f: {  	[spmem:s2] =	stream.indirect.scatter.add.f32 [tilespmem:s20], [sflag:$0x2], $0x80, s22, s19, $0xb8;
	[tilespmem:$0x1D000] =	vst v63  }
0x140: {  	s25 =	simm.s32 $0x780  }
0x141: {  	[tilespmem:s23], [sflag:$0x1] =	stream.indirect.gather [hbm4b:s5+s19], $0x80, s25, s19, $0xb8;
	[tilespmem:$0x1D000] =	vst v63  }
0x142: {  	s31 =	simm.s32 $0x280;
	s28 =	simm.s32 $0x980;
	_ =	swait.ge [sflag:s24], $0x3E80  }
0x143: {  	s29 =	simm.s32 $0x200;
	s30 =	simm.s32 $0xA00;
	[sflag:s24] =	ssyncset.done $0x0  }
0x144: {  	s0 =	simm.s32 $0xA80;
	s26 =	simm.s32 $0xF80;
	[sflag:s24] =	ssyncadd.s32 $0xFFFFC180  }
0x145: {  	s1 =	simm.s32 $0x300;
	s6 =	simm.s32 $0xB80;
	_ =	swait.ge [sflag:s21], $0x3E80  }
0x146: {  	s8 =	simm.s32 $0x100;
	s9 =	simm.s32 $0xB00;
	[sflag:s21] =	ssyncset.done $0x0  }
0x147: {  	s13 =	simm.s32 $0x380;
	s14 =	simm.s32 $0x200;
	[sflag:s21] =	ssyncadd.s32 $0xFFFFC180  }
0x148: {  	[spmem:s2] =	stream.indirect.scatter.add.f32 [tilespmem:s23], [sflag:$0x3], $0x80, s26, s19, $0xb8;
	[tilespmem:$0x1D000] =	vst v63  }
0x149: {  	s16 =	simm.s32 $0x880;
	s22 =	simm.s32 $0x100;
	_ =	swait.ge [sflag:s17], $0x3E80  }
0x14a: {  	s25 =	simm.s32 $0x900;
	s26 =	simm.s32 $0x180;
	[sflag:s17] =	ssyncset.done $0x0  }
.LBB2_6:
0x14b: {  	s7 =	sadd.s32 s8, s10  }
0x14c: {  	[sflag:s17] =	ssyncadd.s32 $0xFFFFC180;
	s15 =	smov.u32 s14;
	s12 =	sadd.s32 $0x100, s14  }
0x14d: {  	[tilespmem:s3], [sflag:$0x3] =	stream.linear.gather [hbm4b:s7+s3], $0x800, $0x38;
	[tilespmem:$0x1D000] =	vst v63  }
0x14e: {  	p1 =	sne.s32 s14, $0x900;
	_ =	swait.ge [sflag:s17], $0x800  }
0x14f: {  	s7 =	sadd.s32 s8, s11;
	[sflag:s17] =	ssyncset.done $0x0  }
0x150: {  	s8 =	smov.u32 s15;
	s15 =	simm.s32 $0x80;
	[sflag:s17] =	ssyncadd.s32 $0xFFFFF800  }
0x151: {  	[tilespmem:s18], [sflag:$0x3] =	stream.linear.gather [hbm4b:s7+s3], $0x800, $0x38;
	[tilespmem:$0x1D000] =	vst v63  }
0x152: {  	_ =	swait.ge [sflag:s17], $0x800  }
0x153: {  	[sflag:s17] =	ssyncset.done $0x0  }
0x154: {  	[sflag:s17] =	ssyncadd.s32 $0xFFFFF800  }
0x155: {  	[tilespmem:s20], [sflag:$0x1] =	stream.indirect.gather [hbm4b:s5+s19], $0x80, s3, s19, $0xb8;
	[tilespmem:$0x1D000] =	vst v63  }
0x156: {  	_ =	swait.ge [sflag:s21], $0x3E80  }
0x157: {  	[sflag:s21] =	ssyncset.done $0x0  }
0x158: {  	[sflag:s21] =	ssyncadd.s32 $0xFFFFC180  }
0x159: {  	[spmem:s2] =	stream.indirect.scatter.add.f32 [tilespmem:s20], [sflag:$0x2], $0x80, s18, s19, $0xb8;
	[tilespmem:$0x1D000] =	vst v63  }
0x15a: {  	_ = 	snop  }
0x15b: {  	[tilespmem:s23], [sflag:$0x1] =	stream.indirect.gather [hbm4b:s5+s19], $0x80, s15, s19, $0xb8;
	[tilespmem:$0x1D000] =	vst v63  }
0x15c: {  	_ =	swait.ge [sflag:s24], $0x3E80  }
0x15d: {  	[sflag:s24] =	ssyncset.done $0x0  }
0x15e: {  	[sflag:s24] =	ssyncadd.s32 $0xFFFFC180  }
0x15f: {  	_ =	swait.ge [sflag:s21], $0x3E80  }
0x160: {  	[sflag:s21] =	ssyncset.done $0x0  }
0x161: {  	[sflag:s21] =	ssyncadd.s32 $0xFFFFC180  }
0x162: {  	[spmem:s2] =	stream.indirect.scatter.add.f32 [tilespmem:s23], [sflag:$0x3], $0x80, s16, s19, $0xb8;
	[tilespmem:$0x1D000] =	vst v63  }
0x163: {  	_ =	swait.ge [sflag:s17], $0x3E80  }
0x164: {  	[sflag:s17] =	ssyncset.done $0x0  }
0x165: {  	[sflag:s17] =	ssyncadd.s32 $0xFFFFC180  }
0x166: {  	[tilespmem:s20], [sflag:$0x1] =	stream.indirect.gather [hbm4b:s5+s19], $0x80, s22, s19, $0xb8;
	[tilespmem:$0x1D000] =	vst v63  }
0x167: {  	_ =	swait.ge [sflag:s21], $0x3E80  }
0x168: {  	[sflag:s21] =	ssyncset.done $0x0  }
0x169: {  	[sflag:s21] =	ssyncadd.s32 $0xFFFFC180  }
0x16a: {  	[spmem:s2] =	stream.indirect.scatter.add.f32 [tilespmem:s20], [sflag:$0x2], $0x80, s25, s19, $0xb8;
	[tilespmem:$0x1D000] =	vst v63  }
0x16b: {  	_ = 	snop  }
0x16c: {  	[tilespmem:s23], [sflag:$0x1] =	stream.indirect.gather [hbm4b:s5+s19], $0x80, s26, s19, $0xb8;
	[tilespmem:$0x1D000] =	vst v63  }
0x16d: {  	_ =	swait.ge [sflag:s24], $0x3E80  }
0x16e: {  	[sflag:s24] =	ssyncset.done $0x0  }
0x16f: {  	[sflag:s24] =	ssyncadd.s32 $0xFFFFC180  }
0x170: {  	_ =	swait.ge [sflag:s21], $0x3E80  }
0x171: {  	[sflag:s21] =	ssyncset.done $0x0  }
0x172: {  	[sflag:s21] =	ssyncadd.s32 $0xFFFFC180  }
0x173: {  	[spmem:s2] =	stream.indirect.scatter.add.f32 [tilespmem:s23], [sflag:$0x3], $0x80, s28, s19, $0xb8;
	[tilespmem:$0x1D000] =	vst v63  }
0x174: {  	_ =	swait.ge [sflag:s17], $0x3E80  }
0x175: {  	[sflag:s17] =	ssyncset.done $0x0  }
0x176: {  	[sflag:s17] =	ssyncadd.s32 $0xFFFFC180  }
0x177: {  	[tilespmem:s20], [sflag:$0x1] =	stream.indirect.gather [hbm4b:s5+s19], $0x80, s29, s19, $0xb8;
	[tilespmem:$0x1D000] =	vst v63  }
0x178: {  	_ =	swait.ge [sflag:s21], $0x3E80  }
0x179: {  	[sflag:s21] =	ssyncset.done $0x0  }
0x17a: {  	[sflag:s21] =	ssyncadd.s32 $0xFFFFC180  }
0x17b: {  	[spmem:s2] =	stream.indirect.scatter.add.f32 [tilespmem:s20], [sflag:$0x2], $0x80, s30, s19, $0xb8;
	[tilespmem:$0x1D000] =	vst v63  }
0x17c: {  	_ = 	snop  }
0x17d: {  	[tilespmem:s23], [sflag:$0x1] =	stream.indirect.gather [hbm4b:s5+s19], $0x80, s31, s19, $0xb8;
	[tilespmem:$0x1D000] =	vst v63  }
0x17e: {  	_ =	swait.ge [sflag:s24], $0x3E80  }
0x17f: {  	[sflag:s24] =	ssyncset.done $0x0  }
0x180: {  	[sflag:s24] =	ssyncadd.s32 $0xFFFFC180  }
0x181: {  	_ =	swait.ge [sflag:s21], $0x3E80  }
0x182: {  	[sflag:s21] =	ssyncset.done $0x0  }
0x183: {  	[sflag:s21] =	ssyncadd.s32 $0xFFFFC180  }
0x184: {  	[spmem:s2] =	stream.indirect.scatter.add.f32 [tilespmem:s23], [sflag:$0x3], $0x80, s0, s19, $0xb8;
	[tilespmem:$0x1D000] =	vst v63  }
0x185: {  	_ =	swait.ge [sflag:s17], $0x3E80  }
0x186: {  	[sflag:s17] =	ssyncset.done $0x0  }
0x187: {  	[sflag:s17] =	ssyncadd.s32 $0xFFFFC180  }
0x188: {  	[tilespmem:s20], [sflag:$0x1] =	stream.indirect.gather [hbm4b:s5+s19], $0x80, s1, s19, $0xb8;
	[tilespmem:$0x1D000] =	vst v63  }
0x189: {  	_ =	swait.ge [sflag:s21], $0x3E80  }
0x18a: {  	[sflag:s21] =	ssyncset.done $0x0  }
0x18b: {  	[sflag:s21] =	ssyncadd.s32 $0xFFFFC180  }
0x18c: {  	[spmem:s2] =	stream.indirect.scatter.add.f32 [tilespmem:s20], [sflag:$0x2], $0x80, s9, s19, $0xb8;
	[tilespmem:$0x1D000] =	vst v63  }
0x18d: {  	_ = 	snop  }
0x18e: {  	[tilespmem:s23], [sflag:$0x1] =	stream.indirect.gather [hbm4b:s5+s19], $0x80, s13, s19, $0xb8;
	[tilespmem:$0x1D000] =	vst v63  }
0x18f: {  	_ =	swait.ge [sflag:s24], $0x3E80  }
0x190: {  	[sflag:s24] =	ssyncset.done $0x0  }
0x191: {  	[sflag:s24] =	ssyncadd.s32 $0xFFFFC180  }
0x192: {  	_ =	swait.ge [sflag:s21], $0x3E80  }
0x193: {  	[sflag:s21] =	ssyncset.done $0x0  }
0x194: {  	[sflag:s21] =	ssyncadd.s32 $0xFFFFC180  }
0x195: {  	[spmem:s2] =	stream.indirect.scatter.add.f32 [tilespmem:s23], [sflag:$0x3], $0x80, s6, s19, $0xb8;
	[tilespmem:$0x1D000] =	vst v63  }
0x196: {  	_ =	swait.ge [sflag:s17], $0x3E80  }
0x197: {  	[sflag:s17] =	ssyncset.done $0x0  }
0x198: {  	s7 =	simm.s32 $0x400;
	[sflag:s17] =	ssyncadd.s32 $0xFFFFC180  }
0x199: {  	[tilespmem:s20], [sflag:$0x1] =	stream.indirect.gather [hbm4b:s5+s19], $0x80, s7, s19, $0xb8;
	[tilespmem:$0x1D000] =	vst v63  }
0x19a: {  	_ =	swait.ge [sflag:s21], $0x3E80  }
0x19b: {  	[sflag:s21] =	ssyncset.done $0x0  }
0x19c: {  	s7 =	simm.s32 $0xC00;
	[sflag:s21] =	ssyncadd.s32 $0xFFFFC180  }
0x19d: {  	[spmem:s2] =	stream.indirect.scatter.add.f32 [tilespmem:s20], [sflag:$0x2], $0x80, s7, s19, $0xb8;
	[tilespmem:$0x1D000] =	vst v63  }
0x19e: {  	s7 =	simm.s32 $0x480  }
0x19f: {  	[tilespmem:s23], [sflag:$0x1] =	stream.indirect.gather [hbm4b:s5+s19], $0x80, s7, s19, $0xb8;
	[tilespmem:$0x1D000] =	vst v63  }
0x1a0: {  	_ =	swait.ge [sflag:s24], $0x3E80  }
0x1a1: {  	[sflag:s24] =	ssyncset.done $0x0  }
0x1a2: {  	[sflag:s24] =	ssyncadd.s32 $0xFFFFC180  }
0x1a3: {  	_ =	swait.ge [sflag:s21], $0x3E80  }
0x1a4: {  	[sflag:s21] =	ssyncset.done $0x0  }
0x1a5: {  	s7 =	simm.s32 $0xC80;
	[sflag:s21] =	ssyncadd.s32 $0xFFFFC180  }
0x1a6: {  	[spmem:s2] =	stream.indirect.scatter.add.f32 [tilespmem:s23], [sflag:$0x3], $0x80, s7, s19, $0xb8;
	[tilespmem:$0x1D000] =	vst v63  }
0x1a7: {  	_ =	swait.ge [sflag:s17], $0x3E80  }
0x1a8: {  	[sflag:s17] =	ssyncset.done $0x0  }
0x1a9: {  	s7 =	simm.s32 $0x500;
	[sflag:s17] =	ssyncadd.s32 $0xFFFFC180  }
0x1aa: {  	[tilespmem:s20], [sflag:$0x1] =	stream.indirect.gather [hbm4b:s5+s19], $0x80, s7, s19, $0xb8;
	[tilespmem:$0x1D000] =	vst v63  }
0x1ab: {  	_ =	swait.ge [sflag:s21], $0x3E80  }
0x1ac: {  	[sflag:s21] =	ssyncset.done $0x0  }
0x1ad: {  	s7 =	simm.s32 $0xD00;
	[sflag:s21] =	ssyncadd.s32 $0xFFFFC180  }
0x1ae: {  	[spmem:s2] =	stream.indirect.scatter.add.f32 [tilespmem:s20], [sflag:$0x2], $0x80, s7, s19, $0xb8;
	[tilespmem:$0x1D000] =	vst v63  }
0x1af: {  	s7 =	simm.s32 $0x580  }
0x1b0: {  	[tilespmem:s23], [sflag:$0x1] =	stream.indirect.gather [hbm4b:s5+s19], $0x80, s7, s19, $0xb8;
	[tilespmem:$0x1D000] =	vst v63  }
0x1b1: {  	_ =	swait.ge [sflag:s24], $0x3E80  }
0x1b2: {  	[sflag:s24] =	ssyncset.done $0x0  }
0x1b3: {  	[sflag:s24] =	ssyncadd.s32 $0xFFFFC180  }
0x1b4: {  	_ =	swait.ge [sflag:s21], $0x3E80  }
0x1b5: {  	[sflag:s21] =	ssyncset.done $0x0  }
0x1b6: {  	s7 =	simm.s32 $0xD80;
	[sflag:s21] =	ssyncadd.s32 $0xFFFFC180  }
0x1b7: {  	[spmem:s2] =	stream.indirect.scatter.add.f32 [tilespmem:s23], [sflag:$0x3], $0x80, s7, s19, $0xb8;
	[tilespmem:$0x1D000] =	vst v63  }
0x1b8: {  	_ =	swait.ge [sflag:s17], $0x3E80  }
0x1b9: {  	[sflag:s17] =	ssyncset.done $0x0  }
0x1ba: {  	s7 =	simm.s32 $0x600;
	[sflag:s17] =	ssyncadd.s32 $0xFFFFC180  }
0x1bb: {  	[tilespmem:s20], [sflag:$0x1] =	stream.indirect.gather [hbm4b:s5+s19], $0x80, s7, s19, $0xb8;
	[tilespmem:$0x1D000] =	vst v63  }
0x1bc: {  	_ =	swait.ge [sflag:s21], $0x3E80  }
0x1bd: {  	[sflag:s21] =	ssyncset.done $0x0  }
0x1be: {  	s7 =	simm.s32 $0xE00;
	[sflag:s21] =	ssyncadd.s32 $0xFFFFC180  }
0x1bf: {  	[spmem:s2] =	stream.indirect.scatter.add.f32 [tilespmem:s20], [sflag:$0x2], $0x80, s7, s19, $0xb8;
	[tilespmem:$0x1D000] =	vst v63  }
0x1c0: {  	s7 =	simm.s32 $0x680  }
0x1c1: {  	[tilespmem:s23], [sflag:$0x1] =	stream.indirect.gather [hbm4b:s5+s19], $0x80, s7, s19, $0xb8;
	[tilespmem:$0x1D000] =	vst v63  }
0x1c2: {  	_ =	swait.ge [sflag:s24], $0x3E80  }
0x1c3: {  	[sflag:s24] =	ssyncset.done $0x0  }
0x1c4: {  	[sflag:s24] =	ssyncadd.s32 $0xFFFFC180  }
0x1c5: {  	_ =	swait.ge [sflag:s21], $0x3E80  }
0x1c6: {  	[sflag:s21] =	ssyncset.done $0x0  }
0x1c7: {  	s7 =	simm.s32 $0xE80;
	[sflag:s21] =	ssyncadd.s32 $0xFFFFC180  }
0x1c8: {  	[spmem:s2] =	stream.indirect.scatter.add.f32 [tilespmem:s23], [sflag:$0x3], $0x80, s7, s19, $0xb8;
	[tilespmem:$0x1D000] =	vst v63  }
0x1c9: {  	_ =	swait.ge [sflag:s17], $0x3E80  }
0x1ca: {  	[sflag:s17] =	ssyncset.done $0x0  }
0x1cb: {  	s7 =	simm.s32 $0x700;
	[sflag:s17] =	ssyncadd.s32 $0xFFFFC180  }
0x1cc: {  	[tilespmem:s20], [sflag:$0x1] =	stream.indirect.gather [hbm4b:s5+s19], $0x80, s7, s19, $0xb8;
	[tilespmem:$0x1D000] =	vst v63  }
0x1cd: {  	_ =	swait.ge [sflag:s21], $0x3E80  }
0x1ce: {  	[sflag:s21] =	ssyncset.done $0x0  }
0x1cf: {  	s7 =	simm.s32 $0xF00;
	[sflag:s21] =	ssyncadd.s32 $0xFFFFC180  }
0x1d0: {  	[spmem:s2] =	stream.indirect.scatter.add.f32 [tilespmem:s20], [sflag:$0x2], $0x80, s7, s19, $0xb8;
	[tilespmem:$0x1D000] =	vst v63  }
0x1d1: {  	s7 =	simm.s32 $0x780  }
0x1d2: {  	[tilespmem:s23], [sflag:$0x1] =	stream.indirect.gather [hbm4b:s5+s19], $0x80, s7, s19, $0xb8;
	[tilespmem:$0x1D000] =	vst v63  }
0x1d3: {  	_ =	swait.ge [sflag:s24], $0x3E80  }
0x1d4: {  	[sflag:s24] =	ssyncset.done $0x0  }
0x1d5: {  	[sflag:s24] =	ssyncadd.s32 $0xFFFFC180  }
0x1d6: {  	_ =	swait.ge [sflag:s21], $0x3E80  }
.Ltmp3:
0x1d7: {  	[sflag:s21] =	ssyncset.done $0x0;
	(pc) =	sbr.rel @p1 .LBB2_6-.Ltmp3, $4  }
0x1d8: {  	s7 =	simm.s32 $0xF80;
	[sflag:s21] =	ssyncadd.s32 $0xFFFFC180  }
0x1d9: {  	[spmem:s2] =	stream.indirect.scatter.add.f32 [tilespmem:s23], [sflag:$0x3], $0x80, s7, s19, $0xb8;
	[tilespmem:$0x1D000] =	vst v63  }
0x1da: {  	_ =	swait.ge [sflag:s17], $0x3E80  }
0x1db: {  	s14 =	smov.u32 s12;
	[sflag:s17] =	ssyncset.done $0x0  }
.Ltmp4:
0x1dc: {  	_ = 	snop;
	(pc) =	sbr.rel .LBB2_7-.Ltmp4, $1  }
0x1dd: {  	_ =	sdelay $0x3  }
.LBB2_2:
0x1de: {  	s7 =	rddreg [dreg:$0x7]  }
0x1df: {  	s8 =	rddreg [dreg:$0x6];
	s6 =	sor.u32 $0x1C03, s7  }
0x1e0: {  	[dreg:$0xd] =	wrdreg s6  }
0x1e1: {  	[spmem:s12], [sflag:s6] =	dma.local [hbm:s8], $0x2800  }
0x1e2: {  	_ =	swait.ge [sflag:s17], $0x2800  }
0x1e3: {  	[sflag:s17] =	ssyncset.done $0x0  }
0x1e4: {  	[sflag:s17] =	ssyncadd.s32 $0xFFFFD800  }
0x1e5: {  	s8 =	sadd.s32 $0x0, s10;
	[bflag:$0x0] =	sbarrier.arrive $0xFFFF  }
0x1e6: {  	[tilespmem:s3], [sflag:$0x3] =	stream.linear.gather [hbm4b:s8+s3], $0x800, $0x38;
	[tilespmem:$0x1D000] =	vst v63  }
0x1e7: {  	_ =	swait.ge [sflag:s17], $0x800  }
0x1e8: {  	[sflag:s17] =	ssyncset.done $0x0  }
0x1e9: {  	s12 =	sadd.s32 $0x0, s11;
	[sflag:s17] =	ssyncadd.s32 $0xFFFFF800  }
0x1ea: {  	[tilespmem:s18], [sflag:$0x3] =	stream.linear.gather [hbm4b:s12+s3], $0x800, $0x38;
	[tilespmem:$0x1D000] =	vst v63  }
0x1eb: {  	_ =	swait.ge [sflag:s17], $0x800  }
0x1ec: {  	[sflag:s17] =	ssyncset.done $0x0  }
0x1ed: {  	[sflag:s17] =	ssyncadd.s32 $0xFFFFF800  }
0x1ee: {  	[tilespmem:s20], [sflag:$0x1] =	stream.indirect.gather [hbm4b:s4+s19], $0x80, s3, s19, $0xb8;
	[tilespmem:$0x1D000] =	vst v63  }
0x1ef: {  	_ =	swait.ge [sflag:s21], $0x3E80  }
0x1f0: {  	[sflag:s21] =	ssyncset.done $0x0  }
0x1f1: {  	[sflag:s21] =	ssyncadd.s32 $0xFFFFC180  }
0x1f2: {  	[spmem:s2] =	stream.indirect.scatter.add.f32 [tilespmem:s20], [sflag:$0x2], $0x80, s18, s19, $0xb8;
	[tilespmem:$0x1D000] =	vst v63  }
0x1f3: {  	_ = 	snop  }
0x1f4: {  	[tilespmem:s23], [sflag:$0x1] =	stream.indirect.gather [hbm4b:s4+s19], $0x80, s15, s19, $0xb8;
	[tilespmem:$0x1D000] =	vst v63  }
0x1f5: {  	_ =	swait.ge [sflag:s24], $0x3E80  }
0x1f6: {  	[sflag:s24] =	ssyncset.done $0x0  }
0x1f7: {  	[sflag:s24] =	ssyncadd.s32 $0xFFFFC180  }
0x1f8: {  	_ =	swait.ge [sflag:s21], $0x3E80  }
0x1f9: {  	[sflag:s21] =	ssyncset.done $0x0  }
0x1fa: {  	[sflag:s21] =	ssyncadd.s32 $0xFFFFC180  }
0x1fb: {  	[spmem:s2] =	stream.indirect.scatter.add.f32 [tilespmem:s23], [sflag:$0x3], $0x80, s14, s19, $0xb8;
	[tilespmem:$0x1D000] =	vst v63  }
0x1fc: {  	_ =	swait.ge [sflag:s17], $0x3E80  }
0x1fd: {  	[sflag:s17] =	ssyncset.done $0x0  }
0x1fe: {  	[sflag:s17] =	ssyncadd.s32 $0xFFFFC180  }
0x1ff: {  	[tilespmem:s20], [sflag:$0x1] =	stream.indirect.gather [hbm4b:s4+s19], $0x80, s16, s19, $0xb8;
	[tilespmem:$0x1D000] =	vst v63  }
0x200: {  	_ =	swait.ge [sflag:s21], $0x3E80  }
0x201: {  	[sflag:s21] =	ssyncset.done $0x0  }
0x202: {  	[sflag:s21] =	ssyncadd.s32 $0xFFFFC180  }
0x203: {  	[spmem:s2] =	stream.indirect.scatter.add.f32 [tilespmem:s20], [sflag:$0x2], $0x80, s22, s19, $0xb8;
	[tilespmem:$0x1D000] =	vst v63  }
0x204: {  	_ = 	snop  }
0x205: {  	[tilespmem:s23], [sflag:$0x1] =	stream.indirect.gather [hbm4b:s4+s19], $0x80, s25, s19, $0xb8;
	[tilespmem:$0x1D000] =	vst v63  }
0x206: {  	_ =	swait.ge [sflag:s24], $0x3E80  }
0x207: {  	[sflag:s24] =	ssyncset.done $0x0  }
0x208: {  	[sflag:s24] =	ssyncadd.s32 $0xFFFFC180  }
0x209: {  	_ =	swait.ge [sflag:s21], $0x3E80  }
0x20a: {  	[sflag:s21] =	ssyncset.done $0x0  }
0x20b: {  	[sflag:s21] =	ssyncadd.s32 $0xFFFFC180  }
0x20c: {  	[spmem:s2] =	stream.indirect.scatter.add.f32 [tilespmem:s23], [sflag:$0x3], $0x80, s26, s19, $0xb8;
	[tilespmem:$0x1D000] =	vst v63  }
0x20d: {  	_ =	swait.ge [sflag:s17], $0x3E80  }
0x20e: {  	[sflag:s17] =	ssyncset.done $0x0  }
0x20f: {  	[sflag:s17] =	ssyncadd.s32 $0xFFFFC180  }
0x210: {  	[tilespmem:s20], [sflag:$0x1] =	stream.indirect.gather [hbm4b:s4+s19], $0x80, s28, s19, $0xb8;
	[tilespmem:$0x1D000] =	vst v63  }
0x211: {  	_ =	swait.ge [sflag:s21], $0x3E80  }
0x212: {  	[sflag:s21] =	ssyncset.done $0x0  }
0x213: {  	[sflag:s21] =	ssyncadd.s32 $0xFFFFC180  }
0x214: {  	[spmem:s2] =	stream.indirect.scatter.add.f32 [tilespmem:s20], [sflag:$0x2], $0x80, s29, s19, $0xb8;
	[tilespmem:$0x1D000] =	vst v63  }
0x215: {  	_ = 	snop  }
0x216: {  	[tilespmem:s23], [sflag:$0x1] =	stream.indirect.gather [hbm4b:s4+s19], $0x80, s30, s19, $0xb8;
	[tilespmem:$0x1D000] =	vst v63  }
0x217: {  	_ =	swait.ge [sflag:s24], $0x3E80  }
0x218: {  	[sflag:s24] =	ssyncset.done $0x0  }
0x219: {  	[sflag:s24] =	ssyncadd.s32 $0xFFFFC180  }
0x21a: {  	_ =	swait.ge [sflag:s21], $0x3E80  }
0x21b: {  	[sflag:s21] =	ssyncset.done $0x0  }
0x21c: {  	[sflag:s21] =	ssyncadd.s32 $0xFFFFC180  }
0x21d: {  	[spmem:s2] =	stream.indirect.scatter.add.f32 [tilespmem:s23], [sflag:$0x3], $0x80, s0, s19, $0xb8;
	[tilespmem:$0x1D000] =	vst v63  }
0x21e: {  	_ =	swait.ge [sflag:s17], $0x3E80  }
0x21f: {  	[sflag:s17] =	ssyncset.done $0x0  }
0x220: {  	[sflag:s17] =	ssyncadd.s32 $0xFFFFC180  }
0x221: {  	[tilespmem:s20], [sflag:$0x1] =	stream.indirect.gather [hbm4b:s4+s19], $0x80, s1, s19, $0xb8;
	[tilespmem:$0x1D000] =	vst v63  }
0x222: {  	_ =	swait.ge [sflag:s21], $0x3E80  }
0x223: {  	[sflag:s21] =	ssyncset.done $0x0  }
0x224: {  	[sflag:s21] =	ssyncadd.s32 $0xFFFFC180  }
0x225: {  	[spmem:s2] =	stream.indirect.scatter.add.f32 [tilespmem:s20], [sflag:$0x2], $0x80, s9, s19, $0xb8;
	[tilespmem:$0x1D000] =	vst v63  }
0x226: {  	_ = 	snop  }
0x227: {  	[tilespmem:s23], [sflag:$0x1] =	stream.indirect.gather [hbm4b:s4+s19], $0x80, s13, s19, $0xb8;
	[tilespmem:$0x1D000] =	vst v63  }
0x228: {  	_ =	swait.ge [sflag:s24], $0x3E80  }
0x229: {  	[sflag:s24] =	ssyncset.done $0x0  }
0x22a: {  	[sflag:s24] =	ssyncadd.s32 $0xFFFFC180  }
0x22b: {  	_ =	swait.ge [sflag:s21], $0x3E80  }
0x22c: {  	[sflag:s21] =	ssyncset.done $0x0  }
0x22d: {  	s16 =	simm.s32 $0xB80;
	[sflag:s21] =	ssyncadd.s32 $0xFFFFC180  }
0x22e: {  	[spmem:s2] =	stream.indirect.scatter.add.f32 [tilespmem:s23], [sflag:$0x3], $0x80, s16, s19, $0xb8;
	[tilespmem:$0x1D000] =	vst v63  }
0x22f: {  	_ =	swait.ge [sflag:s17], $0x3E80  }
0x230: {  	[sflag:s17] =	ssyncset.done $0x0  }
0x231: {  	s22 =	simm.s32 $0x400;
	[sflag:s17] =	ssyncadd.s32 $0xFFFFC180  }
0x232: {  	[tilespmem:s20], [sflag:$0x1] =	stream.indirect.gather [hbm4b:s4+s19], $0x80, s22, s19, $0xb8;
	[tilespmem:$0x1D000] =	vst v63  }
0x233: {  	_ =	swait.ge [sflag:s21], $0x3E80  }
0x234: {  	[sflag:s21] =	ssyncset.done $0x0  }
0x235: {  	s25 =	simm.s32 $0xC00;
	[sflag:s21] =	ssyncadd.s32 $0xFFFFC180  }
0x236: {  	[spmem:s2] =	stream.indirect.scatter.add.f32 [tilespmem:s20], [sflag:$0x2], $0x80, s25, s19, $0xb8;
	[tilespmem:$0x1D000] =	vst v63  }
0x237: {  	s26 =	simm.s32 $0x480  }
0x238: {  	[tilespmem:s23], [sflag:$0x1] =	stream.indirect.gather [hbm4b:s4+s19], $0x80, s26, s19, $0xb8;
	[tilespmem:$0x1D000] =	vst v63  }
0x239: {  	_ =	swait.ge [sflag:s24], $0x3E80  }
0x23a: {  	[sflag:s24] =	ssyncset.done $0x0  }
0x23b: {  	[sflag:s24] =	ssyncadd.s32 $0xFFFFC180  }
0x23c: {  	_ =	swait.ge [sflag:s21], $0x3E80  }
0x23d: {  	[sflag:s21] =	ssyncset.done $0x0  }
0x23e: {  	s1 =	simm.s32 $0xC80;
	[sflag:s21] =	ssyncadd.s32 $0xFFFFC180  }
0x23f: {  	[spmem:s2] =	stream.indirect.scatter.add.f32 [tilespmem:s23], [sflag:$0x3], $0x80, s1, s19, $0xb8;
	[tilespmem:$0x1D000] =	vst v63  }
0x240: {  	_ =	swait.ge [sflag:s17], $0x3E80  }
0x241: {  	[sflag:s17] =	ssyncset.done $0x0  }
0x242: {  	s6 =	simm.s32 $0x500;
	[sflag:s17] =	ssyncadd.s32 $0xFFFFC180  }
0x243: {  	[tilespmem:s20], [sflag:$0x1] =	stream.indirect.gather [hbm4b:s4+s19], $0x80, s6, s19, $0xb8;
	[tilespmem:$0x1D000] =	vst v63  }
0x244: {  	_ =	swait.ge [sflag:s21], $0x3E80  }
0x245: {  	[sflag:s21] =	ssyncset.done $0x0  }
0x246: {  	s7 =	simm.s32 $0xD00;
	[sflag:s21] =	ssyncadd.s32 $0xFFFFC180  }
0x247: {  	[spmem:s2] =	stream.indirect.scatter.add.f32 [tilespmem:s20], [sflag:$0x2], $0x80, s7, s19, $0xb8;
	[tilespmem:$0x1D000] =	vst v63  }
0x248: {  	s8 =	simm.s32 $0x580  }
0x249: {  	[tilespmem:s23], [sflag:$0x1] =	stream.indirect.gather [hbm4b:s4+s19], $0x80, s8, s19, $0xb8;
	[tilespmem:$0x1D000] =	vst v63  }
0x24a: {  	_ =	swait.ge [sflag:s24], $0x3E80  }
0x24b: {  	[sflag:s24] =	ssyncset.done $0x0  }
0x24c: {  	[sflag:s24] =	ssyncadd.s32 $0xFFFFC180  }
0x24d: {  	_ =	swait.ge [sflag:s21], $0x3E80  }
0x24e: {  	[sflag:s21] =	ssyncset.done $0x0  }
0x24f: {  	s9 =	simm.s32 $0xD80;
	[sflag:s21] =	ssyncadd.s32 $0xFFFFC180  }
0x250: {  	[spmem:s2] =	stream.indirect.scatter.add.f32 [tilespmem:s23], [sflag:$0x3], $0x80, s9, s19, $0xb8;
	[tilespmem:$0x1D000] =	vst v63  }
0x251: {  	_ =	swait.ge [sflag:s17], $0x3E80  }
0x252: {  	[sflag:s17] =	ssyncset.done $0x0  }
0x253: {  	s12 =	simm.s32 $0x600;
	[sflag:s17] =	ssyncadd.s32 $0xFFFFC180  }
0x254: {  	[tilespmem:s20], [sflag:$0x1] =	stream.indirect.gather [hbm4b:s4+s19], $0x80, s12, s19, $0xb8;
	[tilespmem:$0x1D000] =	vst v63  }
0x255: {  	_ =	swait.ge [sflag:s21], $0x3E80  }
0x256: {  	[sflag:s21] =	ssyncset.done $0x0  }
0x257: {  	s13 =	simm.s32 $0xE00;
	[sflag:s21] =	ssyncadd.s32 $0xFFFFC180  }
0x258: {  	[spmem:s2] =	stream.indirect.scatter.add.f32 [tilespmem:s20], [sflag:$0x2], $0x80, s13, s19, $0xb8;
	[tilespmem:$0x1D000] =	vst v63  }
0x259: {  	s14 =	simm.s32 $0x680  }
0x25a: {  	[tilespmem:s23], [sflag:$0x1] =	stream.indirect.gather [hbm4b:s4+s19], $0x80, s14, s19, $0xb8;
	[tilespmem:$0x1D000] =	vst v63  }
0x25b: {  	_ =	swait.ge [sflag:s24], $0x3E80  }
0x25c: {  	[sflag:s24] =	ssyncset.done $0x0  }
0x25d: {  	[sflag:s24] =	ssyncadd.s32 $0xFFFFC180  }
0x25e: {  	_ =	swait.ge [sflag:s21], $0x3E80  }
0x25f: {  	[sflag:s21] =	ssyncset.done $0x0  }
0x260: {  	s15 =	simm.s32 $0xE80;
	[sflag:s21] =	ssyncadd.s32 $0xFFFFC180  }
0x261: {  	[spmem:s2] =	stream.indirect.scatter.add.f32 [tilespmem:s23], [sflag:$0x3], $0x80, s15, s19, $0xb8;
	[tilespmem:$0x1D000] =	vst v63  }
0x262: {  	_ =	swait.ge [sflag:s17], $0x3E80  }
0x263: {  	[sflag:s17] =	ssyncset.done $0x0  }
0x264: {  	s16 =	simm.s32 $0x700;
	[sflag:s17] =	ssyncadd.s32 $0xFFFFC180  }
0x265: {  	[tilespmem:s20], [sflag:$0x1] =	stream.indirect.gather [hbm4b:s4+s19], $0x80, s16, s19, $0xb8;
	[tilespmem:$0x1D000] =	vst v63  }
0x266: {  	_ =	swait.ge [sflag:s21], $0x3E80  }
0x267: {  	[sflag:s21] =	ssyncset.done $0x0  }
0x268: {  	s22 =	simm.s32 $0xF00;
	[sflag:s21] =	ssyncadd.s32 $0xFFFFC180  }
0x269: {  	[spmem:s2] =	stream.indirect.scatter.add.f32 [tilespmem:s20], [sflag:$0x2], $0x80, s22, s19, $0xb8;
	[tilespmem:$0x1D000] =	vst v63  }
0x26a: {  	s25 =	simm.s32 $0x780  }
0x26b: {  	[tilespmem:s23], [sflag:$0x1] =	stream.indirect.gather [hbm4b:s4+s19], $0x80, s25, s19, $0xb8;
	[tilespmem:$0x1D000] =	vst v63  }
0x26c: {  	s31 =	simm.s32 $0x280;
	s28 =	simm.s32 $0x980;
	_ =	swait.ge [sflag:s24], $0x3E80  }
0x26d: {  	s29 =	simm.s32 $0x200;
	s30 =	simm.s32 $0xA00;
	[sflag:s24] =	ssyncset.done $0x0  }
0x26e: {  	s0 =	simm.s32 $0xA80;
	s26 =	simm.s32 $0xF80;
	[sflag:s24] =	ssyncadd.s32 $0xFFFFC180  }
0x26f: {  	s1 =	simm.s32 $0x300;
	s6 =	simm.s32 $0xB80;
	_ =	swait.ge [sflag:s21], $0x3E80  }
0x270: {  	s8 =	simm.s32 $0x100;
	s9 =	simm.s32 $0xB00;
	[sflag:s21] =	ssyncset.done $0x0  }
0x271: {  	s12 =	simm.s32 $0x200;
	s13 =	simm.s32 $0x380;
	[sflag:s21] =	ssyncadd.s32 $0xFFFFC180  }
0x272: {  	[spmem:s2] =	stream.indirect.scatter.add.f32 [tilespmem:s23], [sflag:$0x3], $0x80, s26, s19, $0xb8;
	[tilespmem:$0x1D000] =	vst v63  }
0x273: {  	s16 =	simm.s32 $0x880;
	s22 =	simm.s32 $0x100;
	_ =	swait.ge [sflag:s17], $0x3E80  }
0x274: {  	s25 =	simm.s32 $0x900;
	s26 =	simm.s32 $0x180;
	[sflag:s17] =	ssyncset.done $0x0  }
.LBB2_3:
0x275: {  	s15 =	sadd.s32 s8, s10  }
0x276: {  	[sflag:s17] =	ssyncadd.s32 $0xFFFFC180;
	s7 =	smov.u32 s12;
	s14 =	sadd.s32 $0x100, s12  }
0x277: {  	[tilespmem:s3], [sflag:$0x3] =	stream.linear.gather [hbm4b:s15+s3], $0x800, $0x38;
	[tilespmem:$0x1D000] =	vst v63  }
0x278: {  	s15 =	simm.s32 $0x80  }
0x279: {  	p1 =	seq.s32 s12, $0x900;
	_ =	swait.ge [sflag:s17], $0x800  }
0x27a: {  	[sflag:s17] =	ssyncset.done $0x0  }
0x27b: {  	s12 =	sadd.s32 s8, s11;
	s8 =	smov.u32 s7;
	[sflag:s17] =	ssyncadd.s32 $0xFFFFF800  }
0x27c: {  	[tilespmem:s18], [sflag:$0x3] =	stream.linear.gather [hbm4b:s12+s3], $0x800, $0x38;
	[tilespmem:$0x1D000] =	vst v63  }
0x27d: {  	_ =	swait.ge [sflag:s17], $0x800  }
0x27e: {  	[sflag:s17] =	ssyncset.done $0x0  }
0x27f: {  	[sflag:s17] =	ssyncadd.s32 $0xFFFFF800  }
0x280: {  	[tilespmem:s20], [sflag:$0x1] =	stream.indirect.gather [hbm4b:s4+s19], $0x80, s3, s19, $0xb8;
	[tilespmem:$0x1D000] =	vst v63  }
0x281: {  	_ =	swait.ge [sflag:s21], $0x3E80  }
0x282: {  	[sflag:s21] =	ssyncset.done $0x0  }
0x283: {  	[sflag:s21] =	ssyncadd.s32 $0xFFFFC180  }
0x284: {  	[spmem:s2] =	stream.indirect.scatter.add.f32 [tilespmem:s20], [sflag:$0x2], $0x80, s18, s19, $0xb8;
	[tilespmem:$0x1D000] =	vst v63  }
0x285: {  	_ = 	snop  }
0x286: {  	[tilespmem:s23], [sflag:$0x1] =	stream.indirect.gather [hbm4b:s4+s19], $0x80, s15, s19, $0xb8;
	[tilespmem:$0x1D000] =	vst v63  }
0x287: {  	_ =	swait.ge [sflag:s24], $0x3E80  }
0x288: {  	[sflag:s24] =	ssyncset.done $0x0  }
0x289: {  	[sflag:s24] =	ssyncadd.s32 $0xFFFFC180  }
0x28a: {  	_ =	swait.ge [sflag:s21], $0x3E80  }
0x28b: {  	[sflag:s21] =	ssyncset.done $0x0  }
0x28c: {  	[sflag:s21] =	ssyncadd.s32 $0xFFFFC180  }
0x28d: {  	[spmem:s2] =	stream.indirect.scatter.add.f32 [tilespmem:s23], [sflag:$0x3], $0x80, s16, s19, $0xb8;
	[tilespmem:$0x1D000] =	vst v63  }
0x28e: {  	_ =	swait.ge [sflag:s17], $0x3E80  }
0x28f: {  	[sflag:s17] =	ssyncset.done $0x0  }
0x290: {  	[sflag:s17] =	ssyncadd.s32 $0xFFFFC180  }
0x291: {  	[tilespmem:s20], [sflag:$0x1] =	stream.indirect.gather [hbm4b:s4+s19], $0x80, s22, s19, $0xb8;
	[tilespmem:$0x1D000] =	vst v63  }
0x292: {  	_ =	swait.ge [sflag:s21], $0x3E80  }
0x293: {  	[sflag:s21] =	ssyncset.done $0x0  }
0x294: {  	[sflag:s21] =	ssyncadd.s32 $0xFFFFC180  }
0x295: {  	[spmem:s2] =	stream.indirect.scatter.add.f32 [tilespmem:s20], [sflag:$0x2], $0x80, s25, s19, $0xb8;
	[tilespmem:$0x1D000] =	vst v63  }
0x296: {  	_ = 	snop  }
0x297: {  	[tilespmem:s23], [sflag:$0x1] =	stream.indirect.gather [hbm4b:s4+s19], $0x80, s26, s19, $0xb8;
	[tilespmem:$0x1D000] =	vst v63  }
0x298: {  	_ =	swait.ge [sflag:s24], $0x3E80  }
0x299: {  	[sflag:s24] =	ssyncset.done $0x0  }
0x29a: {  	[sflag:s24] =	ssyncadd.s32 $0xFFFFC180  }
0x29b: {  	_ =	swait.ge [sflag:s21], $0x3E80  }
0x29c: {  	[sflag:s21] =	ssyncset.done $0x0  }
0x29d: {  	[sflag:s21] =	ssyncadd.s32 $0xFFFFC180  }
0x29e: {  	[spmem:s2] =	stream.indirect.scatter.add.f32 [tilespmem:s23], [sflag:$0x3], $0x80, s28, s19, $0xb8;
	[tilespmem:$0x1D000] =	vst v63  }
0x29f: {  	_ =	swait.ge [sflag:s17], $0x3E80  }
0x2a0: {  	[sflag:s17] =	ssyncset.done $0x0  }
0x2a1: {  	[sflag:s17] =	ssyncadd.s32 $0xFFFFC180  }
0x2a2: {  	[tilespmem:s20], [sflag:$0x1] =	stream.indirect.gather [hbm4b:s4+s19], $0x80, s29, s19, $0xb8;
	[tilespmem:$0x1D000] =	vst v63  }
0x2a3: {  	_ =	swait.ge [sflag:s21], $0x3E80  }
0x2a4: {  	[sflag:s21] =	ssyncset.done $0x0  }
0x2a5: {  	[sflag:s21] =	ssyncadd.s32 $0xFFFFC180  }
0x2a6: {  	[spmem:s2] =	stream.indirect.scatter.add.f32 [tilespmem:s20], [sflag:$0x2], $0x80, s30, s19, $0xb8;
	[tilespmem:$0x1D000] =	vst v63  }
0x2a7: {  	_ = 	snop  }
0x2a8: {  	[tilespmem:s23], [sflag:$0x1] =	stream.indirect.gather [hbm4b:s4+s19], $0x80, s31, s19, $0xb8;
	[tilespmem:$0x1D000] =	vst v63  }
0x2a9: {  	_ =	swait.ge [sflag:s24], $0x3E80  }
0x2aa: {  	[sflag:s24] =	ssyncset.done $0x0  }
0x2ab: {  	[sflag:s24] =	ssyncadd.s32 $0xFFFFC180  }
0x2ac: {  	_ =	swait.ge [sflag:s21], $0x3E80  }
0x2ad: {  	[sflag:s21] =	ssyncset.done $0x0  }
0x2ae: {  	[sflag:s21] =	ssyncadd.s32 $0xFFFFC180  }
0x2af: {  	[spmem:s2] =	stream.indirect.scatter.add.f32 [tilespmem:s23], [sflag:$0x3], $0x80, s0, s19, $0xb8;
	[tilespmem:$0x1D000] =	vst v63  }
0x2b0: {  	_ =	swait.ge [sflag:s17], $0x3E80  }
0x2b1: {  	[sflag:s17] =	ssyncset.done $0x0  }
0x2b2: {  	[sflag:s17] =	ssyncadd.s32 $0xFFFFC180  }
0x2b3: {  	[tilespmem:s20], [sflag:$0x1] =	stream.indirect.gather [hbm4b:s4+s19], $0x80, s1, s19, $0xb8;
	[tilespmem:$0x1D000] =	vst v63  }
0x2b4: {  	_ =	swait.ge [sflag:s21], $0x3E80  }
0x2b5: {  	[sflag:s21] =	ssyncset.done $0x0  }
0x2b6: {  	[sflag:s21] =	ssyncadd.s32 $0xFFFFC180  }
0x2b7: {  	[spmem:s2] =	stream.indirect.scatter.add.f32 [tilespmem:s20], [sflag:$0x2], $0x80, s9, s19, $0xb8;
	[tilespmem:$0x1D000] =	vst v63  }
0x2b8: {  	_ = 	snop  }
0x2b9: {  	[tilespmem:s23], [sflag:$0x1] =	stream.indirect.gather [hbm4b:s4+s19], $0x80, s13, s19, $0xb8;
	[tilespmem:$0x1D000] =	vst v63  }
0x2ba: {  	_ =	swait.ge [sflag:s24], $0x3E80  }
0x2bb: {  	[sflag:s24] =	ssyncset.done $0x0  }
0x2bc: {  	[sflag:s24] =	ssyncadd.s32 $0xFFFFC180  }
0x2bd: {  	_ =	swait.ge [sflag:s21], $0x3E80  }
0x2be: {  	[sflag:s21] =	ssyncset.done $0x0  }
0x2bf: {  	[sflag:s21] =	ssyncadd.s32 $0xFFFFC180  }
0x2c0: {  	[spmem:s2] =	stream.indirect.scatter.add.f32 [tilespmem:s23], [sflag:$0x3], $0x80, s6, s19, $0xb8;
	[tilespmem:$0x1D000] =	vst v63  }
0x2c1: {  	_ =	swait.ge [sflag:s17], $0x3E80  }
0x2c2: {  	[sflag:s17] =	ssyncset.done $0x0  }
0x2c3: {  	s7 =	simm.s32 $0x400;
	[sflag:s17] =	ssyncadd.s32 $0xFFFFC180  }
0x2c4: {  	[tilespmem:s20], [sflag:$0x1] =	stream.indirect.gather [hbm4b:s4+s19], $0x80, s7, s19, $0xb8;
	[tilespmem:$0x1D000] =	vst v63  }
0x2c5: {  	_ =	swait.ge [sflag:s21], $0x3E80  }
0x2c6: {  	[sflag:s21] =	ssyncset.done $0x0  }
0x2c7: {  	s7 =	simm.s32 $0xC00;
	[sflag:s21] =	ssyncadd.s32 $0xFFFFC180  }
0x2c8: {  	[spmem:s2] =	stream.indirect.scatter.add.f32 [tilespmem:s20], [sflag:$0x2], $0x80, s7, s19, $0xb8;
	[tilespmem:$0x1D000] =	vst v63  }
0x2c9: {  	s7 =	simm.s32 $0x480  }
0x2ca: {  	[tilespmem:s23], [sflag:$0x1] =	stream.indirect.gather [hbm4b:s4+s19], $0x80, s7, s19, $0xb8;
	[tilespmem:$0x1D000] =	vst v63  }
0x2cb: {  	_ =	swait.ge [sflag:s24], $0x3E80  }
0x2cc: {  	[sflag:s24] =	ssyncset.done $0x0  }
0x2cd: {  	[sflag:s24] =	ssyncadd.s32 $0xFFFFC180  }
0x2ce: {  	_ =	swait.ge [sflag:s21], $0x3E80  }
0x2cf: {  	[sflag:s21] =	ssyncset.done $0x0  }
0x2d0: {  	s7 =	simm.s32 $0xC80;
	[sflag:s21] =	ssyncadd.s32 $0xFFFFC180  }
0x2d1: {  	[spmem:s2] =	stream.indirect.scatter.add.f32 [tilespmem:s23], [sflag:$0x3], $0x80, s7, s19, $0xb8;
	[tilespmem:$0x1D000] =	vst v63  }
0x2d2: {  	_ =	swait.ge [sflag:s17], $0x3E80  }
0x2d3: {  	[sflag:s17] =	ssyncset.done $0x0  }
0x2d4: {  	s7 =	simm.s32 $0x500;
	[sflag:s17] =	ssyncadd.s32 $0xFFFFC180  }
0x2d5: {  	[tilespmem:s20], [sflag:$0x1] =	stream.indirect.gather [hbm4b:s4+s19], $0x80, s7, s19, $0xb8;
	[tilespmem:$0x1D000] =	vst v63  }
0x2d6: {  	_ =	swait.ge [sflag:s21], $0x3E80  }
0x2d7: {  	[sflag:s21] =	ssyncset.done $0x0  }
0x2d8: {  	s7 =	simm.s32 $0xD00;
	[sflag:s21] =	ssyncadd.s32 $0xFFFFC180  }
0x2d9: {  	[spmem:s2] =	stream.indirect.scatter.add.f32 [tilespmem:s20], [sflag:$0x2], $0x80, s7, s19, $0xb8;
	[tilespmem:$0x1D000] =	vst v63  }
0x2da: {  	s7 =	simm.s32 $0x580  }
0x2db: {  	[tilespmem:s23], [sflag:$0x1] =	stream.indirect.gather [hbm4b:s4+s19], $0x80, s7, s19, $0xb8;
	[tilespmem:$0x1D000] =	vst v63  }
0x2dc: {  	_ =	swait.ge [sflag:s24], $0x3E80  }
0x2dd: {  	[sflag:s24] =	ssyncset.done $0x0  }
0x2de: {  	[sflag:s24] =	ssyncadd.s32 $0xFFFFC180  }
0x2df: {  	_ =	swait.ge [sflag:s21], $0x3E80  }
0x2e0: {  	[sflag:s21] =	ssyncset.done $0x0  }
0x2e1: {  	s7 =	simm.s32 $0xD80;
	[sflag:s21] =	ssyncadd.s32 $0xFFFFC180  }
0x2e2: {  	[spmem:s2] =	stream.indirect.scatter.add.f32 [tilespmem:s23], [sflag:$0x3], $0x80, s7, s19, $0xb8;
	[tilespmem:$0x1D000] =	vst v63  }
0x2e3: {  	_ =	swait.ge [sflag:s17], $0x3E80  }
0x2e4: {  	[sflag:s17] =	ssyncset.done $0x0  }
0x2e5: {  	s7 =	simm.s32 $0x600;
	[sflag:s17] =	ssyncadd.s32 $0xFFFFC180  }
0x2e6: {  	[tilespmem:s20], [sflag:$0x1] =	stream.indirect.gather [hbm4b:s4+s19], $0x80, s7, s19, $0xb8;
	[tilespmem:$0x1D000] =	vst v63  }
0x2e7: {  	_ =	swait.ge [sflag:s21], $0x3E80  }
0x2e8: {  	[sflag:s21] =	ssyncset.done $0x0  }
0x2e9: {  	s7 =	simm.s32 $0xE00;
	[sflag:s21] =	ssyncadd.s32 $0xFFFFC180  }
0x2ea: {  	[spmem:s2] =	stream.indirect.scatter.add.f32 [tilespmem:s20], [sflag:$0x2], $0x80, s7, s19, $0xb8;
	[tilespmem:$0x1D000] =	vst v63  }
0x2eb: {  	s7 =	simm.s32 $0x680  }
0x2ec: {  	[tilespmem:s23], [sflag:$0x1] =	stream.indirect.gather [hbm4b:s4+s19], $0x80, s7, s19, $0xb8;
	[tilespmem:$0x1D000] =	vst v63  }
0x2ed: {  	_ =	swait.ge [sflag:s24], $0x3E80  }
0x2ee: {  	[sflag:s24] =	ssyncset.done $0x0  }
0x2ef: {  	[sflag:s24] =	ssyncadd.s32 $0xFFFFC180  }
0x2f0: {  	_ =	swait.ge [sflag:s21], $0x3E80  }
0x2f1: {  	[sflag:s21] =	ssyncset.done $0x0  }
0x2f2: {  	s7 =	simm.s32 $0xE80;
	[sflag:s21] =	ssyncadd.s32 $0xFFFFC180  }
0x2f3: {  	[spmem:s2] =	stream.indirect.scatter.add.f32 [tilespmem:s23], [sflag:$0x3], $0x80, s7, s19, $0xb8;
	[tilespmem:$0x1D000] =	vst v63  }
0x2f4: {  	_ =	swait.ge [sflag:s17], $0x3E80  }
0x2f5: {  	[sflag:s17] =	ssyncset.done $0x0  }
0x2f6: {  	s7 =	simm.s32 $0x700;
	[sflag:s17] =	ssyncadd.s32 $0xFFFFC180  }
0x2f7: {  	[tilespmem:s20], [sflag:$0x1] =	stream.indirect.gather [hbm4b:s4+s19], $0x80, s7, s19, $0xb8;
	[tilespmem:$0x1D000] =	vst v63  }
0x2f8: {  	_ =	swait.ge [sflag:s21], $0x3E80  }
0x2f9: {  	[sflag:s21] =	ssyncset.done $0x0  }
0x2fa: {  	s7 =	simm.s32 $0xF00;
	[sflag:s21] =	ssyncadd.s32 $0xFFFFC180  }
0x2fb: {  	[spmem:s2] =	stream.indirect.scatter.add.f32 [tilespmem:s20], [sflag:$0x2], $0x80, s7, s19, $0xb8;
	[tilespmem:$0x1D000] =	vst v63  }
0x2fc: {  	s7 =	simm.s32 $0x780  }
0x2fd: {  	[tilespmem:s23], [sflag:$0x1] =	stream.indirect.gather [hbm4b:s4+s19], $0x80, s7, s19, $0xb8;
	[tilespmem:$0x1D000] =	vst v63  }
0x2fe: {  	_ =	swait.ge [sflag:s24], $0x3E80  }
0x2ff: {  	[sflag:s24] =	ssyncset.done $0x0  }
0x300: {  	[sflag:s24] =	ssyncadd.s32 $0xFFFFC180  }
0x301: {  	_ =	swait.ge [sflag:s21], $0x3E80  }
.Ltmp5:
0x302: {  	[sflag:s21] =	ssyncset.done $0x0;
	(pc) =	sbr.rel @!p1 .LBB2_3-.Ltmp5, $4  }
0x303: {  	s7 =	simm.s32 $0xF80;
	[sflag:s21] =	ssyncadd.s32 $0xFFFFC180  }
0x304: {  	[spmem:s2] =	stream.indirect.scatter.add.f32 [tilespmem:s23], [sflag:$0x3], $0x80, s7, s19, $0xb8;
	[tilespmem:$0x1D000] =	vst v63  }
0x305: {  	_ =	swait.ge [sflag:s17], $0x3E80  }
0x306: {  	s12 =	smov.u32 s14;
	[sflag:s17] =	ssyncset.done $0x0  }
0x307: {  	s7 =	sadd.s32 s8, s10;
	[sflag:s17] =	ssyncadd.s32 $0xFFFFC180  }
0x308: {  	[tilespmem:s3], [sflag:$0x3] =	stream.linear.gather [hbm4b:s7+s3], $0x800, $0x38;
	[tilespmem:$0x1D000] =	vst v63  }
0x309: {  	_ =	swait.ge [sflag:s17], $0x800  }
0x30a: {  	[sflag:s17] =	ssyncset.done $0x0  }
0x30b: {  	s14 =	sadd.s32 s8, s11;
	[sflag:s17] =	ssyncadd.s32 $0xFFFFF800  }
0x30c: {  	[tilespmem:s18], [sflag:$0x3] =	stream.linear.gather [hbm4b:s14+s3], $0x800, $0x38;
	[tilespmem:$0x1D000] =	vst v63  }
0x30d: {  	_ =	swait.ge [sflag:s17], $0x800  }
0x30e: {  	[sflag:s17] =	ssyncset.done $0x0  }
0x30f: {  	[sflag:s17] =	ssyncadd.s32 $0xFFFFF800  }
0x310: {  	[tilespmem:s20], [sflag:$0x1] =	stream.indirect.gather [hbm4b:s4+s19], $0x80, s3, s19, $0xb8;
	[tilespmem:$0x1D000] =	vst v63  }
0x311: {  	_ =	swait.ge [sflag:s21], $0x3E80  }
0x312: {  	[sflag:s21] =	ssyncset.done $0x0  }
0x313: {  	[sflag:s21] =	ssyncadd.s32 $0xFFFFC180  }
0x314: {  	[spmem:s2] =	stream.indirect.scatter.add.f32 [tilespmem:s20], [sflag:$0x2], $0x80, s18, s19, $0xb8;
	[tilespmem:$0x1D000] =	vst v63  }
0x315: {  	_ = 	snop  }
0x316: {  	[tilespmem:s23], [sflag:$0x1] =	stream.indirect.gather [hbm4b:s4+s19], $0x80, s15, s19, $0xb8;
	[tilespmem:$0x1D000] =	vst v63  }
0x317: {  	_ =	swait.ge [sflag:s24], $0x3E80  }
0x318: {  	[sflag:s24] =	ssyncset.done $0x0  }
0x319: {  	[sflag:s24] =	ssyncadd.s32 $0xFFFFC180  }
0x31a: {  	_ =	swait.ge [sflag:s21], $0x3E80  }
0x31b: {  	[sflag:s21] =	ssyncset.done $0x0  }
0x31c: {  	[sflag:s21] =	ssyncadd.s32 $0xFFFFC180  }
0x31d: {  	[spmem:s2] =	stream.indirect.scatter.add.f32 [tilespmem:s23], [sflag:$0x3], $0x80, s16, s19, $0xb8;
	[tilespmem:$0x1D000] =	vst v63  }
0x31e: {  	_ =	swait.ge [sflag:s17], $0x3E80  }
0x31f: {  	[sflag:s17] =	ssyncset.done $0x0  }
0x320: {  	[sflag:s17] =	ssyncadd.s32 $0xFFFFC180  }
0x321: {  	[tilespmem:s20], [sflag:$0x1] =	stream.indirect.gather [hbm4b:s4+s19], $0x80, s22, s19, $0xb8;
	[tilespmem:$0x1D000] =	vst v63  }
0x322: {  	_ =	swait.ge [sflag:s21], $0x3E80  }
0x323: {  	[sflag:s21] =	ssyncset.done $0x0  }
0x324: {  	[sflag:s21] =	ssyncadd.s32 $0xFFFFC180  }
0x325: {  	[spmem:s2] =	stream.indirect.scatter.add.f32 [tilespmem:s20], [sflag:$0x2], $0x80, s25, s19, $0xb8;
	[tilespmem:$0x1D000] =	vst v63  }
0x326: {  	_ = 	snop  }
0x327: {  	[tilespmem:s23], [sflag:$0x1] =	stream.indirect.gather [hbm4b:s4+s19], $0x80, s26, s19, $0xb8;
	[tilespmem:$0x1D000] =	vst v63  }
0x328: {  	_ =	swait.ge [sflag:s24], $0x3E80  }
0x329: {  	[sflag:s24] =	ssyncset.done $0x0  }
0x32a: {  	[sflag:s24] =	ssyncadd.s32 $0xFFFFC180  }
0x32b: {  	_ =	swait.ge [sflag:s21], $0x3E80  }
0x32c: {  	[sflag:s21] =	ssyncset.done $0x0  }
0x32d: {  	[sflag:s21] =	ssyncadd.s32 $0xFFFFC180  }
0x32e: {  	[spmem:s2] =	stream.indirect.scatter.add.f32 [tilespmem:s23], [sflag:$0x3], $0x80, s28, s19, $0xb8;
	[tilespmem:$0x1D000] =	vst v63  }
0x32f: {  	_ =	swait.ge [sflag:s17], $0x3E80  }
0x330: {  	[sflag:s17] =	ssyncset.done $0x0  }
0x331: {  	[sflag:s17] =	ssyncadd.s32 $0xFFFFC180  }
0x332: {  	[tilespmem:s20], [sflag:$0x1] =	stream.indirect.gather [hbm4b:s4+s19], $0x80, s29, s19, $0xb8;
	[tilespmem:$0x1D000] =	vst v63  }
0x333: {  	_ =	swait.ge [sflag:s21], $0x3E80  }
0x334: {  	[sflag:s21] =	ssyncset.done $0x0  }
0x335: {  	[sflag:s21] =	ssyncadd.s32 $0xFFFFC180  }
0x336: {  	[spmem:s2] =	stream.indirect.scatter.add.f32 [tilespmem:s20], [sflag:$0x2], $0x80, s30, s19, $0xb8;
	[tilespmem:$0x1D000] =	vst v63  }
0x337: {  	_ = 	snop  }
0x338: {  	[tilespmem:s23], [sflag:$0x1] =	stream.indirect.gather [hbm4b:s4+s19], $0x80, s31, s19, $0xb8;
	[tilespmem:$0x1D000] =	vst v63  }
0x339: {  	_ =	swait.ge [sflag:s24], $0x3E80  }
0x33a: {  	[sflag:s24] =	ssyncset.done $0x0  }
0x33b: {  	[sflag:s24] =	ssyncadd.s32 $0xFFFFC180  }
0x33c: {  	_ =	swait.ge [sflag:s21], $0x3E80  }
0x33d: {  	[sflag:s21] =	ssyncset.done $0x0  }
0x33e: {  	[sflag:s21] =	ssyncadd.s32 $0xFFFFC180  }
0x33f: {  	[spmem:s2] =	stream.indirect.scatter.add.f32 [tilespmem:s23], [sflag:$0x3], $0x80, s0, s19, $0xb8;
	[tilespmem:$0x1D000] =	vst v63  }
0x340: {  	_ =	swait.ge [sflag:s17], $0x3E80  }
0x341: {  	[sflag:s17] =	ssyncset.done $0x0  }
0x342: {  	[sflag:s17] =	ssyncadd.s32 $0xFFFFC180  }
0x343: {  	[tilespmem:s20], [sflag:$0x1] =	stream.indirect.gather [hbm4b:s4+s19], $0x80, s1, s19, $0xb8;
	[tilespmem:$0x1D000] =	vst v63  }
0x344: {  	_ =	swait.ge [sflag:s21], $0x3E80  }
0x345: {  	[sflag:s21] =	ssyncset.done $0x0  }
0x346: {  	[sflag:s21] =	ssyncadd.s32 $0xFFFFC180  }
0x347: {  	[spmem:s2] =	stream.indirect.scatter.add.f32 [tilespmem:s20], [sflag:$0x2], $0x80, s9, s19, $0xb8;
	[tilespmem:$0x1D000] =	vst v63  }
0x348: {  	_ = 	snop  }
0x349: {  	[tilespmem:s23], [sflag:$0x1] =	stream.indirect.gather [hbm4b:s4+s19], $0x80, s13, s19, $0xb8;
	[tilespmem:$0x1D000] =	vst v63  }
0x34a: {  	_ =	swait.ge [sflag:s24], $0x3E80  }
0x34b: {  	[sflag:s24] =	ssyncset.done $0x0  }
0x34c: {  	[sflag:s24] =	ssyncadd.s32 $0xFFFFC180  }
0x34d: {  	_ =	swait.ge [sflag:s21], $0x3E80  }
0x34e: {  	[sflag:s21] =	ssyncset.done $0x0  }
0x34f: {  	[sflag:s21] =	ssyncadd.s32 $0xFFFFC180  }
0x350: {  	[spmem:s2] =	stream.indirect.scatter.add.f32 [tilespmem:s23], [sflag:$0x3], $0x80, s6, s19, $0xb8;
	[tilespmem:$0x1D000] =	vst v63  }
0x351: {  	_ =	swait.ge [sflag:s17], $0x3E80  }
0x352: {  	[sflag:s17] =	ssyncset.done $0x0  }
0x353: {  	s16 =	simm.s32 $0x400;
	[sflag:s17] =	ssyncadd.s32 $0xFFFFC180  }
0x354: {  	[tilespmem:s20], [sflag:$0x1] =	stream.indirect.gather [hbm4b:s4+s19], $0x80, s16, s19, $0xb8;
	[tilespmem:$0x1D000] =	vst v63  }
0x355: {  	_ =	swait.ge [sflag:s21], $0x3E80  }
0x356: {  	[sflag:s21] =	ssyncset.done $0x0  }
0x357: {  	s22 =	simm.s32 $0xC00;
	[sflag:s21] =	ssyncadd.s32 $0xFFFFC180  }
0x358: {  	[spmem:s2] =	stream.indirect.scatter.add.f32 [tilespmem:s20], [sflag:$0x2], $0x80, s22, s19, $0xb8;
	[tilespmem:$0x1D000] =	vst v63  }
0x359: {  	s25 =	simm.s32 $0x480  }
0x35a: {  	[tilespmem:s23], [sflag:$0x1] =	stream.indirect.gather [hbm4b:s4+s19], $0x80, s25, s19, $0xb8;
	[tilespmem:$0x1D000] =	vst v63  }
0x35b: {  	_ =	swait.ge [sflag:s24], $0x3E80  }
0x35c: {  	[sflag:s24] =	ssyncset.done $0x0  }
0x35d: {  	[sflag:s24] =	ssyncadd.s32 $0xFFFFC180  }
0x35e: {  	_ =	swait.ge [sflag:s21], $0x3E80  }
0x35f: {  	[sflag:s21] =	ssyncset.done $0x0  }
0x360: {  	s26 =	simm.s32 $0xC80;
	[sflag:s21] =	ssyncadd.s32 $0xFFFFC180  }
0x361: {  	[spmem:s2] =	stream.indirect.scatter.add.f32 [tilespmem:s23], [sflag:$0x3], $0x80, s26, s19, $0xb8;
	[tilespmem:$0x1D000] =	vst v63  }
0x362: {  	_ =	swait.ge [sflag:s17], $0x3E80  }
0x363: {  	[sflag:s17] =	ssyncset.done $0x0  }
0x364: {  	s1 =	simm.s32 $0x500;
	[sflag:s17] =	ssyncadd.s32 $0xFFFFC180  }
0x365: {  	[tilespmem:s20], [sflag:$0x1] =	stream.indirect.gather [hbm4b:s4+s19], $0x80, s1, s19, $0xb8;
	[tilespmem:$0x1D000] =	vst v63  }
0x366: {  	_ =	swait.ge [sflag:s21], $0x3E80  }
0x367: {  	[sflag:s21] =	ssyncset.done $0x0  }
0x368: {  	s6 =	simm.s32 $0xD00;
	[sflag:s21] =	ssyncadd.s32 $0xFFFFC180  }
0x369: {  	[spmem:s2] =	stream.indirect.scatter.add.f32 [tilespmem:s20], [sflag:$0x2], $0x80, s6, s19, $0xb8;
	[tilespmem:$0x1D000] =	vst v63  }
0x36a: {  	s7 =	simm.s32 $0x580  }
0x36b: {  	[tilespmem:s23], [sflag:$0x1] =	stream.indirect.gather [hbm4b:s4+s19], $0x80, s7, s19, $0xb8;
	[tilespmem:$0x1D000] =	vst v63  }
0x36c: {  	_ =	swait.ge [sflag:s24], $0x3E80  }
0x36d: {  	[sflag:s24] =	ssyncset.done $0x0  }
0x36e: {  	[sflag:s24] =	ssyncadd.s32 $0xFFFFC180  }
0x36f: {  	_ =	swait.ge [sflag:s21], $0x3E80  }
0x370: {  	[sflag:s21] =	ssyncset.done $0x0  }
0x371: {  	s8 =	simm.s32 $0xD80;
	[sflag:s21] =	ssyncadd.s32 $0xFFFFC180  }
0x372: {  	[spmem:s2] =	stream.indirect.scatter.add.f32 [tilespmem:s23], [sflag:$0x3], $0x80, s8, s19, $0xb8;
	[tilespmem:$0x1D000] =	vst v63  }
0x373: {  	_ =	swait.ge [sflag:s17], $0x3E80  }
0x374: {  	[sflag:s17] =	ssyncset.done $0x0  }
0x375: {  	s9 =	simm.s32 $0x600;
	[sflag:s17] =	ssyncadd.s32 $0xFFFFC180  }
0x376: {  	[tilespmem:s20], [sflag:$0x1] =	stream.indirect.gather [hbm4b:s4+s19], $0x80, s9, s19, $0xb8;
	[tilespmem:$0x1D000] =	vst v63  }
0x377: {  	_ =	swait.ge [sflag:s21], $0x3E80  }
0x378: {  	[sflag:s21] =	ssyncset.done $0x0  }
0x379: {  	s12 =	simm.s32 $0xE00;
	[sflag:s21] =	ssyncadd.s32 $0xFFFFC180  }
0x37a: {  	[spmem:s2] =	stream.indirect.scatter.add.f32 [tilespmem:s20], [sflag:$0x2], $0x80, s12, s19, $0xb8;
	[tilespmem:$0x1D000] =	vst v63  }
0x37b: {  	s13 =	simm.s32 $0x680  }
0x37c: {  	[tilespmem:s23], [sflag:$0x1] =	stream.indirect.gather [hbm4b:s4+s19], $0x80, s13, s19, $0xb8;
	[tilespmem:$0x1D000] =	vst v63  }
0x37d: {  	_ =	swait.ge [sflag:s24], $0x3E80  }
0x37e: {  	[sflag:s24] =	ssyncset.done $0x0  }
0x37f: {  	[sflag:s24] =	ssyncadd.s32 $0xFFFFC180  }
0x380: {  	_ =	swait.ge [sflag:s21], $0x3E80  }
0x381: {  	[sflag:s21] =	ssyncset.done $0x0  }
0x382: {  	s14 =	simm.s32 $0xE80;
	[sflag:s21] =	ssyncadd.s32 $0xFFFFC180  }
0x383: {  	[spmem:s2] =	stream.indirect.scatter.add.f32 [tilespmem:s23], [sflag:$0x3], $0x80, s14, s19, $0xb8;
	[tilespmem:$0x1D000] =	vst v63  }
0x384: {  	_ =	swait.ge [sflag:s17], $0x3E80  }
0x385: {  	[sflag:s17] =	ssyncset.done $0x0  }
0x386: {  	s16 =	simm.s32 $0x700;
	[sflag:s17] =	ssyncadd.s32 $0xFFFFC180  }
0x387: {  	[tilespmem:s20], [sflag:$0x1] =	stream.indirect.gather [hbm4b:s4+s19], $0x80, s16, s19, $0xb8;
	[tilespmem:$0x1D000] =	vst v63  }
0x388: {  	_ =	swait.ge [sflag:s21], $0x3E80  }
0x389: {  	[sflag:s21] =	ssyncset.done $0x0  }
0x38a: {  	s22 =	simm.s32 $0xF00;
	[sflag:s21] =	ssyncadd.s32 $0xFFFFC180  }
0x38b: {  	[spmem:s2] =	stream.indirect.scatter.add.f32 [tilespmem:s20], [sflag:$0x2], $0x80, s22, s19, $0xb8;
	[tilespmem:$0x1D000] =	vst v63  }
0x38c: {  	s25 =	simm.s32 $0x780  }
0x38d: {  	[tilespmem:s23], [sflag:$0x1] =	stream.indirect.gather [hbm4b:s4+s19], $0x80, s25, s19, $0xb8;
	[tilespmem:$0x1D000] =	vst v63  }
0x38e: {  	_ =	swait.ge [sflag:s24], $0x3E80  }
0x38f: {  	[sflag:s24] =	ssyncset.done $0x0  }
0x390: {  	[sflag:s24] =	ssyncadd.s32 $0xFFFFC180  }
0x391: {  	s28 =	simm.s32 $0x200;
	_ =	swait.ge [sflag:s21], $0x3E80  }
0x392: {  	s29 =	simm.s32 $0xA00;
	s30 =	simm.s32 $0x280;
	[sflag:s21] =	ssyncset.done $0x0  }
0x393: {  	s0 =	simm.s32 $0xA80;
	s26 =	simm.s32 $0xF80;
	[sflag:s21] =	ssyncadd.s32 $0xFFFFC180  }
0x394: {  	[spmem:s2] =	stream.indirect.scatter.add.f32 [tilespmem:s23], [sflag:$0x3], $0x80, s26, s19, $0xb8;
	[tilespmem:$0x1D000] =	vst v63  }
.Ltmp6:
0x395: {  	s1 =	simm.s32 $0x300;
	s9 =	simm.s32 $0xB00;
	(pc) =	sbr.rel .LBB2_8-.Ltmp6, $4  }
0x396: {  	s13 =	simm.s32 $0x380;
	s14 =	simm.s32 $0x880;
	_ =	swait.ge [sflag:s17], $0x3E80  }
0x397: {  	s16 =	simm.s32 $0x100;
	s22 =	simm.s32 $0x900;
	s8 =	rddreg [dreg:$0x3]  }
0x398: {  	s25 =	simm.s32 $0x180;
	[sflag:s17] =	ssyncset.done $0x0;
	s31 =	rddreg [dreg:$0xc]  }
0x399: {  	s26 =	simm.s32 $0x980;
	s6 =	rddreg [dreg:$0xd];
	[sflag:s17] =	ssyncadd.s32 $0xFFFFC180  }
.LBB2_9:
0x39a: {  	_ =	sfence.sel $0x180000  }
0x39b: {  	[bflag:$0x0] =	sbarrier.arrive $0xFFFF  }
0x39c: {  	_ =	strace $0x90000050  }
0x39d: {  	s0 =	stileid.u32;
	[bflag:$0x2] =	sbarrier.arrive $0xFFFF  }
0x39e: {  	p0 =	sne.s32 s0, $0x0;
	s0 =	rddreg [dreg:$0x2]  }
0x39f: {  	s0 =	sadd.s32 @!p0 $0x100000, s0  }
0x3a0: {  	[sflag:s0] =	ssyncadd.tile.s32 @!p0 $0x1;
	_ =	shalt  }
.Lfunc_end2:
_tile_overlayer_lowered:
.L_overlay_start_2:
0x3a1: {  	(tag) =	ssettag $0x2  }
0x3a2: {  	s0 =	rddreg [dreg:$0x0];
	s2 =	stileid.u32  }
0x3a3: {  	s1 =	rddreg [dreg:$0x1];
	p0 =	sne.s32 s2, $0x0  }
0x3a4: {  	s3 =	rddreg [dreg:$0x2];
	[bflag:$0x3] =	sbarrier.arrive $0xFFFF;
	s2 =	simm.s32 @!p0 $0x1C03  }
0x3a5: {  	[timem:s3], [sflag:s2] =	dma.local @!p0 [hbm:s0], s1  }
0x3a6: {  	s0 =	simm.s32 @!p0 $0x3  }
0x3a7: {  	_ =	swait.ge @!p0 [sflag:s0], s1  }
0x3a8: {  	s1 =	ssub.s32 @!p0 $0x0, s1;
	[sflag:s0] =	ssyncset.done @!p0 $0x0  }
0x3a9: {  	[sflag:s0] =	ssyncadd.s32 @!p0 s1  }
0x3aa: {  	[bflag:$0x3] =	sbarrier.arrive $0xFFFF  }
0x3ab: {  	_ =	shalt  }

// kernel: kernel.24.cloned.1.call-start
scs
__scs_entry_jumppad:
0x0: {  	(pc) =	sbr.rel $0x88, $3  }
0x1: {  	(tag) =	ssettag $0x0;
	lr =	simm.s32 $0x1  }
0x2: {  	[smem:$0x3F8E] =	sst lr;
	_ =	strace $0xD0000000  }
0x3: {  	_ = 	snop  }
0x4: {  	_ = 	snop  }
0x5: {  	_ = 	snop  }
0x6: {  	_ = 	snop  }
0x7: {  	_ = 	snop  }
__scs_overlays_trampoline_lowered:
0x8: {  	[smem:$0x3F9D] =	sst s0  }
0x9: {  	[smem:$0x3F9E] =	sst s1  }
0xa: {  	[smem:$0x3F9F] =	sst s2  }
0xb: {  	[smem:$0x3FA0] =	sst s3  }
0xc: {  	[smem:$0x3FA1] =	sst s4  }
0xd: {  	[smem:$0x3FA2] =	sst s5  }
0xe: {  	[smem:$0x3FA3] =	sst s6  }
0xf: {  	[smem:$0x3FA4] =	sst s7  }
0x10: {  	[smem:$0x3FA5] =	sst s8  }
0x11: {  	[smem:$0x3FA6] =	sst s9;
	s0 =	simm.s32 @!p0 $0x0  }
0x12: {  	s1 =	sld [smem:$0x3F8C];
	s0 =	simm.s32 @p0 $0x1  }
0x13: {  	[smem:$0x3FA7] =	sst s0;
	s0 =	simm.s32 @!p1 $0x0  }
0x14: {  	s2 =	sld [smem:$0x3F8B];
	s0 =	simm.s32 @p1 $0x1  }
0x15: {  	[smem:$0x3FA8] =	sst s0;
	s0 =	simm.s32 @!p2 $0x0  }
0x16: {  	s3 =	sld [smem:$0x3FDB];
	s0 =	simm.s32 @p2 $0x1  }
0x17: {  	s4 =	simm.s32 $0x1BF5;
	[smem:$0x3FAA] =	sst s0  }
0x18: {  	s0 =	sld [smem:$0x3F8D];
	_ =	swait.ge [sflag:s4], $0x0  }
0x19: {  	s7 =	sld [smem:$0x3F8E]  }
0x1a: {  	s8 =	sadd.s32 $0xFFFFE003, lr  }
0x1b: {  	s9 =	sadd.s32 $0xFFFFFEF7, lr;
	s5 =	simm.s32 $0xFFFFFFFF;
	p2 =	slt.u32 s8, $0xFFFFF086  }
0x1c: {  	p1 =	slt.u32 s9, $0xF7A;
	s5 =	simm.s32 @!p2 $0x0  }
0x1d: {  	s5 =	simm.s32 @p1 $0x1;
	p0 =	seq.s32 s7, s2  }
0x1e: {  	s7 =	smul.u32 @!p0 $0xF7A, s2;
	p2 =	seq.s32 @!p0 s5, $0x0  }
0x1f: {  	s9 =	smul.u32 $0xF7A, s1;
	s8 =	simm.s32 @!p0 $0x1BF5;
	p2 =	por !p2, p0  }
0x20: {  	[sflag:s8] =	ssyncset.s32 @!p0 $0xFFFFF086;
	s6 =	sadd.s32 @!p0 s3, s7;
	s7 =	simm.s32 @!p0 $0x108  }
0x21: {  	s3 =	sadd.s32 s3, s9;
	s6 =	sadd.s32 @!p0 $0x88, s6;
	s7 =	simm.s32 @p2 $0x1082  }
0x22: {  	[simem:s7], [sflag:s8] =	dma.local @!p0 [hbm:s6], $0xF7A  }
0x23: {  	s9 =	sor.u32 $0xD0000000, s2;
	s6 =	simm.s32 $0x108;
	_ =	swait.ge @!p0 [sflag:s8], $0x0  }
0x24: {  	s3 =	sadd.s32 $0x88, s3;
	s6 =	simm.s32 @!p1 $0x1082;
	[sflag:s4] =	ssyncset.s32 $0xFFFFF086  }
0x25: {  	[simem:s6], [sflag:s4] =	dma.local [hbm:s3], $0xF7A  }
0x26: {  	[smem:$0x3F8E] =	sst s1;
	(tag) =	ssettag s2;
	_ =	strace s9  }
0x27: {  	s1 =	sld [smem:$0x3F9E]  }
0x28: {  	s2 =	sld [smem:$0x3F9F]  }
0x29: {  	s4 =	sld [smem:$0x3FA1]  }
0x2a: {  	p0 =	seq.s32 s5, $0x0;
	s5 =	sld [smem:$0x3FA2]  }
0x2b: {  	s6 =	sld [smem:$0x3FA3]  }
0x2c: {  	s7 =	sld [smem:$0x3FA4]  }
0x2d: {  	s3 =	simm.s32 $0x108;
	s8 =	sld [smem:$0x3FA5]  }
0x2e: {  	s3 =	simm.s32 @!p0 $0x1082;
	s9 =	sld [smem:$0x3FA6]  }
0x2f: {  	lr =	sadd.s32 s0, s3;
	s0 =	sld [smem:$0x3F9D]  }
0x30: {  	s3 =	sld [smem:$0x3FA0]  }
0x31: {  	[smem:$0x3FA9] =	sst s10  }
0x32: {  	s10 =	sld [smem:$0x3FA7];
	_ =	sdelay $0x3  }
0x33: {  	p0 =	seq.s32 s10, $0x1;
	s10 =	sld [smem:$0x3FA9];
	_ =	sdelay $0x3  }
0x34: {  	[smem:$0x3FA9] =	sst s10  }
0x35: {  	s10 =	sld [smem:$0x3FA8];
	_ =	sdelay $0x3  }
0x36: {  	p1 =	seq.s32 s10, $0x1;
	s10 =	sld [smem:$0x3FA9];
	_ =	sdelay $0x3  }
0x37: {  	[smem:$0x3FA9] =	sst s10  }
0x38: {  	s10 =	sld [smem:$0x3FAA]  }
0x39: {  	_ = 	snop;
	(pc) =	sbr.ind lr, $3  }
0x3a: {  	_ = 	snop  }
0x3b: {  	_ = 	snop  }
0x3c: {  	p2 =	seq.s32 s10, $0x1;
	s10 =	sld [smem:$0x3FA9]  }
0x3d: {  	_ =	shalt  }
0x3e: {  	_ =	shalt  }
0x3f: {  	_ =	shalt  }
0x40: {  	_ =	shalt  }
0x41: {  	_ =	shalt  }
0x42: {  	_ =	shalt  }
0x43: {  	_ =	shalt  }
0x44: {  	_ =	shalt  }
0x45: {  	_ =	shalt  }
0x46: {  	_ =	shalt  }
0x47: {  	_ =	shalt  }
0x48: {  	_ =	shalt  }
0x49: {  	_ =	shalt  }
0x4a: {  	_ =	shalt  }
0x4b: {  	_ =	shalt  }
0x4c: {  	_ =	shalt  }
0x4d: {  	_ =	shalt  }
0x4e: {  	_ =	shalt  }
0x4f: {  	_ =	shalt  }
0x50: {  	_ =	shalt  }
0x51: {  	_ =	shalt  }
0x52: {  	_ =	shalt  }
0x53: {  	_ =	shalt  }
0x54: {  	_ =	shalt  }
0x55: {  	_ =	shalt  }
0x56: {  	_ =	shalt  }
0x57: {  	_ =	shalt  }
0x58: {  	_ =	shalt  }
0x59: {  	_ =	shalt  }
0x5a: {  	_ =	shalt  }
0x5b: {  	_ =	shalt  }
0x5c: {  	_ =	shalt  }
0x5d: {  	_ =	shalt  }
0x5e: {  	_ =	shalt  }
0x5f: {  	_ =	shalt  }
0x60: {  	_ =	shalt  }
0x61: {  	_ =	shalt  }
0x62: {  	_ =	shalt  }
0x63: {  	_ =	shalt  }
0x64: {  	_ =	shalt  }
0x65: {  	_ =	shalt  }
0x66: {  	_ =	shalt  }
0x67: {  	_ =	shalt  }
0x68: {  	_ =	shalt  }
0x69: {  	_ =	shalt  }
0x6a: {  	_ =	shalt  }
0x6b: {  	_ =	shalt  }
0x6c: {  	_ =	shalt  }
0x6d: {  	_ =	shalt  }
0x6e: {  	_ =	shalt  }
0x6f: {  	_ =	shalt  }
0x70: {  	_ =	shalt  }
0x71: {  	_ =	shalt  }
0x72: {  	_ =	shalt  }
0x73: {  	_ =	shalt  }
0x74: {  	_ =	shalt  }
0x75: {  	_ =	shalt  }
0x76: {  	_ =	shalt  }
0x77: {  	_ =	shalt  }
0x78: {  	_ =	shalt  }
0x79: {  	_ =	shalt  }
0x7a: {  	_ =	shalt  }
0x7b: {  	_ =	shalt  }
0x7c: {  	_ =	shalt  }
0x7d: {  	_ =	shalt  }
0x7e: {  	_ =	shalt  }
0x7f: {  	_ =	shalt  }
0x80: {  	_ =	shalt  }
0x81: {  	_ =	shalt  }
0x82: {  	_ =	shalt  }
0x83: {  	_ =	shalt  }
0x84: {  	_ =	shalt  }
0x85: {  	_ =	shalt  }
0x86: {  	_ =	shalt  }
0x87: {  	_ =	shalt  }
.Lfunc_end0:
.L_simem_size_0:
called_computation.4_lowered:
.L_overlay_start_0:
0x88: {  	s2 =	sld [smem:$0x3FD9]  }
0x89: {  	s3 =	sld [smem:$0x3FFE];
	_ =	sdelay $0x1  }
0x8a: {  	s1 =	srdreg.scid  }
0x8b: {  	s0 =	sand.u32 $0x1, s1  }
0x8c: {  	s16 =	sshll.u32 s0, $0xA;
	s2 =	sadd.s32 s3, s2  }
0x8d: {  	s2 =	sadd.s32 s2, s16  }
0x8e: {  	[smem:$0x3FB5] =	sst s2  }
0x8f: {  	_ = 	snop  }
0x90: {  	(tm) =	ssettm $0x1  }
0x91: {  	s17 =	sld [smem:$0x3FFB];
	_ =	sdelay $0x3  }
0x92: {  	_ =	strace s17  }
0x93: {  	s2 =	sld [smem:$0x3FFC];
	_ =	sdelay $0x3  }
0x94: {  	_ =	strace s2  }
0x95: {  	s2 =	sld [smem:$0x3FFD];
	_ =	sdelay $0x3  }
0x96: {  	_ =	strace s2  }
0x97: {  	_ =	strace $0x8FFFFFFF  }
0x98: {  	s18 =	sld [smem:$0x3FDB];
	_ =	sdelay $0x1  }
0x99: {  	s19 =	simm.s32 $_scs_section_size  }
0x9a: {  	s4 =	simm.s32 $_size__tile_overlayer_lowered;
	s5 =	simm.s32 $_tile_overlayer_lowered  }
0x9b: {  	s22 =	simm.s32 $0x1BFF;
	s21 =	sshll.u32 s5, $0x1;
	s2 =	sadd.s32 s19, s18  }
0x9c: {  	s6 =	simm.s32 $0x0;
	s20 =	sshll.u32 s4, $0x1;
	s4 =	sadd.s32 s21, s2  }
0x9d: {  	[timem:s6], [sflag:s22] =	dma.local [hbm:s4], s20  }
0x9e: {  	_ =	swait.ge [sflag:s22], s20  }
0x9f: {  	s3 =	ssub.s32 $0x0, s20;
	[sflag:s22] =	ssyncset.done $0x0  }
0xa0: {  	[sflag:s22] =	ssyncadd.s32 s3;
	_ =	sdelay $0x1  }
0xa1: {  	s23 =	simm.s32 $0x1B8B  }
0xa2: {  	_ =	swait.ge [sflag:s23], $0x1  }
0xa3: {  	[sflag:s23] =	ssyncset.done $0x0  }
0xa4: {  	s25 =	simm.s32 $0x1B8E;
	s24 =	sld [smem:$0x3FFE];
	[sflag:s23] =	ssyncadd.s32 $0xFFFFFFFF  }
0xa5: {  	s26 =	simm.s32 $execute0_lowered;
	[smem:$0x3FD2] =	sst s25  }
0xa6: {  	s4 =	sshll.u32 s26, $0x1;
	_ =	strace $0x80000052;
	[dreg:$0x1] =	wrdreg $0xFFFFFFFF  }
0xa7: {  	s28 =	simm.s32 $_size_execute0_lowered;
	s2 =	sadd.s32 s2, s4;
	[dreg:$0x0] =	wrdreg $0x0  }
0xa8: {  	s4 =	sshll.u32 s28, $0x1;
	[dreg:$0x2] =	wrdreg s2  }
0xa9: {  	[dreg:$0x3] =	wrdreg s4  }
0xaa: {  	[dreg:$0x4] =	wrdreg $0xC0  }
0xab: {  	_ =	task [dreg:s6], $0x5FFFF  }
0xac: {  	[dreg:$0x1] =	wrdreg $0xFFFFFFFF  }
0xad: {  	[dreg:$0x0] =	wrdreg $0x60  }
0xae: {  	[dreg:$0x2] =	wrdreg s24  }
0xaf: {  	[dreg:$0x3] =	wrdreg $0x9  }
0xb0: {  	_ =	task.clear_ibuf [dreg:s6], $0x4FFFF;
	_ =	strace $0x90000052  }
0xb1: {  	s29 =	simm.s32 $0x9;
	_ =	strace $0x80000054  }
0xb2: {  	_ =	swait.ge [sflag:s29], $0x1  }
0xb3: {  	[sflag:s29] =	ssyncadd.s32 $0xFFFFFFFF  }
0xb4: {  	_ =	strace $0x90000054  }
0xb5: {  	_ =	sfence  }
0xb6: {  	s30 =	sld [smem:$0x0];
	_ =	sdelay $0x2  }
0xb7: {  	s31 =	sshll.u32 s1, $0xD;
	s1 =	sshrl.u32 s1, $0x2  }
0xb8: {  	s3 =	sand.u32 $0x4000, s31;
	s1 =	sadd.s32 s1, s30  }
0xb9: {  	s0 =	sor.u32 s3, s0;
	s1 =	sshll.u32 s1, $0x11  }
0xba: {  	s0 =	sor.u32 s1, s0  }
0xbb: {  	s0 =	sadd.s32 $0x8F2B, s0  }
0xbc: {  	[sflag:s0] =	ssyncadd.remote.s32 $0x1  }
0xbd: {  	_ =	sfence.sel $0xFFFF  }
0xbe: {  	[dreg:$0x0] =	wrdreg $0xFFFFFFFF;
	(pc) =	sbr.abs _section_cstart, $3  }
0xbf: {  	[dreg:$0x1] =	wrdreg $0xFFFFFFFF  }
0xc0: {  	_ =	task.clear_ibuf [dreg:s6], $0x2FFFF;
	_ =	strace $0x9FFFFFFF  }
0xc1: {  	(tm) =	ssettm $0x7FFFFFFF  }
tec
execute0_lowered:
.L_overlay_start_1:
0x0: {  	(tag) =	ssettag $0x1  }
0x1: {  	s4 =	rddreg [dreg:$0x0]  }
0x2: {  	s0 =	rddreg [dreg:$0x1];
	s2 =	simm.s32 $0x0;
	s3 =	srdreg.scid  }
0x3: {  	s1 =	stileid.u32;
	s10 =	simm.s32 $0x900;
	s11 =	simm.s32 $0x1100  }
0x4: {  	s12 =	simm.s32 $0x1900;
	s13 =	simm.s32 $0x2100;
	s14 =	simm.s32 $0x2900  }
0x5: {  	s15 =	simm.s32 $0x3100;
	s16 =	simm.s32 $0x3900;
	s17 =	simm.s32 $0x4100  }
0x6: {  	s18 =	simm.s32 $0x4900;
	s19 =	simm.s32 $0x1;
	[smem:$0x7FF] =	sst s2  }
0x7: {  	s3 =	sand.u32 $0x1, s3;
	s5 =	sshll.u32 s1, $0x1;
	_ =	strace $0x80000053  }
0x8: {  	s5 =	sor.u32 s3, s5;
	s7 =	ssub.s32 $0x2, s3;
	s3 =	sadd.s32 $0x6400, s4  }
0x9: {  	s6 =	sshll.u32 s5, $0x5;
	s5 =	smul.u32 $0x1400, s5;
	s8 =	sshrl.u32 s7, $0x1  }
0xa: {  	v2 =	vlaneseq.u32;
	s6 =	sadd.s32 s6, s4;
	s7 =	ssub.s32 s7, s8;
	s8 =	simm.s32 $0x2  }
0xb: {  	vm0 =	vmmov $0xffff;
	v1 =	vshrl.u32 v2, $0x3;
	s9 =	sadd.s32 s5, s4;
	s4 =	sadd.s32 $0x56400, s6;
	s6 =	smax.u32 s7, $0x1  }
0xc: {  	v0 =	vand.u32 $0x7, v2;
	v2 =	vor.u32 $0x8, v2;
	v1 =	vmul.u32 $0x8, v1;
	s5 =	sadd.s32 $0x56800, s9;
	s7 =	sadd.s32 $0x57200, s9;
	s9 =	simm.s32 $0x100  }
.LBB2_1:
0xd: {  	[tilespmem:s2], [sflag:$0x2] =	stream.linear.gather [hbm4b:s4+s2], $0x100, $0x38;
	[tilespmem:$0x5100] =	vst v63  }
0xe: {  	_ =	swait.ge [sflag:s8], $0x100  }
0xf: {  	[sflag:s8] =	ssyncset.done $0x0  }
0x10: {  	[sflag:s8] =	ssyncadd.s32 $0xFFFFFF00  }
0x11: {  	v3 =	vld [tilespmem:$0x0];
	_ =	sdelay $0x4  }
0x12: {  	v4 =	vshll.u32 v3, $0x1  }
0x13: {  	v3 =	vand.u32 $0x7, v3;
	v4 =	vand.u32 $0xFFFFFFF0, v4  }
0x14: {  	v3 =	vor.u32 v3, v4  }
0x15: {  	v4 =	vperm.xlane v3, v0;
	_ =	sdelay $0x1  }
0x16: {  	v3 =	vperm.xlane v3, v2;
	v4 =	vadd.s32 v1, v4;
	_ =	sdelay $0x1  }
0x17: {  	v3 =	vadd.s32 v1, v3;
	_ =	sdelay $0x2  }
0x18: {  	[tilespmem:s9], [sflag:$0x1] =	stream.indirect_vreg.gather [hbm4b:s3+s2], $0x80, v4, vm0, $0xb8;
	[tilespmem:$0x5100] =	vst v63  }
0x19: {  	_ = 	snop  }
0x1a: {  	[tilespmem:s10], [sflag:$0x1] =	stream.indirect_vreg.gather [hbm4b:s3+s2], $0x80, v3, vm0, $0xb8;
	[tilespmem:$0x5100] =	vst v63  }
0x1b: {  	v3 =	vld [tilespmem:$0x10];
	_ =	sdelay $0x4  }
0x1c: {  	v55 =	vshll.u32 v3, $0x1  }
0x1d: {  	v3 =	vand.u32 $0x7, v3;
	v4 =	vand.u32 $0xFFFFFFF0, v55  }
0x1e: {  	v3 =	vor.u32 v3, v4  }
0x1f: {  	v4 =	vperm.xlane v3, v0;
	_ =	sdelay $0x1  }
0x20: {  	v3 =	vperm.xlane v3, v2;
	v4 =	vadd.s32 v1, v4;
	_ =	sdelay $0x1  }
0x21: {  	v3 =	vadd.s32 v1, v3;
	_ =	sdelay $0x2  }
0x22: {  	[tilespmem:s11], [sflag:$0x1] =	stream.indirect_vreg.gather [hbm4b:s3+s2], $0x80, v4, vm0, $0xb8;
	[tilespmem:$0x5100] =	vst v63  }
0x23: {  	_ = 	snop  }
0x24: {  	[tilespmem:s12], [sflag:$0x1] =	stream.indirect_vreg.gather [hbm4b:s3+s2], $0x80, v3, vm0, $0xb8;
	[tilespmem:$0x5100] =	vst v63  }
0x25: {  	v3 =	vld [tilespmem:$0x20];
	_ =	sdelay $0x4  }
0x26: {  	v56 =	vshll.u32 v3, $0x1  }
0x27: {  	v3 =	vand.u32 $0x7, v3;
	v4 =	vand.u32 $0xFFFFFFF0, v56  }
0x28: {  	v3 =	vor.u32 v3, v4  }
0x29: {  	v4 =	vperm.xlane v3, v0;
	_ =	sdelay $0x1  }
0x2a: {  	v3 =	vperm.xlane v3, v2;
	v4 =	vadd.s32 v1, v4;
	_ =	sdelay $0x1  }
0x2b: {  	v3 =	vadd.s32 v1, v3;
	_ =	sdelay $0x2  }
0x2c: {  	[tilespmem:s13], [sflag:$0x1] =	stream.indirect_vreg.gather [hbm4b:s3+s2], $0x80, v4, vm0, $0xb8;
	[tilespmem:$0x5100] =	vst v63  }
0x2d: {  	_ = 	snop  }
0x2e: {  	[tilespmem:s14], [sflag:$0x1] =	stream.indirect_vreg.gather [hbm4b:s3+s2], $0x80, v3, vm0, $0xb8;
	[tilespmem:$0x5100] =	vst v63  }
0x2f: {  	v3 =	vld [tilespmem:$0x30];
	_ =	sdelay $0x4  }
0x30: {  	v57 =	vshll.u32 v3, $0x1  }
0x31: {  	v3 =	vand.u32 $0x7, v3;
	v4 =	vand.u32 $0xFFFFFFF0, v57  }
0x32: {  	v3 =	vor.u32 v3, v4  }
0x33: {  	v4 =	vperm.xlane v3, v0;
	_ =	sdelay $0x1  }
0x34: {  	v3 =	vperm.xlane v3, v2;
	v4 =	vadd.s32 v1, v4;
	_ =	sdelay $0x1  }
0x35: {  	v3 =	vadd.s32 v1, v3;
	_ =	sdelay $0x2  }
0x36: {  	[tilespmem:s15], [sflag:$0x1] =	stream.indirect_vreg.gather [hbm4b:s3+s2], $0x80, v4, vm0, $0xb8;
	[tilespmem:$0x5100] =	vst v63  }
0x37: {  	_ = 	snop  }
0x38: {  	[tilespmem:s16], [sflag:$0x1] =	stream.indirect_vreg.gather [hbm4b:s3+s2], $0x80, v3, vm0, $0xb8;
	[tilespmem:$0x5100] =	vst v63  }
0x39: {  	v3 =	vld [tilespmem:$0x40];
	_ =	sdelay $0x4  }
0x3a: {  	v58 =	vshll.u32 v3, $0x1  }
0x3b: {  	v3 =	vand.u32 $0x7, v3;
	v4 =	vand.u32 $0xFFFFFFF0, v58  }
0x3c: {  	v3 =	vor.u32 v3, v4  }
0x3d: {  	v4 =	vperm.xlane v3, v0;
	_ =	sdelay $0x1  }
0x3e: {  	v3 =	vperm.xlane v3, v2;
	v4 =	vadd.s32 v1, v4;
	_ =	sdelay $0x1  }
0x3f: {  	v3 =	vadd.s32 v1, v3;
	_ =	sdelay $0x2  }
0x40: {  	[tilespmem:s17], [sflag:$0x1] =	stream.indirect_vreg.gather [hbm4b:s3+s2], $0x80, v4, vm0, $0xb8;
	[tilespmem:$0x5100] =	vst v63  }
0x41: {  	_ = 	snop  }
0x42: {  	[tilespmem:s18], [sflag:$0x1] =	stream.indirect_vreg.gather [hbm4b:s3+s2], $0x80, v3, vm0, $0xb8;
	[tilespmem:$0x5100] =	vst v63  }
0x43: {  	_ =	swait.ge [sflag:s19], $0x5000  }
0x44: {  	[sflag:s19] =	ssyncset.done $0x0  }
0x45: {  	[sflag:s19] =	ssyncadd.s32 $0xFFFFB000  }
0x46: {  	[hbm4b:s5+s2] =	stream.linear.scatter [tilespmem:s9], [sflag:$0x2], $0x5000, $0x38;
	[tilespmem:$0x5100] =	vst v63  }
0x47: {  	_ =	swait.ge [sflag:s8], $0x5000  }
0x48: {  	[sflag:s8] =	ssyncset.done $0x0  }
0x49: {  	[sflag:s8] =	ssyncadd.s32 $0xFFFFB000  }
0x4a: {  	v3 =	vld [tilespmem:$0x80];
	_ =	sdelay $0x4  }
0x4b: {  	v59 =	vshll.u32 v3, $0x1  }
0x4c: {  	v3 =	vand.u32 $0x7, v3;
	v4 =	vand.u32 $0xFFFFFFF0, v59  }
0x4d: {  	v3 =	vor.u32 v3, v4  }
0x4e: {  	v4 =	vperm.xlane v3, v0;
	_ =	sdelay $0x1  }
0x4f: {  	v3 =	vperm.xlane v3, v2;
	v4 =	vadd.s32 v1, v4;
	_ =	sdelay $0x1  }
0x50: {  	v3 =	vadd.s32 v1, v3;
	_ =	sdelay $0x2  }
0x51: {  	[tilespmem:s9], [sflag:$0x1] =	stream.indirect_vreg.gather [hbm4b:s3+s2], $0x80, v4, vm0, $0xb8;
	[tilespmem:$0x5100] =	vst v63  }
0x52: {  	_ = 	snop  }
0x53: {  	[tilespmem:s10], [sflag:$0x1] =	stream.indirect_vreg.gather [hbm4b:s3+s2], $0x80, v3, vm0, $0xb8;
	[tilespmem:$0x5100] =	vst v63  }
0x54: {  	v3 =	vld [tilespmem:$0x90];
	_ =	sdelay $0x4  }
0x55: {  	v60 =	vshll.u32 v3, $0x1  }
0x56: {  	v3 =	vand.u32 $0x7, v3;
	v4 =	vand.u32 $0xFFFFFFF0, v60  }
0x57: {  	v3 =	vor.u32 v3, v4  }
0x58: {  	v4 =	vperm.xlane v3, v0;
	_ =	sdelay $0x1  }
0x59: {  	v3 =	vperm.xlane v3, v2;
	v4 =	vadd.s32 v1, v4;
	_ =	sdelay $0x1  }
0x5a: {  	v3 =	vadd.s32 v1, v3;
	_ =	sdelay $0x2  }
0x5b: {  	[tilespmem:s11], [sflag:$0x1] =	stream.indirect_vreg.gather [hbm4b:s3+s2], $0x80, v4, vm0, $0xb8;
	[tilespmem:$0x5100] =	vst v63  }
0x5c: {  	_ = 	snop  }
0x5d: {  	[tilespmem:s12], [sflag:$0x1] =	stream.indirect_vreg.gather [hbm4b:s3+s2], $0x80, v3, vm0, $0xb8;
	[tilespmem:$0x5100] =	vst v63  }
0x5e: {  	v3 =	vld [tilespmem:$0xA0];
	_ =	sdelay $0x4  }
0x5f: {  	v61 =	vshll.u32 v3, $0x1  }
0x60: {  	v3 =	vand.u32 $0x7, v3;
	v4 =	vand.u32 $0xFFFFFFF0, v61  }
0x61: {  	v3 =	vor.u32 v3, v4  }
0x62: {  	v4 =	vperm.xlane v3, v0;
	_ =	sdelay $0x1  }
0x63: {  	v3 =	vperm.xlane v3, v2;
	v4 =	vadd.s32 v1, v4;
	_ =	sdelay $0x1  }
0x64: {  	v3 =	vadd.s32 v1, v3;
	_ =	sdelay $0x2  }
0x65: {  	[tilespmem:s13], [sflag:$0x1] =	stream.indirect_vreg.gather [hbm4b:s3+s2], $0x80, v4, vm0, $0xb8;
	[tilespmem:$0x5100] =	vst v63  }
0x66: {  	_ = 	snop  }
0x67: {  	[tilespmem:s14], [sflag:$0x1] =	stream.indirect_vreg.gather [hbm4b:s3+s2], $0x80, v3, vm0, $0xb8;
	[tilespmem:$0x5100] =	vst v63  }
0x68: {  	v3 =	vld [tilespmem:$0xB0];
	_ =	sdelay $0x4  }
0x69: {  	v62 =	vshll.u32 v3, $0x1  }
0x6a: {  	v3 =	vand.u32 $0x7, v3;
	v4 =	vand.u32 $0xFFFFFFF0, v62  }
0x6b: {  	v3 =	vor.u32 v3, v4  }
0x6c: {  	v4 =	vperm.xlane v3, v0;
	_ =	sdelay $0x1  }
0x6d: {  	v3 =	vperm.xlane v3, v2;
	v4 =	vadd.s32 v1, v4;
	_ =	sdelay $0x1  }
0x6e: {  	v3 =	vadd.s32 v1, v3;
	_ =	sdelay $0x2  }
0x6f: {  	[tilespmem:s15], [sflag:$0x1] =	stream.indirect_vreg.gather [hbm4b:s3+s2], $0x80, v4, vm0, $0xb8;
	[tilespmem:$0x5100] =	vst v63  }
0x70: {  	_ = 	snop  }
0x71: {  	[tilespmem:s16], [sflag:$0x1] =	stream.indirect_vreg.gather [hbm4b:s3+s2], $0x80, v3, vm0, $0xb8;
	[tilespmem:$0x5100] =	vst v63  }
0x72: {  	v3 =	vld [tilespmem:$0xC0];
	_ =	sdelay $0x4  }
0x73: {  	v63 =	vshll.u32 v3, $0x1  }
0x74: {  	v3 =	vand.u32 $0x7, v3;
	v4 =	vand.u32 $0xFFFFFFF0, v63  }
0x75: {  	v3 =	vor.u32 v3, v4  }
0x76: {  	v4 =	vperm.xlane v3, v0;
	_ =	sdelay $0x1  }
0x77: {  	v3 =	vperm.xlane v3, v2;
	v4 =	vadd.s32 v1, v4;
	_ =	sdelay $0x1  }
0x78: {  	v3 =	vadd.s32 v1, v3;
	_ =	sdelay $0x2  }
0x79: {  	[tilespmem:s17], [sflag:$0x1] =	stream.indirect_vreg.gather [hbm4b:s3+s2], $0x80, v4, vm0, $0xb8;
	[tilespmem:$0x5100] =	vst v63  }
0x7a: {  	_ = 	snop  }
0x7b: {  	[tilespmem:s18], [sflag:$0x1] =	stream.indirect_vreg.gather [hbm4b:s3+s2], $0x80, v3, vm0, $0xb8;
	[tilespmem:$0x5100] =	vst v63  }
0x7c: {  	_ =	swait.ge [sflag:s19], $0x5000  }
0x7d: {  	p0 =	sne.s32 s6, $0x1;
	[sflag:s19] =	ssyncset.done $0x0  }
.Ltmp0:
0x7e: {  	[sflag:s19] =	ssyncadd.s32 $0xFFFFB000;
	(pc) =	sbr.rel @p0 .LBB2_1-.Ltmp0, $4  }
0x7f: {  	[hbm4b:s7+s2] =	stream.linear.scatter [tilespmem:s9], [sflag:$0x2], $0x5000, $0x38;
	[tilespmem:$0x5100] =	vst v63  }
0x80: {  	_ =	swait.ge [sflag:s8], $0x5000  }
0x81: {  	[sflag:s8] =	ssyncset.done $0x0  }
0x82: {  	s6 =	sadd.s32 $0xFFFFFFFF, s6;
	[sflag:s8] =	ssyncadd.s32 $0xFFFFB000  }
0x83: {  	_ =	sfence.sel $0x180000  }
0x84: {  	[bflag:$0x0] =	sbarrier.arrive $0xFFFF  }
0x85: {  	p0 =	sne.s32 s1, $0x0;
	_ =	strace $0x90000053  }
0x86: {  	s0 =	sadd.s32 @!p0 $0x100000, s0;
	[bflag:$0x2] =	sbarrier.arrive $0xFFFF  }
0x87: {  	[sflag:s0] =	ssyncadd.tile.s32 @!p0 $0x1;
	_ =	shalt  }
.Lfunc_end2:
_tile_overlayer_lowered:
.L_overlay_start_2:
0x88: {  	(tag) =	ssettag $0x2  }
0x89: {  	s0 =	rddreg [dreg:$0x0];
	s2 =	stileid.u32  }
0x8a: {  	s1 =	rddreg [dreg:$0x1];
	p0 =	sne.s32 s2, $0x0  }
0x8b: {  	s3 =	rddreg [dreg:$0x2];
	[bflag:$0x3] =	sbarrier.arrive $0xFFFF;
	s2 =	simm.s32 @!p0 $0x1C02  }
0x8c: {  	[timem:s3], [sflag:s2] =	dma.local @!p0 [hbm:s0], s1  }
0x8d: {  	s0 =	simm.s32 @!p0 $0x2  }
0x8e: {  	_ =	swait.ge @!p0 [sflag:s0], s1  }
0x8f: {  	s1 =	ssub.s32 @!p0 $0x0, s1;
	[sflag:s0] =	ssyncset.done @!p0 $0x0  }
0x90: {  	[sflag:s0] =	ssyncadd.s32 @!p0 s1  }
0x91: {  	[bflag:$0x3] =	sbarrier.arrive $0xFFFF  }
0x92: {  	_ =	shalt  }

</sc_bundles>
